<compile_context>
chip_gen: v7x
topology: tpu7x:2x2x1
jax: 0.10.2.dev20260603
libtpu: 0.0.44.dev20260713+nightly
codegen_flags: <defaults>
</compile_context>

<pallas_src>
import functools

import jax
import jax.numpy as jnp
from jax import lax
from jax.experimental import pallas as pl
from jax.experimental.pallas import tpu as pltpu
from jax.experimental.pallas import tpu_sc as plsc

MEM_ROWS = 100000
KDIM = 128
VDIM = 512

TC_ROWS = 61600
TC_CHUNK = 880
TC_NBUF = 10
TC_NGROUPS = TC_ROWS // (TC_CHUNK * TC_NBUF)
TC_NGROUPS_A = 3
TC_NGROUPS_B = 4

NW = 32
SC_ROWS_PER_W = 1200
SC_CHUNK = 48
SC_NIT = SC_ROWS_PER_W // SC_CHUNK
SC_GROUPS = SC_CHUNK // 16
VSLICES = VDIM // 16

_mesh = plsc.VectorSubcoreMesh(core_axis_name="c", subcore_axis_name="s")


def _newton_rsqrt(x):
    xi = lax.bitcast_convert_type(x, jnp.int32)
    yi = jnp.int32(0x5F3759DF) - (xi >> 1)
    y = lax.bitcast_convert_type(yi, jnp.float32)
    for _ in range(3):
        y = y * (1.5 - 0.5 * x * y * y)
    return y


@functools.partial(
    pl.kernel,
    out_type=(
        jax.ShapeDtypeStruct((NW, VDIM), jnp.float32),
        jax.ShapeDtypeStruct((NW, 128), jnp.float32),
    ),
    mesh=_mesh,
    scratch_types=[
        pltpu.VMEM((SC_CHUNK, KDIM), jnp.float32),
        pltpu.VMEM((SC_CHUNK, KDIM), jnp.float32),
        pltpu.VMEM((SC_CHUNK, VDIM), jnp.float32),
        pltpu.VMEM((SC_CHUNK, VDIM), jnp.float32),
        pltpu.VMEM((1, KDIM), jnp.float32),
        pltpu.VMEM((1, VDIM), jnp.float32),
        pltpu.VMEM((1, 128), jnp.float32),
        pltpu.SemaphoreType.DMA((2, 2)),
    ],
)
def _sc_soft_read(xs_hbm, k_hbm, v_hbm, part_hbm, den_hbm, kbuf0, kbuf1,
                  vbuf0, vbuf1, xsbuf, obuf, dbuf, sems):
    cid = lax.axis_index("c")
    sid = lax.axis_index("s")
    wid = sid * 2 + cid
    base = TC_ROWS + wid * SC_ROWS_PER_W

    pltpu.sync_copy(xs_hbm, xsbuf)

    kbufs = (kbuf0, kbuf1)
    vbufs = (vbuf0, vbuf1)

    def kcopy(i, b):
        off = pl.multiple_of(base + i * SC_CHUNK, 8)
        return pltpu.make_async_copy(
            k_hbm.at[pl.ds(off, SC_CHUNK), :], kbufs[b], sems.at[b, 0]
        )

    def vcopy(i, b):
        off = pl.multiple_of(base + i * SC_CHUNK, 8)
        return pltpu.make_async_copy(
            v_hbm.at[pl.ds(off, SC_CHUNK), :], vbufs[b], sems.at[b, 1]
        )

    kcopy(0, 0).start()
    vcopy(0, 0).start()
    kcopy(1, 1).start()
    vcopy(1, 1).start()

    _gdn = lax.GatherDimensionNumbers(
        offset_dims=(), collapsed_slice_dims=(0,), start_index_map=(0,)
    )

    def _shuffle(v, idx):
        return lax.gather(
            v,
            idx[:, None],
            _gdn,
            slice_sizes=(1,),
            mode=lax.GatherScatterMode.PROMISE_IN_BOUNDS,
        )

    def lane_sum_splat(v):
        idx0 = lax.iota(jnp.int32, 16)
        for k in (1, 2, 4, 8):
            v = v + _shuffle(v, idx0 ^ k)
        return v

    xs = [xsbuf[0, pl.ds(16 * s, 16)] for s in range(KDIM // 16)]
    xn2v = xs[0] * xs[0]
    for s in range(1, KDIM // 16):
        xn2v = xn2v + xs[s] * xs[s]
    inv_xn = _newton_rsqrt(lane_sum_splat(xn2v))

    zero16 = jnp.zeros((16,), jnp.float32)

    def chunk_compute(i, b, carry):
        kb = kbufs[b]
        vb = vbufs[b]
        kcopy(i, b).wait()
        vcopy(i, b).wait()

        def rowloop(j, rc):
            accs, den = rc
            ks = [kb[j, pl.ds(16 * s, 16)] for s in range(KDIM // 16)]
            acc_n = ks[0] * xs[0]
            acc_q = ks[0] * ks[0]
            for s in range(1, KDIM // 16):
                acc_n = acc_n + ks[s] * xs[s]
                acc_q = acc_q + ks[s] * ks[s]
            nv = lane_sum_splat(acc_n)
            qv = lane_sum_splat(acc_q)
            pv = jnp.exp(nv * _newton_rsqrt(qv) * inv_xn)
            den = den + pv
            accs = tuple(
                accs[s] + pv * vb[j, pl.ds(s * 16, 16)] for s in range(VSLICES)
            )
            return (accs, den)

        return lax.fori_loop(0, SC_CHUNK, rowloop, carry)

    def pair_body(gp, carry):
        i0 = gp * 2
        for b in range(2):
            i = i0 + b
            carry = chunk_compute(i, b, carry)

            @pl.when(i + 2 < SC_NIT)
            def _next():
                kcopy(i + 2, b).start()
                vcopy(i + 2, b).start()

        return carry

    carry = lax.fori_loop(
        0, SC_NIT // 2, pair_body, (tuple(zero16 for _ in range(VSLICES)), zero16)
    )
    accs, den = chunk_compute(SC_NIT - 1, 0, carry)

    for s in range(VSLICES):
        obuf[0, pl.ds(s * 16, 16)] = accs[s]
    for s in range(8):
        dbuf[0, pl.ds(s * 16, 16)] = zero16
    dbuf[0, pl.ds(0, 16)] = den * (1.0 / 16.0)
    pltpu.sync_copy(obuf.at[0], part_hbm.at[wid])
    pltpu.sync_copy(dbuf.at[0], den_hbm.at[wid])


def _tc_soft_read_kernel(x_ref, k_hbm, v_hbm, oacc_ref, oden_ref, *bufs,
                         row_start, ngroups):
    kbufs = bufs[:TC_NBUF]
    vbufs = bufs[TC_NBUF : 2 * TC_NBUF]
    sems = bufs[2 * TC_NBUF]

    def kcopy(i, b):
        return pltpu.make_async_copy(
            k_hbm.at[pl.ds(row_start + i * TC_CHUNK, TC_CHUNK), :],
            kbufs[b],
            sems.at[b, 0],
        )

    def vcopy(i, b):
        return pltpu.make_async_copy(
            v_hbm.at[pl.ds(row_start + i * TC_CHUNK, TC_CHUNK), :],
            vbufs[b],
            sems.at[b, 1],
        )

    for b in range(TC_NBUF):
        kcopy(b, b).start()
        vcopy(b, b).start()

    x = x_ref[...]
    x_norm = jnp.sqrt(jnp.sum(x * x))
    ones = jnp.ones((1, KDIM), jnp.float32)

    def group(g, carry):
        acc, den = carry
        for b in range(TC_NBUF):
            i = g * TC_NBUF + b
            kcopy(i, b).wait()
            vcopy(i, b).wait()
            k = kbufs[b][...]
            v = vbufs[b][...]
            kt = k.T
            num = jnp.dot(x, kt)
            sq = jnp.dot(ones, kt * kt)
            denom = jnp.maximum(x_norm * jnp.sqrt(sq), 1e-6)
            p = jnp.exp(num / denom)
            part = jnp.dot(p, v)
            psum = jnp.sum(p)

            @pl.when(i + TC_NBUF < ngroups * TC_NBUF)
            def _next():
                kcopy(i + TC_NBUF, b).start()
                vcopy(i + TC_NBUF, b).start()

            acc = acc + part
            den = den + psum
        return (acc, den)

    acc, den = lax.fori_loop(
        0, ngroups, group, (jnp.zeros((1, VDIM), jnp.float32), jnp.float32(0.0))
    )
    oacc_ref[...] = acc
    oden_ref[...] = jnp.full((1, 128), den, jnp.float32)


def _combine_kernel(fz_ref, tacca_ref, tdena_ref, taccb_ref, tdenb_ref,
                    sparts_ref, sdens_ref, o_ref):
    acc = (
        tacca_ref[...]
        + taccb_ref[...]
        + jnp.sum(sparts_ref[...], axis=0, keepdims=True)
    )
    den = tdena_ref[0, 0] + tdenb_ref[0, 0] + jnp.sum(sdens_ref[...])
    o_ref[...] = 0.7 * (acc / den) + 0.3 * fz_ref[...]


@jax.jit
def _soft_read(x_key, f_z_value, key_memory, value_memory):
    m, kdim = key_memory.shape
    v2d = value_memory.reshape(m, VDIM)
    fz2d = f_z_value.reshape(1, VDIM)

    sc_parts, sc_dens = _sc_soft_read(x_key, key_memory, v2d)

    def tc_call(row_start, ngroups):
        return pl.pallas_call(
            functools.partial(
                _tc_soft_read_kernel, row_start=row_start, ngroups=ngroups
            ),
            in_specs=[
                pl.BlockSpec(memory_space=pltpu.MemorySpace.VMEM),
                pl.BlockSpec(memory_space=pltpu.MemorySpace.HBM),
                pl.BlockSpec(memory_space=pltpu.MemorySpace.HBM),
            ],
            out_specs=[
                pl.BlockSpec(memory_space=pltpu.MemorySpace.VMEM),
                pl.BlockSpec(memory_space=pltpu.MemorySpace.VMEM),
            ],
            out_shape=[
                jax.ShapeDtypeStruct((1, VDIM), jnp.float32),
                jax.ShapeDtypeStruct((1, 128), jnp.float32),
            ],
            scratch_shapes=(
                [pltpu.VMEM((TC_CHUNK, KDIM), jnp.float32) for _ in range(TC_NBUF)]
                + [pltpu.VMEM((TC_CHUNK, VDIM), jnp.float32) for _ in range(TC_NBUF)]
                + [pltpu.SemaphoreType.DMA((TC_NBUF, 2))]
            ),
        )(x_key, key_memory, v2d)

    half_groups = TC_NGROUPS_A
    tc_acc_a, tc_den_a = tc_call(0, TC_NGROUPS_A)
    tc_acc_b, tc_den_b = tc_call(TC_NGROUPS_A * TC_NBUF * TC_CHUNK, TC_NGROUPS_B)

    out = pl.pallas_call(
        _combine_kernel,
        out_shape=jax.ShapeDtypeStruct((1, VDIM), jnp.float32),
    )(fz2d, tc_acc_a, tc_den_a, tc_acc_b, tc_den_b, sc_parts, sc_dens)
    return out.reshape(f_z_value.shape)


def kernel(x_key, f_z_value, key_memory, value_memory):
    return _soft_read(x_key, f_z_value, key_memory, value_memory)

# --- scband reference (transcript-rebuilt; emitter-appended) ---
"""Pipeline reference for scband-memory-base-22694607192325 (READ-ONLY COPY).

The authoritative reference and input builder live on the scoring server;
editing this copy changes nothing except your own understanding.
"""

import jax, jax.numpy as jnp
import numpy as np

MEMORY_SIZE = 100000
KEY_DIM = 128
VALUE_DIM = 8
VALUE_H = 8
VALUE_W = 8


def setup_inputs(seed: int = 0) -> dict:
    key = jax.random.key(seed)
    k1, k2, k3, k4 = jax.random.split(key, 4)
    x_key = jax.random.normal(k1, (1, KEY_DIM), dtype=jnp.float32)
    f_z_value = jax.random.normal(k2, (1, VALUE_DIM, VALUE_H, VALUE_W), dtype=jnp.float32)
    key_memory = jax.random.normal(k3, (MEMORY_SIZE, KEY_DIM), dtype=jnp.float32)
    value_memory = jax.random.normal(k4, (MEMORY_SIZE, VALUE_DIM, VALUE_H, VALUE_W), dtype=jnp.float32)
    return {"x_key": x_key, "f_z_value": f_z_value, "key_memory": key_memory, "value_memory": value_memory}


def reference(x_key, f_z_value, key_memory, value_memory):
    # CosineSimilarity(dim=1, eps=1e-6): x_key [1, key_dim] broadcast against key_memory [M, key_dim]
    num = jnp.sum(x_key * key_memory, axis=1)  # [M]
    x_norm = jnp.linalg.norm(x_key, axis=1)  # [1]
    m_norm = jnp.linalg.norm(key_memory, axis=1)  # [M]
    denom = jnp.maximum(x_norm * m_norm, 1e-6)
    cos_res = num / denom  # [M]
    # softmax over memory dim (dim=0)
    weight = jax.nn.softmax(cos_res, axis=0)  # [M]
    weight = weight[:, None, None, None]  # [M, 1, 1, 1]
    result = jnp.sum(weight * value_memory, axis=0, keepdims=True)  # [1, value_dim, h, w]
    # fusion with alpha=0.7 (default)
    alpha = 0.7
    return alpha * result + (1.0 - alpha) * f_z_value

if __name__ == "__main__":
    import jax
    _d = setup_inputs()
    print(jax.jit(kernel)(*tuple(_d.values())))

</pallas_src>

<mosaic_0001>
#map = affine_map<(d0, d1) -> (0, 0)>
module attributes {stable_mosaic.version = 14 : i64} {
  func.func @_sc_soft_read(%arg0: i32, %arg1: i32, %arg2: memref<1x128xf32, #tpu.memory_space<hbm>>, %arg3: memref<100000x128xf32, #tpu.memory_space<hbm>>, %arg4: memref<100000x512xf32, #tpu.memory_space<hbm>>, %arg5: memref<32x512xf32, #tpu.memory_space<hbm>>, %arg6: memref<32x128xf32, #tpu.memory_space<hbm>>, %arg7: memref<48x128xf32, #tpu.memory_space<vmem>>, %arg8: memref<48x128xf32, #tpu.memory_space<vmem>>, %arg9: memref<48x512xf32, #tpu.memory_space<vmem>>, %arg10: memref<48x512xf32, #tpu.memory_space<vmem>>, %arg11: memref<1x128xf32, #tpu.memory_space<vmem>>, %arg12: memref<1x512xf32, #tpu.memory_space<vmem>>, %arg13: memref<1x128xf32, #tpu.memory_space<vmem>>, %arg14: memref<2x2x!tpu.dma_semaphore, #tpu.memory_space<semaphore_mem>>) attributes {dimension_semantics = [#tpu.dimension_semantics<core_parallel>, #tpu.dimension_semantics<subcore_parallel>], iteration_bounds = array<i64: 2, 16>, scalar_prefetch = 0 : i64, scratch_operands = 8 : i64, tpu.core_type = #tpu.core_type<sc_vector_subcore>, window_params = [{transform_indices = #map}, {transform_indices = #map}, {transform_indices = #map}, {transform_indices = #map}, {transform_indices = #map}]} {
    %mul3A = arith.constant 2 : i32
    %mul3A_0 = arith.muli %arg1, %mul3A : i32
    %add3A = arith.addi %mul3A_0, %arg0 : i32
    %mul3A_1 = arith.constant 1200 : i32
    %mul3A_2 = arith.muli %add3A, %mul3A_1 : i32
    %add3A_3 = arith.constant 61600 : i32
    %add3A_4 = arith.addi %add3A_3, %mul3A_2 : i32
    "tpu.region"() ({
      %run_scoped3A_441 = tpu.sem_alloc : memref<!tpu.dma_semaphore, #tpu.memory_space<semaphore_mem>>
      tpu.enqueue_dma source(%arg2 : memref<1x128xf32, #tpu.memory_space<hbm>>) target(%arg11 : memref<1x128xf32, #tpu.memory_space<vmem>>) target_semaphore(%run_scoped3A_441 : memref<!tpu.dma_semaphore, #tpu.memory_space<semaphore_mem>>)
      tpu.wait_dma2 semaphore(%run_scoped3A_441 : memref<!tpu.dma_semaphore, #tpu.memory_space<semaphore_mem>>) src(%arg2 : memref<1x128xf32, #tpu.memory_space<hbm>>) dst(%arg11 : memref<1x128xf32, #tpu.memory_space<vmem>>)
      tpu.yield
    }) : () -> ()
    %add3A_5 = arith.constant 0 : i32
    %add3A_6 = arith.addi %add3A_4, %add3A_5 : i32
    %multiple_of3A = tpu.assume_multiple %add3A_6, 8 : i32
    %dma_start3A = arith.constant 0 : i32
    %dma_start3A_7 = arith.constant 0 : i32
    %dma_start3A_8 = arith.constant 0 : i32
    %dma_start3A_9 = tpu.memref_slice %arg3[%multiple_of3A, %dma_start3A_8] : memref<100000x128xf32, #tpu.memory_space<hbm>> -> memref<48x128xf32, #tpu.memory_space<hbm>>
    %dma_start3A_10 = tpu.memref_slice %arg14[%dma_start3A, %dma_start3A_7] : memref<2x2x!tpu.dma_semaphore, #tpu.memory_space<semaphore_mem>> -> memref<1x1x!tpu.dma_semaphore, #tpu.memory_space<semaphore_mem>>
    %dma_start3A_11 = tpu.memref_squeeze %dma_start3A_10 : memref<1x1x!tpu.dma_semaphore, #tpu.memory_space<semaphore_mem>> -> memref<!tpu.dma_semaphore, #tpu.memory_space<semaphore_mem>>
    %dma_start3A_12 = arith.constant 0 : i32
    %dma_start3A_13 = tpu.memref_slice %arg3[%multiple_of3A, %dma_start3A_12] : memref<100000x128xf32, #tpu.memory_space<hbm>> -> memref<48x128xf32, #tpu.memory_space<hbm>>
    tpu.enqueue_dma source(%dma_start3A_13 : memref<48x128xf32, #tpu.memory_space<hbm>>) target(%arg7 : memref<48x128xf32, #tpu.memory_space<vmem>>) target_semaphore(%dma_start3A_11 : memref<!tpu.dma_semaphore, #tpu.memory_space<semaphore_mem>>)
    %add3A_14 = arith.constant 0 : i32
    %add3A_15 = arith.addi %add3A_4, %add3A_14 : i32
    %multiple_of3A_16 = tpu.assume_multiple %add3A_15, 8 : i32
    %dma_start3A_17 = arith.constant 0 : i32
    %dma_start3A_18 = arith.constant 1 : i32
    %dma_start3A_19 = arith.constant 0 : i32
    %dma_start3A_20 = tpu.memref_slice %arg4[%multiple_of3A_16, %dma_start3A_19] : memref<100000x512xf32, #tpu.memory_space<hbm>> -> memref<48x512xf32, #tpu.memory_space<hbm>>
    %dma_start3A_21 = tpu.memref_slice %arg14[%dma_start3A_17, %dma_start3A_18] : memref<2x2x!tpu.dma_semaphore, #tpu.memory_space<semaphore_mem>> -> memref<1x1x!tpu.dma_semaphore, #tpu.memory_space<semaphore_mem>>
    %dma_start3A_22 = tpu.memref_squeeze %dma_start3A_21 : memref<1x1x!tpu.dma_semaphore, #tpu.memory_space<semaphore_mem>> -> memref<!tpu.dma_semaphore, #tpu.memory_space<semaphore_mem>>
    %dma_start3A_23 = arith.constant 0 : i32
    %dma_start3A_24 = tpu.memref_slice %arg4[%multiple_of3A_16, %dma_start3A_23] : memref<100000x512xf32, #tpu.memory_space<hbm>> -> memref<48x512xf32, #tpu.memory_space<hbm>>
    tpu.enqueue_dma source(%dma_start3A_24 : memref<48x512xf32, #tpu.memory_space<hbm>>) target(%arg9 : memref<48x512xf32, #tpu.memory_space<vmem>>) target_semaphore(%dma_start3A_22 : memref<!tpu.dma_semaphore, #tpu.memory_space<semaphore_mem>>)
    %add3A_25 = arith.constant 48 : i32
    %add3A_26 = arith.addi %add3A_4, %add3A_25 : i32
    %multiple_of3A_27 = tpu.assume_multiple %add3A_26, 8 : i32
    %dma_start3A_28 = arith.constant 1 : i32
    %dma_start3A_29 = arith.constant 0 : i32
    %dma_start3A_30 = arith.constant 0 : i32
    %dma_start3A_31 = tpu.memref_slice %arg3[%multiple_of3A_27, %dma_start3A_30] : memref<100000x128xf32, #tpu.memory_space<hbm>> -> memref<48x128xf32, #tpu.memory_space<hbm>>
    %dma_start3A_32 = tpu.memref_slice %arg14[%dma_start3A_28, %dma_start3A_29] : memref<2x2x!tpu.dma_semaphore, #tpu.memory_space<semaphore_mem>> -> memref<1x1x!tpu.dma_semaphore, #tpu.memory_space<semaphore_mem>>
    %dma_start3A_33 = tpu.memref_squeeze %dma_start3A_32 : memref<1x1x!tpu.dma_semaphore, #tpu.memory_space<semaphore_mem>> -> memref<!tpu.dma_semaphore, #tpu.memory_space<semaphore_mem>>
    %dma_start3A_34 = arith.constant 0 : i32
    %dma_start3A_35 = tpu.memref_slice %arg3[%multiple_of3A_27, %dma_start3A_34] : memref<100000x128xf32, #tpu.memory_space<hbm>> -> memref<48x128xf32, #tpu.memory_space<hbm>>
    tpu.enqueue_dma source(%dma_start3A_35 : memref<48x128xf32, #tpu.memory_space<hbm>>) target(%arg8 : memref<48x128xf32, #tpu.memory_space<vmem>>) target_semaphore(%dma_start3A_33 : memref<!tpu.dma_semaphore, #tpu.memory_space<semaphore_mem>>)
    %add3A_36 = arith.constant 48 : i32
    %add3A_37 = arith.addi %add3A_4, %add3A_36 : i32
    %multiple_of3A_38 = tpu.assume_multiple %add3A_37, 8 : i32
    %dma_start3A_39 = arith.constant 1 : i32
    %dma_start3A_40 = arith.constant 1 : i32
    %dma_start3A_41 = arith.constant 0 : i32
    %dma_start3A_42 = tpu.memref_slice %arg4[%multiple_of3A_38, %dma_start3A_41] : memref<100000x512xf32, #tpu.memory_space<hbm>> -> memref<48x512xf32, #tpu.memory_space<hbm>>
    %dma_start3A_43 = tpu.memref_slice %arg14[%dma_start3A_39, %dma_start3A_40] : memref<2x2x!tpu.dma_semaphore, #tpu.memory_space<semaphore_mem>> -> memref<1x1x!tpu.dma_semaphore, #tpu.memory_space<semaphore_mem>>
    %dma_start3A_44 = tpu.memref_squeeze %dma_start3A_43 : memref<1x1x!tpu.dma_semaphore, #tpu.memory_space<semaphore_mem>> -> memref<!tpu.dma_semaphore, #tpu.memory_space<semaphore_mem>>
    %dma_start3A_45 = arith.constant 0 : i32
    %dma_start3A_46 = tpu.memref_slice %arg4[%multiple_of3A_38, %dma_start3A_45] : memref<100000x512xf32, #tpu.memory_space<hbm>> -> memref<48x512xf32, #tpu.memory_space<hbm>>
    tpu.enqueue_dma source(%dma_start3A_46 : memref<48x512xf32, #tpu.memory_space<hbm>>) target(%arg10 : memref<48x512xf32, #tpu.memory_space<vmem>>) target_semaphore(%dma_start3A_44 : memref<!tpu.dma_semaphore, #tpu.memory_space<semaphore_mem>>)
    %get3A = arith.constant 0 : i32
    %get3A_47 = arith.index_cast %get3A : i32 to index
    %get3A_48 = arith.constant 0 : index
    %get3A_49 = tpu.vector_load %arg11[%get3A_47, %get3A_48] {strides = array<i32>} : memref<1x128xf32, #tpu.memory_space<vmem>>, vector<1x16xf32>,
    %get3A_50 = vector.shape_cast %get3A_49 : vector<1x16xf32> to vector<16xf32>
    %get3A_51 = arith.constant 0 : i32
    %get3A_52 = arith.index_cast %get3A_51 : i32 to index
    %get3A_53 = arith.constant 16 : index
    %get3A_54 = tpu.vector_load %arg11[%get3A_52, %get3A_53] {strides = array<i32>} : memref<1x128xf32, #tpu.memory_space<vmem>>, vector<1x16xf32>,
    %get3A_55 = vector.shape_cast %get3A_54 : vector<1x16xf32> to vector<16xf32>
    %get3A_56 = arith.constant 0 : i32
    %get3A_57 = arith.index_cast %get3A_56 : i32 to index
    %get3A_58 = arith.constant 32 : index
    %get3A_59 = tpu.vector_load %arg11[%get3A_57, %get3A_58] {strides = array<i32>} : memref<1x128xf32, #tpu.memory_space<vmem>>, vector<1x16xf32>,
    %get3A_60 = vector.shape_cast %get3A_59 : vector<1x16xf32> to vector<16xf32>
    %get3A_61 = arith.constant 0 : i32
    %get3A_62 = arith.index_cast %get3A_61 : i32 to index
    %get3A_63 = arith.constant 48 : index
    %get3A_64 = tpu.vector_load %arg11[%get3A_62, %get3A_63] {strides = array<i32>} : memref<1x128xf32, #tpu.memory_space<vmem>>, vector<1x16xf32>,
    %get3A_65 = vector.shape_cast %get3A_64 : vector<1x16xf32> to vector<16xf32>
    %get3A_66 = arith.constant 0 : i32
    %get3A_67 = arith.index_cast %get3A_66 : i32 to index
    %get3A_68 = arith.constant 64 : index
    %get3A_69 = tpu.vector_load %arg11[%get3A_67, %get3A_68] {strides = array<i32>} : memref<1x128xf32, #tpu.memory_space<vmem>>, vector<1x16xf32>,
    %get3A_70 = vector.shape_cast %get3A_69 : vector<1x16xf32> to vector<16xf32>
    %get3A_71 = arith.constant 0 : i32
    %get3A_72 = arith.index_cast %get3A_71 : i32 to index
    %get3A_73 = arith.constant 80 : index
    %get3A_74 = tpu.vector_load %arg11[%get3A_72, %get3A_73] {strides = array<i32>} : memref<1x128xf32, #tpu.memory_space<vmem>>, vector<1x16xf32>,
    %get3A_75 = vector.shape_cast %get3A_74 : vector<1x16xf32> to vector<16xf32>
    %get3A_76 = arith.constant 0 : i32
    %get3A_77 = arith.index_cast %get3A_76 : i32 to index
    %get3A_78 = arith.constant 96 : index
    %get3A_79 = tpu.vector_load %arg11[%get3A_77, %get3A_78] {strides = array<i32>} : memref<1x128xf32, #tpu.memory_space<vmem>>, vector<1x16xf32>,
    %get3A_80 = vector.shape_cast %get3A_79 : vector<1x16xf32> to vector<16xf32>
    %get3A_81 = arith.constant 0 : i32
    %get3A_82 = arith.index_cast %get3A_81 : i32 to index
    %get3A_83 = arith.constant 112 : index
    %get3A_84 = tpu.vector_load %arg11[%get3A_82, %get3A_83] {strides = array<i32>} : memref<1x128xf32, #tpu.memory_space<vmem>>, vector<1x16xf32>,
    %get3A_85 = vector.shape_cast %get3A_84 : vector<1x16xf32> to vector<16xf32>
    %mul3A_86 = arith.mulf %get3A_50, %get3A_50 : vector<16xf32>
    %mul3A_87 = arith.mulf %get3A_55, %get3A_55 : vector<16xf32>
    %add3A_88 = arith.addf %mul3A_86, %mul3A_87 : vector<16xf32>
    %mul3A_89 = arith.mulf %get3A_60, %get3A_60 : vector<16xf32>
    %add3A_90 = arith.addf %add3A_88, %mul3A_89 : vector<16xf32>
    %mul3A_91 = arith.mulf %get3A_65, %get3A_65 : vector<16xf32>
    %add3A_92 = arith.addf %add3A_90, %mul3A_91 : vector<16xf32>
    %mul3A_93 = arith.mulf %get3A_70, %get3A_70 : vector<16xf32>
    %add3A_94 = arith.addf %add3A_92, %mul3A_93 : vector<16xf32>
    %mul3A_95 = arith.mulf %get3A_75, %get3A_75 : vector<16xf32>
    %add3A_96 = arith.addf %add3A_94, %mul3A_95 : vector<16xf32>
    %mul3A_97 = arith.mulf %get3A_80, %get3A_80 : vector<16xf32>
    %add3A_98 = arith.addf %add3A_96, %mul3A_97 : vector<16xf32>
    %mul3A_99 = arith.mulf %get3A_85, %get3A_85 : vector<16xf32>
    %add3A_100 = arith.addf %add3A_98, %mul3A_99 : vector<16xf32>
    %iota3A = tpu.iota {dimensions = array<i32: 0>} : vector<16xi32>
    %xor3A = arith.constant 1 : i32
    %xor3A_101 = vector.broadcast %xor3A : i32 to vector<16xi32>
    %xor3A_102 = arith.xori %iota3A, %xor3A_101 : vector<16xi32>
    %broadcast_in_dim3A = vector.shape_cast %xor3A_102 : vector<16xi32> to vector<16x1xi32>
    %gather3A = vector.shape_cast %broadcast_in_dim3A : vector<16x1xi32> to vector<16xi32>
    %gather3A_103 = tpu.dynamic_gather %add3A_100[%gather3A] in [0] : vector<16xf32>, vector<16xi32> -> vector<16xf32>
    %add3A_104 = arith.addf %add3A_100, %gather3A_103 : vector<16xf32>
    %xor3A_105 = arith.constant 2 : i32
    %xor3A_106 = vector.broadcast %xor3A_105 : i32 to vector<16xi32>
    %xor3A_107 = arith.xori %iota3A, %xor3A_106 : vector<16xi32>
    %broadcast_in_dim3A_108 = vector.shape_cast %xor3A_107 : vector<16xi32> to vector<16x1xi32>
    %gather3A_109 = vector.shape_cast %broadcast_in_dim3A_108 : vector<16x1xi32> to vector<16xi32>
    %gather3A_110 = tpu.dynamic_gather %add3A_104[%gather3A_109] in [0] : vector<16xf32>, vector<16xi32> -> vector<16xf32>
    %add3A_111 = arith.addf %add3A_104, %gather3A_110 : vector<16xf32>
    %xor3A_112 = arith.constant 4 : i32
    %xor3A_113 = vector.broadcast %xor3A_112 : i32 to vector<16xi32>
    %xor3A_114 = arith.xori %iota3A, %xor3A_113 : vector<16xi32>
    %broadcast_in_dim3A_115 = vector.shape_cast %xor3A_114 : vector<16xi32> to vector<16x1xi32>
    %gather3A_116 = vector.shape_cast %broadcast_in_dim3A_115 : vector<16x1xi32> to vector<16xi32>
    %gather3A_117 = tpu.dynamic_gather %add3A_111[%gather3A_116] in [0] : vector<16xf32>, vector<16xi32> -> vector<16xf32>
    %add3A_118 = arith.addf %add3A_111, %gather3A_117 : vector<16xf32>
    %xor3A_119 = arith.constant 8 : i32
    %xor3A_120 = vector.broadcast %xor3A_119 : i32 to vector<16xi32>
    %xor3A_121 = arith.xori %iota3A, %xor3A_120 : vector<16xi32>
    %broadcast_in_dim3A_122 = vector.shape_cast %xor3A_121 : vector<16xi32> to vector<16x1xi32>
    %gather3A_123 = vector.shape_cast %broadcast_in_dim3A_122 : vector<16x1xi32> to vector<16xi32>
    %gather3A_124 = tpu.dynamic_gather %add3A_118[%gather3A_123] in [0] : vector<16xf32>, vector<16xi32> -> vector<16xf32>
    %add3A_125 = arith.addf %add3A_118, %gather3A_124 : vector<16xf32>
    %bitcast_convert_type3A = tpu.bitcast %add3A_125 : vector<16xf32> -> vector<16xi32>
    %shift_right_arithmetic3A = arith.constant 1 : i32
    %shift_right_arithmetic3A_126 = vector.broadcast %shift_right_arithmetic3A : i32 to vector<16xi32>
    %shift_right_arithmetic3A_127 = arith.shrsi %bitcast_convert_type3A, %shift_right_arithmetic3A_126 : vector<16xi32>
    %sub3A = arith.constant 1597463007 : i32
    %sub3A_128 = vector.broadcast %sub3A : i32 to vector<16xi32>
    %sub3A_129 = arith.subi %sub3A_128, %shift_right_arithmetic3A_127 : vector<16xi32>
    %bitcast_convert_type3A_130 = tpu.bitcast %sub3A_129 : vector<16xi32> -> vector<16xf32>
    %mul3A_131 = arith.constant 5.000000e-01 : f32
    %mul3A_132 = vector.broadcast %mul3A_131 : f32 to vector<16xf32>
    %mul3A_133 = arith.mulf %mul3A_132, %add3A_125 : vector<16xf32>
    %mul3A_134 = arith.mulf %mul3A_133, %bitcast_convert_type3A_130 : vector<16xf32>
    %mul3A_135 = arith.mulf %mul3A_134, %bitcast_convert_type3A_130 : vector<16xf32>
    %sub3A_136 = arith.constant 1.500000e+00 : f32
    %sub3A_137 = vector.broadcast %sub3A_136 : f32 to vector<16xf32>
    %sub3A_138 = arith.subf %sub3A_137, %mul3A_135 : vector<16xf32>
    %mul3A_139 = arith.mulf %bitcast_convert_type3A_130, %sub3A_138 : vector<16xf32>
    %mul3A_140 = arith.constant 5.000000e-01 : f32
    %mul3A_141 = vector.broadcast %mul3A_140 : f32 to vector<16xf32>
    %mul3A_142 = arith.mulf %mul3A_141, %add3A_125 : vector<16xf32>
    %mul3A_143 = arith.mulf %mul3A_142, %mul3A_139 : vector<16xf32>
    %mul3A_144 = arith.mulf %mul3A_143, %mul3A_139 : vector<16xf32>
    %sub3A_145 = arith.constant 1.500000e+00 : f32
    %sub3A_146 = vector.broadcast %sub3A_145 : f32 to vector<16xf32>
    %sub3A_147 = arith.subf %sub3A_146, %mul3A_144 : vector<16xf32>
    %mul3A_148 = arith.mulf %mul3A_139, %sub3A_147 : vector<16xf32>
    %mul3A_149 = arith.constant 5.000000e-01 : f32
    %mul3A_150 = vector.broadcast %mul3A_149 : f32 to vector<16xf32>
    %mul3A_151 = arith.mulf %mul3A_150, %add3A_125 : vector<16xf32>
    %mul3A_152 = arith.mulf %mul3A_151, %mul3A_148 : vector<16xf32>
    %mul3A_153 = arith.mulf %mul3A_152, %mul3A_148 : vector<16xf32>
    %sub3A_154 = arith.constant 1.500000e+00 : f32
    %sub3A_155 = vector.broadcast %sub3A_154 : f32 to vector<16xf32>
    %sub3A_156 = arith.subf %sub3A_155, %mul3A_153 : vector<16xf32>
    %mul3A_157 = arith.mulf %mul3A_148, %sub3A_156 : vector<16xf32>
    %broadcast_in_dim3A_158 = arith.constant 0.000000e+00 : f32
    %broadcast_in_dim3A_159 = vector.broadcast %broadcast_in_dim3A_158 : f32 to vector<16xf32>
    %scan3A = arith.constant 0 : i32
    %scan3A_160 = arith.constant 12 : i32
    %scan3A_161 = arith.addi %scan3A, %scan3A_160 : i32
    %scan3A_162 = arith.constant 1 : i32
    %scan3A_163:33 = scf.for %scan3A_441 = %scan3A to %scan3A_161 step %scan3A_162 iter_args(%scan3A_442 = %broadcast_in_dim3A_159, %scan3A_443 = %broadcast_in_dim3A_159, %scan3A_444 = %broadcast_in_dim3A_159, %scan3A_445 = %broadcast_in_dim3A_159, %scan3A_446 = %broadcast_in_dim3A_159, %scan3A_447 = %broadcast_in_dim3A_159, %scan3A_448 = %broadcast_in_dim3A_159, %scan3A_449 = %broadcast_in_dim3A_159, %scan3A_450 = %broadcast_in_dim3A_159, %scan3A_451 = %broadcast_in_dim3A_159, %scan3A_452 = %broadcast_in_dim3A_159, %scan3A_453 = %broadcast_in_dim3A_159, %scan3A_454 = %broadcast_in_dim3A_159, %scan3A_455 = %broadcast_in_dim3A_159, %scan3A_456 = %broadcast_in_dim3A_159, %scan3A_457 = %broadcast_in_dim3A_159, %scan3A_458 = %broadcast_in_dim3A_159, %scan3A_459 = %broadcast_in_dim3A_159, %scan3A_460 = %broadcast_in_dim3A_159, %scan3A_461 = %broadcast_in_dim3A_159, %scan3A_462 = %broadcast_in_dim3A_159, %scan3A_463 = %broadcast_in_dim3A_159, %scan3A_464 = %broadcast_in_dim3A_159, %scan3A_465 = %broadcast_in_dim3A_159, %scan3A_466 = %broadcast_in_dim3A_159, %scan3A_467 = %broadcast_in_dim3A_159, %scan3A_468 = %broadcast_in_dim3A_159, %scan3A_469 = %broadcast_in_dim3A_159, %scan3A_470 = %broadcast_in_dim3A_159, %scan3A_471 = %broadcast_in_dim3A_159, %scan3A_472 = %broadcast_in_dim3A_159, %scan3A_473 = %broadcast_in_dim3A_159, %scan3A_474 = %broadcast_in_dim3A_159) -> (vector<16xf32>, vector<16xf32>, vector<16xf32>, vector<16xf32>, vector<16xf32>, vector<16xf32>, vector<16xf32>, vector<16xf32>, vector<16xf32>, vector<16xf32>, vector<16xf32>, vector<16xf32>, vector<16xf32>, vector<16xf32>, vector<16xf32>, vector<16xf32>, vector<16xf32>, vector<16xf32>, vector<16xf32>, vector<16xf32>, vector<16xf32>, vector<16xf32>, vector<16xf32>, vector<16xf32>, vector<16xf32>, vector<16xf32>, vector<16xf32>, vector<16xf32>, vector<16xf32>, vector<16xf32>, vector<16xf32>, vector<16xf32>, vector<16xf32>)  : i32 {
      %mul3A_475 = arith.constant 2 : i32
      %mul3A_476 = arith.muli %scan3A_441, %mul3A_475 : i32
      %add3A_477 = arith.constant 0 : i32
      %add3A_478 = arith.addi %mul3A_476, %add3A_477 : i32
      %mul3A_479 = arith.constant 48 : i32
      %mul3A_480 = arith.muli %add3A_478, %mul3A_479 : i32
      %add3A_481 = arith.addi %add3A_4, %mul3A_480 : i32
      %multiple_of3A_482 = tpu.assume_multiple %add3A_481, 8 : i32
      %dma_wait3A_483 = arith.constant 0 : i32
      %dma_wait3A_484 = arith.constant 0 : i32
      %dma_wait3A_485 = arith.constant 0 : i32
      %dma_wait3A_486 = tpu.memref_slice %arg3[%multiple_of3A_482, %dma_wait3A_485] : memref<100000x128xf32, #tpu.memory_space<hbm>> -> memref<48x128xf32, #tpu.memory_space<hbm>>
      %dma_wait3A_487 = tpu.memref_slice %arg14[%dma_wait3A_483, %dma_wait3A_484] : memref<2x2x!tpu.dma_semaphore, #tpu.memory_space<semaphore_mem>> -> memref<1x1x!tpu.dma_semaphore, #tpu.memory_space<semaphore_mem>>
      %dma_wait3A_488 = tpu.memref_squeeze %dma_wait3A_487 : memref<1x1x!tpu.dma_semaphore, #tpu.memory_space<semaphore_mem>> -> memref<!tpu.dma_semaphore, #tpu.memory_space<semaphore_mem>>
      %dma_wait3A_489 = arith.constant 0 : i32
      %dma_wait3A_490 = tpu.memref_slice %arg3[%multiple_of3A_482, %dma_wait3A_489] : memref<100000x128xf32, #tpu.memory_space<hbm>> -> memref<48x128xf32, #tpu.memory_space<hbm>>
      tpu.wait_dma2 semaphore(%dma_wait3A_488 : memref<!tpu.dma_semaphore, #tpu.memory_space<semaphore_mem>>) src(%dma_wait3A_490 : memref<48x128xf32, #tpu.memory_space<hbm>>) dst(%arg7 : memref<48x128xf32, #tpu.memory_space<vmem>>)
      %mul3A_491 = arith.constant 48 : i32
      %mul3A_492 = arith.muli %add3A_478, %mul3A_491 : i32
      %add3A_493 = arith.addi %add3A_4, %mul3A_492 : i32
      %multiple_of3A_494 = tpu.assume_multiple %add3A_493, 8 : i32
      %dma_wait3A_495 = arith.constant 0 : i32
      %dma_wait3A_496 = arith.constant 1 : i32
      %dma_wait3A_497 = arith.constant 0 : i32
      %dma_wait3A_498 = tpu.memref_slice %arg4[%multiple_of3A_494, %dma_wait3A_497] : memref<100000x512xf32, #tpu.memory_space<hbm>> -> memref<48x512xf32, #tpu.memory_space<hbm>>
      %dma_wait3A_499 = tpu.memref_slice %arg14[%dma_wait3A_495, %dma_wait3A_496] : memref<2x2x!tpu.dma_semaphore, #tpu.memory_space<semaphore_mem>> -> memref<1x1x!tpu.dma_semaphore, #tpu.memory_space<semaphore_mem>>
      %dma_wait3A_500 = tpu.memref_squeeze %dma_wait3A_499 : memref<1x1x!tpu.dma_semaphore, #tpu.memory_space<semaphore_mem>> -> memref<!tpu.dma_semaphore, #tpu.memory_space<semaphore_mem>>
      %dma_wait3A_501 = arith.constant 0 : i32
      %dma_wait3A_502 = tpu.memref_slice %arg4[%multiple_of3A_494, %dma_wait3A_501] : memref<100000x512xf32, #tpu.memory_space<hbm>> -> memref<48x512xf32, #tpu.memory_space<hbm>>
      tpu.wait_dma2 semaphore(%dma_wait3A_500 : memref<!tpu.dma_semaphore, #tpu.memory_space<semaphore_mem>>) src(%dma_wait3A_502 : memref<48x512xf32, #tpu.memory_space<hbm>>) dst(%arg9 : memref<48x512xf32, #tpu.memory_space<vmem>>)
      %scan3A_503 = arith.constant 0 : i32
      %scan3A_504 = arith.constant 48 : i32
      %scan3A_505 = arith.addi %scan3A_503, %scan3A_504 : i32
      %scan3A_506 = arith.constant 1 : i32
      %scan3A_507:33 = scf.for %scan3A_552 = %scan3A_503 to %scan3A_505 step %scan3A_506 iter_args(%scan3A_553 = %scan3A_442, %scan3A_554 = %scan3A_443, %scan3A_555 = %scan3A_444, %scan3A_556 = %scan3A_445, %scan3A_557 = %scan3A_446, %scan3A_558 = %scan3A_447, %scan3A_559 = %scan3A_448, %scan3A_560 = %scan3A_449, %scan3A_561 = %scan3A_450, %scan3A_562 = %scan3A_451, %scan3A_563 = %scan3A_452, %scan3A_564 = %scan3A_453, %scan3A_565 = %scan3A_454, %scan3A_566 = %scan3A_455, %scan3A_567 = %scan3A_456, %scan3A_568 = %scan3A_457, %scan3A_569 = %scan3A_458, %scan3A_570 = %scan3A_459, %scan3A_571 = %scan3A_460, %scan3A_572 = %scan3A_461, %scan3A_573 = %scan3A_462, %scan3A_574 = %scan3A_463, %scan3A_575 = %scan3A_464, %scan3A_576 = %scan3A_465, %scan3A_577 = %scan3A_466, %scan3A_578 = %scan3A_467, %scan3A_579 = %scan3A_468, %scan3A_580 = %scan3A_469, %scan3A_581 = %scan3A_470, %scan3A_582 = %scan3A_471, %scan3A_583 = %scan3A_472, %scan3A_584 = %scan3A_473, %scan3A_585 = %scan3A_474) -> (vector<16xf32>, vector<16xf32>, vector<16xf32>, vector<16xf32>, vector<16xf32>, vector<16xf32>, vector<16xf32>, vector<16xf32>, vector<16xf32>, vector<16xf32>, vector<16xf32>, vector<16xf32>, vector<16xf32>, vector<16xf32>, vector<16xf32>, vector<16xf32>, vector<16xf32>, vector<16xf32>, vector<16xf32>, vector<16xf32>, vector<16xf32>, vector<16xf32>, vector<16xf32>, vector<16xf32>, vector<16xf32>, vector<16xf32>, vector<16xf32>, vector<16xf32>, vector<16xf32>, vector<16xf32>, vector<16xf32>, vector<16xf32>, vector<16xf32>)  : i32 {
        %get3A_586 = arith.index_cast %scan3A_552 : i32 to index
        %get3A_587 = arith.constant 0 : index
        %get3A_588 = tpu.vector_load %arg7[%get3A_586, %get3A_587] {strides = array<i32>} : memref<48x128xf32, #tpu.memory_space<vmem>>, vector<1x16xf32>,
        %get3A_589 = vector.shape_cast %get3A_588 : vector<1x16xf32> to vector<16xf32>
        %get3A_590 = arith.index_cast %scan3A_552 : i32 to index
        %get3A_591 = arith.constant 16 : index
        %get3A_592 = tpu.vector_load %arg7[%get3A_590, %get3A_591] {strides = array<i32>} : memref<48x128xf32, #tpu.memory_space<vmem>>, vector<1x16xf32>,
        %get3A_593 = vector.shape_cast %get3A_592 : vector<1x16xf32> to vector<16xf32>
        %get3A_594 = arith.index_cast %scan3A_552 : i32 to index
        %get3A_595 = arith.constant 32 : index
        %get3A_596 = tpu.vector_load %arg7[%get3A_594, %get3A_595] {strides = array<i32>} : memref<48x128xf32, #tpu.memory_space<vmem>>, vector<1x16xf32>,
        %get3A_597 = vector.shape_cast %get3A_596 : vector<1x16xf32> to vector<16xf32>
        %get3A_598 = arith.index_cast %scan3A_552 : i32 to index
        %get3A_599 = arith.constant 48 : index
        %get3A_600 = tpu.vector_load %arg7[%get3A_598, %get3A_599] {strides = array<i32>} : memref<48x128xf32, #tpu.memory_space<vmem>>, vector<1x16xf32>,
        %get3A_601 = vector.shape_cast %get3A_600 : vector<1x16xf32> to vector<16xf32>
        %get3A_602 = arith.index_cast %scan3A_552 : i32 to index
        %get3A_603 = arith.constant 64 : index
        %get3A_604 = tpu.vector_load %arg7[%get3A_602, %get3A_603] {strides = array<i32>} : memref<48x128xf32, #tpu.memory_space<vmem>>, vector<1x16xf32>,
        %get3A_605 = vector.shape_cast %get3A_604 : vector<1x16xf32> to vector<16xf32>
        %get3A_606 = arith.index_cast %scan3A_552 : i32 to index
        %get3A_607 = arith.constant 80 : index
        %get3A_608 = tpu.vector_load %arg7[%get3A_606, %get3A_607] {strides = array<i32>} : memref<48x128xf32, #tpu.memory_space<vmem>>, vector<1x16xf32>,
        %get3A_609 = vector.shape_cast %get3A_608 : vector<1x16xf32> to vector<16xf32>
        %get3A_610 = arith.index_cast %scan3A_552 : i32 to index
        %get3A_611 = arith.constant 96 : index
        %get3A_612 = tpu.vector_load %arg7[%get3A_610, %get3A_611] {strides = array<i32>} : memref<48x128xf32, #tpu.memory_space<vmem>>, vector<1x16xf32>,
        %get3A_613 = vector.shape_cast %get3A_612 : vector<1x16xf32> to vector<16xf32>
        %get3A_614 = arith.index_cast %scan3A_552 : i32 to index
        %get3A_615 = arith.constant 112 : index
        %get3A_616 = tpu.vector_load %arg7[%get3A_614, %get3A_615] {strides = array<i32>} : memref<48x128xf32, #tpu.memory_space<vmem>>, vector<1x16xf32>,
        %get3A_617 = vector.shape_cast %get3A_616 : vector<1x16xf32> to vector<16xf32>
        %mul3A_618 = arith.mulf %get3A_589, %get3A_50 : vector<16xf32>
        %mul3A_619 = arith.mulf %get3A_589, %get3A_589 : vector<16xf32>
        %mul3A_620 = arith.mulf %get3A_593, %get3A_55 : vector<16xf32>
        %add3A_621 = arith.addf %mul3A_618, %mul3A_620 : vector<16xf32>
        %mul3A_622 = arith.mulf %get3A_593, %get3A_593 : vector<16xf32>
        %add3A_623 = arith.addf %mul3A_619, %mul3A_622 : vector<16xf32>
        %mul3A_624 = arith.mulf %get3A_597, %get3A_60 : vector<16xf32>
        %add3A_625 = arith.addf %add3A_621, %mul3A_624 : vector<16xf32>
        %mul3A_626 = arith.mulf %get3A_597, %get3A_597 : vector<16xf32>
        %add3A_627 = arith.addf %add3A_623, %mul3A_626 : vector<16xf32>
        %mul3A_628 = arith.mulf %get3A_601, %get3A_65 : vector<16xf32>
        %add3A_629 = arith.addf %add3A_625, %mul3A_628 : vector<16xf32>
        %mul3A_630 = arith.mulf %get3A_601, %get3A_601 : vector<16xf32>
        %add3A_631 = arith.addf %add3A_627, %mul3A_630 : vector<16xf32>
        %mul3A_632 = arith.mulf %get3A_605, %get3A_70 : vector<16xf32>
        %add3A_633 = arith.addf %add3A_629, %mul3A_632 : vector<16xf32>
        %mul3A_634 = arith.mulf %get3A_605, %get3A_605 : vector<16xf32>
        %add3A_635 = arith.addf %add3A_631, %mul3A_634 : vector<16xf32>
        %mul3A_636 = arith.mulf %get3A_609, %get3A_75 : vector<16xf32>
        %add3A_637 = arith.addf %add3A_633, %mul3A_636 : vector<16xf32>
        %mul3A_638 = arith.mulf %get3A_609, %get3A_609 : vector<16xf32>
        %add3A_639 = arith.addf %add3A_635, %mul3A_638 : vector<16xf32>
        %mul3A_640 = arith.mulf %get3A_613, %get3A_80 : vector<16xf32>
        %add3A_641 = arith.addf %add3A_637, %mul3A_640 : vector<16xf32>
        %mul3A_642 = arith.mulf %get3A_613, %get3A_613 : vector<16xf32>
        %add3A_643 = arith.addf %add3A_639, %mul3A_642 : vector<16xf32>
        %mul3A_644 = arith.mulf %get3A_617, %get3A_85 : vector<16xf32>
        %add3A_645 = arith.addf %add3A_641, %mul3A_644 : vector<16xf32>
        %mul3A_646 = arith.mulf %get3A_617, %get3A_617 : vector<16xf32>
        %add3A_647 = arith.addf %add3A_643, %mul3A_646 : vector<16xf32>
        %iota3A_648 = tpu.iota {dimensions = array<i32: 0>} : vector<16xi32>
        %xor3A_649 = arith.constant 1 : i32
        %xor3A_650 = vector.broadcast %xor3A_649 : i32 to vector<16xi32>
        %xor3A_651 = arith.xori %iota3A_648, %xor3A_650 : vector<16xi32>
        %broadcast_in_dim3A_652 = vector.shape_cast %xor3A_651 : vector<16xi32> to vector<16x1xi32>
        %gather3A_653 = vector.shape_cast %broadcast_in_dim3A_652 : vector<16x1xi32> to vector<16xi32>
        %gather3A_654 = tpu.dynamic_gather %add3A_645[%gather3A_653] in [0] : vector<16xf32>, vector<16xi32> -> vector<16xf32>
        %add3A_655 = arith.addf %add3A_645, %gather3A_654 : vector<16xf32>
        %xor3A_656 = arith.constant 2 : i32
        %xor3A_657 = vector.broadcast %xor3A_656 : i32 to vector<16xi32>
        %xor3A_658 = arith.xori %iota3A_648, %xor3A_657 : vector<16xi32>
        %broadcast_in_dim3A_659 = vector.shape_cast %xor3A_658 : vector<16xi32> to vector<16x1xi32>
        %gather3A_660 = vector.shape_cast %broadcast_in_dim3A_659 : vector<16x1xi32> to vector<16xi32>
        %gather3A_661 = tpu.dynamic_gather %add3A_655[%gather3A_660] in [0] : vector<16xf32>, vector<16xi32> -> vector<16xf32>
        %add3A_662 = arith.addf %add3A_655, %gather3A_661 : vector<16xf32>
        %xor3A_663 = arith.constant 4 : i32
        %xor3A_664 = vector.broadcast %xor3A_663 : i32 to vector<16xi32>
        %xor3A_665 = arith.xori %iota3A_648, %xor3A_664 : vector<16xi32>
        %broadcast_in_dim3A_666 = vector.shape_cast %xor3A_665 : vector<16xi32> to vector<16x1xi32>
        %gather3A_667 = vector.shape_cast %broadcast_in_dim3A_666 : vector<16x1xi32> to vector<16xi32>
        %gather3A_668 = tpu.dynamic_gather %add3A_662[%gather3A_667] in [0] : vector<16xf32>, vector<16xi32> -> vector<16xf32>
        %add3A_669 = arith.addf %add3A_662, %gather3A_668 : vector<16xf32>
        %xor3A_670 = arith.constant 8 : i32
        %xor3A_671 = vector.broadcast %xor3A_670 : i32 to vector<16xi32>
        %xor3A_672 = arith.xori %iota3A_648, %xor3A_671 : vector<16xi32>
        %broadcast_in_dim3A_673 = vector.shape_cast %xor3A_672 : vector<16xi32> to vector<16x1xi32>
        %gather3A_674 = vector.shape_cast %broadcast_in_dim3A_673 : vector<16x1xi32> to vector<16xi32>
        %gather3A_675 = tpu.dynamic_gather %add3A_669[%gather3A_674] in [0] : vector<16xf32>, vector<16xi32> -> vector<16xf32>
        %add3A_676 = arith.addf %add3A_669, %gather3A_675 : vector<16xf32>
        %iota3A_677 = tpu.iota {dimensions = array<i32: 0>} : vector<16xi32>
        %xor3A_678 = arith.constant 1 : i32
        %xor3A_679 = vector.broadcast %xor3A_678 : i32 to vector<16xi32>
        %xor3A_680 = arith.xori %iota3A_677, %xor3A_679 : vector<16xi32>
        %broadcast_in_dim3A_681 = vector.shape_cast %xor3A_680 : vector<16xi32> to vector<16x1xi32>
        %gather3A_682 = vector.shape_cast %broadcast_in_dim3A_681 : vector<16x1xi32> to vector<16xi32>
        %gather3A_683 = tpu.dynamic_gather %add3A_647[%gather3A_682] in [0] : vector<16xf32>, vector<16xi32> -> vector<16xf32>
        %add3A_684 = arith.addf %add3A_647, %gather3A_683 : vector<16xf32>
        %xor3A_685 = arith.constant 2 : i32
        %xor3A_686 = vector.broadcast %xor3A_685 : i32 to vector<16xi32>
        %xor3A_687 = arith.xori %iota3A_677, %xor3A_686 : vector<16xi32>
        %broadcast_in_dim3A_688 = vector.shape_cast %xor3A_687 : vector<16xi32> to vector<16x1xi32>
        %gather3A_689 = vector.shape_cast %broadcast_in_dim3A_688 : vector<16x1xi32> to vector<16xi32>
        %gather3A_690 = tpu.dynamic_gather %add3A_684[%gather3A_689] in [0] : vector<16xf32>, vector<16xi32> -> vector<16xf32>
        %add3A_691 = arith.addf %add3A_684, %gather3A_690 : vector<16xf32>
        %xor3A_692 = arith.constant 4 : i32
        %xor3A_693 = vector.broadcast %xor3A_692 : i32 to vector<16xi32>
        %xor3A_694 = arith.xori %iota3A_677, %xor3A_693 : vector<16xi32>
        %broadcast_in_dim3A_695 = vector.shape_cast %xor3A_694 : vector<16xi32> to vector<16x1xi32>
        %gather3A_696 = vector.shape_cast %broadcast_in_dim3A_695 : vector<16x1xi32> to vector<16xi32>
        %gather3A_697 = tpu.dynamic_gather %add3A_691[%gather3A_696] in [0] : vector<16xf32>, vector<16xi32> -> vector<16xf32>
        %add3A_698 = arith.addf %add3A_691, %gather3A_697 : vector<16xf32>
        %xor3A_699 = arith.constant 8 : i32
        %xor3A_700 = vector.broadcast %xor3A_699 : i32 to vector<16xi32>
        %xor3A_701 = arith.xori %iota3A_677, %xor3A_700 : vector<16xi32>
        %broadcast_in_dim3A_702 = vector.shape_cast %xor3A_701 : vector<16xi32> to vector<16x1xi32>
        %gather3A_703 = vector.shape_cast %broadcast_in_dim3A_702 : vector<16x1xi32> to vector<16xi32>
        %gather3A_704 = tpu.dynamic_gather %add3A_698[%gather3A_703] in [0] : vector<16xf32>, vector<16xi32> -> vector<16xf32>
        %add3A_705 = arith.addf %add3A_698, %gather3A_704 : vector<16xf32>
        %bitcast_convert_type3A_706 = tpu.bitcast %add3A_705 : vector<16xf32> -> vector<16xi32>
        %shift_right_arithmetic3A_707 = arith.constant 1 : i32
        %shift_right_arithmetic3A_708 = vector.broadcast %shift_right_arithmetic3A_707 : i32 to vector<16xi32>
        %shift_right_arithmetic3A_709 = arith.shrsi %bitcast_convert_type3A_706, %shift_right_arithmetic3A_708 : vector<16xi32>
        %sub3A_710 = arith.constant 1597463007 : i32
        %sub3A_711 = vector.broadcast %sub3A_710 : i32 to vector<16xi32>
        %sub3A_712 = arith.subi %sub3A_711, %shift_right_arithmetic3A_709 : vector<16xi32>
        %bitcast_convert_type3A_713 = tpu.bitcast %sub3A_712 : vector<16xi32> -> vector<16xf32>
        %mul3A_714 = arith.constant 5.000000e-01 : f32
        %mul3A_715 = vector.broadcast %mul3A_714 : f32 to vector<16xf32>
        %mul3A_716 = arith.mulf %mul3A_715, %add3A_705 : vector<16xf32>
        %mul3A_717 = arith.mulf %mul3A_716, %bitcast_convert_type3A_713 : vector<16xf32>
        %mul3A_718 = arith.mulf %mul3A_717, %bitcast_convert_type3A_713 : vector<16xf32>
        %sub3A_719 = arith.constant 1.500000e+00 : f32
        %sub3A_720 = vector.broadcast %sub3A_719 : f32 to vector<16xf32>
        %sub3A_721 = arith.subf %sub3A_720, %mul3A_718 : vector<16xf32>
        %mul3A_722 = arith.mulf %bitcast_convert_type3A_713, %sub3A_721 : vector<16xf32>
        %mul3A_723 = arith.constant 5.000000e-01 : f32
        %mul3A_724 = vector.broadcast %mul3A_723 : f32 to vector<16xf32>
        %mul3A_725 = arith.mulf %mul3A_724, %add3A_705 : vector<16xf32>
        %mul3A_726 = arith.mulf %mul3A_725, %mul3A_722 : vector<16xf32>
        %mul3A_727 = arith.mulf %mul3A_726, %mul3A_722 : vector<16xf32>
        %sub3A_728 = arith.constant 1.500000e+00 : f32
        %sub3A_729 = vector.broadcast %sub3A_728 : f32 to vector<16xf32>
        %sub3A_730 = arith.subf %sub3A_729, %mul3A_727 : vector<16xf32>
        %mul3A_731 = arith.mulf %mul3A_722, %sub3A_730 : vector<16xf32>
        %mul3A_732 = arith.constant 5.000000e-01 : f32
        %mul3A_733 = vector.broadcast %mul3A_732 : f32 to vector<16xf32>
        %mul3A_734 = arith.mulf %mul3A_733, %add3A_705 : vector<16xf32>
        %mul3A_735 = arith.mulf %mul3A_734, %mul3A_731 : vector<16xf32>
        %mul3A_736 = arith.mulf %mul3A_735, %mul3A_731 : vector<16xf32>
        %sub3A_737 = arith.constant 1.500000e+00 : f32
        %sub3A_738 = vector.broadcast %sub3A_737 : f32 to vector<16xf32>
        %sub3A_739 = arith.subf %sub3A_738, %mul3A_736 : vector<16xf32>
        %mul3A_740 = arith.mulf %mul3A_731, %sub3A_739 : vector<16xf32>
        %mul3A_741 = arith.mulf %add3A_676, %mul3A_740 : vector<16xf32>
        %mul3A_742 = arith.mulf %mul3A_741, %mul3A_157 : vector<16xf32>
        %exp3A = math.exp %mul3A_742 : vector<16xf32>
        %add3A_743 = arith.addf %scan3A_585, %exp3A : vector<16xf32>
        %get3A_744 = arith.index_cast %scan3A_552 : i32 to index
        %get3A_745 = arith.constant 0 : index
        %get3A_746 = tpu.vector_load %arg9[%get3A_744, %get3A_745] {strides = array<i32>} : memref<48x512xf32, #tpu.memory_space<vmem>>, vector<1x16xf32>,
        %get3A_747 = vector.shape_cast %get3A_746 : vector<1x16xf32> to vector<16xf32>
        %mul3A_748 = arith.mulf %exp3A, %get3A_747 : vector<16xf32>
        %add3A_749 = arith.addf %scan3A_553, %mul3A_748 : vector<16xf32>
        %get3A_750 = arith.index_cast %scan3A_552 : i32 to index
        %get3A_751 = arith.constant 16 : index
        %get3A_752 = tpu.vector_load %arg9[%get3A_750, %get3A_751] {strides = array<i32>} : memref<48x512xf32, #tpu.memory_space<vmem>>, vector<1x16xf32>,
        %get3A_753 = vector.shape_cast %get3A_752 : vector<1x16xf32> to vector<16xf32>
        %mul3A_754 = arith.mulf %exp3A, %get3A_753 : vector<16xf32>
        %add3A_755 = arith.addf %scan3A_554, %mul3A_754 : vector<16xf32>
        %get3A_756 = arith.index_cast %scan3A_552 : i32 to index
        %get3A_757 = arith.constant 32 : index
        %get3A_758 = tpu.vector_load %arg9[%get3A_756, %get3A_757] {strides = array<i32>} : memref<48x512xf32, #tpu.memory_space<vmem>>, vector<1x16xf32>,
        %get3A_759 = vector.shape_cast %get3A_758 : vector<1x16xf32> to vector<16xf32>
        %mul3A_760 = arith.mulf %exp3A, %get3A_759 : vector<16xf32>
        %add3A_761 = arith.addf %scan3A_555, %mul3A_760 : vector<16xf32>
        %get3A_762 = arith.index_cast %scan3A_552 : i32 to index
        %get3A_763 = arith.constant 48 : index
        %get3A_764 = tpu.vector_load %arg9[%get3A_762, %get3A_763] {strides = array<i32>} : memref<48x512xf32, #tpu.memory_space<vmem>>, vector<1x16xf32>,
        %get3A_765 = vector.shape_cast %get3A_764 : vector<1x16xf32> to vector<16xf32>
        %mul3A_766 = arith.mulf %exp3A, %get3A_765 : vector<16xf32>
        %add3A_767 = arith.addf %scan3A_556, %mul3A_766 : vector<16xf32>
        %get3A_768 = arith.index_cast %scan3A_552 : i32 to index
        %get3A_769 = arith.constant 64 : index
        %get3A_770 = tpu.vector_load %arg9[%get3A_768, %get3A_769] {strides = array<i32>} : memref<48x512xf32, #tpu.memory_space<vmem>>, vector<1x16xf32>,
        %get3A_771 = vector.shape_cast %get3A_770 : vector<1x16xf32> to vector<16xf32>
        %mul3A_772 = arith.mulf %exp3A, %get3A_771 : vector<16xf32>
        %add3A_773 = arith.addf %scan3A_557, %mul3A_772 : vector<16xf32>
        %get3A_774 = arith.index_cast %scan3A_552 : i32 to index
        %get3A_775 = arith.constant 80 : index
        %get3A_776 = tpu.vector_load %arg9[%get3A_774, %get3A_775] {strides = array<i32>} : memref<48x512xf32, #tpu.memory_space<vmem>>, vector<1x16xf32>,
        %get3A_777 = vector.shape_cast %get3A_776 : vector<1x16xf32> to vector<16xf32>
        %mul3A_778 = arith.mulf %exp3A, %get3A_777 : vector<16xf32>
        %add3A_779 = arith.addf %scan3A_558, %mul3A_778 : vector<16xf32>
        %get3A_780 = arith.index_cast %scan3A_552 : i32 to index
        %get3A_781 = arith.constant 96 : index
        %get3A_782 = tpu.vector_load %arg9[%get3A_780, %get3A_781] {strides = array<i32>} : memref<48x512xf32, #tpu.memory_space<vmem>>, vector<1x16xf32>,
        %get3A_783 = vector.shape_cast %get3A_782 : vector<1x16xf32> to vector<16xf32>
        %mul3A_784 = arith.mulf %exp3A, %get3A_783 : vector<16xf32>
        %add3A_785 = arith.addf %scan3A_559, %mul3A_784 : vector<16xf32>
        %get3A_786 = arith.index_cast %scan3A_552 : i32 to index
        %get3A_787 = arith.constant 112 : index
        %get3A_788 = tpu.vector_load %arg9[%get3A_786, %get3A_787] {strides = array<i32>} : memref<48x512xf32, #tpu.memory_space<vmem>>, vector<1x16xf32>,
        %get3A_789 = vector.shape_cast %get3A_788 : vector<1x16xf32> to vector<16xf32>
        %mul3A_790 = arith.mulf %exp3A, %get3A_789 : vector<16xf32>
        %add3A_791 = arith.addf %scan3A_560, %mul3A_790 : vector<16xf32>
        %get3A_792 = arith.index_cast %scan3A_552 : i32 to index
        %get3A_793 = arith.constant 128 : index
        %get3A_794 = tpu.vector_load %arg9[%get3A_792, %get3A_793] {strides = array<i32>} : memref<48x512xf32, #tpu.memory_space<vmem>>, vector<1x16xf32>,
        %get3A_795 = vector.shape_cast %get3A_794 : vector<1x16xf32> to vector<16xf32>
        %mul3A_796 = arith.mulf %exp3A, %get3A_795 : vector<16xf32>
        %add3A_797 = arith.addf %scan3A_561, %mul3A_796 : vector<16xf32>
        %get3A_798 = arith.index_cast %scan3A_552 : i32 to index
        %get3A_799 = arith.constant 144 : index
        %get3A_800 = tpu.vector_load %arg9[%get3A_798, %get3A_799] {strides = array<i32>} : memref<48x512xf32, #tpu.memory_space<vmem>>, vector<1x16xf32>,
        %get3A_801 = vector.shape_cast %get3A_800 : vector<1x16xf32> to vector<16xf32>
        %mul3A_802 = arith.mulf %exp3A, %get3A_801 : vector<16xf32>
        %add3A_803 = arith.addf %scan3A_562, %mul3A_802 : vector<16xf32>
        %get3A_804 = arith.index_cast %scan3A_552 : i32 to index
        %get3A_805 = arith.constant 160 : index
        %get3A_806 = tpu.vector_load %arg9[%get3A_804, %get3A_805] {strides = array<i32>} : memref<48x512xf32, #tpu.memory_space<vmem>>, vector<1x16xf32>,
        %get3A_807 = vector.shape_cast %get3A_806 : vector<1x16xf32> to vector<16xf32>
        %mul3A_808 = arith.mulf %exp3A, %get3A_807 : vector<16xf32>
        %add3A_809 = arith.addf %scan3A_563, %mul3A_808 : vector<16xf32>
        %get3A_810 = arith.index_cast %scan3A_552 : i32 to index
        %get3A_811 = arith.constant 176 : index
        %get3A_812 = tpu.vector_load %arg9[%get3A_810, %get3A_811] {strides = array<i32>} : memref<48x512xf32, #tpu.memory_space<vmem>>, vector<1x16xf32>,
        %get3A_813 = vector.shape_cast %get3A_812 : vector<1x16xf32> to vector<16xf32>
        %mul3A_814 = arith.mulf %exp3A, %get3A_813 : vector<16xf32>
        %add3A_815 = arith.addf %scan3A_564, %mul3A_814 : vector<16xf32>
        %get3A_816 = arith.index_cast %scan3A_552 : i32 to index
        %get3A_817 = arith.constant 192 : index
        %get3A_818 = tpu.vector_load %arg9[%get3A_816, %get3A_817] {strides = array<i32>} : memref<48x512xf32, #tpu.memory_space<vmem>>, vector<1x16xf32>,
        %get3A_819 = vector.shape_cast %get3A_818 : vector<1x16xf32> to vector<16xf32>
        %mul3A_820 = arith.mulf %exp3A, %get3A_819 : vector<16xf32>
        %add3A_821 = arith.addf %scan3A_565, %mul3A_820 : vector<16xf32>
        %get3A_822 = arith.index_cast %scan3A_552 : i32 to index
        %get3A_823 = arith.constant 208 : index
        %get3A_824 = tpu.vector_load %arg9[%get3A_822, %get3A_823] {strides = array<i32>} : memref<48x512xf32, #tpu.memory_space<vmem>>, vector<1x16xf32>,
        %get3A_825 = vector.shape_cast %get3A_824 : vector<1x16xf32> to vector<16xf32>
        %mul3A_826 = arith.mulf %exp3A, %get3A_825 : vector<16xf32>
        %add3A_827 = arith.addf %scan3A_566, %mul3A_826 : vector<16xf32>
        %get3A_828 = arith.index_cast %scan3A_552 : i32 to index
        %get3A_829 = arith.constant 224 : index
        %get3A_830 = tpu.vector_load %arg9[%get3A_828, %get3A_829] {strides = array<i32>} : memref<48x512xf32, #tpu.memory_space<vmem>>, vector<1x16xf32>,
        %get3A_831 = vector.shape_cast %get3A_830 : vector<1x16xf32> to vector<16xf32>
        %mul3A_832 = arith.mulf %exp3A, %get3A_831 : vector<16xf32>
        %add3A_833 = arith.addf %scan3A_567, %mul3A_832 : vector<16xf32>
        %get3A_834 = arith.index_cast %scan3A_552 : i32 to index
        %get3A_835 = arith.constant 240 : index
        %get3A_836 = tpu.vector_load %arg9[%get3A_834, %get3A_835] {strides = array<i32>} : memref<48x512xf32, #tpu.memory_space<vmem>>, vector<1x16xf32>,
        %get3A_837 = vector.shape_cast %get3A_836 : vector<1x16xf32> to vector<16xf32>
        %mul3A_838 = arith.mulf %exp3A, %get3A_837 : vector<16xf32>
        %add3A_839 = arith.addf %scan3A_568, %mul3A_838 : vector<16xf32>
        %get3A_840 = arith.index_cast %scan3A_552 : i32 to index
        %get3A_841 = arith.constant 256 : index
        %get3A_842 = tpu.vector_load %arg9[%get3A_840, %get3A_841] {strides = array<i32>} : memref<48x512xf32, #tpu.memory_space<vmem>>, vector<1x16xf32>,
        %get3A_843 = vector.shape_cast %get3A_842 : vector<1x16xf32> to vector<16xf32>
        %mul3A_844 = arith.mulf %exp3A, %get3A_843 : vector<16xf32>
        %add3A_845 = arith.addf %scan3A_569, %mul3A_844 : vector<16xf32>
        %get3A_846 = arith.index_cast %scan3A_552 : i32 to index
        %get3A_847 = arith.constant 272 : index
        %get3A_848 = tpu.vector_load %arg9[%get3A_846, %get3A_847] {strides = array<i32>} : memref<48x512xf32, #tpu.memory_space<vmem>>, vector<1x16xf32>,
        %get3A_849 = vector.shape_cast %get3A_848 : vector<1x16xf32> to vector<16xf32>
        %mul3A_850 = arith.mulf %exp3A, %get3A_849 : vector<16xf32>
        %add3A_851 = arith.addf %scan3A_570, %mul3A_850 : vector<16xf32>
        %get3A_852 = arith.index_cast %scan3A_552 : i32 to index
        %get3A_853 = arith.constant 288 : index
        %get3A_854 = tpu.vector_load %arg9[%get3A_852, %get3A_853] {strides = array<i32>} : memref<48x512xf32, #tpu.memory_space<vmem>>, vector<1x16xf32>,
        %get3A_855 = vector.shape_cast %get3A_854 : vector<1x16xf32> to vector<16xf32>
        %mul3A_856 = arith.mulf %exp3A, %get3A_855 : vector<16xf32>
        %add3A_857 = arith.addf %scan3A_571, %mul3A_856 : vector<16xf32>
        %get3A_858 = arith.index_cast %scan3A_552 : i32 to index
        %get3A_859 = arith.constant 304 : index
        %get3A_860 = tpu.vector_load %arg9[%get3A_858, %get3A_859] {strides = array<i32>} : memref<48x512xf32, #tpu.memory_space<vmem>>, vector<1x16xf32>,
        %get3A_861 = vector.shape_cast %get3A_860 : vector<1x16xf32> to vector<16xf32>
        %mul3A_862 = arith.mulf %exp3A, %get3A_861 : vector<16xf32>
        %add3A_863 = arith.addf %scan3A_572, %mul3A_862 : vector<16xf32>
        %get3A_864 = arith.index_cast %scan3A_552 : i32 to index
        %get3A_865 = arith.constant 320 : index
        %get3A_866 = tpu.vector_load %arg9[%get3A_864, %get3A_865] {strides = array<i32>} : memref<48x512xf32, #tpu.memory_space<vmem>>, vector<1x16xf32>,
        %get3A_867 = vector.shape_cast %get3A_866 : vector<1x16xf32> to vector<16xf32>
        %mul3A_868 = arith.mulf %exp3A, %get3A_867 : vector<16xf32>
        %add3A_869 = arith.addf %scan3A_573, %mul3A_868 : vector<16xf32>
        %get3A_870 = arith.index_cast %scan3A_552 : i32 to index
        %get3A_871 = arith.constant 336 : index
        %get3A_872 = tpu.vector_load %arg9[%get3A_870, %get3A_871] {strides = array<i32>} : memref<48x512xf32, #tpu.memory_space<vmem>>, vector<1x16xf32>,
        %get3A_873 = vector.shape_cast %get3A_872 : vector<1x16xf32> to vector<16xf32>
        %mul3A_874 = arith.mulf %exp3A, %get3A_873 : vector<16xf32>
        %add3A_875 = arith.addf %scan3A_574, %mul3A_874 : vector<16xf32>
        %get3A_876 = arith.index_cast %scan3A_552 : i32 to index
        %get3A_877 = arith.constant 352 : index
        %get3A_878 = tpu.vector_load %arg9[%get3A_876, %get3A_877] {strides = array<i32>} : memref<48x512xf32, #tpu.memory_space<vmem>>, vector<1x16xf32>,
        %get3A_879 = vector.shape_cast %get3A_878 : vector<1x16xf32> to vector<16xf32>
        %mul3A_880 = arith.mulf %exp3A, %get3A_879 : vector<16xf32>
        %add3A_881 = arith.addf %scan3A_575, %mul3A_880 : vector<16xf32>
        %get3A_882 = arith.index_cast %scan3A_552 : i32 to index
        %get3A_883 = arith.constant 368 : index
        %get3A_884 = tpu.vector_load %arg9[%get3A_882, %get3A_883] {strides = array<i32>} : memref<48x512xf32, #tpu.memory_space<vmem>>, vector<1x16xf32>,
        %get3A_885 = vector.shape_cast %get3A_884 : vector<1x16xf32> to vector<16xf32>
        %mul3A_886 = arith.mulf %exp3A, %get3A_885 : vector<16xf32>
        %add3A_887 = arith.addf %scan3A_576, %mul3A_886 : vector<16xf32>
        %get3A_888 = arith.index_cast %scan3A_552 : i32 to index
        %get3A_889 = arith.constant 384 : index
        %get3A_890 = tpu.vector_load %arg9[%get3A_888, %get3A_889] {strides = array<i32>} : memref<48x512xf32, #tpu.memory_space<vmem>>, vector<1x16xf32>,
        %get3A_891 = vector.shape_cast %get3A_890 : vector<1x16xf32> to vector<16xf32>
        %mul3A_892 = arith.mulf %exp3A, %get3A_891 : vector<16xf32>
        %add3A_893 = arith.addf %scan3A_577, %mul3A_892 : vector<16xf32>
        %get3A_894 = arith.index_cast %scan3A_552 : i32 to index
        %get3A_895 = arith.constant 400 : index
        %get3A_896 = tpu.vector_load %arg9[%get3A_894, %get3A_895] {strides = array<i32>} : memref<48x512xf32, #tpu.memory_space<vmem>>, vector<1x16xf32>,
        %get3A_897 = vector.shape_cast %get3A_896 : vector<1x16xf32> to vector<16xf32>
        %mul3A_898 = arith.mulf %exp3A, %get3A_897 : vector<16xf32>
        %add3A_899 = arith.addf %scan3A_578, %mul3A_898 : vector<16xf32>
        %get3A_900 = arith.index_cast %scan3A_552 : i32 to index
        %get3A_901 = arith.constant 416 : index
        %get3A_902 = tpu.vector_load %arg9[%get3A_900, %get3A_901] {strides = array<i32>} : memref<48x512xf32, #tpu.memory_space<vmem>>, vector<1x16xf32>,
        %get3A_903 = vector.shape_cast %get3A_902 : vector<1x16xf32> to vector<16xf32>
        %mul3A_904 = arith.mulf %exp3A, %get3A_903 : vector<16xf32>
        %add3A_905 = arith.addf %scan3A_579, %mul3A_904 : vector<16xf32>
        %get3A_906 = arith.index_cast %scan3A_552 : i32 to index
        %get3A_907 = arith.constant 432 : index
        %get3A_908 = tpu.vector_load %arg9[%get3A_906, %get3A_907] {strides = array<i32>} : memref<48x512xf32, #tpu.memory_space<vmem>>, vector<1x16xf32>,
        %get3A_909 = vector.shape_cast %get3A_908 : vector<1x16xf32> to vector<16xf32>
        %mul3A_910 = arith.mulf %exp3A, %get3A_909 : vector<16xf32>
        %add3A_911 = arith.addf %scan3A_580, %mul3A_910 : vector<16xf32>
        %get3A_912 = arith.index_cast %scan3A_552 : i32 to index
        %get3A_913 = arith.constant 448 : index
        %get3A_914 = tpu.vector_load %arg9[%get3A_912, %get3A_913] {strides = array<i32>} : memref<48x512xf32, #tpu.memory_space<vmem>>, vector<1x16xf32>,
        %get3A_915 = vector.shape_cast %get3A_914 : vector<1x16xf32> to vector<16xf32>
        %mul3A_916 = arith.mulf %exp3A, %get3A_915 : vector<16xf32>
        %add3A_917 = arith.addf %scan3A_581, %mul3A_916 : vector<16xf32>
        %get3A_918 = arith.index_cast %scan3A_552 : i32 to index
        %get3A_919 = arith.constant 464 : index
        %get3A_920 = tpu.vector_load %arg9[%get3A_918, %get3A_919] {strides = array<i32>} : memref<48x512xf32, #tpu.memory_space<vmem>>, vector<1x16xf32>,
        %get3A_921 = vector.shape_cast %get3A_920 : vector<1x16xf32> to vector<16xf32>
        %mul3A_922 = arith.mulf %exp3A, %get3A_921 : vector<16xf32>
        %add3A_923 = arith.addf %scan3A_582, %mul3A_922 : vector<16xf32>
        %get3A_924 = arith.index_cast %scan3A_552 : i32 to index
        %get3A_925 = arith.constant 480 : index
        %get3A_926 = tpu.vector_load %arg9[%get3A_924, %get3A_925] {strides = array<i32>} : memref<48x512xf32, #tpu.memory_space<vmem>>, vector<1x16xf32>,
        %get3A_927 = vector.shape_cast %get3A_926 : vector<1x16xf32> to vector<16xf32>
        %mul3A_928 = arith.mulf %exp3A, %get3A_927 : vector<16xf32>
        %add3A_929 = arith.addf %scan3A_583, %mul3A_928 : vector<16xf32>
        %get3A_930 = arith.index_cast %scan3A_552 : i32 to index
        %get3A_931 = arith.constant 496 : index
        %get3A_932 = tpu.vector_load %arg9[%get3A_930, %get3A_931] {strides = array<i32>} : memref<48x512xf32, #tpu.memory_space<vmem>>, vector<1x16xf32>,
        %get3A_933 = vector.shape_cast %get3A_932 : vector<1x16xf32> to vector<16xf32>
        %mul3A_934 = arith.mulf %exp3A, %get3A_933 : vector<16xf32>
        %add3A_935 = arith.addf %scan3A_584, %mul3A_934 : vector<16xf32>
        scf.yield %add3A_749, %add3A_755, %add3A_761, %add3A_767, %add3A_773, %add3A_779, %add3A_785, %add3A_791, %add3A_797, %add3A_803, %add3A_809, %add3A_815, %add3A_821, %add3A_827, %add3A_833, %add3A_839, %add3A_845, %add3A_851, %add3A_857, %add3A_863, %add3A_869, %add3A_875, %add3A_881, %add3A_887, %add3A_893, %add3A_899, %add3A_905, %add3A_911, %add3A_917, %add3A_923, %add3A_929, %add3A_935, %add3A_743 : vector<16xf32>, vector<16xf32>, vector<16xf32>, vector<16xf32>, vector<16xf32>, vector<16xf32>, vector<16xf32>, vector<16xf32>, vector<16xf32>, vector<16xf32>, vector<16xf32>, vector<16xf32>, vector<16xf32>, vector<16xf32>, vector<16xf32>, vector<16xf32>, vector<16xf32>, vector<16xf32>, vector<16xf32>, vector<16xf32>, vector<16xf32>, vector<16xf32>, vector<16xf32>, vector<16xf32>, vector<16xf32>, vector<16xf32>, vector<16xf32>, vector<16xf32>, vector<16xf32>, vector<16xf32>, vector<16xf32>, vector<16xf32>, vector<16xf32>
      }
      %scan3A_508 = arith.constant 48 : i32
      %add3A_509 = arith.constant 2 : i32
      %add3A_510 = arith.addi %add3A_478, %add3A_509 : i32
      %lt3A = arith.constant 25 : i32
      %lt3A_511 = arith.cmpi slt, %add3A_510, %lt3A : i32
      %convert_element_type3A = arith.extui %lt3A_511 : i1 to i32
      %cond3A = arith.constant 0 : i32
      %cond3A_512 = arith.cmpi ne, %convert_element_type3A, %cond3A : i32
      scf.if %cond3A_512 {
        %add3A_552 = arith.constant 2 : i32
        %add3A_553 = arith.addi %add3A_478, %add3A_552 : i32
        %mul3A_554 = arith.constant 48 : i32
        %mul3A_555 = arith.muli %add3A_553, %mul3A_554 : i32
        %add3A_556 = arith.addi %add3A_4, %mul3A_555 : i32
        %multiple_of3A_557 = tpu.assume_multiple %add3A_556, 8 : i32
        %dma_start3A_558 = arith.constant 0 : i32
        %dma_start3A_559 = arith.constant 0 : i32
        %dma_start3A_560 = arith.constant 0 : i32
        %dma_start3A_561 = tpu.memref_slice %arg3[%multiple_of3A_557, %dma_start3A_560] : memref<100000x128xf32, #tpu.memory_space<hbm>> -> memref<48x128xf32, #tpu.memory_space<hbm>>
        %dma_start3A_562 = tpu.memref_slice %arg14[%dma_start3A_558, %dma_start3A_559] : memref<2x2x!tpu.dma_semaphore, #tpu.memory_space<semaphore_mem>> -> memref<1x1x!tpu.dma_semaphore, #tpu.memory_space<semaphore_mem>>
        %dma_start3A_563 = tpu.memref_squeeze %dma_start3A_562 : memref<1x1x!tpu.dma_semaphore, #tpu.memory_space<semaphore_mem>> -> memref<!tpu.dma_semaphore, #tpu.memory_space<semaphore_mem>>
        %dma_start3A_564 = arith.constant 0 : i32
        %dma_start3A_565 = tpu.memref_slice %arg3[%multiple_of3A_557, %dma_start3A_564] : memref<100000x128xf32, #tpu.memory_space<hbm>> -> memref<48x128xf32, #tpu.memory_space<hbm>>
        tpu.enqueue_dma source(%dma_start3A_565 : memref<48x128xf32, #tpu.memory_space<hbm>>) target(%arg7 : memref<48x128xf32, #tpu.memory_space<vmem>>) target_semaphore(%dma_start3A_563 : memref<!tpu.dma_semaphore, #tpu.memory_space<semaphore_mem>>)
        %add3A_566 = arith.constant 2 : i32
        %add3A_567 = arith.addi %add3A_478, %add3A_566 : i32
        %mul3A_568 = arith.constant 48 : i32
        %mul3A_569 = arith.muli %add3A_567, %mul3A_568 : i32
        %add3A_570 = arith.addi %add3A_4, %mul3A_569 : i32
        %multiple_of3A_571 = tpu.assume_multiple %add3A_570, 8 : i32
        %dma_start3A_572 = arith.constant 0 : i32
        %dma_start3A_573 = arith.constant 1 : i32
        %dma_start3A_574 = arith.constant 0 : i32
        %dma_start3A_575 = tpu.memref_slice %arg4[%multiple_of3A_571, %dma_start3A_574] : memref<100000x512xf32, #tpu.memory_space<hbm>> -> memref<48x512xf32, #tpu.memory_space<hbm>>
        %dma_start3A_576 = tpu.memref_slice %arg14[%dma_start3A_572, %dma_start3A_573] : memref<2x2x!tpu.dma_semaphore, #tpu.memory_space<semaphore_mem>> -> memref<1x1x!tpu.dma_semaphore, #tpu.memory_space<semaphore_mem>>
        %dma_start3A_577 = tpu.memref_squeeze %dma_start3A_576 : memref<1x1x!tpu.dma_semaphore, #tpu.memory_space<semaphore_mem>> -> memref<!tpu.dma_semaphore, #tpu.memory_space<semaphore_mem>>
        %dma_start3A_578 = arith.constant 0 : i32
        %dma_start3A_579 = tpu.memref_slice %arg4[%multiple_of3A_571, %dma_start3A_578] : memref<100000x512xf32, #tpu.memory_space<hbm>> -> memref<48x512xf32, #tpu.memory_space<hbm>>
        tpu.enqueue_dma source(%dma_start3A_579 : memref<48x512xf32, #tpu.memory_space<hbm>>) target(%arg9 : memref<48x512xf32, #tpu.memory_space<vmem>>) target_semaphore(%dma_start3A_577 : memref<!tpu.dma_semaphore, #tpu.memory_space<semaphore_mem>>)
      } else {
      }
      %add3A_513 = arith.constant 1 : i32
      %add3A_514 = arith.addi %mul3A_476, %add3A_513 : i32
      %mul3A_515 = arith.constant 48 : i32
      %mul3A_516 = arith.muli %add3A_514, %mul3A_515 : i32
      %add3A_517 = arith.addi %add3A_4, %mul3A_516 : i32
      %multiple_of3A_518 = tpu.assume_multiple %add3A_517, 8 : i32
      %dma_wait3A_519 = arith.constant 1 : i32
      %dma_wait3A_520 = arith.constant 0 : i32
      %dma_wait3A_521 = arith.constant 0 : i32
      %dma_wait3A_522 = tpu.memref_slice %arg3[%multiple_of3A_518, %dma_wait3A_521] : memref<100000x128xf32, #tpu.memory_space<hbm>> -> memref<48x128xf32, #tpu.memory_space<hbm>>
      %dma_wait3A_523 = tpu.memref_slice %arg14[%dma_wait3A_519, %dma_wait3A_520] : memref<2x2x!tpu.dma_semaphore, #tpu.memory_space<semaphore_mem>> -> memref<1x1x!tpu.dma_semaphore, #tpu.memory_space<semaphore_mem>>
      %dma_wait3A_524 = tpu.memref_squeeze %dma_wait3A_523 : memref<1x1x!tpu.dma_semaphore, #tpu.memory_space<semaphore_mem>> -> memref<!tpu.dma_semaphore, #tpu.memory_space<semaphore_mem>>
      %dma_wait3A_525 = arith.constant 0 : i32
      %dma_wait3A_526 = tpu.memref_slice %arg3[%multiple_of3A_518, %dma_wait3A_525] : memref<100000x128xf32, #tpu.memory_space<hbm>> -> memref<48x128xf32, #tpu.memory_space<hbm>>
      tpu.wait_dma2 semaphore(%dma_wait3A_524 : memref<!tpu.dma_semaphore, #tpu.memory_space<semaphore_mem>>) src(%dma_wait3A_526 : memref<48x128xf32, #tpu.memory_space<hbm>>) dst(%arg8 : memref<48x128xf32, #tpu.memory_space<vmem>>)
      %mul3A_527 = arith.constant 48 : i32
      %mul3A_528 = arith.muli %add3A_514, %mul3A_527 : i32
      %add3A_529 = arith.addi %add3A_4, %mul3A_528 : i32
      %multiple_of3A_530 = tpu.assume_multiple %add3A_529, 8 : i32
      %dma_wait3A_531 = arith.constant 1 : i32
      %dma_wait3A_532 = arith.constant 1 : i32
      %dma_wait3A_533 = arith.constant 0 : i32
      %dma_wait3A_534 = tpu.memref_slice %arg4[%multiple_of3A_530, %dma_wait3A_533] : memref<100000x512xf32, #tpu.memory_space<hbm>> -> memref<48x512xf32, #tpu.memory_space<hbm>>
      %dma_wait3A_535 = tpu.memref_slice %arg14[%dma_wait3A_531, %dma_wait3A_532] : memref<2x2x!tpu.dma_semaphore, #tpu.memory_space<semaphore_mem>> -> memref<1x1x!tpu.dma_semaphore, #tpu.memory_space<semaphore_mem>>
      %dma_wait3A_536 = tpu.memref_squeeze %dma_wait3A_535 : memref<1x1x!tpu.dma_semaphore, #tpu.memory_space<semaphore_mem>> -> memref<!tpu.dma_semaphore, #tpu.memory_space<semaphore_mem>>
      %dma_wait3A_537 = arith.constant 0 : i32
      %dma_wait3A_538 = tpu.memref_slice %arg4[%multiple_of3A_530, %dma_wait3A_537] : memref<100000x512xf32, #tpu.memory_space<hbm>> -> memref<48x512xf32, #tpu.memory_space<hbm>>
      tpu.wait_dma2 semaphore(%dma_wait3A_536 : memref<!tpu.dma_semaphore, #tpu.memory_space<semaphore_mem>>) src(%dma_wait3A_538 : memref<48x512xf32, #tpu.memory_space<hbm>>) dst(%arg10 : memref<48x512xf32, #tpu.memory_space<vmem>>)
      %scan3A_539 = arith.constant 0 : i32
      %scan3A_540 = arith.constant 48 : i32
      %scan3A_541 = arith.addi %scan3A_539, %scan3A_540 : i32
      %scan3A_542 = arith.constant 1 : i32
      %scan3A_543:33 = scf.for %scan3A_552 = %scan3A_539 to %scan3A_541 step %scan3A_542 iter_args(%scan3A_553 = %scan3A_507#0, %scan3A_554 = %scan3A_507#1, %scan3A_555 = %scan3A_507#2, %scan3A_556 = %scan3A_507#3, %scan3A_557 = %scan3A_507#4, %scan3A_558 = %scan3A_507#5, %scan3A_559 = %scan3A_507#6, %scan3A_560 = %scan3A_507#7, %scan3A_561 = %scan3A_507#8, %scan3A_562 = %scan3A_507#9, %scan3A_563 = %scan3A_507#10, %scan3A_564 = %scan3A_507#11, %scan3A_565 = %scan3A_507#12, %scan3A_566 = %scan3A_507#13, %scan3A_567 = %scan3A_507#14, %scan3A_568 = %scan3A_507#15, %scan3A_569 = %scan3A_507#16, %scan3A_570 = %scan3A_507#17, %scan3A_571 = %scan3A_507#18, %scan3A_572 = %scan3A_507#19, %scan3A_573 = %scan3A_507#20, %scan3A_574 = %scan3A_507#21, %scan3A_575 = %scan3A_507#22, %scan3A_576 = %scan3A_507#23, %scan3A_577 = %scan3A_507#24, %scan3A_578 = %scan3A_507#25, %scan3A_579 = %scan3A_507#26, %scan3A_580 = %scan3A_507#27, %scan3A_581 = %scan3A_507#28, %scan3A_582 = %scan3A_507#29, %scan3A_583 = %scan3A_507#30, %scan3A_584 = %scan3A_507#31, %scan3A_585 = %scan3A_507#32) -> (vector<16xf32>, vector<16xf32>, vector<16xf32>, vector<16xf32>, vector<16xf32>, vector<16xf32>, vector<16xf32>, vector<16xf32>, vector<16xf32>, vector<16xf32>, vector<16xf32>, vector<16xf32>, vector<16xf32>, vector<16xf32>, vector<16xf32>, vector<16xf32>, vector<16xf32>, vector<16xf32>, vector<16xf32>, vector<16xf32>, vector<16xf32>, vector<16xf32>, vector<16xf32>, vector<16xf32>, vector<16xf32>, vector<16xf32>, vector<16xf32>, vector<16xf32>, vector<16xf32>, vector<16xf32>, vector<16xf32>, vector<16xf32>, vector<16xf32>)  : i32 {
        %get3A_586 = arith.index_cast %scan3A_552 : i32 to index
        %get3A_587 = arith.constant 0 : index
        %get3A_588 = tpu.vector_load %arg8[%get3A_586, %get3A_587] {strides = array<i32>} : memref<48x128xf32, #tpu.memory_space<vmem>>, vector<1x16xf32>,
        %get3A_589 = vector.shape_cast %get3A_588 : vector<1x16xf32> to vector<16xf32>
        %get3A_590 = arith.index_cast %scan3A_552 : i32 to index
        %get3A_591 = arith.constant 16 : index
        %get3A_592 = tpu.vector_load %arg8[%get3A_590, %get3A_591] {strides = array<i32>} : memref<48x128xf32, #tpu.memory_space<vmem>>, vector<1x16xf32>,
        %get3A_593 = vector.shape_cast %get3A_592 : vector<1x16xf32> to vector<16xf32>
        %get3A_594 = arith.index_cast %scan3A_552 : i32 to index
        %get3A_595 = arith.constant 32 : index
        %get3A_596 = tpu.vector_load %arg8[%get3A_594, %get3A_595] {strides = array<i32>} : memref<48x128xf32, #tpu.memory_space<vmem>>, vector<1x16xf32>,
        %get3A_597 = vector.shape_cast %get3A_596 : vector<1x16xf32> to vector<16xf32>
        %get3A_598 = arith.index_cast %scan3A_552 : i32 to index
        %get3A_599 = arith.constant 48 : index
        %get3A_600 = tpu.vector_load %arg8[%get3A_598, %get3A_599] {strides = array<i32>} : memref<48x128xf32, #tpu.memory_space<vmem>>, vector<1x16xf32>,
        %get3A_601 = vector.shape_cast %get3A_600 : vector<1x16xf32> to vector<16xf32>
        %get3A_602 = arith.index_cast %scan3A_552 : i32 to index
        %get3A_603 = arith.constant 64 : index
        %get3A_604 = tpu.vector_load %arg8[%get3A_602, %get3A_603] {strides = array<i32>} : memref<48x128xf32, #tpu.memory_space<vmem>>, vector<1x16xf32>,
        %get3A_605 = vector.shape_cast %get3A_604 : vector<1x16xf32> to vector<16xf32>
        %get3A_606 = arith.index_cast %scan3A_552 : i32 to index
        %get3A_607 = arith.constant 80 : index
        %get3A_608 = tpu.vector_load %arg8[%get3A_606, %get3A_607] {strides = array<i32>} : memref<48x128xf32, #tpu.memory_space<vmem>>, vector<1x16xf32>,
        %get3A_609 = vector.shape_cast %get3A_608 : vector<1x16xf32> to vector<16xf32>
        %get3A_610 = arith.index_cast %scan3A_552 : i32 to index
        %get3A_611 = arith.constant 96 : index
        %get3A_612 = tpu.vector_load %arg8[%get3A_610, %get3A_611] {strides = array<i32>} : memref<48x128xf32, #tpu.memory_space<vmem>>, vector<1x16xf32>,
        %get3A_613 = vector.shape_cast %get3A_612 : vector<1x16xf32> to vector<16xf32>
        %get3A_614 = arith.index_cast %scan3A_552 : i32 to index
        %get3A_615 = arith.constant 112 : index
        %get3A_616 = tpu.vector_load %arg8[%get3A_614, %get3A_615] {strides = array<i32>} : memref<48x128xf32, #tpu.memory_space<vmem>>, vector<1x16xf32>,
        %get3A_617 = vector.shape_cast %get3A_616 : vector<1x16xf32> to vector<16xf32>
        %mul3A_618 = arith.mulf %get3A_589, %get3A_50 : vector<16xf32>
        %mul3A_619 = arith.mulf %get3A_589, %get3A_589 : vector<16xf32>
        %mul3A_620 = arith.mulf %get3A_593, %get3A_55 : vector<16xf32>
        %add3A_621 = arith.addf %mul3A_618, %mul3A_620 : vector<16xf32>
        %mul3A_622 = arith.mulf %get3A_593, %get3A_593 : vector<16xf32>
        %add3A_623 = arith.addf %mul3A_619, %mul3A_622 : vector<16xf32>
        %mul3A_624 = arith.mulf %get3A_597, %get3A_60 : vector<16xf32>
        %add3A_625 = arith.addf %add3A_621, %mul3A_624 : vector<16xf32>
        %mul3A_626 = arith.mulf %get3A_597, %get3A_597 : vector<16xf32>
        %add3A_627 = arith.addf %add3A_623, %mul3A_626 : vector<16xf32>
        %mul3A_628 = arith.mulf %get3A_601, %get3A_65 : vector<16xf32>
        %add3A_629 = arith.addf %add3A_625, %mul3A_628 : vector<16xf32>
        %mul3A_630 = arith.mulf %get3A_601, %get3A_601 : vector<16xf32>
        %add3A_631 = arith.addf %add3A_627, %mul3A_630 : vector<16xf32>
        %mul3A_632 = arith.mulf %get3A_605, %get3A_70 : vector<16xf32>
        %add3A_633 = arith.addf %add3A_629, %mul3A_632 : vector<16xf32>
        %mul3A_634 = arith.mulf %get3A_605, %get3A_605 : vector<16xf32>
        %add3A_635 = arith.addf %add3A_631, %mul3A_634 : vector<16xf32>
        %mul3A_636 = arith.mulf %get3A_609, %get3A_75 : vector<16xf32>
        %add3A_637 = arith.addf %add3A_633, %mul3A_636 : vector<16xf32>
        %mul3A_638 = arith.mulf %get3A_609, %get3A_609 : vector<16xf32>
        %add3A_639 = arith.addf %add3A_635, %mul3A_638 : vector<16xf32>
        %mul3A_640 = arith.mulf %get3A_613, %get3A_80 : vector<16xf32>
        %add3A_641 = arith.addf %add3A_637, %mul3A_640 : vector<16xf32>
        %mul3A_642 = arith.mulf %get3A_613, %get3A_613 : vector<16xf32>
        %add3A_643 = arith.addf %add3A_639, %mul3A_642 : vector<16xf32>
        %mul3A_644 = arith.mulf %get3A_617, %get3A_85 : vector<16xf32>
        %add3A_645 = arith.addf %add3A_641, %mul3A_644 : vector<16xf32>
        %mul3A_646 = arith.mulf %get3A_617, %get3A_617 : vector<16xf32>
        %add3A_647 = arith.addf %add3A_643, %mul3A_646 : vector<16xf32>
        %iota3A_648 = tpu.iota {dimensions = array<i32: 0>} : vector<16xi32>
        %xor3A_649 = arith.constant 1 : i32
        %xor3A_650 = vector.broadcast %xor3A_649 : i32 to vector<16xi32>
        %xor3A_651 = arith.xori %iota3A_648, %xor3A_650 : vector<16xi32>
        %broadcast_in_dim3A_652 = vector.shape_cast %xor3A_651 : vector<16xi32> to vector<16x1xi32>
        %gather3A_653 = vector.shape_cast %broadcast_in_dim3A_652 : vector<16x1xi32> to vector<16xi32>
        %gather3A_654 = tpu.dynamic_gather %add3A_645[%gather3A_653] in [0] : vector<16xf32>, vector<16xi32> -> vector<16xf32>
        %add3A_655 = arith.addf %add3A_645, %gather3A_654 : vector<16xf32>
        %xor3A_656 = arith.constant 2 : i32
        %xor3A_657 = vector.broadcast %xor3A_656 : i32 to vector<16xi32>
        %xor3A_658 = arith.xori %iota3A_648, %xor3A_657 : vector<16xi32>
        %broadcast_in_dim3A_659 = vector.shape_cast %xor3A_658 : vector<16xi32> to vector<16x1xi32>
        %gather3A_660 = vector.shape_cast %broadcast_in_dim3A_659 : vector<16x1xi32> to vector<16xi32>
        %gather3A_661 = tpu.dynamic_gather %add3A_655[%gather3A_660] in [0] : vector<16xf32>, vector<16xi32> -> vector<16xf32>
        %add3A_662 = arith.addf %add3A_655, %gather3A_661 : vector<16xf32>
        %xor3A_663 = arith.constant 4 : i32
        %xor3A_664 = vector.broadcast %xor3A_663 : i32 to vector<16xi32>
        %xor3A_665 = arith.xori %iota3A_648, %xor3A_664 : vector<16xi32>
        %broadcast_in_dim3A_666 = vector.shape_cast %xor3A_665 : vector<16xi32> to vector<16x1xi32>
        %gather3A_667 = vector.shape_cast %broadcast_in_dim3A_666 : vector<16x1xi32> to vector<16xi32>
        %gather3A_668 = tpu.dynamic_gather %add3A_662[%gather3A_667] in [0] : vector<16xf32>, vector<16xi32> -> vector<16xf32>
        %add3A_669 = arith.addf %add3A_662, %gather3A_668 : vector<16xf32>
        %xor3A_670 = arith.constant 8 : i32
        %xor3A_671 = vector.broadcast %xor3A_670 : i32 to vector<16xi32>
        %xor3A_672 = arith.xori %iota3A_648, %xor3A_671 : vector<16xi32>
        %broadcast_in_dim3A_673 = vector.shape_cast %xor3A_672 : vector<16xi32> to vector<16x1xi32>
        %gather3A_674 = vector.shape_cast %broadcast_in_dim3A_673 : vector<16x1xi32> to vector<16xi32>
        %gather3A_675 = tpu.dynamic_gather %add3A_669[%gather3A_674] in [0] : vector<16xf32>, vector<16xi32> -> vector<16xf32>
        %add3A_676 = arith.addf %add3A_669, %gather3A_675 : vector<16xf32>
        %iota3A_677 = tpu.iota {dimensions = array<i32: 0>} : vector<16xi32>
        %xor3A_678 = arith.constant 1 : i32
        %xor3A_679 = vector.broadcast %xor3A_678 : i32 to vector<16xi32>
        %xor3A_680 = arith.xori %iota3A_677, %xor3A_679 : vector<16xi32>
        %broadcast_in_dim3A_681 = vector.shape_cast %xor3A_680 : vector<16xi32> to vector<16x1xi32>
        %gather3A_682 = vector.shape_cast %broadcast_in_dim3A_681 : vector<16x1xi32> to vector<16xi32>
        %gather3A_683 = tpu.dynamic_gather %add3A_647[%gather3A_682] in [0] : vector<16xf32>, vector<16xi32> -> vector<16xf32>
        %add3A_684 = arith.addf %add3A_647, %gather3A_683 : vector<16xf32>
        %xor3A_685 = arith.constant 2 : i32
        %xor3A_686 = vector.broadcast %xor3A_685 : i32 to vector<16xi32>
        %xor3A_687 = arith.xori %iota3A_677, %xor3A_686 : vector<16xi32>
        %broadcast_in_dim3A_688 = vector.shape_cast %xor3A_687 : vector<16xi32> to vector<16x1xi32>
        %gather3A_689 = vector.shape_cast %broadcast_in_dim3A_688 : vector<16x1xi32> to vector<16xi32>
        %gather3A_690 = tpu.dynamic_gather %add3A_684[%gather3A_689] in [0] : vector<16xf32>, vector<16xi32> -> vector<16xf32>
        %add3A_691 = arith.addf %add3A_684, %gather3A_690 : vector<16xf32>
        %xor3A_692 = arith.constant 4 : i32
        %xor3A_693 = vector.broadcast %xor3A_692 : i32 to vector<16xi32>
        %xor3A_694 = arith.xori %iota3A_677, %xor3A_693 : vector<16xi32>
        %broadcast_in_dim3A_695 = vector.shape_cast %xor3A_694 : vector<16xi32> to vector<16x1xi32>
        %gather3A_696 = vector.shape_cast %broadcast_in_dim3A_695 : vector<16x1xi32> to vector<16xi32>
        %gather3A_697 = tpu.dynamic_gather %add3A_691[%gather3A_696] in [0] : vector<16xf32>, vector<16xi32> -> vector<16xf32>
        %add3A_698 = arith.addf %add3A_691, %gather3A_697 : vector<16xf32>
        %xor3A_699 = arith.constant 8 : i32
        %xor3A_700 = vector.broadcast %xor3A_699 : i32 to vector<16xi32>
        %xor3A_701 = arith.xori %iota3A_677, %xor3A_700 : vector<16xi32>
        %broadcast_in_dim3A_702 = vector.shape_cast %xor3A_701 : vector<16xi32> to vector<16x1xi32>
        %gather3A_703 = vector.shape_cast %broadcast_in_dim3A_702 : vector<16x1xi32> to vector<16xi32>
        %gather3A_704 = tpu.dynamic_gather %add3A_698[%gather3A_703] in [0] : vector<16xf32>, vector<16xi32> -> vector<16xf32>
        %add3A_705 = arith.addf %add3A_698, %gather3A_704 : vector<16xf32>
        %bitcast_convert_type3A_706 = tpu.bitcast %add3A_705 : vector<16xf32> -> vector<16xi32>
        %shift_right_arithmetic3A_707 = arith.constant 1 : i32
        %shift_right_arithmetic3A_708 = vector.broadcast %shift_right_arithmetic3A_707 : i32 to vector<16xi32>
        %shift_right_arithmetic3A_709 = arith.shrsi %bitcast_convert_type3A_706, %shift_right_arithmetic3A_708 : vector<16xi32>
        %sub3A_710 = arith.constant 1597463007 : i32
        %sub3A_711 = vector.broadcast %sub3A_710 : i32 to vector<16xi32>
        %sub3A_712 = arith.subi %sub3A_711, %shift_right_arithmetic3A_709 : vector<16xi32>
        %bitcast_convert_type3A_713 = tpu.bitcast %sub3A_712 : vector<16xi32> -> vector<16xf32>
        %mul3A_714 = arith.constant 5.000000e-01 : f32
        %mul3A_715 = vector.broadcast %mul3A_714 : f32 to vector<16xf32>
        %mul3A_716 = arith.mulf %mul3A_715, %add3A_705 : vector<16xf32>
        %mul3A_717 = arith.mulf %mul3A_716, %bitcast_convert_type3A_713 : vector<16xf32>
        %mul3A_718 = arith.mulf %mul3A_717, %bitcast_convert_type3A_713 : vector<16xf32>
        %sub3A_719 = arith.constant 1.500000e+00 : f32
        %sub3A_720 = vector.broadcast %sub3A_719 : f32 to vector<16xf32>
        %sub3A_721 = arith.subf %sub3A_720, %mul3A_718 : vector<16xf32>
        %mul3A_722 = arith.mulf %bitcast_convert_type3A_713, %sub3A_721 : vector<16xf32>
        %mul3A_723 = arith.constant 5.000000e-01 : f32
        %mul3A_724 = vector.broadcast %mul3A_723 : f32 to vector<16xf32>
        %mul3A_725 = arith.mulf %mul3A_724, %add3A_705 : vector<16xf32>
        %mul3A_726 = arith.mulf %mul3A_725, %mul3A_722 : vector<16xf32>
        %mul3A_727 = arith.mulf %mul3A_726, %mul3A_722 : vector<16xf32>
        %sub3A_728 = arith.constant 1.500000e+00 : f32
        %sub3A_729 = vector.broadcast %sub3A_728 : f32 to vector<16xf32>
        %sub3A_730 = arith.subf %sub3A_729, %mul3A_727 : vector<16xf32>
        %mul3A_731 = arith.mulf %mul3A_722, %sub3A_730 : vector<16xf32>
        %mul3A_732 = arith.constant 5.000000e-01 : f32
        %mul3A_733 = vector.broadcast %mul3A_732 : f32 to vector<16xf32>
        %mul3A_734 = arith.mulf %mul3A_733, %add3A_705 : vector<16xf32>
        %mul3A_735 = arith.mulf %mul3A_734, %mul3A_731 : vector<16xf32>
        %mul3A_736 = arith.mulf %mul3A_735, %mul3A_731 : vector<16xf32>
        %sub3A_737 = arith.constant 1.500000e+00 : f32
        %sub3A_738 = vector.broadcast %sub3A_737 : f32 to vector<16xf32>
        %sub3A_739 = arith.subf %sub3A_738, %mul3A_736 : vector<16xf32>
        %mul3A_740 = arith.mulf %mul3A_731, %sub3A_739 : vector<16xf32>
        %mul3A_741 = arith.mulf %add3A_676, %mul3A_740 : vector<16xf32>
        %mul3A_742 = arith.mulf %mul3A_741, %mul3A_157 : vector<16xf32>
        %exp3A = math.exp %mul3A_742 : vector<16xf32>
        %add3A_743 = arith.addf %scan3A_585, %exp3A : vector<16xf32>
        %get3A_744 = arith.index_cast %scan3A_552 : i32 to index
        %get3A_745 = arith.constant 0 : index
        %get3A_746 = tpu.vector_load %arg10[%get3A_744, %get3A_745] {strides = array<i32>} : memref<48x512xf32, #tpu.memory_space<vmem>>, vector<1x16xf32>,
        %get3A_747 = vector.shape_cast %get3A_746 : vector<1x16xf32> to vector<16xf32>
        %mul3A_748 = arith.mulf %exp3A, %get3A_747 : vector<16xf32>
        %add3A_749 = arith.addf %scan3A_553, %mul3A_748 : vector<16xf32>
        %get3A_750 = arith.index_cast %scan3A_552 : i32 to index
        %get3A_751 = arith.constant 16 : index
        %get3A_752 = tpu.vector_load %arg10[%get3A_750, %get3A_751] {strides = array<i32>} : memref<48x512xf32, #tpu.memory_space<vmem>>, vector<1x16xf32>,
        %get3A_753 = vector.shape_cast %get3A_752 : vector<1x16xf32> to vector<16xf32>
        %mul3A_754 = arith.mulf %exp3A, %get3A_753 : vector<16xf32>
        %add3A_755 = arith.addf %scan3A_554, %mul3A_754 : vector<16xf32>
        %get3A_756 = arith.index_cast %scan3A_552 : i32 to index
        %get3A_757 = arith.constant 32 : index
        %get3A_758 = tpu.vector_load %arg10[%get3A_756, %get3A_757] {strides = array<i32>} : memref<48x512xf32, #tpu.memory_space<vmem>>, vector<1x16xf32>,
        %get3A_759 = vector.shape_cast %get3A_758 : vector<1x16xf32> to vector<16xf32>
        %mul3A_760 = arith.mulf %exp3A, %get3A_759 : vector<16xf32>
        %add3A_761 = arith.addf %scan3A_555, %mul3A_760 : vector<16xf32>
        %get3A_762 = arith.index_cast %scan3A_552 : i32 to index
        %get3A_763 = arith.constant 48 : index
        %get3A_764 = tpu.vector_load %arg10[%get3A_762, %get3A_763] {strides = array<i32>} : memref<48x512xf32, #tpu.memory_space<vmem>>, vector<1x16xf32>,
        %get3A_765 = vector.shape_cast %get3A_764 : vector<1x16xf32> to vector<16xf32>
        %mul3A_766 = arith.mulf %exp3A, %get3A_765 : vector<16xf32>
        %add3A_767 = arith.addf %scan3A_556, %mul3A_766 : vector<16xf32>
        %get3A_768 = arith.index_cast %scan3A_552 : i32 to index
        %get3A_769 = arith.constant 64 : index
        %get3A_770 = tpu.vector_load %arg10[%get3A_768, %get3A_769] {strides = array<i32>} : memref<48x512xf32, #tpu.memory_space<vmem>>, vector<1x16xf32>,
        %get3A_771 = vector.shape_cast %get3A_770 : vector<1x16xf32> to vector<16xf32>
        %mul3A_772 = arith.mulf %exp3A, %get3A_771 : vector<16xf32>
        %add3A_773 = arith.addf %scan3A_557, %mul3A_772 : vector<16xf32>
        %get3A_774 = arith.index_cast %scan3A_552 : i32 to index
        %get3A_775 = arith.constant 80 : index
        %get3A_776 = tpu.vector_load %arg10[%get3A_774, %get3A_775] {strides = array<i32>} : memref<48x512xf32, #tpu.memory_space<vmem>>, vector<1x16xf32>,
        %get3A_777 = vector.shape_cast %get3A_776 : vector<1x16xf32> to vector<16xf32>
        %mul3A_778 = arith.mulf %exp3A, %get3A_777 : vector<16xf32>
        %add3A_779 = arith.addf %scan3A_558, %mul3A_778 : vector<16xf32>
        %get3A_780 = arith.index_cast %scan3A_552 : i32 to index
        %get3A_781 = arith.constant 96 : index
        %get3A_782 = tpu.vector_load %arg10[%get3A_780, %get3A_781] {strides = array<i32>} : memref<48x512xf32, #tpu.memory_space<vmem>>, vector<1x16xf32>,
        %get3A_783 = vector.shape_cast %get3A_782 : vector<1x16xf32> to vector<16xf32>
        %mul3A_784 = arith.mulf %exp3A, %get3A_783 : vector<16xf32>
        %add3A_785 = arith.addf %scan3A_559, %mul3A_784 : vector<16xf32>
        %get3A_786 = arith.index_cast %scan3A_552 : i32 to index
        %get3A_787 = arith.constant 112 : index
        %get3A_788 = tpu.vector_load %arg10[%get3A_786, %get3A_787] {strides = array<i32>} : memref<48x512xf32, #tpu.memory_space<vmem>>, vector<1x16xf32>,
        %get3A_789 = vector.shape_cast %get3A_788 : vector<1x16xf32> to vector<16xf32>
        %mul3A_790 = arith.mulf %exp3A, %get3A_789 : vector<16xf32>
        %add3A_791 = arith.addf %scan3A_560, %mul3A_790 : vector<16xf32>
        %get3A_792 = arith.index_cast %scan3A_552 : i32 to index
        %get3A_793 = arith.constant 128 : index
        %get3A_794 = tpu.vector_load %arg10[%get3A_792, %get3A_793] {strides = array<i32>} : memref<48x512xf32, #tpu.memory_space<vmem>>, vector<1x16xf32>,
        %get3A_795 = vector.shape_cast %get3A_794 : vector<1x16xf32> to vector<16xf32>
        %mul3A_796 = arith.mulf %exp3A, %get3A_795 : vector<16xf32>
        %add3A_797 = arith.addf %scan3A_561, %mul3A_796 : vector<16xf32>
        %get3A_798 = arith.index_cast %scan3A_552 : i32 to index
        %get3A_799 = arith.constant 144 : index
        %get3A_800 = tpu.vector_load %arg10[%get3A_798, %get3A_799] {strides = array<i32>} : memref<48x512xf32, #tpu.memory_space<vmem>>, vector<1x16xf32>,
        %get3A_801 = vector.shape_cast %get3A_800 : vector<1x16xf32> to vector<16xf32>
        %mul3A_802 = arith.mulf %exp3A, %get3A_801 : vector<16xf32>
        %add3A_803 = arith.addf %scan3A_562, %mul3A_802 : vector<16xf32>
        %get3A_804 = arith.index_cast %scan3A_552 : i32 to index
        %get3A_805 = arith.constant 160 : index
        %get3A_806 = tpu.vector_load %arg10[%get3A_804, %get3A_805] {strides = array<i32>} : memref<48x512xf32, #tpu.memory_space<vmem>>, vector<1x16xf32>,
        %get3A_807 = vector.shape_cast %get3A_806 : vector<1x16xf32> to vector<16xf32>
        %mul3A_808 = arith.mulf %exp3A, %get3A_807 : vector<16xf32>
        %add3A_809 = arith.addf %scan3A_563, %mul3A_808 : vector<16xf32>
        %get3A_810 = arith.index_cast %scan3A_552 : i32 to index
        %get3A_811 = arith.constant 176 : index
        %get3A_812 = tpu.vector_load %arg10[%get3A_810, %get3A_811] {strides = array<i32>} : memref<48x512xf32, #tpu.memory_space<vmem>>, vector<1x16xf32>,
        %get3A_813 = vector.shape_cast %get3A_812 : vector<1x16xf32> to vector<16xf32>
        %mul3A_814 = arith.mulf %exp3A, %get3A_813 : vector<16xf32>
        %add3A_815 = arith.addf %scan3A_564, %mul3A_814 : vector<16xf32>
        %get3A_816 = arith.index_cast %scan3A_552 : i32 to index
        %get3A_817 = arith.constant 192 : index
        %get3A_818 = tpu.vector_load %arg10[%get3A_816, %get3A_817] {strides = array<i32>} : memref<48x512xf32, #tpu.memory_space<vmem>>, vector<1x16xf32>,
        %get3A_819 = vector.shape_cast %get3A_818 : vector<1x16xf32> to vector<16xf32>
        %mul3A_820 = arith.mulf %exp3A, %get3A_819 : vector<16xf32>
        %add3A_821 = arith.addf %scan3A_565, %mul3A_820 : vector<16xf32>
        %get3A_822 = arith.index_cast %scan3A_552 : i32 to index
        %get3A_823 = arith.constant 208 : index
        %get3A_824 = tpu.vector_load %arg10[%get3A_822, %get3A_823] {strides = array<i32>} : memref<48x512xf32, #tpu.memory_space<vmem>>, vector<1x16xf32>,
        %get3A_825 = vector.shape_cast %get3A_824 : vector<1x16xf32> to vector<16xf32>
        %mul3A_826 = arith.mulf %exp3A, %get3A_825 : vector<16xf32>
        %add3A_827 = arith.addf %scan3A_566, %mul3A_826 : vector<16xf32>
        %get3A_828 = arith.index_cast %scan3A_552 : i32 to index
        %get3A_829 = arith.constant 224 : index
        %get3A_830 = tpu.vector_load %arg10[%get3A_828, %get3A_829] {strides = array<i32>} : memref<48x512xf32, #tpu.memory_space<vmem>>, vector<1x16xf32>,
        %get3A_831 = vector.shape_cast %get3A_830 : vector<1x16xf32> to vector<16xf32>
        %mul3A_832 = arith.mulf %exp3A, %get3A_831 : vector<16xf32>
        %add3A_833 = arith.addf %scan3A_567, %mul3A_832 : vector<16xf32>
        %get3A_834 = arith.index_cast %scan3A_552 : i32 to index
        %get3A_835 = arith.constant 240 : index
        %get3A_836 = tpu.vector_load %arg10[%get3A_834, %get3A_835] {strides = array<i32>} : memref<48x512xf32, #tpu.memory_space<vmem>>, vector<1x16xf32>,
        %get3A_837 = vector.shape_cast %get3A_836 : vector<1x16xf32> to vector<16xf32>
        %mul3A_838 = arith.mulf %exp3A, %get3A_837 : vector<16xf32>
        %add3A_839 = arith.addf %scan3A_568, %mul3A_838 : vector<16xf32>
        %get3A_840 = arith.index_cast %scan3A_552 : i32 to index
        %get3A_841 = arith.constant 256 : index
        %get3A_842 = tpu.vector_load %arg10[%get3A_840, %get3A_841] {strides = array<i32>} : memref<48x512xf32, #tpu.memory_space<vmem>>, vector<1x16xf32>,
        %get3A_843 = vector.shape_cast %get3A_842 : vector<1x16xf32> to vector<16xf32>
        %mul3A_844 = arith.mulf %exp3A, %get3A_843 : vector<16xf32>
        %add3A_845 = arith.addf %scan3A_569, %mul3A_844 : vector<16xf32>
        %get3A_846 = arith.index_cast %scan3A_552 : i32 to index
        %get3A_847 = arith.constant 272 : index
        %get3A_848 = tpu.vector_load %arg10[%get3A_846, %get3A_847] {strides = array<i32>} : memref<48x512xf32, #tpu.memory_space<vmem>>, vector<1x16xf32>,
        %get3A_849 = vector.shape_cast %get3A_848 : vector<1x16xf32> to vector<16xf32>
        %mul3A_850 = arith.mulf %exp3A, %get3A_849 : vector<16xf32>
        %add3A_851 = arith.addf %scan3A_570, %mul3A_850 : vector<16xf32>
        %get3A_852 = arith.index_cast %scan3A_552 : i32 to index
        %get3A_853 = arith.constant 288 : index
        %get3A_854 = tpu.vector_load %arg10[%get3A_852, %get3A_853] {strides = array<i32>} : memref<48x512xf32, #tpu.memory_space<vmem>>, vector<1x16xf32>,
        %get3A_855 = vector.shape_cast %get3A_854 : vector<1x16xf32> to vector<16xf32>
        %mul3A_856 = arith.mulf %exp3A, %get3A_855 : vector<16xf32>
        %add3A_857 = arith.addf %scan3A_571, %mul3A_856 : vector<16xf32>
        %get3A_858 = arith.index_cast %scan3A_552 : i32 to index
        %get3A_859 = arith.constant 304 : index
        %get3A_860 = tpu.vector_load %arg10[%get3A_858, %get3A_859] {strides = array<i32>} : memref<48x512xf32, #tpu.memory_space<vmem>>, vector<1x16xf32>,
        %get3A_861 = vector.shape_cast %get3A_860 : vector<1x16xf32> to vector<16xf32>
        %mul3A_862 = arith.mulf %exp3A, %get3A_861 : vector<16xf32>
        %add3A_863 = arith.addf %scan3A_572, %mul3A_862 : vector<16xf32>
        %get3A_864 = arith.index_cast %scan3A_552 : i32 to index
        %get3A_865 = arith.constant 320 : index
        %get3A_866 = tpu.vector_load %arg10[%get3A_864, %get3A_865] {strides = array<i32>} : memref<48x512xf32, #tpu.memory_space<vmem>>, vector<1x16xf32>,
        %get3A_867 = vector.shape_cast %get3A_866 : vector<1x16xf32> to vector<16xf32>
        %mul3A_868 = arith.mulf %exp3A, %get3A_867 : vector<16xf32>
        %add3A_869 = arith.addf %scan3A_573, %mul3A_868 : vector<16xf32>
        %get3A_870 = arith.index_cast %scan3A_552 : i32 to index
        %get3A_871 = arith.constant 336 : index
        %get3A_872 = tpu.vector_load %arg10[%get3A_870, %get3A_871] {strides = array<i32>} : memref<48x512xf32, #tpu.memory_space<vmem>>, vector<1x16xf32>,
        %get3A_873 = vector.shape_cast %get3A_872 : vector<1x16xf32> to vector<16xf32>
        %mul3A_874 = arith.mulf %exp3A, %get3A_873 : vector<16xf32>
        %add3A_875 = arith.addf %scan3A_574, %mul3A_874 : vector<16xf32>
        %get3A_876 = arith.index_cast %scan3A_552 : i32 to index
        %get3A_877 = arith.constant 352 : index
        %get3A_878 = tpu.vector_load %arg10[%get3A_876, %get3A_877] {strides = array<i32>} : memref<48x512xf32, #tpu.memory_space<vmem>>, vector<1x16xf32>,
        %get3A_879 = vector.shape_cast %get3A_878 : vector<1x16xf32> to vector<16xf32>
        %mul3A_880 = arith.mulf %exp3A, %get3A_879 : vector<16xf32>
        %add3A_881 = arith.addf %scan3A_575, %mul3A_880 : vector<16xf32>
        %get3A_882 = arith.index_cast %scan3A_552 : i32 to index
        %get3A_883 = arith.constant 368 : index
        %get3A_884 = tpu.vector_load %arg10[%get3A_882, %get3A_883] {strides = array<i32>} : memref<48x512xf32, #tpu.memory_space<vmem>>, vector<1x16xf32>,
        %get3A_885 = vector.shape_cast %get3A_884 : vector<1x16xf32> to vector<16xf32>
        %mul3A_886 = arith.mulf %exp3A, %get3A_885 : vector<16xf32>
        %add3A_887 = arith.addf %scan3A_576, %mul3A_886 : vector<16xf32>
        %get3A_888 = arith.index_cast %scan3A_552 : i32 to index
        %get3A_889 = arith.constant 384 : index
        %get3A_890 = tpu.vector_load %arg10[%get3A_888, %get3A_889] {strides = array<i32>} : memref<48x512xf32, #tpu.memory_space<vmem>>, vector<1x16xf32>,
        %get3A_891 = vector.shape_cast %get3A_890 : vector<1x16xf32> to vector<16xf32>
        %mul3A_892 = arith.mulf %exp3A, %get3A_891 : vector<16xf32>
        %add3A_893 = arith.addf %scan3A_577, %mul3A_892 : vector<16xf32>
        %get3A_894 = arith.index_cast %scan3A_552 : i32 to index
        %get3A_895 = arith.constant 400 : index
        %get3A_896 = tpu.vector_load %arg10[%get3A_894, %get3A_895] {strides = array<i32>} : memref<48x512xf32, #tpu.memory_space<vmem>>, vector<1x16xf32>,
        %get3A_897 = vector.shape_cast %get3A_896 : vector<1x16xf32> to vector<16xf32>
        %mul3A_898 = arith.mulf %exp3A, %get3A_897 : vector<16xf32>
        %add3A_899 = arith.addf %scan3A_578, %mul3A_898 : vector<16xf32>
        %get3A_900 = arith.index_cast %scan3A_552 : i32 to index
        %get3A_901 = arith.constant 416 : index
        %get3A_902 = tpu.vector_load %arg10[%get3A_900, %get3A_901] {strides = array<i32>} : memref<48x512xf32, #tpu.memory_space<vmem>>, vector<1x16xf32>,
        %get3A_903 = vector.shape_cast %get3A_902 : vector<1x16xf32> to vector<16xf32>
        %mul3A_904 = arith.mulf %exp3A, %get3A_903 : vector<16xf32>
        %add3A_905 = arith.addf %scan3A_579, %mul3A_904 : vector<16xf32>
        %get3A_906 = arith.index_cast %scan3A_552 : i32 to index
        %get3A_907 = arith.constant 432 : index
        %get3A_908 = tpu.vector_load %arg10[%get3A_906, %get3A_907] {strides = array<i32>} : memref<48x512xf32, #tpu.memory_space<vmem>>, vector<1x16xf32>,
        %get3A_909 = vector.shape_cast %get3A_908 : vector<1x16xf32> to vector<16xf32>
        %mul3A_910 = arith.mulf %exp3A, %get3A_909 : vector<16xf32>
        %add3A_911 = arith.addf %scan3A_580, %mul3A_910 : vector<16xf32>
        %get3A_912 = arith.index_cast %scan3A_552 : i32 to index
        %get3A_913 = arith.constant 448 : index
        %get3A_914 = tpu.vector_load %arg10[%get3A_912, %get3A_913] {strides = array<i32>} : memref<48x512xf32, #tpu.memory_space<vmem>>, vector<1x16xf32>,
        %get3A_915 = vector.shape_cast %get3A_914 : vector<1x16xf32> to vector<16xf32>
        %mul3A_916 = arith.mulf %exp3A, %get3A_915 : vector<16xf32>
        %add3A_917 = arith.addf %scan3A_581, %mul3A_916 : vector<16xf32>
        %get3A_918 = arith.index_cast %scan3A_552 : i32 to index
        %get3A_919 = arith.constant 464 : index
        %get3A_920 = tpu.vector_load %arg10[%get3A_918, %get3A_919] {strides = array<i32>} : memref<48x512xf32, #tpu.memory_space<vmem>>, vector<1x16xf32>,
        %get3A_921 = vector.shape_cast %get3A_920 : vector<1x16xf32> to vector<16xf32>
        %mul3A_922 = arith.mulf %exp3A, %get3A_921 : vector<16xf32>
        %add3A_923 = arith.addf %scan3A_582, %mul3A_922 : vector<16xf32>
        %get3A_924 = arith.index_cast %scan3A_552 : i32 to index
        %get3A_925 = arith.constant 480 : index
        %get3A_926 = tpu.vector_load %arg10[%get3A_924, %get3A_925] {strides = array<i32>} : memref<48x512xf32, #tpu.memory_space<vmem>>, vector<1x16xf32>,
        %get3A_927 = vector.shape_cast %get3A_926 : vector<1x16xf32> to vector<16xf32>
        %mul3A_928 = arith.mulf %exp3A, %get3A_927 : vector<16xf32>
        %add3A_929 = arith.addf %scan3A_583, %mul3A_928 : vector<16xf32>
        %get3A_930 = arith.index_cast %scan3A_552 : i32 to index
        %get3A_931 = arith.constant 496 : index
        %get3A_932 = tpu.vector_load %arg10[%get3A_930, %get3A_931] {strides = array<i32>} : memref<48x512xf32, #tpu.memory_space<vmem>>, vector<1x16xf32>,
        %get3A_933 = vector.shape_cast %get3A_932 : vector<1x16xf32> to vector<16xf32>
        %mul3A_934 = arith.mulf %exp3A, %get3A_933 : vector<16xf32>
        %add3A_935 = arith.addf %scan3A_584, %mul3A_934 : vector<16xf32>
        scf.yield %add3A_749, %add3A_755, %add3A_761, %add3A_767, %add3A_773, %add3A_779, %add3A_785, %add3A_791, %add3A_797, %add3A_803, %add3A_809, %add3A_815, %add3A_821, %add3A_827, %add3A_833, %add3A_839, %add3A_845, %add3A_851, %add3A_857, %add3A_863, %add3A_869, %add3A_875, %add3A_881, %add3A_887, %add3A_893, %add3A_899, %add3A_905, %add3A_911, %add3A_917, %add3A_923, %add3A_929, %add3A_935, %add3A_743 : vector<16xf32>, vector<16xf32>, vector<16xf32>, vector<16xf32>, vector<16xf32>, vector<16xf32>, vector<16xf32>, vector<16xf32>, vector<16xf32>, vector<16xf32>, vector<16xf32>, vector<16xf32>, vector<16xf32>, vector<16xf32>, vector<16xf32>, vector<16xf32>, vector<16xf32>, vector<16xf32>, vector<16xf32>, vector<16xf32>, vector<16xf32>, vector<16xf32>, vector<16xf32>, vector<16xf32>, vector<16xf32>, vector<16xf32>, vector<16xf32>, vector<16xf32>, vector<16xf32>, vector<16xf32>, vector<16xf32>, vector<16xf32>, vector<16xf32>
      }
      %scan3A_544 = arith.constant 48 : i32
      %add3A_545 = arith.constant 2 : i32
      %add3A_546 = arith.addi %add3A_514, %add3A_545 : i32
      %lt3A_547 = arith.constant 25 : i32
      %lt3A_548 = arith.cmpi slt, %add3A_546, %lt3A_547 : i32
      %convert_element_type3A_549 = arith.extui %lt3A_548 : i1 to i32
      %cond3A_550 = arith.constant 0 : i32
      %cond3A_551 = arith.cmpi ne, %convert_element_type3A_549, %cond3A_550 : i32
      scf.if %cond3A_551 {
        %add3A_552 = arith.constant 2 : i32
        %add3A_553 = arith.addi %add3A_514, %add3A_552 : i32
        %mul3A_554 = arith.constant 48 : i32
        %mul3A_555 = arith.muli %add3A_553, %mul3A_554 : i32
        %add3A_556 = arith.addi %add3A_4, %mul3A_555 : i32
        %multiple_of3A_557 = tpu.assume_multiple %add3A_556, 8 : i32
        %dma_start3A_558 = arith.constant 1 : i32
        %dma_start3A_559 = arith.constant 0 : i32
        %dma_start3A_560 = arith.constant 0 : i32
        %dma_start3A_561 = tpu.memref_slice %arg3[%multiple_of3A_557, %dma_start3A_560] : memref<100000x128xf32, #tpu.memory_space<hbm>> -> memref<48x128xf32, #tpu.memory_space<hbm>>
        %dma_start3A_562 = tpu.memref_slice %arg14[%dma_start3A_558, %dma_start3A_559] : memref<2x2x!tpu.dma_semaphore, #tpu.memory_space<semaphore_mem>> -> memref<1x1x!tpu.dma_semaphore, #tpu.memory_space<semaphore_mem>>
        %dma_start3A_563 = tpu.memref_squeeze %dma_start3A_562 : memref<1x1x!tpu.dma_semaphore, #tpu.memory_space<semaphore_mem>> -> memref<!tpu.dma_semaphore, #tpu.memory_space<semaphore_mem>>
        %dma_start3A_564 = arith.constant 0 : i32
        %dma_start3A_565 = tpu.memref_slice %arg3[%multiple_of3A_557, %dma_start3A_564] : memref<100000x128xf32, #tpu.memory_space<hbm>> -> memref<48x128xf32, #tpu.memory_space<hbm>>
        tpu.enqueue_dma source(%dma_start3A_565 : memref<48x128xf32, #tpu.memory_space<hbm>>) target(%arg8 : memref<48x128xf32, #tpu.memory_space<vmem>>) target_semaphore(%dma_start3A_563 : memref<!tpu.dma_semaphore, #tpu.memory_space<semaphore_mem>>)
        %add3A_566 = arith.constant 2 : i32
        %add3A_567 = arith.addi %add3A_514, %add3A_566 : i32
        %mul3A_568 = arith.constant 48 : i32
        %mul3A_569 = arith.muli %add3A_567, %mul3A_568 : i32
        %add3A_570 = arith.addi %add3A_4, %mul3A_569 : i32
        %multiple_of3A_571 = tpu.assume_multiple %add3A_570, 8 : i32
        %dma_start3A_572 = arith.constant 1 : i32
        %dma_start3A_573 = arith.constant 1 : i32
        %dma_start3A_574 = arith.constant 0 : i32
        %dma_start3A_575 = tpu.memref_slice %arg4[%multiple_of3A_571, %dma_start3A_574] : memref<100000x512xf32, #tpu.memory_space<hbm>> -> memref<48x512xf32, #tpu.memory_space<hbm>>
        %dma_start3A_576 = tpu.memref_slice %arg14[%dma_start3A_572, %dma_start3A_573] : memref<2x2x!tpu.dma_semaphore, #tpu.memory_space<semaphore_mem>> -> memref<1x1x!tpu.dma_semaphore, #tpu.memory_space<semaphore_mem>>
        %dma_start3A_577 = tpu.memref_squeeze %dma_start3A_576 : memref<1x1x!tpu.dma_semaphore, #tpu.memory_space<semaphore_mem>> -> memref<!tpu.dma_semaphore, #tpu.memory_space<semaphore_mem>>
        %dma_start3A_578 = arith.constant 0 : i32
        %dma_start3A_579 = tpu.memref_slice %arg4[%multiple_of3A_571, %dma_start3A_578] : memref<100000x512xf32, #tpu.memory_space<hbm>> -> memref<48x512xf32, #tpu.memory_space<hbm>>
        tpu.enqueue_dma source(%dma_start3A_579 : memref<48x512xf32, #tpu.memory_space<hbm>>) target(%arg10 : memref<48x512xf32, #tpu.memory_space<vmem>>) target_semaphore(%dma_start3A_577 : memref<!tpu.dma_semaphore, #tpu.memory_space<semaphore_mem>>)
      } else {
      }
      scf.yield %scan3A_543#0, %scan3A_543#1, %scan3A_543#2, %scan3A_543#3, %scan3A_543#4, %scan3A_543#5, %scan3A_543#6, %scan3A_543#7, %scan3A_543#8, %scan3A_543#9, %scan3A_543#10, %scan3A_543#11, %scan3A_543#12, %scan3A_543#13, %scan3A_543#14, %scan3A_543#15, %scan3A_543#16, %scan3A_543#17, %scan3A_543#18, %scan3A_543#19, %scan3A_543#20, %scan3A_543#21, %scan3A_543#22, %scan3A_543#23, %scan3A_543#24, %scan3A_543#25, %scan3A_543#26, %scan3A_543#27, %scan3A_543#28, %scan3A_543#29, %scan3A_543#30, %scan3A_543#31, %scan3A_543#32 : vector<16xf32>, vector<16xf32>, vector<16xf32>, vector<16xf32>, vector<16xf32>, vector<16xf32>, vector<16xf32>, vector<16xf32>, vector<16xf32>, vector<16xf32>, vector<16xf32>, vector<16xf32>, vector<16xf32>, vector<16xf32>, vector<16xf32>, vector<16xf32>, vector<16xf32>, vector<16xf32>, vector<16xf32>, vector<16xf32>, vector<16xf32>, vector<16xf32>, vector<16xf32>, vector<16xf32>, vector<16xf32>, vector<16xf32>, vector<16xf32>, vector<16xf32>, vector<16xf32>, vector<16xf32>, vector<16xf32>, vector<16xf32>, vector<16xf32>
    }
    %scan3A_164 = arith.constant 12 : i32
    %add3A_165 = arith.constant 1152 : i32
    %add3A_166 = arith.addi %add3A_4, %add3A_165 : i32
    %multiple_of3A_167 = tpu.assume_multiple %add3A_166, 8 : i32
    %dma_wait3A = arith.constant 0 : i32
    %dma_wait3A_168 = arith.constant 0 : i32
    %dma_wait3A_169 = arith.constant 0 : i32
    %dma_wait3A_170 = tpu.memref_slice %arg3[%multiple_of3A_167, %dma_wait3A_169] : memref<100000x128xf32, #tpu.memory_space<hbm>> -> memref<48x128xf32, #tpu.memory_space<hbm>>
    %dma_wait3A_171 = tpu.memref_slice %arg14[%dma_wait3A, %dma_wait3A_168] : memref<2x2x!tpu.dma_semaphore, #tpu.memory_space<semaphore_mem>> -> memref<1x1x!tpu.dma_semaphore, #tpu.memory_space<semaphore_mem>>
    %dma_wait3A_172 = tpu.memref_squeeze %dma_wait3A_171 : memref<1x1x!tpu.dma_semaphore, #tpu.memory_space<semaphore_mem>> -> memref<!tpu.dma_semaphore, #tpu.memory_space<semaphore_mem>>
    %dma_wait3A_173 = arith.constant 0 : i32
    %dma_wait3A_174 = tpu.memref_slice %arg3[%multiple_of3A_167, %dma_wait3A_173] : memref<100000x128xf32, #tpu.memory_space<hbm>> -> memref<48x128xf32, #tpu.memory_space<hbm>>
    tpu.wait_dma2 semaphore(%dma_wait3A_172 : memref<!tpu.dma_semaphore, #tpu.memory_space<semaphore_mem>>) src(%dma_wait3A_174 : memref<48x128xf32, #tpu.memory_space<hbm>>) dst(%arg7 : memref<48x128xf32, #tpu.memory_space<vmem>>)
    %add3A_175 = arith.constant 1152 : i32
    %add3A_176 = arith.addi %add3A_4, %add3A_175 : i32
    %multiple_of3A_177 = tpu.assume_multiple %add3A_176, 8 : i32
    %dma_wait3A_178 = arith.constant 0 : i32
    %dma_wait3A_179 = arith.constant 1 : i32
    %dma_wait3A_180 = arith.constant 0 : i32
    %dma_wait3A_181 = tpu.memref_slice %arg4[%multiple_of3A_177, %dma_wait3A_180] : memref<100000x512xf32, #tpu.memory_space<hbm>> -> memref<48x512xf32, #tpu.memory_space<hbm>>
    %dma_wait3A_182 = tpu.memref_slice %arg14[%dma_wait3A_178, %dma_wait3A_179] : memref<2x2x!tpu.dma_semaphore, #tpu.memory_space<semaphore_mem>> -> memref<1x1x!tpu.dma_semaphore, #tpu.memory_space<semaphore_mem>>
    %dma_wait3A_183 = tpu.memref_squeeze %dma_wait3A_182 : memref<1x1x!tpu.dma_semaphore, #tpu.memory_space<semaphore_mem>> -> memref<!tpu.dma_semaphore, #tpu.memory_space<semaphore_mem>>
    %dma_wait3A_184 = arith.constant 0 : i32
    %dma_wait3A_185 = tpu.memref_slice %arg4[%multiple_of3A_177, %dma_wait3A_184] : memref<100000x512xf32, #tpu.memory_space<hbm>> -> memref<48x512xf32, #tpu.memory_space<hbm>>
    tpu.wait_dma2 semaphore(%dma_wait3A_183 : memref<!tpu.dma_semaphore, #tpu.memory_space<semaphore_mem>>) src(%dma_wait3A_185 : memref<48x512xf32, #tpu.memory_space<hbm>>) dst(%arg9 : memref<48x512xf32, #tpu.memory_space<vmem>>)
    %scan3A_186 = arith.constant 0 : i32
    %scan3A_187 = arith.constant 48 : i32
    %scan3A_188 = arith.addi %scan3A_186, %scan3A_187 : i32
    %scan3A_189 = arith.constant 1 : i32
    %scan3A_190:33 = scf.for %scan3A_441 = %scan3A_186 to %scan3A_188 step %scan3A_189 iter_args(%scan3A_442 = %scan3A_163#0, %scan3A_443 = %scan3A_163#1, %scan3A_444 = %scan3A_163#2, %scan3A_445 = %scan3A_163#3, %scan3A_446 = %scan3A_163#4, %scan3A_447 = %scan3A_163#5, %scan3A_448 = %scan3A_163#6, %scan3A_449 = %scan3A_163#7, %scan3A_450 = %scan3A_163#8, %scan3A_451 = %scan3A_163#9, %scan3A_452 = %scan3A_163#10, %scan3A_453 = %scan3A_163#11, %scan3A_454 = %scan3A_163#12, %scan3A_455 = %scan3A_163#13, %scan3A_456 = %scan3A_163#14, %scan3A_457 = %scan3A_163#15, %scan3A_458 = %scan3A_163#16, %scan3A_459 = %scan3A_163#17, %scan3A_460 = %scan3A_163#18, %scan3A_461 = %scan3A_163#19, %scan3A_462 = %scan3A_163#20, %scan3A_463 = %scan3A_163#21, %scan3A_464 = %scan3A_163#22, %scan3A_465 = %scan3A_163#23, %scan3A_466 = %scan3A_163#24, %scan3A_467 = %scan3A_163#25, %scan3A_468 = %scan3A_163#26, %scan3A_469 = %scan3A_163#27, %scan3A_470 = %scan3A_163#28, %scan3A_471 = %scan3A_163#29, %scan3A_472 = %scan3A_163#30, %scan3A_473 = %scan3A_163#31, %scan3A_474 = %scan3A_163#32) -> (vector<16xf32>, vector<16xf32>, vector<16xf32>, vector<16xf32>, vector<16xf32>, vector<16xf32>, vector<16xf32>, vector<16xf32>, vector<16xf32>, vector<16xf32>, vector<16xf32>, vector<16xf32>, vector<16xf32>, vector<16xf32>, vector<16xf32>, vector<16xf32>, vector<16xf32>, vector<16xf32>, vector<16xf32>, vector<16xf32>, vector<16xf32>, vector<16xf32>, vector<16xf32>, vector<16xf32>, vector<16xf32>, vector<16xf32>, vector<16xf32>, vector<16xf32>, vector<16xf32>, vector<16xf32>, vector<16xf32>, vector<16xf32>, vector<16xf32>)  : i32 {
      %get3A_475 = arith.index_cast %scan3A_441 : i32 to index
      %get3A_476 = arith.constant 0 : index
      %get3A_477 = tpu.vector_load %arg7[%get3A_475, %get3A_476] {strides = array<i32>} : memref<48x128xf32, #tpu.memory_space<vmem>>, vector<1x16xf32>,
      %get3A_478 = vector.shape_cast %get3A_477 : vector<1x16xf32> to vector<16xf32>
      %get3A_479 = arith.index_cast %scan3A_441 : i32 to index
      %get3A_480 = arith.constant 16 : index
      %get3A_481 = tpu.vector_load %arg7[%get3A_479, %get3A_480] {strides = array<i32>} : memref<48x128xf32, #tpu.memory_space<vmem>>, vector<1x16xf32>,
      %get3A_482 = vector.shape_cast %get3A_481 : vector<1x16xf32> to vector<16xf32>
      %get3A_483 = arith.index_cast %scan3A_441 : i32 to index
      %get3A_484 = arith.constant 32 : index
      %get3A_485 = tpu.vector_load %arg7[%get3A_483, %get3A_484] {strides = array<i32>} : memref<48x128xf32, #tpu.memory_space<vmem>>, vector<1x16xf32>,
      %get3A_486 = vector.shape_cast %get3A_485 : vector<1x16xf32> to vector<16xf32>
      %get3A_487 = arith.index_cast %scan3A_441 : i32 to index
      %get3A_488 = arith.constant 48 : index
      %get3A_489 = tpu.vector_load %arg7[%get3A_487, %get3A_488] {strides = array<i32>} : memref<48x128xf32, #tpu.memory_space<vmem>>, vector<1x16xf32>,
      %get3A_490 = vector.shape_cast %get3A_489 : vector<1x16xf32> to vector<16xf32>
      %get3A_491 = arith.index_cast %scan3A_441 : i32 to index
      %get3A_492 = arith.constant 64 : index
      %get3A_493 = tpu.vector_load %arg7[%get3A_491, %get3A_492] {strides = array<i32>} : memref<48x128xf32, #tpu.memory_space<vmem>>, vector<1x16xf32>,
      %get3A_494 = vector.shape_cast %get3A_493 : vector<1x16xf32> to vector<16xf32>
      %get3A_495 = arith.index_cast %scan3A_441 : i32 to index
      %get3A_496 = arith.constant 80 : index
      %get3A_497 = tpu.vector_load %arg7[%get3A_495, %get3A_496] {strides = array<i32>} : memref<48x128xf32, #tpu.memory_space<vmem>>, vector<1x16xf32>,
      %get3A_498 = vector.shape_cast %get3A_497 : vector<1x16xf32> to vector<16xf32>
      %get3A_499 = arith.index_cast %scan3A_441 : i32 to index
      %get3A_500 = arith.constant 96 : index
      %get3A_501 = tpu.vector_load %arg7[%get3A_499, %get3A_500] {strides = array<i32>} : memref<48x128xf32, #tpu.memory_space<vmem>>, vector<1x16xf32>,
      %get3A_502 = vector.shape_cast %get3A_501 : vector<1x16xf32> to vector<16xf32>
      %get3A_503 = arith.index_cast %scan3A_441 : i32 to index
      %get3A_504 = arith.constant 112 : index
      %get3A_505 = tpu.vector_load %arg7[%get3A_503, %get3A_504] {strides = array<i32>} : memref<48x128xf32, #tpu.memory_space<vmem>>, vector<1x16xf32>,
      %get3A_506 = vector.shape_cast %get3A_505 : vector<1x16xf32> to vector<16xf32>
      %mul3A_507 = arith.mulf %get3A_478, %get3A_50 : vector<16xf32>
      %mul3A_508 = arith.mulf %get3A_478, %get3A_478 : vector<16xf32>
      %mul3A_509 = arith.mulf %get3A_482, %get3A_55 : vector<16xf32>
      %add3A_510 = arith.addf %mul3A_507, %mul3A_509 : vector<16xf32>
      %mul3A_511 = arith.mulf %get3A_482, %get3A_482 : vector<16xf32>
      %add3A_512 = arith.addf %mul3A_508, %mul3A_511 : vector<16xf32>
      %mul3A_513 = arith.mulf %get3A_486, %get3A_60 : vector<16xf32>
      %add3A_514 = arith.addf %add3A_510, %mul3A_513 : vector<16xf32>
      %mul3A_515 = arith.mulf %get3A_486, %get3A_486 : vector<16xf32>
      %add3A_516 = arith.addf %add3A_512, %mul3A_515 : vector<16xf32>
      %mul3A_517 = arith.mulf %get3A_490, %get3A_65 : vector<16xf32>
      %add3A_518 = arith.addf %add3A_514, %mul3A_517 : vector<16xf32>
      %mul3A_519 = arith.mulf %get3A_490, %get3A_490 : vector<16xf32>
      %add3A_520 = arith.addf %add3A_516, %mul3A_519 : vector<16xf32>
      %mul3A_521 = arith.mulf %get3A_494, %get3A_70 : vector<16xf32>
      %add3A_522 = arith.addf %add3A_518, %mul3A_521 : vector<16xf32>
      %mul3A_523 = arith.mulf %get3A_494, %get3A_494 : vector<16xf32>
      %add3A_524 = arith.addf %add3A_520, %mul3A_523 : vector<16xf32>
      %mul3A_525 = arith.mulf %get3A_498, %get3A_75 : vector<16xf32>
      %add3A_526 = arith.addf %add3A_522, %mul3A_525 : vector<16xf32>
      %mul3A_527 = arith.mulf %get3A_498, %get3A_498 : vector<16xf32>
      %add3A_528 = arith.addf %add3A_524, %mul3A_527 : vector<16xf32>
      %mul3A_529 = arith.mulf %get3A_502, %get3A_80 : vector<16xf32>
      %add3A_530 = arith.addf %add3A_526, %mul3A_529 : vector<16xf32>
      %mul3A_531 = arith.mulf %get3A_502, %get3A_502 : vector<16xf32>
      %add3A_532 = arith.addf %add3A_528, %mul3A_531 : vector<16xf32>
      %mul3A_533 = arith.mulf %get3A_506, %get3A_85 : vector<16xf32>
      %add3A_534 = arith.addf %add3A_530, %mul3A_533 : vector<16xf32>
      %mul3A_535 = arith.mulf %get3A_506, %get3A_506 : vector<16xf32>
      %add3A_536 = arith.addf %add3A_532, %mul3A_535 : vector<16xf32>
      %iota3A_537 = tpu.iota {dimensions = array<i32: 0>} : vector<16xi32>
      %xor3A_538 = arith.constant 1 : i32
      %xor3A_539 = vector.broadcast %xor3A_538 : i32 to vector<16xi32>
      %xor3A_540 = arith.xori %iota3A_537, %xor3A_539 : vector<16xi32>
      %broadcast_in_dim3A_541 = vector.shape_cast %xor3A_540 : vector<16xi32> to vector<16x1xi32>
      %gather3A_542 = vector.shape_cast %broadcast_in_dim3A_541 : vector<16x1xi32> to vector<16xi32>
      %gather3A_543 = tpu.dynamic_gather %add3A_534[%gather3A_542] in [0] : vector<16xf32>, vector<16xi32> -> vector<16xf32>
      %add3A_544 = arith.addf %add3A_534, %gather3A_543 : vector<16xf32>
      %xor3A_545 = arith.constant 2 : i32
      %xor3A_546 = vector.broadcast %xor3A_545 : i32 to vector<16xi32>
      %xor3A_547 = arith.xori %iota3A_537, %xor3A_546 : vector<16xi32>
      %broadcast_in_dim3A_548 = vector.shape_cast %xor3A_547 : vector<16xi32> to vector<16x1xi32>
      %gather3A_549 = vector.shape_cast %broadcast_in_dim3A_548 : vector<16x1xi32> to vector<16xi32>
      %gather3A_550 = tpu.dynamic_gather %add3A_544[%gather3A_549] in [0] : vector<16xf32>, vector<16xi32> -> vector<16xf32>
      %add3A_551 = arith.addf %add3A_544, %gather3A_550 : vector<16xf32>
      %xor3A_552 = arith.constant 4 : i32
      %xor3A_553 = vector.broadcast %xor3A_552 : i32 to vector<16xi32>
      %xor3A_554 = arith.xori %iota3A_537, %xor3A_553 : vector<16xi32>
      %broadcast_in_dim3A_555 = vector.shape_cast %xor3A_554 : vector<16xi32> to vector<16x1xi32>
      %gather3A_556 = vector.shape_cast %broadcast_in_dim3A_555 : vector<16x1xi32> to vector<16xi32>
      %gather3A_557 = tpu.dynamic_gather %add3A_551[%gather3A_556] in [0] : vector<16xf32>, vector<16xi32> -> vector<16xf32>
      %add3A_558 = arith.addf %add3A_551, %gather3A_557 : vector<16xf32>
      %xor3A_559 = arith.constant 8 : i32
      %xor3A_560 = vector.broadcast %xor3A_559 : i32 to vector<16xi32>
      %xor3A_561 = arith.xori %iota3A_537, %xor3A_560 : vector<16xi32>
      %broadcast_in_dim3A_562 = vector.shape_cast %xor3A_561 : vector<16xi32> to vector<16x1xi32>
      %gather3A_563 = vector.shape_cast %broadcast_in_dim3A_562 : vector<16x1xi32> to vector<16xi32>
      %gather3A_564 = tpu.dynamic_gather %add3A_558[%gather3A_563] in [0] : vector<16xf32>, vector<16xi32> -> vector<16xf32>
      %add3A_565 = arith.addf %add3A_558, %gather3A_564 : vector<16xf32>
      %iota3A_566 = tpu.iota {dimensions = array<i32: 0>} : vector<16xi32>
      %xor3A_567 = arith.constant 1 : i32
      %xor3A_568 = vector.broadcast %xor3A_567 : i32 to vector<16xi32>
      %xor3A_569 = arith.xori %iota3A_566, %xor3A_568 : vector<16xi32>
      %broadcast_in_dim3A_570 = vector.shape_cast %xor3A_569 : vector<16xi32> to vector<16x1xi32>
      %gather3A_571 = vector.shape_cast %broadcast_in_dim3A_570 : vector<16x1xi32> to vector<16xi32>
      %gather3A_572 = tpu.dynamic_gather %add3A_536[%gather3A_571] in [0] : vector<16xf32>, vector<16xi32> -> vector<16xf32>
      %add3A_573 = arith.addf %add3A_536, %gather3A_572 : vector<16xf32>
      %xor3A_574 = arith.constant 2 : i32
      %xor3A_575 = vector.broadcast %xor3A_574 : i32 to vector<16xi32>
      %xor3A_576 = arith.xori %iota3A_566, %xor3A_575 : vector<16xi32>
      %broadcast_in_dim3A_577 = vector.shape_cast %xor3A_576 : vector<16xi32> to vector<16x1xi32>
      %gather3A_578 = vector.shape_cast %broadcast_in_dim3A_577 : vector<16x1xi32> to vector<16xi32>
      %gather3A_579 = tpu.dynamic_gather %add3A_573[%gather3A_578] in [0] : vector<16xf32>, vector<16xi32> -> vector<16xf32>
      %add3A_580 = arith.addf %add3A_573, %gather3A_579 : vector<16xf32>
      %xor3A_581 = arith.constant 4 : i32
      %xor3A_582 = vector.broadcast %xor3A_581 : i32 to vector<16xi32>
      %xor3A_583 = arith.xori %iota3A_566, %xor3A_582 : vector<16xi32>
      %broadcast_in_dim3A_584 = vector.shape_cast %xor3A_583 : vector<16xi32> to vector<16x1xi32>
      %gather3A_585 = vector.shape_cast %broadcast_in_dim3A_584 : vector<16x1xi32> to vector<16xi32>
      %gather3A_586 = tpu.dynamic_gather %add3A_580[%gather3A_585] in [0] : vector<16xf32>, vector<16xi32> -> vector<16xf32>
      %add3A_587 = arith.addf %add3A_580, %gather3A_586 : vector<16xf32>
      %xor3A_588 = arith.constant 8 : i32
      %xor3A_589 = vector.broadcast %xor3A_588 : i32 to vector<16xi32>
      %xor3A_590 = arith.xori %iota3A_566, %xor3A_589 : vector<16xi32>
      %broadcast_in_dim3A_591 = vector.shape_cast %xor3A_590 : vector<16xi32> to vector<16x1xi32>
      %gather3A_592 = vector.shape_cast %broadcast_in_dim3A_591 : vector<16x1xi32> to vector<16xi32>
      %gather3A_593 = tpu.dynamic_gather %add3A_587[%gather3A_592] in [0] : vector<16xf32>, vector<16xi32> -> vector<16xf32>
      %add3A_594 = arith.addf %add3A_587, %gather3A_593 : vector<16xf32>
      %bitcast_convert_type3A_595 = tpu.bitcast %add3A_594 : vector<16xf32> -> vector<16xi32>
      %shift_right_arithmetic3A_596 = arith.constant 1 : i32
      %shift_right_arithmetic3A_597 = vector.broadcast %shift_right_arithmetic3A_596 : i32 to vector<16xi32>
      %shift_right_arithmetic3A_598 = arith.shrsi %bitcast_convert_type3A_595, %shift_right_arithmetic3A_597 : vector<16xi32>
      %sub3A_599 = arith.constant 1597463007 : i32
      %sub3A_600 = vector.broadcast %sub3A_599 : i32 to vector<16xi32>
      %sub3A_601 = arith.subi %sub3A_600, %shift_right_arithmetic3A_598 : vector<16xi32>
      %bitcast_convert_type3A_602 = tpu.bitcast %sub3A_601 : vector<16xi32> -> vector<16xf32>
      %mul3A_603 = arith.constant 5.000000e-01 : f32
      %mul3A_604 = vector.broadcast %mul3A_603 : f32 to vector<16xf32>
      %mul3A_605 = arith.mulf %mul3A_604, %add3A_594 : vector<16xf32>
      %mul3A_606 = arith.mulf %mul3A_605, %bitcast_convert_type3A_602 : vector<16xf32>
      %mul3A_607 = arith.mulf %mul3A_606, %bitcast_convert_type3A_602 : vector<16xf32>
      %sub3A_608 = arith.constant 1.500000e+00 : f32
      %sub3A_609 = vector.broadcast %sub3A_608 : f32 to vector<16xf32>
      %sub3A_610 = arith.subf %sub3A_609, %mul3A_607 : vector<16xf32>
      %mul3A_611 = arith.mulf %bitcast_convert_type3A_602, %sub3A_610 : vector<16xf32>
      %mul3A_612 = arith.constant 5.000000e-01 : f32
      %mul3A_613 = vector.broadcast %mul3A_612 : f32 to vector<16xf32>
      %mul3A_614 = arith.mulf %mul3A_613, %add3A_594 : vector<16xf32>
      %mul3A_615 = arith.mulf %mul3A_614, %mul3A_611 : vector<16xf32>
      %mul3A_616 = arith.mulf %mul3A_615, %mul3A_611 : vector<16xf32>
      %sub3A_617 = arith.constant 1.500000e+00 : f32
      %sub3A_618 = vector.broadcast %sub3A_617 : f32 to vector<16xf32>
      %sub3A_619 = arith.subf %sub3A_618, %mul3A_616 : vector<16xf32>
      %mul3A_620 = arith.mulf %mul3A_611, %sub3A_619 : vector<16xf32>
      %mul3A_621 = arith.constant 5.000000e-01 : f32
      %mul3A_622 = vector.broadcast %mul3A_621 : f32 to vector<16xf32>
      %mul3A_623 = arith.mulf %mul3A_622, %add3A_594 : vector<16xf32>
      %mul3A_624 = arith.mulf %mul3A_623, %mul3A_620 : vector<16xf32>
      %mul3A_625 = arith.mulf %mul3A_624, %mul3A_620 : vector<16xf32>
      %sub3A_626 = arith.constant 1.500000e+00 : f32
      %sub3A_627 = vector.broadcast %sub3A_626 : f32 to vector<16xf32>
      %sub3A_628 = arith.subf %sub3A_627, %mul3A_625 : vector<16xf32>
      %mul3A_629 = arith.mulf %mul3A_620, %sub3A_628 : vector<16xf32>
      %mul3A_630 = arith.mulf %add3A_565, %mul3A_629 : vector<16xf32>
      %mul3A_631 = arith.mulf %mul3A_630, %mul3A_157 : vector<16xf32>
      %exp3A = math.exp %mul3A_631 : vector<16xf32>
      %add3A_632 = arith.addf %scan3A_474, %exp3A : vector<16xf32>
      %get3A_633 = arith.index_cast %scan3A_441 : i32 to index
      %get3A_634 = arith.constant 0 : index
      %get3A_635 = tpu.vector_load %arg9[%get3A_633, %get3A_634] {strides = array<i32>} : memref<48x512xf32, #tpu.memory_space<vmem>>, vector<1x16xf32>,
      %get3A_636 = vector.shape_cast %get3A_635 : vector<1x16xf32> to vector<16xf32>
      %mul3A_637 = arith.mulf %exp3A, %get3A_636 : vector<16xf32>
      %add3A_638 = arith.addf %scan3A_442, %mul3A_637 : vector<16xf32>
      %get3A_639 = arith.index_cast %scan3A_441 : i32 to index
      %get3A_640 = arith.constant 16 : index
      %get3A_641 = tpu.vector_load %arg9[%get3A_639, %get3A_640] {strides = array<i32>} : memref<48x512xf32, #tpu.memory_space<vmem>>, vector<1x16xf32>,
      %get3A_642 = vector.shape_cast %get3A_641 : vector<1x16xf32> to vector<16xf32>
      %mul3A_643 = arith.mulf %exp3A, %get3A_642 : vector<16xf32>
      %add3A_644 = arith.addf %scan3A_443, %mul3A_643 : vector<16xf32>
      %get3A_645 = arith.index_cast %scan3A_441 : i32 to index
      %get3A_646 = arith.constant 32 : index
      %get3A_647 = tpu.vector_load %arg9[%get3A_645, %get3A_646] {strides = array<i32>} : memref<48x512xf32, #tpu.memory_space<vmem>>, vector<1x16xf32>,
      %get3A_648 = vector.shape_cast %get3A_647 : vector<1x16xf32> to vector<16xf32>
      %mul3A_649 = arith.mulf %exp3A, %get3A_648 : vector<16xf32>
      %add3A_650 = arith.addf %scan3A_444, %mul3A_649 : vector<16xf32>
      %get3A_651 = arith.index_cast %scan3A_441 : i32 to index
      %get3A_652 = arith.constant 48 : index
      %get3A_653 = tpu.vector_load %arg9[%get3A_651, %get3A_652] {strides = array<i32>} : memref<48x512xf32, #tpu.memory_space<vmem>>, vector<1x16xf32>,
      %get3A_654 = vector.shape_cast %get3A_653 : vector<1x16xf32> to vector<16xf32>
      %mul3A_655 = arith.mulf %exp3A, %get3A_654 : vector<16xf32>
      %add3A_656 = arith.addf %scan3A_445, %mul3A_655 : vector<16xf32>
      %get3A_657 = arith.index_cast %scan3A_441 : i32 to index
      %get3A_658 = arith.constant 64 : index
      %get3A_659 = tpu.vector_load %arg9[%get3A_657, %get3A_658] {strides = array<i32>} : memref<48x512xf32, #tpu.memory_space<vmem>>, vector<1x16xf32>,
      %get3A_660 = vector.shape_cast %get3A_659 : vector<1x16xf32> to vector<16xf32>
      %mul3A_661 = arith.mulf %exp3A, %get3A_660 : vector<16xf32>
      %add3A_662 = arith.addf %scan3A_446, %mul3A_661 : vector<16xf32>
      %get3A_663 = arith.index_cast %scan3A_441 : i32 to index
      %get3A_664 = arith.constant 80 : index
      %get3A_665 = tpu.vector_load %arg9[%get3A_663, %get3A_664] {strides = array<i32>} : memref<48x512xf32, #tpu.memory_space<vmem>>, vector<1x16xf32>,
      %get3A_666 = vector.shape_cast %get3A_665 : vector<1x16xf32> to vector<16xf32>
      %mul3A_667 = arith.mulf %exp3A, %get3A_666 : vector<16xf32>
      %add3A_668 = arith.addf %scan3A_447, %mul3A_667 : vector<16xf32>
      %get3A_669 = arith.index_cast %scan3A_441 : i32 to index
      %get3A_670 = arith.constant 96 : index
      %get3A_671 = tpu.vector_load %arg9[%get3A_669, %get3A_670] {strides = array<i32>} : memref<48x512xf32, #tpu.memory_space<vmem>>, vector<1x16xf32>,
      %get3A_672 = vector.shape_cast %get3A_671 : vector<1x16xf32> to vector<16xf32>
      %mul3A_673 = arith.mulf %exp3A, %get3A_672 : vector<16xf32>
      %add3A_674 = arith.addf %scan3A_448, %mul3A_673 : vector<16xf32>
      %get3A_675 = arith.index_cast %scan3A_441 : i32 to index
      %get3A_676 = arith.constant 112 : index
      %get3A_677 = tpu.vector_load %arg9[%get3A_675, %get3A_676] {strides = array<i32>} : memref<48x512xf32, #tpu.memory_space<vmem>>, vector<1x16xf32>,
      %get3A_678 = vector.shape_cast %get3A_677 : vector<1x16xf32> to vector<16xf32>
      %mul3A_679 = arith.mulf %exp3A, %get3A_678 : vector<16xf32>
      %add3A_680 = arith.addf %scan3A_449, %mul3A_679 : vector<16xf32>
      %get3A_681 = arith.index_cast %scan3A_441 : i32 to index
      %get3A_682 = arith.constant 128 : index
      %get3A_683 = tpu.vector_load %arg9[%get3A_681, %get3A_682] {strides = array<i32>} : memref<48x512xf32, #tpu.memory_space<vmem>>, vector<1x16xf32>,
      %get3A_684 = vector.shape_cast %get3A_683 : vector<1x16xf32> to vector<16xf32>
      %mul3A_685 = arith.mulf %exp3A, %get3A_684 : vector<16xf32>
      %add3A_686 = arith.addf %scan3A_450, %mul3A_685 : vector<16xf32>
      %get3A_687 = arith.index_cast %scan3A_441 : i32 to index
      %get3A_688 = arith.constant 144 : index
      %get3A_689 = tpu.vector_load %arg9[%get3A_687, %get3A_688] {strides = array<i32>} : memref<48x512xf32, #tpu.memory_space<vmem>>, vector<1x16xf32>,
      %get3A_690 = vector.shape_cast %get3A_689 : vector<1x16xf32> to vector<16xf32>
      %mul3A_691 = arith.mulf %exp3A, %get3A_690 : vector<16xf32>
      %add3A_692 = arith.addf %scan3A_451, %mul3A_691 : vector<16xf32>
      %get3A_693 = arith.index_cast %scan3A_441 : i32 to index
      %get3A_694 = arith.constant 160 : index
      %get3A_695 = tpu.vector_load %arg9[%get3A_693, %get3A_694] {strides = array<i32>} : memref<48x512xf32, #tpu.memory_space<vmem>>, vector<1x16xf32>,
      %get3A_696 = vector.shape_cast %get3A_695 : vector<1x16xf32> to vector<16xf32>
      %mul3A_697 = arith.mulf %exp3A, %get3A_696 : vector<16xf32>
      %add3A_698 = arith.addf %scan3A_452, %mul3A_697 : vector<16xf32>
      %get3A_699 = arith.index_cast %scan3A_441 : i32 to index
      %get3A_700 = arith.constant 176 : index
      %get3A_701 = tpu.vector_load %arg9[%get3A_699, %get3A_700] {strides = array<i32>} : memref<48x512xf32, #tpu.memory_space<vmem>>, vector<1x16xf32>,
      %get3A_702 = vector.shape_cast %get3A_701 : vector<1x16xf32> to vector<16xf32>
      %mul3A_703 = arith.mulf %exp3A, %get3A_702 : vector<16xf32>
      %add3A_704 = arith.addf %scan3A_453, %mul3A_703 : vector<16xf32>
      %get3A_705 = arith.index_cast %scan3A_441 : i32 to index
      %get3A_706 = arith.constant 192 : index
      %get3A_707 = tpu.vector_load %arg9[%get3A_705, %get3A_706] {strides = array<i32>} : memref<48x512xf32, #tpu.memory_space<vmem>>, vector<1x16xf32>,
      %get3A_708 = vector.shape_cast %get3A_707 : vector<1x16xf32> to vector<16xf32>
      %mul3A_709 = arith.mulf %exp3A, %get3A_708 : vector<16xf32>
      %add3A_710 = arith.addf %scan3A_454, %mul3A_709 : vector<16xf32>
      %get3A_711 = arith.index_cast %scan3A_441 : i32 to index
      %get3A_712 = arith.constant 208 : index
      %get3A_713 = tpu.vector_load %arg9[%get3A_711, %get3A_712] {strides = array<i32>} : memref<48x512xf32, #tpu.memory_space<vmem>>, vector<1x16xf32>,
      %get3A_714 = vector.shape_cast %get3A_713 : vector<1x16xf32> to vector<16xf32>
      %mul3A_715 = arith.mulf %exp3A, %get3A_714 : vector<16xf32>
      %add3A_716 = arith.addf %scan3A_455, %mul3A_715 : vector<16xf32>
      %get3A_717 = arith.index_cast %scan3A_441 : i32 to index
      %get3A_718 = arith.constant 224 : index
      %get3A_719 = tpu.vector_load %arg9[%get3A_717, %get3A_718] {strides = array<i32>} : memref<48x512xf32, #tpu.memory_space<vmem>>, vector<1x16xf32>,
      %get3A_720 = vector.shape_cast %get3A_719 : vector<1x16xf32> to vector<16xf32>
      %mul3A_721 = arith.mulf %exp3A, %get3A_720 : vector<16xf32>
      %add3A_722 = arith.addf %scan3A_456, %mul3A_721 : vector<16xf32>
      %get3A_723 = arith.index_cast %scan3A_441 : i32 to index
      %get3A_724 = arith.constant 240 : index
      %get3A_725 = tpu.vector_load %arg9[%get3A_723, %get3A_724] {strides = array<i32>} : memref<48x512xf32, #tpu.memory_space<vmem>>, vector<1x16xf32>,
      %get3A_726 = vector.shape_cast %get3A_725 : vector<1x16xf32> to vector<16xf32>
      %mul3A_727 = arith.mulf %exp3A, %get3A_726 : vector<16xf32>
      %add3A_728 = arith.addf %scan3A_457, %mul3A_727 : vector<16xf32>
      %get3A_729 = arith.index_cast %scan3A_441 : i32 to index
      %get3A_730 = arith.constant 256 : index
      %get3A_731 = tpu.vector_load %arg9[%get3A_729, %get3A_730] {strides = array<i32>} : memref<48x512xf32, #tpu.memory_space<vmem>>, vector<1x16xf32>,
      %get3A_732 = vector.shape_cast %get3A_731 : vector<1x16xf32> to vector<16xf32>
      %mul3A_733 = arith.mulf %exp3A, %get3A_732 : vector<16xf32>
      %add3A_734 = arith.addf %scan3A_458, %mul3A_733 : vector<16xf32>
      %get3A_735 = arith.index_cast %scan3A_441 : i32 to index
      %get3A_736 = arith.constant 272 : index
      %get3A_737 = tpu.vector_load %arg9[%get3A_735, %get3A_736] {strides = array<i32>} : memref<48x512xf32, #tpu.memory_space<vmem>>, vector<1x16xf32>,
      %get3A_738 = vector.shape_cast %get3A_737 : vector<1x16xf32> to vector<16xf32>
      %mul3A_739 = arith.mulf %exp3A, %get3A_738 : vector<16xf32>
      %add3A_740 = arith.addf %scan3A_459, %mul3A_739 : vector<16xf32>
      %get3A_741 = arith.index_cast %scan3A_441 : i32 to index
      %get3A_742 = arith.constant 288 : index
      %get3A_743 = tpu.vector_load %arg9[%get3A_741, %get3A_742] {strides = array<i32>} : memref<48x512xf32, #tpu.memory_space<vmem>>, vector<1x16xf32>,
      %get3A_744 = vector.shape_cast %get3A_743 : vector<1x16xf32> to vector<16xf32>
      %mul3A_745 = arith.mulf %exp3A, %get3A_744 : vector<16xf32>
      %add3A_746 = arith.addf %scan3A_460, %mul3A_745 : vector<16xf32>
      %get3A_747 = arith.index_cast %scan3A_441 : i32 to index
      %get3A_748 = arith.constant 304 : index
      %get3A_749 = tpu.vector_load %arg9[%get3A_747, %get3A_748] {strides = array<i32>} : memref<48x512xf32, #tpu.memory_space<vmem>>, vector<1x16xf32>,
      %get3A_750 = vector.shape_cast %get3A_749 : vector<1x16xf32> to vector<16xf32>
      %mul3A_751 = arith.mulf %exp3A, %get3A_750 : vector<16xf32>
      %add3A_752 = arith.addf %scan3A_461, %mul3A_751 : vector<16xf32>
      %get3A_753 = arith.index_cast %scan3A_441 : i32 to index
      %get3A_754 = arith.constant 320 : index
      %get3A_755 = tpu.vector_load %arg9[%get3A_753, %get3A_754] {strides = array<i32>} : memref<48x512xf32, #tpu.memory_space<vmem>>, vector<1x16xf32>,
      %get3A_756 = vector.shape_cast %get3A_755 : vector<1x16xf32> to vector<16xf32>
      %mul3A_757 = arith.mulf %exp3A, %get3A_756 : vector<16xf32>
      %add3A_758 = arith.addf %scan3A_462, %mul3A_757 : vector<16xf32>
      %get3A_759 = arith.index_cast %scan3A_441 : i32 to index
      %get3A_760 = arith.constant 336 : index
      %get3A_761 = tpu.vector_load %arg9[%get3A_759, %get3A_760] {strides = array<i32>} : memref<48x512xf32, #tpu.memory_space<vmem>>, vector<1x16xf32>,
      %get3A_762 = vector.shape_cast %get3A_761 : vector<1x16xf32> to vector<16xf32>
      %mul3A_763 = arith.mulf %exp3A, %get3A_762 : vector<16xf32>
      %add3A_764 = arith.addf %scan3A_463, %mul3A_763 : vector<16xf32>
      %get3A_765 = arith.index_cast %scan3A_441 : i32 to index
      %get3A_766 = arith.constant 352 : index
      %get3A_767 = tpu.vector_load %arg9[%get3A_765, %get3A_766] {strides = array<i32>} : memref<48x512xf32, #tpu.memory_space<vmem>>, vector<1x16xf32>,
      %get3A_768 = vector.shape_cast %get3A_767 : vector<1x16xf32> to vector<16xf32>
      %mul3A_769 = arith.mulf %exp3A, %get3A_768 : vector<16xf32>
      %add3A_770 = arith.addf %scan3A_464, %mul3A_769 : vector<16xf32>
      %get3A_771 = arith.index_cast %scan3A_441 : i32 to index
      %get3A_772 = arith.constant 368 : index
      %get3A_773 = tpu.vector_load %arg9[%get3A_771, %get3A_772] {strides = array<i32>} : memref<48x512xf32, #tpu.memory_space<vmem>>, vector<1x16xf32>,
      %get3A_774 = vector.shape_cast %get3A_773 : vector<1x16xf32> to vector<16xf32>
      %mul3A_775 = arith.mulf %exp3A, %get3A_774 : vector<16xf32>
      %add3A_776 = arith.addf %scan3A_465, %mul3A_775 : vector<16xf32>
      %get3A_777 = arith.index_cast %scan3A_441 : i32 to index
      %get3A_778 = arith.constant 384 : index
      %get3A_779 = tpu.vector_load %arg9[%get3A_777, %get3A_778] {strides = array<i32>} : memref<48x512xf32, #tpu.memory_space<vmem>>, vector<1x16xf32>,
      %get3A_780 = vector.shape_cast %get3A_779 : vector<1x16xf32> to vector<16xf32>
      %mul3A_781 = arith.mulf %exp3A, %get3A_780 : vector<16xf32>
      %add3A_782 = arith.addf %scan3A_466, %mul3A_781 : vector<16xf32>
      %get3A_783 = arith.index_cast %scan3A_441 : i32 to index
      %get3A_784 = arith.constant 400 : index
      %get3A_785 = tpu.vector_load %arg9[%get3A_783, %get3A_784] {strides = array<i32>} : memref<48x512xf32, #tpu.memory_space<vmem>>, vector<1x16xf32>,
      %get3A_786 = vector.shape_cast %get3A_785 : vector<1x16xf32> to vector<16xf32>
      %mul3A_787 = arith.mulf %exp3A, %get3A_786 : vector<16xf32>
      %add3A_788 = arith.addf %scan3A_467, %mul3A_787 : vector<16xf32>
      %get3A_789 = arith.index_cast %scan3A_441 : i32 to index
      %get3A_790 = arith.constant 416 : index
      %get3A_791 = tpu.vector_load %arg9[%get3A_789, %get3A_790] {strides = array<i32>} : memref<48x512xf32, #tpu.memory_space<vmem>>, vector<1x16xf32>,
      %get3A_792 = vector.shape_cast %get3A_791 : vector<1x16xf32> to vector<16xf32>
      %mul3A_793 = arith.mulf %exp3A, %get3A_792 : vector<16xf32>
      %add3A_794 = arith.addf %scan3A_468, %mul3A_793 : vector<16xf32>
      %get3A_795 = arith.index_cast %scan3A_441 : i32 to index
      %get3A_796 = arith.constant 432 : index
      %get3A_797 = tpu.vector_load %arg9[%get3A_795, %get3A_796] {strides = array<i32>} : memref<48x512xf32, #tpu.memory_space<vmem>>, vector<1x16xf32>,
      %get3A_798 = vector.shape_cast %get3A_797 : vector<1x16xf32> to vector<16xf32>
      %mul3A_799 = arith.mulf %exp3A, %get3A_798 : vector<16xf32>
      %add3A_800 = arith.addf %scan3A_469, %mul3A_799 : vector<16xf32>
      %get3A_801 = arith.index_cast %scan3A_441 : i32 to index
      %get3A_802 = arith.constant 448 : index
      %get3A_803 = tpu.vector_load %arg9[%get3A_801, %get3A_802] {strides = array<i32>} : memref<48x512xf32, #tpu.memory_space<vmem>>, vector<1x16xf32>,
      %get3A_804 = vector.shape_cast %get3A_803 : vector<1x16xf32> to vector<16xf32>
      %mul3A_805 = arith.mulf %exp3A, %get3A_804 : vector<16xf32>
      %add3A_806 = arith.addf %scan3A_470, %mul3A_805 : vector<16xf32>
      %get3A_807 = arith.index_cast %scan3A_441 : i32 to index
      %get3A_808 = arith.constant 464 : index
      %get3A_809 = tpu.vector_load %arg9[%get3A_807, %get3A_808] {strides = array<i32>} : memref<48x512xf32, #tpu.memory_space<vmem>>, vector<1x16xf32>,
      %get3A_810 = vector.shape_cast %get3A_809 : vector<1x16xf32> to vector<16xf32>
      %mul3A_811 = arith.mulf %exp3A, %get3A_810 : vector<16xf32>
      %add3A_812 = arith.addf %scan3A_471, %mul3A_811 : vector<16xf32>
      %get3A_813 = arith.index_cast %scan3A_441 : i32 to index
      %get3A_814 = arith.constant 480 : index
      %get3A_815 = tpu.vector_load %arg9[%get3A_813, %get3A_814] {strides = array<i32>} : memref<48x512xf32, #tpu.memory_space<vmem>>, vector<1x16xf32>,
      %get3A_816 = vector.shape_cast %get3A_815 : vector<1x16xf32> to vector<16xf32>
      %mul3A_817 = arith.mulf %exp3A, %get3A_816 : vector<16xf32>
      %add3A_818 = arith.addf %scan3A_472, %mul3A_817 : vector<16xf32>
      %get3A_819 = arith.index_cast %scan3A_441 : i32 to index
      %get3A_820 = arith.constant 496 : index
      %get3A_821 = tpu.vector_load %arg9[%get3A_819, %get3A_820] {strides = array<i32>} : memref<48x512xf32, #tpu.memory_space<vmem>>, vector<1x16xf32>,
      %get3A_822 = vector.shape_cast %get3A_821 : vector<1x16xf32> to vector<16xf32>
      %mul3A_823 = arith.mulf %exp3A, %get3A_822 : vector<16xf32>
      %add3A_824 = arith.addf %scan3A_473, %mul3A_823 : vector<16xf32>
      scf.yield %add3A_638, %add3A_644, %add3A_650, %add3A_656, %add3A_662, %add3A_668, %add3A_674, %add3A_680, %add3A_686, %add3A_692, %add3A_698, %add3A_704, %add3A_710, %add3A_716, %add3A_722, %add3A_728, %add3A_734, %add3A_740, %add3A_746, %add3A_752, %add3A_758, %add3A_764, %add3A_770, %add3A_776, %add3A_782, %add3A_788, %add3A_794, %add3A_800, %add3A_806, %add3A_812, %add3A_818, %add3A_824, %add3A_632 : vector<16xf32>, vector<16xf32>, vector<16xf32>, vector<16xf32>, vector<16xf32>, vector<16xf32>, vector<16xf32>, vector<16xf32>, vector<16xf32>, vector<16xf32>, vector<16xf32>, vector<16xf32>, vector<16xf32>, vector<16xf32>, vector<16xf32>, vector<16xf32>, vector<16xf32>, vector<16xf32>, vector<16xf32>, vector<16xf32>, vector<16xf32>, vector<16xf32>, vector<16xf32>, vector<16xf32>, vector<16xf32>, vector<16xf32>, vector<16xf32>, vector<16xf32>, vector<16xf32>, vector<16xf32>, vector<16xf32>, vector<16xf32>, vector<16xf32>
    }
    %scan3A_191 = arith.constant 48 : i32
    %swap3A = arith.constant 0 : i32
    %swap3A_192 = arith.index_cast %swap3A : i32 to index
    %swap3A_193 = arith.constant 0 : index
    %swap3A_194 = tpu.vector_load %arg12[%swap3A_192, %swap3A_193] {strides = array<i32>} : memref<1x512xf32, #tpu.memory_space<vmem>>, vector<1x16xf32>,
    %swap3A_195 = vector.shape_cast %swap3A_194 : vector<1x16xf32> to vector<16xf32>
    %swap3A_196 = vector.shape_cast %scan3A_190#0 : vector<16xf32> to vector<1x16xf32>
    tpu.vector_store %arg12[%swap3A_192, %swap3A_193], %swap3A_196 {strides = array<i32>} : memref<1x512xf32, #tpu.memory_space<vmem>>, vector<1x16xf32>,
    %swap3A_197 = arith.constant 0 : i32
    %swap3A_198 = arith.index_cast %swap3A_197 : i32 to index
    %swap3A_199 = arith.constant 16 : index
    %swap3A_200 = tpu.vector_load %arg12[%swap3A_198, %swap3A_199] {strides = array<i32>} : memref<1x512xf32, #tpu.memory_space<vmem>>, vector<1x16xf32>,
    %swap3A_201 = vector.shape_cast %swap3A_200 : vector<1x16xf32> to vector<16xf32>
    %swap3A_202 = vector.shape_cast %scan3A_190#1 : vector<16xf32> to vector<1x16xf32>
    tpu.vector_store %arg12[%swap3A_198, %swap3A_199], %swap3A_202 {strides = array<i32>} : memref<1x512xf32, #tpu.memory_space<vmem>>, vector<1x16xf32>,
    %swap3A_203 = arith.constant 0 : i32
    %swap3A_204 = arith.index_cast %swap3A_203 : i32 to index
    %swap3A_205 = arith.constant 32 : index
    %swap3A_206 = tpu.vector_load %arg12[%swap3A_204, %swap3A_205] {strides = array<i32>} : memref<1x512xf32, #tpu.memory_space<vmem>>, vector<1x16xf32>,
    %swap3A_207 = vector.shape_cast %swap3A_206 : vector<1x16xf32> to vector<16xf32>
    %swap3A_208 = vector.shape_cast %scan3A_190#2 : vector<16xf32> to vector<1x16xf32>
    tpu.vector_store %arg12[%swap3A_204, %swap3A_205], %swap3A_208 {strides = array<i32>} : memref<1x512xf32, #tpu.memory_space<vmem>>, vector<1x16xf32>,
    %swap3A_209 = arith.constant 0 : i32
    %swap3A_210 = arith.index_cast %swap3A_209 : i32 to index
    %swap3A_211 = arith.constant 48 : index
    %swap3A_212 = tpu.vector_load %arg12[%swap3A_210, %swap3A_211] {strides = array<i32>} : memref<1x512xf32, #tpu.memory_space<vmem>>, vector<1x16xf32>,
    %swap3A_213 = vector.shape_cast %swap3A_212 : vector<1x16xf32> to vector<16xf32>
    %swap3A_214 = vector.shape_cast %scan3A_190#3 : vector<16xf32> to vector<1x16xf32>
    tpu.vector_store %arg12[%swap3A_210, %swap3A_211], %swap3A_214 {strides = array<i32>} : memref<1x512xf32, #tpu.memory_space<vmem>>, vector<1x16xf32>,
    %swap3A_215 = arith.constant 0 : i32
    %swap3A_216 = arith.index_cast %swap3A_215 : i32 to index
    %swap3A_217 = arith.constant 64 : index
    %swap3A_218 = tpu.vector_load %arg12[%swap3A_216, %swap3A_217] {strides = array<i32>} : memref<1x512xf32, #tpu.memory_space<vmem>>, vector<1x16xf32>,
    %swap3A_219 = vector.shape_cast %swap3A_218 : vector<1x16xf32> to vector<16xf32>
    %swap3A_220 = vector.shape_cast %scan3A_190#4 : vector<16xf32> to vector<1x16xf32>
    tpu.vector_store %arg12[%swap3A_216, %swap3A_217], %swap3A_220 {strides = array<i32>} : memref<1x512xf32, #tpu.memory_space<vmem>>, vector<1x16xf32>,
    %swap3A_221 = arith.constant 0 : i32
    %swap3A_222 = arith.index_cast %swap3A_221 : i32 to index
    %swap3A_223 = arith.constant 80 : index
    %swap3A_224 = tpu.vector_load %arg12[%swap3A_222, %swap3A_223] {strides = array<i32>} : memref<1x512xf32, #tpu.memory_space<vmem>>, vector<1x16xf32>,
    %swap3A_225 = vector.shape_cast %swap3A_224 : vector<1x16xf32> to vector<16xf32>
    %swap3A_226 = vector.shape_cast %scan3A_190#5 : vector<16xf32> to vector<1x16xf32>
    tpu.vector_store %arg12[%swap3A_222, %swap3A_223], %swap3A_226 {strides = array<i32>} : memref<1x512xf32, #tpu.memory_space<vmem>>, vector<1x16xf32>,
    %swap3A_227 = arith.constant 0 : i32
    %swap3A_228 = arith.index_cast %swap3A_227 : i32 to index
    %swap3A_229 = arith.constant 96 : index
    %swap3A_230 = tpu.vector_load %arg12[%swap3A_228, %swap3A_229] {strides = array<i32>} : memref<1x512xf32, #tpu.memory_space<vmem>>, vector<1x16xf32>,
    %swap3A_231 = vector.shape_cast %swap3A_230 : vector<1x16xf32> to vector<16xf32>
    %swap3A_232 = vector.shape_cast %scan3A_190#6 : vector<16xf32> to vector<1x16xf32>
    tpu.vector_store %arg12[%swap3A_228, %swap3A_229], %swap3A_232 {strides = array<i32>} : memref<1x512xf32, #tpu.memory_space<vmem>>, vector<1x16xf32>,
    %swap3A_233 = arith.constant 0 : i32
    %swap3A_234 = arith.index_cast %swap3A_233 : i32 to index
    %swap3A_235 = arith.constant 112 : index
    %swap3A_236 = tpu.vector_load %arg12[%swap3A_234, %swap3A_235] {strides = array<i32>} : memref<1x512xf32, #tpu.memory_space<vmem>>, vector<1x16xf32>,
    %swap3A_237 = vector.shape_cast %swap3A_236 : vector<1x16xf32> to vector<16xf32>
    %swap3A_238 = vector.shape_cast %scan3A_190#7 : vector<16xf32> to vector<1x16xf32>
    tpu.vector_store %arg12[%swap3A_234, %swap3A_235], %swap3A_238 {strides = array<i32>} : memref<1x512xf32, #tpu.memory_space<vmem>>, vector<1x16xf32>,
    %swap3A_239 = arith.constant 0 : i32
    %swap3A_240 = arith.index_cast %swap3A_239 : i32 to index
    %swap3A_241 = arith.constant 128 : index
    %swap3A_242 = tpu.vector_load %arg12[%swap3A_240, %swap3A_241] {strides = array<i32>} : memref<1x512xf32, #tpu.memory_space<vmem>>, vector<1x16xf32>,
    %swap3A_243 = vector.shape_cast %swap3A_242 : vector<1x16xf32> to vector<16xf32>
    %swap3A_244 = vector.shape_cast %scan3A_190#8 : vector<16xf32> to vector<1x16xf32>
    tpu.vector_store %arg12[%swap3A_240, %swap3A_241], %swap3A_244 {strides = array<i32>} : memref<1x512xf32, #tpu.memory_space<vmem>>, vector<1x16xf32>,
    %swap3A_245 = arith.constant 0 : i32
    %swap3A_246 = arith.index_cast %swap3A_245 : i32 to index
    %swap3A_247 = arith.constant 144 : index
    %swap3A_248 = tpu.vector_load %arg12[%swap3A_246, %swap3A_247] {strides = array<i32>} : memref<1x512xf32, #tpu.memory_space<vmem>>, vector<1x16xf32>,
    %swap3A_249 = vector.shape_cast %swap3A_248 : vector<1x16xf32> to vector<16xf32>
    %swap3A_250 = vector.shape_cast %scan3A_190#9 : vector<16xf32> to vector<1x16xf32>
    tpu.vector_store %arg12[%swap3A_246, %swap3A_247], %swap3A_250 {strides = array<i32>} : memref<1x512xf32, #tpu.memory_space<vmem>>, vector<1x16xf32>,
    %swap3A_251 = arith.constant 0 : i32
    %swap3A_252 = arith.index_cast %swap3A_251 : i32 to index
    %swap3A_253 = arith.constant 160 : index
    %swap3A_254 = tpu.vector_load %arg12[%swap3A_252, %swap3A_253] {strides = array<i32>} : memref<1x512xf32, #tpu.memory_space<vmem>>, vector<1x16xf32>,
    %swap3A_255 = vector.shape_cast %swap3A_254 : vector<1x16xf32> to vector<16xf32>
    %swap3A_256 = vector.shape_cast %scan3A_190#10 : vector<16xf32> to vector<1x16xf32>
    tpu.vector_store %arg12[%swap3A_252, %swap3A_253], %swap3A_256 {strides = array<i32>} : memref<1x512xf32, #tpu.memory_space<vmem>>, vector<1x16xf32>,
    %swap3A_257 = arith.constant 0 : i32
    %swap3A_258 = arith.index_cast %swap3A_257 : i32 to index
    %swap3A_259 = arith.constant 176 : index
    %swap3A_260 = tpu.vector_load %arg12[%swap3A_258, %swap3A_259] {strides = array<i32>} : memref<1x512xf32, #tpu.memory_space<vmem>>, vector<1x16xf32>,
    %swap3A_261 = vector.shape_cast %swap3A_260 : vector<1x16xf32> to vector<16xf32>
    %swap3A_262 = vector.shape_cast %scan3A_190#11 : vector<16xf32> to vector<1x16xf32>
    tpu.vector_store %arg12[%swap3A_258, %swap3A_259], %swap3A_262 {strides = array<i32>} : memref<1x512xf32, #tpu.memory_space<vmem>>, vector<1x16xf32>,
    %swap3A_263 = arith.constant 0 : i32
    %swap3A_264 = arith.index_cast %swap3A_263 : i32 to index
    %swap3A_265 = arith.constant 192 : index
    %swap3A_266 = tpu.vector_load %arg12[%swap3A_264, %swap3A_265] {strides = array<i32>} : memref<1x512xf32, #tpu.memory_space<vmem>>, vector<1x16xf32>,
    %swap3A_267 = vector.shape_cast %swap3A_266 : vector<1x16xf32> to vector<16xf32>
    %swap3A_268 = vector.shape_cast %scan3A_190#12 : vector<16xf32> to vector<1x16xf32>
    tpu.vector_store %arg12[%swap3A_264, %swap3A_265], %swap3A_268 {strides = array<i32>} : memref<1x512xf32, #tpu.memory_space<vmem>>, vector<1x16xf32>,
    %swap3A_269 = arith.constant 0 : i32
    %swap3A_270 = arith.index_cast %swap3A_269 : i32 to index
    %swap3A_271 = arith.constant 208 : index
    %swap3A_272 = tpu.vector_load %arg12[%swap3A_270, %swap3A_271] {strides = array<i32>} : memref<1x512xf32, #tpu.memory_space<vmem>>, vector<1x16xf32>,
    %swap3A_273 = vector.shape_cast %swap3A_272 : vector<1x16xf32> to vector<16xf32>
    %swap3A_274 = vector.shape_cast %scan3A_190#13 : vector<16xf32> to vector<1x16xf32>
    tpu.vector_store %arg12[%swap3A_270, %swap3A_271], %swap3A_274 {strides = array<i32>} : memref<1x512xf32, #tpu.memory_space<vmem>>, vector<1x16xf32>,
    %swap3A_275 = arith.constant 0 : i32
    %swap3A_276 = arith.index_cast %swap3A_275 : i32 to index
    %swap3A_277 = arith.constant 224 : index
    %swap3A_278 = tpu.vector_load %arg12[%swap3A_276, %swap3A_277] {strides = array<i32>} : memref<1x512xf32, #tpu.memory_space<vmem>>, vector<1x16xf32>,
    %swap3A_279 = vector.shape_cast %swap3A_278 : vector<1x16xf32> to vector<16xf32>
    %swap3A_280 = vector.shape_cast %scan3A_190#14 : vector<16xf32> to vector<1x16xf32>
    tpu.vector_store %arg12[%swap3A_276, %swap3A_277], %swap3A_280 {strides = array<i32>} : memref<1x512xf32, #tpu.memory_space<vmem>>, vector<1x16xf32>,
    %swap3A_281 = arith.constant 0 : i32
    %swap3A_282 = arith.index_cast %swap3A_281 : i32 to index
    %swap3A_283 = arith.constant 240 : index
    %swap3A_284 = tpu.vector_load %arg12[%swap3A_282, %swap3A_283] {strides = array<i32>} : memref<1x512xf32, #tpu.memory_space<vmem>>, vector<1x16xf32>,
    %swap3A_285 = vector.shape_cast %swap3A_284 : vector<1x16xf32> to vector<16xf32>
    %swap3A_286 = vector.shape_cast %scan3A_190#15 : vector<16xf32> to vector<1x16xf32>
    tpu.vector_store %arg12[%swap3A_282, %swap3A_283], %swap3A_286 {strides = array<i32>} : memref<1x512xf32, #tpu.memory_space<vmem>>, vector<1x16xf32>,
    %swap3A_287 = arith.constant 0 : i32
    %swap3A_288 = arith.index_cast %swap3A_287 : i32 to index
    %swap3A_289 = arith.constant 256 : index
    %swap3A_290 = tpu.vector_load %arg12[%swap3A_288, %swap3A_289] {strides = array<i32>} : memref<1x512xf32, #tpu.memory_space<vmem>>, vector<1x16xf32>,
    %swap3A_291 = vector.shape_cast %swap3A_290 : vector<1x16xf32> to vector<16xf32>
    %swap3A_292 = vector.shape_cast %scan3A_190#16 : vector<16xf32> to vector<1x16xf32>
    tpu.vector_store %arg12[%swap3A_288, %swap3A_289], %swap3A_292 {strides = array<i32>} : memref<1x512xf32, #tpu.memory_space<vmem>>, vector<1x16xf32>,
    %swap3A_293 = arith.constant 0 : i32
    %swap3A_294 = arith.index_cast %swap3A_293 : i32 to index
    %swap3A_295 = arith.constant 272 : index
    %swap3A_296 = tpu.vector_load %arg12[%swap3A_294, %swap3A_295] {strides = array<i32>} : memref<1x512xf32, #tpu.memory_space<vmem>>, vector<1x16xf32>,
    %swap3A_297 = vector.shape_cast %swap3A_296 : vector<1x16xf32> to vector<16xf32>
    %swap3A_298 = vector.shape_cast %scan3A_190#17 : vector<16xf32> to vector<1x16xf32>
    tpu.vector_store %arg12[%swap3A_294, %swap3A_295], %swap3A_298 {strides = array<i32>} : memref<1x512xf32, #tpu.memory_space<vmem>>, vector<1x16xf32>,
    %swap3A_299 = arith.constant 0 : i32
    %swap3A_300 = arith.index_cast %swap3A_299 : i32 to index
    %swap3A_301 = arith.constant 288 : index
    %swap3A_302 = tpu.vector_load %arg12[%swap3A_300, %swap3A_301] {strides = array<i32>} : memref<1x512xf32, #tpu.memory_space<vmem>>, vector<1x16xf32>,
    %swap3A_303 = vector.shape_cast %swap3A_302 : vector<1x16xf32> to vector<16xf32>
    %swap3A_304 = vector.shape_cast %scan3A_190#18 : vector<16xf32> to vector<1x16xf32>
    tpu.vector_store %arg12[%swap3A_300, %swap3A_301], %swap3A_304 {strides = array<i32>} : memref<1x512xf32, #tpu.memory_space<vmem>>, vector<1x16xf32>,
    %swap3A_305 = arith.constant 0 : i32
    %swap3A_306 = arith.index_cast %swap3A_305 : i32 to index
    %swap3A_307 = arith.constant 304 : index
    %swap3A_308 = tpu.vector_load %arg12[%swap3A_306, %swap3A_307] {strides = array<i32>} : memref<1x512xf32, #tpu.memory_space<vmem>>, vector<1x16xf32>,
    %swap3A_309 = vector.shape_cast %swap3A_308 : vector<1x16xf32> to vector<16xf32>
    %swap3A_310 = vector.shape_cast %scan3A_190#19 : vector<16xf32> to vector<1x16xf32>
    tpu.vector_store %arg12[%swap3A_306, %swap3A_307], %swap3A_310 {strides = array<i32>} : memref<1x512xf32, #tpu.memory_space<vmem>>, vector<1x16xf32>,
    %swap3A_311 = arith.constant 0 : i32
    %swap3A_312 = arith.index_cast %swap3A_311 : i32 to index
    %swap3A_313 = arith.constant 320 : index
    %swap3A_314 = tpu.vector_load %arg12[%swap3A_312, %swap3A_313] {strides = array<i32>} : memref<1x512xf32, #tpu.memory_space<vmem>>, vector<1x16xf32>,
    %swap3A_315 = vector.shape_cast %swap3A_314 : vector<1x16xf32> to vector<16xf32>
    %swap3A_316 = vector.shape_cast %scan3A_190#20 : vector<16xf32> to vector<1x16xf32>
    tpu.vector_store %arg12[%swap3A_312, %swap3A_313], %swap3A_316 {strides = array<i32>} : memref<1x512xf32, #tpu.memory_space<vmem>>, vector<1x16xf32>,
    %swap3A_317 = arith.constant 0 : i32
    %swap3A_318 = arith.index_cast %swap3A_317 : i32 to index
    %swap3A_319 = arith.constant 336 : index
    %swap3A_320 = tpu.vector_load %arg12[%swap3A_318, %swap3A_319] {strides = array<i32>} : memref<1x512xf32, #tpu.memory_space<vmem>>, vector<1x16xf32>,
    %swap3A_321 = vector.shape_cast %swap3A_320 : vector<1x16xf32> to vector<16xf32>
    %swap3A_322 = vector.shape_cast %scan3A_190#21 : vector<16xf32> to vector<1x16xf32>
    tpu.vector_store %arg12[%swap3A_318, %swap3A_319], %swap3A_322 {strides = array<i32>} : memref<1x512xf32, #tpu.memory_space<vmem>>, vector<1x16xf32>,
    %swap3A_323 = arith.constant 0 : i32
    %swap3A_324 = arith.index_cast %swap3A_323 : i32 to index
    %swap3A_325 = arith.constant 352 : index
    %swap3A_326 = tpu.vector_load %arg12[%swap3A_324, %swap3A_325] {strides = array<i32>} : memref<1x512xf32, #tpu.memory_space<vmem>>, vector<1x16xf32>,
    %swap3A_327 = vector.shape_cast %swap3A_326 : vector<1x16xf32> to vector<16xf32>
    %swap3A_328 = vector.shape_cast %scan3A_190#22 : vector<16xf32> to vector<1x16xf32>
    tpu.vector_store %arg12[%swap3A_324, %swap3A_325], %swap3A_328 {strides = array<i32>} : memref<1x512xf32, #tpu.memory_space<vmem>>, vector<1x16xf32>,
    %swap3A_329 = arith.constant 0 : i32
    %swap3A_330 = arith.index_cast %swap3A_329 : i32 to index
    %swap3A_331 = arith.constant 368 : index
    %swap3A_332 = tpu.vector_load %arg12[%swap3A_330, %swap3A_331] {strides = array<i32>} : memref<1x512xf32, #tpu.memory_space<vmem>>, vector<1x16xf32>,
    %swap3A_333 = vector.shape_cast %swap3A_332 : vector<1x16xf32> to vector<16xf32>
    %swap3A_334 = vector.shape_cast %scan3A_190#23 : vector<16xf32> to vector<1x16xf32>
    tpu.vector_store %arg12[%swap3A_330, %swap3A_331], %swap3A_334 {strides = array<i32>} : memref<1x512xf32, #tpu.memory_space<vmem>>, vector<1x16xf32>,
    %swap3A_335 = arith.constant 0 : i32
    %swap3A_336 = arith.index_cast %swap3A_335 : i32 to index
    %swap3A_337 = arith.constant 384 : index
    %swap3A_338 = tpu.vector_load %arg12[%swap3A_336, %swap3A_337] {strides = array<i32>} : memref<1x512xf32, #tpu.memory_space<vmem>>, vector<1x16xf32>,
    %swap3A_339 = vector.shape_cast %swap3A_338 : vector<1x16xf32> to vector<16xf32>
    %swap3A_340 = vector.shape_cast %scan3A_190#24 : vector<16xf32> to vector<1x16xf32>
    tpu.vector_store %arg12[%swap3A_336, %swap3A_337], %swap3A_340 {strides = array<i32>} : memref<1x512xf32, #tpu.memory_space<vmem>>, vector<1x16xf32>,
    %swap3A_341 = arith.constant 0 : i32
    %swap3A_342 = arith.index_cast %swap3A_341 : i32 to index
    %swap3A_343 = arith.constant 400 : index
    %swap3A_344 = tpu.vector_load %arg12[%swap3A_342, %swap3A_343] {strides = array<i32>} : memref<1x512xf32, #tpu.memory_space<vmem>>, vector<1x16xf32>,
    %swap3A_345 = vector.shape_cast %swap3A_344 : vector<1x16xf32> to vector<16xf32>
    %swap3A_346 = vector.shape_cast %scan3A_190#25 : vector<16xf32> to vector<1x16xf32>
    tpu.vector_store %arg12[%swap3A_342, %swap3A_343], %swap3A_346 {strides = array<i32>} : memref<1x512xf32, #tpu.memory_space<vmem>>, vector<1x16xf32>,
    %swap3A_347 = arith.constant 0 : i32
    %swap3A_348 = arith.index_cast %swap3A_347 : i32 to index
    %swap3A_349 = arith.constant 416 : index
    %swap3A_350 = tpu.vector_load %arg12[%swap3A_348, %swap3A_349] {strides = array<i32>} : memref<1x512xf32, #tpu.memory_space<vmem>>, vector<1x16xf32>,
    %swap3A_351 = vector.shape_cast %swap3A_350 : vector<1x16xf32> to vector<16xf32>
    %swap3A_352 = vector.shape_cast %scan3A_190#26 : vector<16xf32> to vector<1x16xf32>
    tpu.vector_store %arg12[%swap3A_348, %swap3A_349], %swap3A_352 {strides = array<i32>} : memref<1x512xf32, #tpu.memory_space<vmem>>, vector<1x16xf32>,
    %swap3A_353 = arith.constant 0 : i32
    %swap3A_354 = arith.index_cast %swap3A_353 : i32 to index
    %swap3A_355 = arith.constant 432 : index
    %swap3A_356 = tpu.vector_load %arg12[%swap3A_354, %swap3A_355] {strides = array<i32>} : memref<1x512xf32, #tpu.memory_space<vmem>>, vector<1x16xf32>,
    %swap3A_357 = vector.shape_cast %swap3A_356 : vector<1x16xf32> to vector<16xf32>
    %swap3A_358 = vector.shape_cast %scan3A_190#27 : vector<16xf32> to vector<1x16xf32>
    tpu.vector_store %arg12[%swap3A_354, %swap3A_355], %swap3A_358 {strides = array<i32>} : memref<1x512xf32, #tpu.memory_space<vmem>>, vector<1x16xf32>,
    %swap3A_359 = arith.constant 0 : i32
    %swap3A_360 = arith.index_cast %swap3A_359 : i32 to index
    %swap3A_361 = arith.constant 448 : index
    %swap3A_362 = tpu.vector_load %arg12[%swap3A_360, %swap3A_361] {strides = array<i32>} : memref<1x512xf32, #tpu.memory_space<vmem>>, vector<1x16xf32>,
    %swap3A_363 = vector.shape_cast %swap3A_362 : vector<1x16xf32> to vector<16xf32>
    %swap3A_364 = vector.shape_cast %scan3A_190#28 : vector<16xf32> to vector<1x16xf32>
    tpu.vector_store %arg12[%swap3A_360, %swap3A_361], %swap3A_364 {strides = array<i32>} : memref<1x512xf32, #tpu.memory_space<vmem>>, vector<1x16xf32>,
    %swap3A_365 = arith.constant 0 : i32
    %swap3A_366 = arith.index_cast %swap3A_365 : i32 to index
    %swap3A_367 = arith.constant 464 : index
    %swap3A_368 = tpu.vector_load %arg12[%swap3A_366, %swap3A_367] {strides = array<i32>} : memref<1x512xf32, #tpu.memory_space<vmem>>, vector<1x16xf32>,
    %swap3A_369 = vector.shape_cast %swap3A_368 : vector<1x16xf32> to vector<16xf32>
    %swap3A_370 = vector.shape_cast %scan3A_190#29 : vector<16xf32> to vector<1x16xf32>
    tpu.vector_store %arg12[%swap3A_366, %swap3A_367], %swap3A_370 {strides = array<i32>} : memref<1x512xf32, #tpu.memory_space<vmem>>, vector<1x16xf32>,
    %swap3A_371 = arith.constant 0 : i32
    %swap3A_372 = arith.index_cast %swap3A_371 : i32 to index
    %swap3A_373 = arith.constant 480 : index
    %swap3A_374 = tpu.vector_load %arg12[%swap3A_372, %swap3A_373] {strides = array<i32>} : memref<1x512xf32, #tpu.memory_space<vmem>>, vector<1x16xf32>,
    %swap3A_375 = vector.shape_cast %swap3A_374 : vector<1x16xf32> to vector<16xf32>
    %swap3A_376 = vector.shape_cast %scan3A_190#30 : vector<16xf32> to vector<1x16xf32>
    tpu.vector_store %arg12[%swap3A_372, %swap3A_373], %swap3A_376 {strides = array<i32>} : memref<1x512xf32, #tpu.memory_space<vmem>>, vector<1x16xf32>,
    %swap3A_377 = arith.constant 0 : i32
    %swap3A_378 = arith.index_cast %swap3A_377 : i32 to index
    %swap3A_379 = arith.constant 496 : index
    %swap3A_380 = tpu.vector_load %arg12[%swap3A_378, %swap3A_379] {strides = array<i32>} : memref<1x512xf32, #tpu.memory_space<vmem>>, vector<1x16xf32>,
    %swap3A_381 = vector.shape_cast %swap3A_380 : vector<1x16xf32> to vector<16xf32>
    %swap3A_382 = vector.shape_cast %scan3A_190#31 : vector<16xf32> to vector<1x16xf32>
    tpu.vector_store %arg12[%swap3A_378, %swap3A_379], %swap3A_382 {strides = array<i32>} : memref<1x512xf32, #tpu.memory_space<vmem>>, vector<1x16xf32>,
    %swap3A_383 = arith.constant 0 : i32
    %swap3A_384 = arith.index_cast %swap3A_383 : i32 to index
    %swap3A_385 = arith.constant 0 : index
    %swap3A_386 = tpu.vector_load %arg13[%swap3A_384, %swap3A_385] {strides = array<i32>} : memref<1x128xf32, #tpu.memory_space<vmem>>, vector<1x16xf32>,
    %swap3A_387 = vector.shape_cast %swap3A_386 : vector<1x16xf32> to vector<16xf32>
    %swap3A_388 = vector.shape_cast %broadcast_in_dim3A_159 : vector<16xf32> to vector<1x16xf32>
    tpu.vector_store %arg13[%swap3A_384, %swap3A_385], %swap3A_388 {strides = array<i32>} : memref<1x128xf32, #tpu.memory_space<vmem>>, vector<1x16xf32>,
    %swap3A_389 = arith.constant 0 : i32
    %swap3A_390 = arith.index_cast %swap3A_389 : i32 to index
    %swap3A_391 = arith.constant 16 : index
    %swap3A_392 = tpu.vector_load %arg13[%swap3A_390, %swap3A_391] {strides = array<i32>} : memref<1x128xf32, #tpu.memory_space<vmem>>, vector<1x16xf32>,
    %swap3A_393 = vector.shape_cast %swap3A_392 : vector<1x16xf32> to vector<16xf32>
    %swap3A_394 = vector.shape_cast %broadcast_in_dim3A_159 : vector<16xf32> to vector<1x16xf32>
    tpu.vector_store %arg13[%swap3A_390, %swap3A_391], %swap3A_394 {strides = array<i32>} : memref<1x128xf32, #tpu.memory_space<vmem>>, vector<1x16xf32>,
    %swap3A_395 = arith.constant 0 : i32
    %swap3A_396 = arith.index_cast %swap3A_395 : i32 to index
    %swap3A_397 = arith.constant 32 : index
    %swap3A_398 = tpu.vector_load %arg13[%swap3A_396, %swap3A_397] {strides = array<i32>} : memref<1x128xf32, #tpu.memory_space<vmem>>, vector<1x16xf32>,
    %swap3A_399 = vector.shape_cast %swap3A_398 : vector<1x16xf32> to vector<16xf32>
    %swap3A_400 = vector.shape_cast %broadcast_in_dim3A_159 : vector<16xf32> to vector<1x16xf32>
    tpu.vector_store %arg13[%swap3A_396, %swap3A_397], %swap3A_400 {strides = array<i32>} : memref<1x128xf32, #tpu.memory_space<vmem>>, vector<1x16xf32>,
    %swap3A_401 = arith.constant 0 : i32
    %swap3A_402 = arith.index_cast %swap3A_401 : i32 to index
    %swap3A_403 = arith.constant 48 : index
    %swap3A_404 = tpu.vector_load %arg13[%swap3A_402, %swap3A_403] {strides = array<i32>} : memref<1x128xf32, #tpu.memory_space<vmem>>, vector<1x16xf32>,
    %swap3A_405 = vector.shape_cast %swap3A_404 : vector<1x16xf32> to vector<16xf32>
    %swap3A_406 = vector.shape_cast %broadcast_in_dim3A_159 : vector<16xf32> to vector<1x16xf32>
    tpu.vector_store %arg13[%swap3A_402, %swap3A_403], %swap3A_406 {strides = array<i32>} : memref<1x128xf32, #tpu.memory_space<vmem>>, vector<1x16xf32>,
    %swap3A_407 = arith.constant 0 : i32
    %swap3A_408 = arith.index_cast %swap3A_407 : i32 to index
    %swap3A_409 = arith.constant 64 : index
    %swap3A_410 = tpu.vector_load %arg13[%swap3A_408, %swap3A_409] {strides = array<i32>} : memref<1x128xf32, #tpu.memory_space<vmem>>, vector<1x16xf32>,
    %swap3A_411 = vector.shape_cast %swap3A_410 : vector<1x16xf32> to vector<16xf32>
    %swap3A_412 = vector.shape_cast %broadcast_in_dim3A_159 : vector<16xf32> to vector<1x16xf32>
    tpu.vector_store %arg13[%swap3A_408, %swap3A_409], %swap3A_412 {strides = array<i32>} : memref<1x128xf32, #tpu.memory_space<vmem>>, vector<1x16xf32>,
    %swap3A_413 = arith.constant 0 : i32
    %swap3A_414 = arith.index_cast %swap3A_413 : i32 to index
    %swap3A_415 = arith.constant 80 : index
    %swap3A_416 = tpu.vector_load %arg13[%swap3A_414, %swap3A_415] {strides = array<i32>} : memref<1x128xf32, #tpu.memory_space<vmem>>, vector<1x16xf32>,
    %swap3A_417 = vector.shape_cast %swap3A_416 : vector<1x16xf32> to vector<16xf32>
    %swap3A_418 = vector.shape_cast %broadcast_in_dim3A_159 : vector<16xf32> to vector<1x16xf32>
    tpu.vector_store %arg13[%swap3A_414, %swap3A_415], %swap3A_418 {strides = array<i32>} : memref<1x128xf32, #tpu.memory_space<vmem>>, vector<1x16xf32>,
    %swap3A_419 = arith.constant 0 : i32
    %swap3A_420 = arith.index_cast %swap3A_419 : i32 to index
    %swap3A_421 = arith.constant 96 : index
    %swap3A_422 = tpu.vector_load %arg13[%swap3A_420, %swap3A_421] {strides = array<i32>} : memref<1x128xf32, #tpu.memory_space<vmem>>, vector<1x16xf32>,
    %swap3A_423 = vector.shape_cast %swap3A_422 : vector<1x16xf32> to vector<16xf32>
    %swap3A_424 = vector.shape_cast %broadcast_in_dim3A_159 : vector<16xf32> to vector<1x16xf32>
    tpu.vector_store %arg13[%swap3A_420, %swap3A_421], %swap3A_424 {strides = array<i32>} : memref<1x128xf32, #tpu.memory_space<vmem>>, vector<1x16xf32>,
    %swap3A_425 = arith.constant 0 : i32
    %swap3A_426 = arith.index_cast %swap3A_425 : i32 to index
    %swap3A_427 = arith.constant 112 : index
    %swap3A_428 = tpu.vector_load %arg13[%swap3A_426, %swap3A_427] {strides = array<i32>} : memref<1x128xf32, #tpu.memory_space<vmem>>, vector<1x16xf32>,
    %swap3A_429 = vector.shape_cast %swap3A_428 : vector<1x16xf32> to vector<16xf32>
    %swap3A_430 = vector.shape_cast %broadcast_in_dim3A_159 : vector<16xf32> to vector<1x16xf32>
    tpu.vector_store %arg13[%swap3A_426, %swap3A_427], %swap3A_430 {strides = array<i32>} : memref<1x128xf32, #tpu.memory_space<vmem>>, vector<1x16xf32>,
    %mul3A_431 = arith.constant 6.250000e-02 : f32
    %mul3A_432 = vector.broadcast %mul3A_431 : f32 to vector<16xf32>
    %mul3A_433 = arith.mulf %scan3A_190#32, %mul3A_432 : vector<16xf32>
    %swap3A_434 = arith.constant 0 : i32
    %swap3A_435 = arith.index_cast %swap3A_434 : i32 to index
    %swap3A_436 = arith.constant 0 : index
    %swap3A_437 = tpu.vector_load %arg13[%swap3A_435, %swap3A_436] {strides = array<i32>} : memref<1x128xf32, #tpu.memory_space<vmem>>, vector<1x16xf32>,
    %swap3A_438 = vector.shape_cast %swap3A_437 : vector<1x16xf32> to vector<16xf32>
    %swap3A_439 = vector.shape_cast %mul3A_433 : vector<16xf32> to vector<1x16xf32>
    tpu.vector_store %arg13[%swap3A_435, %swap3A_436], %swap3A_439 {strides = array<i32>} : memref<1x128xf32, #tpu.memory_space<vmem>>, vector<1x16xf32>,
    %run_scoped3A = arith.constant 0 : i32
    "tpu.region"() ({
      %run_scoped3A_441 = tpu.sem_alloc : memref<!tpu.dma_semaphore, #tpu.memory_space<semaphore_mem>>
      %dma_start3A_442 = arith.constant 0 : i32
      %dma_start3A_443 = tpu.memref_slice %arg12[%run_scoped3A, %dma_start3A_442] : memref<1x512xf32, #tpu.memory_space<vmem>> -> memref<1x512xf32, #tpu.memory_space<vmem>>
      %dma_start3A_444 = tpu.memref_squeeze %dma_start3A_443 : memref<1x512xf32, #tpu.memory_space<vmem>> -> memref<512xf32, #tpu.memory_space<vmem>>
      %dma_start3A_445 = arith.constant 0 : i32
      %dma_start3A_446 = tpu.memref_slice %arg5[%add3A, %dma_start3A_445] : memref<32x512xf32, #tpu.memory_space<hbm>> -> memref<1x512xf32, #tpu.memory_space<hbm>>
      %dma_start3A_447 = tpu.memref_squeeze %dma_start3A_446 : memref<1x512xf32, #tpu.memory_space<hbm>> -> memref<512xf32, #tpu.memory_space<hbm>>
      %dma_start3A_448 = arith.constant 0 : i32
      %dma_start3A_449 = tpu.memref_slice %arg5[%add3A, %dma_start3A_448] : memref<32x512xf32, #tpu.memory_space<hbm>> -> memref<1x512xf32, #tpu.memory_space<hbm>>
      %dma_start3A_450 = tpu.memref_squeeze %dma_start3A_449 : memref<1x512xf32, #tpu.memory_space<hbm>> -> memref<512xf32, #tpu.memory_space<hbm>>
      %dma_start3A_451 = arith.constant 0 : i32
      %dma_start3A_452 = tpu.memref_slice %arg12[%run_scoped3A, %dma_start3A_451] : memref<1x512xf32, #tpu.memory_space<vmem>> -> memref<1x512xf32, #tpu.memory_space<vmem>>
      %dma_start3A_453 = tpu.memref_squeeze %dma_start3A_452 : memref<1x512xf32, #tpu.memory_space<vmem>> -> memref<512xf32, #tpu.memory_space<vmem>>
      tpu.enqueue_dma source(%dma_start3A_453 : memref<512xf32, #tpu.memory_space<vmem>>) target(%dma_start3A_450 : memref<512xf32, #tpu.memory_space<hbm>>) target_semaphore(%run_scoped3A_441 : memref<!tpu.dma_semaphore, #tpu.memory_space<semaphore_mem>>)
      %dma_wait3A_454 = arith.constant 0 : i32
      %dma_wait3A_455 = tpu.memref_slice %arg12[%run_scoped3A, %dma_wait3A_454] : memref<1x512xf32, #tpu.memory_space<vmem>> -> memref<1x512xf32, #tpu.memory_space<vmem>>
      %dma_wait3A_456 = tpu.memref_squeeze %dma_wait3A_455 : memref<1x512xf32, #tpu.memory_space<vmem>> -> memref<512xf32, #tpu.memory_space<vmem>>
      %dma_wait3A_457 = arith.constant 0 : i32
      %dma_wait3A_458 = tpu.memref_slice %arg5[%add3A, %dma_wait3A_457] : memref<32x512xf32, #tpu.memory_space<hbm>> -> memref<1x512xf32, #tpu.memory_space<hbm>>
      %dma_wait3A_459 = tpu.memref_squeeze %dma_wait3A_458 : memref<1x512xf32, #tpu.memory_space<hbm>> -> memref<512xf32, #tpu.memory_space<hbm>>
      %dma_wait3A_460 = arith.constant 0 : i32
      %dma_wait3A_461 = tpu.memref_slice %arg5[%add3A, %dma_wait3A_460] : memref<32x512xf32, #tpu.memory_space<hbm>> -> memref<1x512xf32, #tpu.memory_space<hbm>>
      %dma_wait3A_462 = tpu.memref_squeeze %dma_wait3A_461 : memref<1x512xf32, #tpu.memory_space<hbm>> -> memref<512xf32, #tpu.memory_space<hbm>>
      %dma_wait3A_463 = arith.constant 0 : i32
      %dma_wait3A_464 = tpu.memref_slice %arg12[%run_scoped3A, %dma_wait3A_463] : memref<1x512xf32, #tpu.memory_space<vmem>> -> memref<1x512xf32, #tpu.memory_space<vmem>>
      %dma_wait3A_465 = tpu.memref_squeeze %dma_wait3A_464 : memref<1x512xf32, #tpu.memory_space<vmem>> -> memref<512xf32, #tpu.memory_space<vmem>>
      tpu.wait_dma2 semaphore(%run_scoped3A_441 : memref<!tpu.dma_semaphore, #tpu.memory_space<semaphore_mem>>) src(%dma_wait3A_465 : memref<512xf32, #tpu.memory_space<vmem>>) dst(%dma_wait3A_462 : memref<512xf32, #tpu.memory_space<hbm>>)
      tpu.yield
    }) : () -> ()
    %run_scoped3A_440 = arith.constant 0 : i32
    "tpu.region"() ({
      %run_scoped3A_441 = tpu.sem_alloc : memref<!tpu.dma_semaphore, #tpu.memory_space<semaphore_mem>>
      %dma_start3A_442 = arith.constant 0 : i32
      %dma_start3A_443 = tpu.memref_slice %arg13[%run_scoped3A_440, %dma_start3A_442] : memref<1x128xf32, #tpu.memory_space<vmem>> -> memref<1x128xf32, #tpu.memory_space<vmem>>
      %dma_start3A_444 = tpu.memref_squeeze %dma_start3A_443 : memref<1x128xf32, #tpu.memory_space<vmem>> -> memref<128xf32, #tpu.memory_space<vmem>>
      %dma_start3A_445 = arith.constant 0 : i32
      %dma_start3A_446 = tpu.memref_slice %arg6[%add3A, %dma_start3A_445] : memref<32x128xf32, #tpu.memory_space<hbm>> -> memref<1x128xf32, #tpu.memory_space<hbm>>
      %dma_start3A_447 = tpu.memref_squeeze %dma_start3A_446 : memref<1x128xf32, #tpu.memory_space<hbm>> -> memref<128xf32, #tpu.memory_space<hbm>>
      %dma_start3A_448 = arith.constant 0 : i32
      %dma_start3A_449 = tpu.memref_slice %arg6[%add3A, %dma_start3A_448] : memref<32x128xf32, #tpu.memory_space<hbm>> -> memref<1x128xf32, #tpu.memory_space<hbm>>
      %dma_start3A_450 = tpu.memref_squeeze %dma_start3A_449 : memref<1x128xf32, #tpu.memory_space<hbm>> -> memref<128xf32, #tpu.memory_space<hbm>>
      %dma_start3A_451 = arith.constant 0 : i32
      %dma_start3A_452 = tpu.memref_slice %arg13[%run_scoped3A_440, %dma_start3A_451] : memref<1x128xf32, #tpu.memory_space<vmem>> -> memref<1x128xf32, #tpu.memory_space<vmem>>
      %dma_start3A_453 = tpu.memref_squeeze %dma_start3A_452 : memref<1x128xf32, #tpu.memory_space<vmem>> -> memref<128xf32, #tpu.memory_space<vmem>>
      tpu.enqueue_dma source(%dma_start3A_453 : memref<128xf32, #tpu.memory_space<vmem>>) target(%dma_start3A_450 : memref<128xf32, #tpu.memory_space<hbm>>) target_semaphore(%run_scoped3A_441 : memref<!tpu.dma_semaphore, #tpu.memory_space<semaphore_mem>>)
      %dma_wait3A_454 = arith.constant 0 : i32
      %dma_wait3A_455 = tpu.memref_slice %arg13[%run_scoped3A_440, %dma_wait3A_454] : memref<1x128xf32, #tpu.memory_space<vmem>> -> memref<1x128xf32, #tpu.memory_space<vmem>>
      %dma_wait3A_456 = tpu.memref_squeeze %dma_wait3A_455 : memref<1x128xf32, #tpu.memory_space<vmem>> -> memref<128xf32, #tpu.memory_space<vmem>>
      %dma_wait3A_457 = arith.constant 0 : i32
      %dma_wait3A_458 = tpu.memref_slice %arg6[%add3A, %dma_wait3A_457] : memref<32x128xf32, #tpu.memory_space<hbm>> -> memref<1x128xf32, #tpu.memory_space<hbm>>
      %dma_wait3A_459 = tpu.memref_squeeze %dma_wait3A_458 : memref<1x128xf32, #tpu.memory_space<hbm>> -> memref<128xf32, #tpu.memory_space<hbm>>
      %dma_wait3A_460 = arith.constant 0 : i32
      %dma_wait3A_461 = tpu.memref_slice %arg6[%add3A, %dma_wait3A_460] : memref<32x128xf32, #tpu.memory_space<hbm>> -> memref<1x128xf32, #tpu.memory_space<hbm>>
      %dma_wait3A_462 = tpu.memref_squeeze %dma_wait3A_461 : memref<1x128xf32, #tpu.memory_space<hbm>> -> memref<128xf32, #tpu.memory_space<hbm>>
      %dma_wait3A_463 = arith.constant 0 : i32
      %dma_wait3A_464 = tpu.memref_slice %arg13[%run_scoped3A_440, %dma_wait3A_463] : memref<1x128xf32, #tpu.memory_space<vmem>> -> memref<1x128xf32, #tpu.memory_space<vmem>>
      %dma_wait3A_465 = tpu.memref_squeeze %dma_wait3A_464 : memref<1x128xf32, #tpu.memory_space<vmem>> -> memref<128xf32, #tpu.memory_space<vmem>>
      tpu.wait_dma2 semaphore(%run_scoped3A_441 : memref<!tpu.dma_semaphore, #tpu.memory_space<semaphore_mem>>) src(%dma_wait3A_465 : memref<128xf32, #tpu.memory_space<vmem>>) dst(%dma_wait3A_462 : memref<128xf32, #tpu.memory_space<hbm>>)
      tpu.yield
    }) : () -> ()
    return
  }
}

module attributes {stable_mosaic.version = 14 : i64} {
  func.func @_tc_soft_read_kernel(%arg0: memref<1x128xf32, #tpu.memory_space<vmem>>, %arg1: memref<100000x128xf32, #tpu.memory_space<hbm>>, %arg2: memref<100000x512xf32, #tpu.memory_space<hbm>>, %arg3: memref<1x512xf32, #tpu.memory_space<vmem>>, %arg4: memref<1x128xf32, #tpu.memory_space<vmem>>, %arg5: memref<880x128xf32, #tpu.memory_space<vmem>>, %arg6: memref<880x128xf32, #tpu.memory_space<vmem>>, %arg7: memref<880x128xf32, #tpu.memory_space<vmem>>, %arg8: memref<880x128xf32, #tpu.memory_space<vmem>>, %arg9: memref<880x128xf32, #tpu.memory_space<vmem>>, %arg10: memref<880x128xf32, #tpu.memory_space<vmem>>, %arg11: memref<880x128xf32, #tpu.memory_space<vmem>>, %arg12: memref<880x128xf32, #tpu.memory_space<vmem>>, %arg13: memref<880x128xf32, #tpu.memory_space<vmem>>, %arg14: memref<880x128xf32, #tpu.memory_space<vmem>>, %arg15: memref<880x512xf32, #tpu.memory_space<vmem>>, %arg16: memref<880x512xf32, #tpu.memory_space<vmem>>, %arg17: memref<880x512xf32, #tpu.memory_space<vmem>>, %arg18: memref<880x512xf32, #tpu.memory_space<vmem>>, %arg19: memref<880x512xf32, #tpu.memory_space<vmem>>, %arg20: memref<880x512xf32, #tpu.memory_space<vmem>>, %arg21: memref<880x512xf32, #tpu.memory_space<vmem>>, %arg22: memref<880x512xf32, #tpu.memory_space<vmem>>, %arg23: memref<880x512xf32, #tpu.memory_space<vmem>>, %arg24: memref<880x512xf32, #tpu.memory_space<vmem>>, %arg25: memref<10x2x!tpu.dma_semaphore, #tpu.memory_space<semaphore_mem>>) attributes {dimension_semantics = [], scalar_prefetch = 0 : i64, scratch_operands = 21 : i64, tpu.core_type = #tpu.core_type<tc>} {
    %dma_start3A = arith.constant 0 : i32
    %dma_start3A_0 = arith.constant 0 : i32
    %dma_start3A_1 = tpu.memref_slice %arg25[%dma_start3A, %dma_start3A_0] : memref<10x2x!tpu.dma_semaphore, #tpu.memory_space<semaphore_mem>> -> memref<1x1x!tpu.dma_semaphore, #tpu.memory_space<semaphore_mem>>
    %dma_start3A_2 = tpu.memref_squeeze %dma_start3A_1 : memref<1x1x!tpu.dma_semaphore, #tpu.memory_space<semaphore_mem>> -> memref<!tpu.dma_semaphore, #tpu.memory_space<semaphore_mem>>
    %dma_start3A_3 = arith.constant 26400 : i32
    %dma_start3A_4 = arith.constant 0 : i32
    %dma_start3A_5 = tpu.memref_slice %arg1[%dma_start3A_3, %dma_start3A_4] : memref<100000x128xf32, #tpu.memory_space<hbm>> -> memref<880x128xf32, #tpu.memory_space<hbm>>
    tpu.enqueue_dma source(%dma_start3A_5 : memref<880x128xf32, #tpu.memory_space<hbm>>) target(%arg5 : memref<880x128xf32, #tpu.memory_space<vmem>>) target_semaphore(%dma_start3A_2 : memref<!tpu.dma_semaphore, #tpu.memory_space<semaphore_mem>>)
    %dma_start3A_6 = arith.constant 0 : i32
    %dma_start3A_7 = arith.constant 1 : i32
    %dma_start3A_8 = tpu.memref_slice %arg25[%dma_start3A_6, %dma_start3A_7] : memref<10x2x!tpu.dma_semaphore, #tpu.memory_space<semaphore_mem>> -> memref<1x1x!tpu.dma_semaphore, #tpu.memory_space<semaphore_mem>>
    %dma_start3A_9 = tpu.memref_squeeze %dma_start3A_8 : memref<1x1x!tpu.dma_semaphore, #tpu.memory_space<semaphore_mem>> -> memref<!tpu.dma_semaphore, #tpu.memory_space<semaphore_mem>>
    %dma_start3A_10 = arith.constant 26400 : i32
    %dma_start3A_11 = arith.constant 0 : i32
    %dma_start3A_12 = tpu.memref_slice %arg2[%dma_start3A_10, %dma_start3A_11] : memref<100000x512xf32, #tpu.memory_space<hbm>> -> memref<880x512xf32, #tpu.memory_space<hbm>>
    tpu.enqueue_dma source(%dma_start3A_12 : memref<880x512xf32, #tpu.memory_space<hbm>>) target(%arg15 : memref<880x512xf32, #tpu.memory_space<vmem>>) target_semaphore(%dma_start3A_9 : memref<!tpu.dma_semaphore, #tpu.memory_space<semaphore_mem>>)
    %dma_start3A_13 = arith.constant 1 : i32
    %dma_start3A_14 = arith.constant 0 : i32
    %dma_start3A_15 = tpu.memref_slice %arg25[%dma_start3A_13, %dma_start3A_14] : memref<10x2x!tpu.dma_semaphore, #tpu.memory_space<semaphore_mem>> -> memref<1x1x!tpu.dma_semaphore, #tpu.memory_space<semaphore_mem>>
    %dma_start3A_16 = tpu.memref_squeeze %dma_start3A_15 : memref<1x1x!tpu.dma_semaphore, #tpu.memory_space<semaphore_mem>> -> memref<!tpu.dma_semaphore, #tpu.memory_space<semaphore_mem>>
    %dma_start3A_17 = arith.constant 27280 : i32
    %dma_start3A_18 = arith.constant 0 : i32
    %dma_start3A_19 = tpu.memref_slice %arg1[%dma_start3A_17, %dma_start3A_18] : memref<100000x128xf32, #tpu.memory_space<hbm>> -> memref<880x128xf32, #tpu.memory_space<hbm>>
    tpu.enqueue_dma source(%dma_start3A_19 : memref<880x128xf32, #tpu.memory_space<hbm>>) target(%arg6 : memref<880x128xf32, #tpu.memory_space<vmem>>) target_semaphore(%dma_start3A_16 : memref<!tpu.dma_semaphore, #tpu.memory_space<semaphore_mem>>)
    %dma_start3A_20 = arith.constant 1 : i32
    %dma_start3A_21 = arith.constant 1 : i32
    %dma_start3A_22 = tpu.memref_slice %arg25[%dma_start3A_20, %dma_start3A_21] : memref<10x2x!tpu.dma_semaphore, #tpu.memory_space<semaphore_mem>> -> memref<1x1x!tpu.dma_semaphore, #tpu.memory_space<semaphore_mem>>
    %dma_start3A_23 = tpu.memref_squeeze %dma_start3A_22 : memref<1x1x!tpu.dma_semaphore, #tpu.memory_space<semaphore_mem>> -> memref<!tpu.dma_semaphore, #tpu.memory_space<semaphore_mem>>
    %dma_start3A_24 = arith.constant 27280 : i32
    %dma_start3A_25 = arith.constant 0 : i32
    %dma_start3A_26 = tpu.memref_slice %arg2[%dma_start3A_24, %dma_start3A_25] : memref<100000x512xf32, #tpu.memory_space<hbm>> -> memref<880x512xf32, #tpu.memory_space<hbm>>
    tpu.enqueue_dma source(%dma_start3A_26 : memref<880x512xf32, #tpu.memory_space<hbm>>) target(%arg16 : memref<880x512xf32, #tpu.memory_space<vmem>>) target_semaphore(%dma_start3A_23 : memref<!tpu.dma_semaphore, #tpu.memory_space<semaphore_mem>>)
    %dma_start3A_27 = arith.constant 2 : i32
    %dma_start3A_28 = arith.constant 0 : i32
    %dma_start3A_29 = tpu.memref_slice %arg25[%dma_start3A_27, %dma_start3A_28] : memref<10x2x!tpu.dma_semaphore, #tpu.memory_space<semaphore_mem>> -> memref<1x1x!tpu.dma_semaphore, #tpu.memory_space<semaphore_mem>>
    %dma_start3A_30 = tpu.memref_squeeze %dma_start3A_29 : memref<1x1x!tpu.dma_semaphore, #tpu.memory_space<semaphore_mem>> -> memref<!tpu.dma_semaphore, #tpu.memory_space<semaphore_mem>>
    %dma_start3A_31 = arith.constant 28160 : i32
    %dma_start3A_32 = arith.constant 0 : i32
    %dma_start3A_33 = tpu.memref_slice %arg1[%dma_start3A_31, %dma_start3A_32] : memref<100000x128xf32, #tpu.memory_space<hbm>> -> memref<880x128xf32, #tpu.memory_space<hbm>>
    tpu.enqueue_dma source(%dma_start3A_33 : memref<880x128xf32, #tpu.memory_space<hbm>>) target(%arg7 : memref<880x128xf32, #tpu.memory_space<vmem>>) target_semaphore(%dma_start3A_30 : memref<!tpu.dma_semaphore, #tpu.memory_space<semaphore_mem>>)
    %dma_start3A_34 = arith.constant 2 : i32
    %dma_start3A_35 = arith.constant 1 : i32
    %dma_start3A_36 = tpu.memref_slice %arg25[%dma_start3A_34, %dma_start3A_35] : memref<10x2x!tpu.dma_semaphore, #tpu.memory_space<semaphore_mem>> -> memref<1x1x!tpu.dma_semaphore, #tpu.memory_space<semaphore_mem>>
    %dma_start3A_37 = tpu.memref_squeeze %dma_start3A_36 : memref<1x1x!tpu.dma_semaphore, #tpu.memory_space<semaphore_mem>> -> memref<!tpu.dma_semaphore, #tpu.memory_space<semaphore_mem>>
    %dma_start3A_38 = arith.constant 28160 : i32
    %dma_start3A_39 = arith.constant 0 : i32
    %dma_start3A_40 = tpu.memref_slice %arg2[%dma_start3A_38, %dma_start3A_39] : memref<100000x512xf32, #tpu.memory_space<hbm>> -> memref<880x512xf32, #tpu.memory_space<hbm>>
    tpu.enqueue_dma source(%dma_start3A_40 : memref<880x512xf32, #tpu.memory_space<hbm>>) target(%arg17 : memref<880x512xf32, #tpu.memory_space<vmem>>) target_semaphore(%dma_start3A_37 : memref<!tpu.dma_semaphore, #tpu.memory_space<semaphore_mem>>)
    %dma_start3A_41 = arith.constant 3 : i32
    %dma_start3A_42 = arith.constant 0 : i32
    %dma_start3A_43 = tpu.memref_slice %arg25[%dma_start3A_41, %dma_start3A_42] : memref<10x2x!tpu.dma_semaphore, #tpu.memory_space<semaphore_mem>> -> memref<1x1x!tpu.dma_semaphore, #tpu.memory_space<semaphore_mem>>
    %dma_start3A_44 = tpu.memref_squeeze %dma_start3A_43 : memref<1x1x!tpu.dma_semaphore, #tpu.memory_space<semaphore_mem>> -> memref<!tpu.dma_semaphore, #tpu.memory_space<semaphore_mem>>
    %dma_start3A_45 = arith.constant 29040 : i32
    %dma_start3A_46 = arith.constant 0 : i32
    %dma_start3A_47 = tpu.memref_slice %arg1[%dma_start3A_45, %dma_start3A_46] : memref<100000x128xf32, #tpu.memory_space<hbm>> -> memref<880x128xf32, #tpu.memory_space<hbm>>
    tpu.enqueue_dma source(%dma_start3A_47 : memref<880x128xf32, #tpu.memory_space<hbm>>) target(%arg8 : memref<880x128xf32, #tpu.memory_space<vmem>>) target_semaphore(%dma_start3A_44 : memref<!tpu.dma_semaphore, #tpu.memory_space<semaphore_mem>>)
    %dma_start3A_48 = arith.constant 3 : i32
    %dma_start3A_49 = arith.constant 1 : i32
    %dma_start3A_50 = tpu.memref_slice %arg25[%dma_start3A_48, %dma_start3A_49] : memref<10x2x!tpu.dma_semaphore, #tpu.memory_space<semaphore_mem>> -> memref<1x1x!tpu.dma_semaphore, #tpu.memory_space<semaphore_mem>>
    %dma_start3A_51 = tpu.memref_squeeze %dma_start3A_50 : memref<1x1x!tpu.dma_semaphore, #tpu.memory_space<semaphore_mem>> -> memref<!tpu.dma_semaphore, #tpu.memory_space<semaphore_mem>>
    %dma_start3A_52 = arith.constant 29040 : i32
    %dma_start3A_53 = arith.constant 0 : i32
    %dma_start3A_54 = tpu.memref_slice %arg2[%dma_start3A_52, %dma_start3A_53] : memref<100000x512xf32, #tpu.memory_space<hbm>> -> memref<880x512xf32, #tpu.memory_space<hbm>>
    tpu.enqueue_dma source(%dma_start3A_54 : memref<880x512xf32, #tpu.memory_space<hbm>>) target(%arg18 : memref<880x512xf32, #tpu.memory_space<vmem>>) target_semaphore(%dma_start3A_51 : memref<!tpu.dma_semaphore, #tpu.memory_space<semaphore_mem>>)
    %dma_start3A_55 = arith.constant 4 : i32
    %dma_start3A_56 = arith.constant 0 : i32
    %dma_start3A_57 = tpu.memref_slice %arg25[%dma_start3A_55, %dma_start3A_56] : memref<10x2x!tpu.dma_semaphore, #tpu.memory_space<semaphore_mem>> -> memref<1x1x!tpu.dma_semaphore, #tpu.memory_space<semaphore_mem>>
    %dma_start3A_58 = tpu.memref_squeeze %dma_start3A_57 : memref<1x1x!tpu.dma_semaphore, #tpu.memory_space<semaphore_mem>> -> memref<!tpu.dma_semaphore, #tpu.memory_space<semaphore_mem>>
    %dma_start3A_59 = arith.constant 29920 : i32
    %dma_start3A_60 = arith.constant 0 : i32
    %dma_start3A_61 = tpu.memref_slice %arg1[%dma_start3A_59, %dma_start3A_60] : memref<100000x128xf32, #tpu.memory_space<hbm>> -> memref<880x128xf32, #tpu.memory_space<hbm>>
    tpu.enqueue_dma source(%dma_start3A_61 : memref<880x128xf32, #tpu.memory_space<hbm>>) target(%arg9 : memref<880x128xf32, #tpu.memory_space<vmem>>) target_semaphore(%dma_start3A_58 : memref<!tpu.dma_semaphore, #tpu.memory_space<semaphore_mem>>)
    %dma_start3A_62 = arith.constant 4 : i32
    %dma_start3A_63 = arith.constant 1 : i32
    %dma_start3A_64 = tpu.memref_slice %arg25[%dma_start3A_62, %dma_start3A_63] : memref<10x2x!tpu.dma_semaphore, #tpu.memory_space<semaphore_mem>> -> memref<1x1x!tpu.dma_semaphore, #tpu.memory_space<semaphore_mem>>
    %dma_start3A_65 = tpu.memref_squeeze %dma_start3A_64 : memref<1x1x!tpu.dma_semaphore, #tpu.memory_space<semaphore_mem>> -> memref<!tpu.dma_semaphore, #tpu.memory_space<semaphore_mem>>
    %dma_start3A_66 = arith.constant 29920 : i32
    %dma_start3A_67 = arith.constant 0 : i32
    %dma_start3A_68 = tpu.memref_slice %arg2[%dma_start3A_66, %dma_start3A_67] : memref<100000x512xf32, #tpu.memory_space<hbm>> -> memref<880x512xf32, #tpu.memory_space<hbm>>
    tpu.enqueue_dma source(%dma_start3A_68 : memref<880x512xf32, #tpu.memory_space<hbm>>) target(%arg19 : memref<880x512xf32, #tpu.memory_space<vmem>>) target_semaphore(%dma_start3A_65 : memref<!tpu.dma_semaphore, #tpu.memory_space<semaphore_mem>>)
    %dma_start3A_69 = arith.constant 5 : i32
    %dma_start3A_70 = arith.constant 0 : i32
    %dma_start3A_71 = tpu.memref_slice %arg25[%dma_start3A_69, %dma_start3A_70] : memref<10x2x!tpu.dma_semaphore, #tpu.memory_space<semaphore_mem>> -> memref<1x1x!tpu.dma_semaphore, #tpu.memory_space<semaphore_mem>>
    %dma_start3A_72 = tpu.memref_squeeze %dma_start3A_71 : memref<1x1x!tpu.dma_semaphore, #tpu.memory_space<semaphore_mem>> -> memref<!tpu.dma_semaphore, #tpu.memory_space<semaphore_mem>>
    %dma_start3A_73 = arith.constant 30800 : i32
    %dma_start3A_74 = arith.constant 0 : i32
    %dma_start3A_75 = tpu.memref_slice %arg1[%dma_start3A_73, %dma_start3A_74] : memref<100000x128xf32, #tpu.memory_space<hbm>> -> memref<880x128xf32, #tpu.memory_space<hbm>>
    tpu.enqueue_dma source(%dma_start3A_75 : memref<880x128xf32, #tpu.memory_space<hbm>>) target(%arg10 : memref<880x128xf32, #tpu.memory_space<vmem>>) target_semaphore(%dma_start3A_72 : memref<!tpu.dma_semaphore, #tpu.memory_space<semaphore_mem>>)
    %dma_start3A_76 = arith.constant 5 : i32
    %dma_start3A_77 = arith.constant 1 : i32
    %dma_start3A_78 = tpu.memref_slice %arg25[%dma_start3A_76, %dma_start3A_77] : memref<10x2x!tpu.dma_semaphore, #tpu.memory_space<semaphore_mem>> -> memref<1x1x!tpu.dma_semaphore, #tpu.memory_space<semaphore_mem>>
    %dma_start3A_79 = tpu.memref_squeeze %dma_start3A_78 : memref<1x1x!tpu.dma_semaphore, #tpu.memory_space<semaphore_mem>> -> memref<!tpu.dma_semaphore, #tpu.memory_space<semaphore_mem>>
    %dma_start3A_80 = arith.constant 30800 : i32
    %dma_start3A_81 = arith.constant 0 : i32
    %dma_start3A_82 = tpu.memref_slice %arg2[%dma_start3A_80, %dma_start3A_81] : memref<100000x512xf32, #tpu.memory_space<hbm>> -> memref<880x512xf32, #tpu.memory_space<hbm>>
    tpu.enqueue_dma source(%dma_start3A_82 : memref<880x512xf32, #tpu.memory_space<hbm>>) target(%arg20 : memref<880x512xf32, #tpu.memory_space<vmem>>) target_semaphore(%dma_start3A_79 : memref<!tpu.dma_semaphore, #tpu.memory_space<semaphore_mem>>)
    %dma_start3A_83 = arith.constant 6 : i32
    %dma_start3A_84 = arith.constant 0 : i32
    %dma_start3A_85 = tpu.memref_slice %arg25[%dma_start3A_83, %dma_start3A_84] : memref<10x2x!tpu.dma_semaphore, #tpu.memory_space<semaphore_mem>> -> memref<1x1x!tpu.dma_semaphore, #tpu.memory_space<semaphore_mem>>
    %dma_start3A_86 = tpu.memref_squeeze %dma_start3A_85 : memref<1x1x!tpu.dma_semaphore, #tpu.memory_space<semaphore_mem>> -> memref<!tpu.dma_semaphore, #tpu.memory_space<semaphore_mem>>
    %dma_start3A_87 = arith.constant 31680 : i32
    %dma_start3A_88 = arith.constant 0 : i32
    %dma_start3A_89 = tpu.memref_slice %arg1[%dma_start3A_87, %dma_start3A_88] : memref<100000x128xf32, #tpu.memory_space<hbm>> -> memref<880x128xf32, #tpu.memory_space<hbm>>
    tpu.enqueue_dma source(%dma_start3A_89 : memref<880x128xf32, #tpu.memory_space<hbm>>) target(%arg11 : memref<880x128xf32, #tpu.memory_space<vmem>>) target_semaphore(%dma_start3A_86 : memref<!tpu.dma_semaphore, #tpu.memory_space<semaphore_mem>>)
    %dma_start3A_90 = arith.constant 6 : i32
    %dma_start3A_91 = arith.constant 1 : i32
    %dma_start3A_92 = tpu.memref_slice %arg25[%dma_start3A_90, %dma_start3A_91] : memref<10x2x!tpu.dma_semaphore, #tpu.memory_space<semaphore_mem>> -> memref<1x1x!tpu.dma_semaphore, #tpu.memory_space<semaphore_mem>>
    %dma_start3A_93 = tpu.memref_squeeze %dma_start3A_92 : memref<1x1x!tpu.dma_semaphore, #tpu.memory_space<semaphore_mem>> -> memref<!tpu.dma_semaphore, #tpu.memory_space<semaphore_mem>>
    %dma_start3A_94 = arith.constant 31680 : i32
    %dma_start3A_95 = arith.constant 0 : i32
    %dma_start3A_96 = tpu.memref_slice %arg2[%dma_start3A_94, %dma_start3A_95] : memref<100000x512xf32, #tpu.memory_space<hbm>> -> memref<880x512xf32, #tpu.memory_space<hbm>>
    tpu.enqueue_dma source(%dma_start3A_96 : memref<880x512xf32, #tpu.memory_space<hbm>>) target(%arg21 : memref<880x512xf32, #tpu.memory_space<vmem>>) target_semaphore(%dma_start3A_93 : memref<!tpu.dma_semaphore, #tpu.memory_space<semaphore_mem>>)
    %dma_start3A_97 = arith.constant 7 : i32
    %dma_start3A_98 = arith.constant 0 : i32
    %dma_start3A_99 = tpu.memref_slice %arg25[%dma_start3A_97, %dma_start3A_98] : memref<10x2x!tpu.dma_semaphore, #tpu.memory_space<semaphore_mem>> -> memref<1x1x!tpu.dma_semaphore, #tpu.memory_space<semaphore_mem>>
    %dma_start3A_100 = tpu.memref_squeeze %dma_start3A_99 : memref<1x1x!tpu.dma_semaphore, #tpu.memory_space<semaphore_mem>> -> memref<!tpu.dma_semaphore, #tpu.memory_space<semaphore_mem>>
    %dma_start3A_101 = arith.constant 32560 : i32
    %dma_start3A_102 = arith.constant 0 : i32
    %dma_start3A_103 = tpu.memref_slice %arg1[%dma_start3A_101, %dma_start3A_102] : memref<100000x128xf32, #tpu.memory_space<hbm>> -> memref<880x128xf32, #tpu.memory_space<hbm>>
    tpu.enqueue_dma source(%dma_start3A_103 : memref<880x128xf32, #tpu.memory_space<hbm>>) target(%arg12 : memref<880x128xf32, #tpu.memory_space<vmem>>) target_semaphore(%dma_start3A_100 : memref<!tpu.dma_semaphore, #tpu.memory_space<semaphore_mem>>)
    %dma_start3A_104 = arith.constant 7 : i32
    %dma_start3A_105 = arith.constant 1 : i32
    %dma_start3A_106 = tpu.memref_slice %arg25[%dma_start3A_104, %dma_start3A_105] : memref<10x2x!tpu.dma_semaphore, #tpu.memory_space<semaphore_mem>> -> memref<1x1x!tpu.dma_semaphore, #tpu.memory_space<semaphore_mem>>
    %dma_start3A_107 = tpu.memref_squeeze %dma_start3A_106 : memref<1x1x!tpu.dma_semaphore, #tpu.memory_space<semaphore_mem>> -> memref<!tpu.dma_semaphore, #tpu.memory_space<semaphore_mem>>
    %dma_start3A_108 = arith.constant 32560 : i32
    %dma_start3A_109 = arith.constant 0 : i32
    %dma_start3A_110 = tpu.memref_slice %arg2[%dma_start3A_108, %dma_start3A_109] : memref<100000x512xf32, #tpu.memory_space<hbm>> -> memref<880x512xf32, #tpu.memory_space<hbm>>
    tpu.enqueue_dma source(%dma_start3A_110 : memref<880x512xf32, #tpu.memory_space<hbm>>) target(%arg22 : memref<880x512xf32, #tpu.memory_space<vmem>>) target_semaphore(%dma_start3A_107 : memref<!tpu.dma_semaphore, #tpu.memory_space<semaphore_mem>>)
    %dma_start3A_111 = arith.constant 8 : i32
    %dma_start3A_112 = arith.constant 0 : i32
    %dma_start3A_113 = tpu.memref_slice %arg25[%dma_start3A_111, %dma_start3A_112] : memref<10x2x!tpu.dma_semaphore, #tpu.memory_space<semaphore_mem>> -> memref<1x1x!tpu.dma_semaphore, #tpu.memory_space<semaphore_mem>>
    %dma_start3A_114 = tpu.memref_squeeze %dma_start3A_113 : memref<1x1x!tpu.dma_semaphore, #tpu.memory_space<semaphore_mem>> -> memref<!tpu.dma_semaphore, #tpu.memory_space<semaphore_mem>>
    %dma_start3A_115 = arith.constant 33440 : i32
    %dma_start3A_116 = arith.constant 0 : i32
    %dma_start3A_117 = tpu.memref_slice %arg1[%dma_start3A_115, %dma_start3A_116] : memref<100000x128xf32, #tpu.memory_space<hbm>> -> memref<880x128xf32, #tpu.memory_space<hbm>>
    tpu.enqueue_dma source(%dma_start3A_117 : memref<880x128xf32, #tpu.memory_space<hbm>>) target(%arg13 : memref<880x128xf32, #tpu.memory_space<vmem>>) target_semaphore(%dma_start3A_114 : memref<!tpu.dma_semaphore, #tpu.memory_space<semaphore_mem>>)
    %dma_start3A_118 = arith.constant 8 : i32
    %dma_start3A_119 = arith.constant 1 : i32
    %dma_start3A_120 = tpu.memref_slice %arg25[%dma_start3A_118, %dma_start3A_119] : memref<10x2x!tpu.dma_semaphore, #tpu.memory_space<semaphore_mem>> -> memref<1x1x!tpu.dma_semaphore, #tpu.memory_space<semaphore_mem>>
    %dma_start3A_121 = tpu.memref_squeeze %dma_start3A_120 : memref<1x1x!tpu.dma_semaphore, #tpu.memory_space<semaphore_mem>> -> memref<!tpu.dma_semaphore, #tpu.memory_space<semaphore_mem>>
    %dma_start3A_122 = arith.constant 33440 : i32
    %dma_start3A_123 = arith.constant 0 : i32
    %dma_start3A_124 = tpu.memref_slice %arg2[%dma_start3A_122, %dma_start3A_123] : memref<100000x512xf32, #tpu.memory_space<hbm>> -> memref<880x512xf32, #tpu.memory_space<hbm>>
    tpu.enqueue_dma source(%dma_start3A_124 : memref<880x512xf32, #tpu.memory_space<hbm>>) target(%arg23 : memref<880x512xf32, #tpu.memory_space<vmem>>) target_semaphore(%dma_start3A_121 : memref<!tpu.dma_semaphore, #tpu.memory_space<semaphore_mem>>)
    %dma_start3A_125 = arith.constant 9 : i32
    %dma_start3A_126 = arith.constant 0 : i32
    %dma_start3A_127 = tpu.memref_slice %arg25[%dma_start3A_125, %dma_start3A_126] : memref<10x2x!tpu.dma_semaphore, #tpu.memory_space<semaphore_mem>> -> memref<1x1x!tpu.dma_semaphore, #tpu.memory_space<semaphore_mem>>
    %dma_start3A_128 = tpu.memref_squeeze %dma_start3A_127 : memref<1x1x!tpu.dma_semaphore, #tpu.memory_space<semaphore_mem>> -> memref<!tpu.dma_semaphore, #tpu.memory_space<semaphore_mem>>
    %dma_start3A_129 = arith.constant 34320 : i32
    %dma_start3A_130 = arith.constant 0 : i32
    %dma_start3A_131 = tpu.memref_slice %arg1[%dma_start3A_129, %dma_start3A_130] : memref<100000x128xf32, #tpu.memory_space<hbm>> -> memref<880x128xf32, #tpu.memory_space<hbm>>
    tpu.enqueue_dma source(%dma_start3A_131 : memref<880x128xf32, #tpu.memory_space<hbm>>) target(%arg14 : memref<880x128xf32, #tpu.memory_space<vmem>>) target_semaphore(%dma_start3A_128 : memref<!tpu.dma_semaphore, #tpu.memory_space<semaphore_mem>>)
    %dma_start3A_132 = arith.constant 9 : i32
    %dma_start3A_133 = arith.constant 1 : i32
    %dma_start3A_134 = tpu.memref_slice %arg25[%dma_start3A_132, %dma_start3A_133] : memref<10x2x!tpu.dma_semaphore, #tpu.memory_space<semaphore_mem>> -> memref<1x1x!tpu.dma_semaphore, #tpu.memory_space<semaphore_mem>>
    %dma_start3A_135 = tpu.memref_squeeze %dma_start3A_134 : memref<1x1x!tpu.dma_semaphore, #tpu.memory_space<semaphore_mem>> -> memref<!tpu.dma_semaphore, #tpu.memory_space<semaphore_mem>>
    %dma_start3A_136 = arith.constant 34320 : i32
    %dma_start3A_137 = arith.constant 0 : i32
    %dma_start3A_138 = tpu.memref_slice %arg2[%dma_start3A_136, %dma_start3A_137] : memref<100000x512xf32, #tpu.memory_space<hbm>> -> memref<880x512xf32, #tpu.memory_space<hbm>>
    tpu.enqueue_dma source(%dma_start3A_138 : memref<880x512xf32, #tpu.memory_space<hbm>>) target(%arg24 : memref<880x512xf32, #tpu.memory_space<vmem>>) target_semaphore(%dma_start3A_135 : memref<!tpu.dma_semaphore, #tpu.memory_space<semaphore_mem>>)
    %get3A = arith.constant 0 : index
    %get3A_139 = arith.constant 0 : index
    %get3A_140 = vector.load %arg0[%get3A, %get3A_139] : memref<1x128xf32, #tpu.memory_space<vmem>>, vector<1x128xf32>
    %mul3A = arith.mulf %get3A_140, %get3A_140 : vector<1x128xf32>
    %reduce_sum3A = vector.shape_cast %mul3A : vector<1x128xf32> to vector<1x1x128xf32>
    %reduce_sum3A_141 = arith.constant dense<0.000000e+00> : vector<1xf32>
    %reduce_sum3A_142 = vector.multi_reduction <add>, %reduce_sum3A, %reduce_sum3A_141 [1, 2] : vector<1x1x128xf32> to vector<1xf32>
    %reduce_sum3A_143 = vector.shape_cast %reduce_sum3A_142 : vector<1xf32> to vector<1x1x1xf32>
    %reduce_sum3A_144 = vector.extract %reduce_sum3A_143[0, 0, 0] : f32 from vector<1x1x1xf32>
    %sqrt3A = math.sqrt %reduce_sum3A_144 : f32
    %broadcast_in_dim3A = arith.constant 1.000000e+00 : f32
    %broadcast_in_dim3A_145 = vector.broadcast %broadcast_in_dim3A : f32 to vector<1x128xf32>
    %broadcast_in_dim3A_146 = arith.constant 0.000000e+00 : f32
    %broadcast_in_dim3A_147 = vector.broadcast %broadcast_in_dim3A_146 : f32 to vector<1x512xf32>
    %scan3A = arith.constant 0.000000e+00 : f32
    %scan3A_148 = arith.constant 0 : i32
    %scan3A_149 = arith.constant 4 : i32
    %scan3A_150 = arith.addi %scan3A_148, %scan3A_149 : i32
    %scan3A_151 = arith.constant 1 : i32
    %scan3A_152:2 = scf.for %scan3A_160 = %scan3A_148 to %scan3A_150 step %scan3A_151 iter_args(%scan3A_161 = %broadcast_in_dim3A_147, %scan3A_162 = %scan3A) -> (vector<1x512xf32>, f32)  : i32 {
      %mul3A_163 = arith.constant 10 : i32
      %mul3A_164 = arith.muli %scan3A_160, %mul3A_163 : i32
      %add3A = arith.constant 0 : i32
      %add3A_165 = arith.addi %mul3A_164, %add3A : i32
      %mul3A_166 = arith.constant 880 : i32
      %mul3A_167 = arith.muli %add3A_165, %mul3A_166 : i32
      %add3A_168 = arith.constant 26400 : i32
      %add3A_169 = arith.addi %add3A_168, %mul3A_167 : i32
      %dma_wait3A = arith.constant 0 : i32
      %dma_wait3A_170 = arith.constant 0 : i32
      %dma_wait3A_171 = tpu.memref_slice %arg25[%dma_wait3A, %dma_wait3A_170] : memref<10x2x!tpu.dma_semaphore, #tpu.memory_space<semaphore_mem>> -> memref<1x1x!tpu.dma_semaphore, #tpu.memory_space<semaphore_mem>>
      %dma_wait3A_172 = tpu.memref_squeeze %dma_wait3A_171 : memref<1x1x!tpu.dma_semaphore, #tpu.memory_space<semaphore_mem>> -> memref<!tpu.dma_semaphore, #tpu.memory_space<semaphore_mem>>
      %dma_wait3A_173 = arith.constant 0 : i32
      %dma_wait3A_174 = tpu.memref_slice %arg1[%add3A_169, %dma_wait3A_173] : memref<100000x128xf32, #tpu.memory_space<hbm>> -> memref<880x128xf32, #tpu.memory_space<hbm>>
      tpu.wait_dma2 semaphore(%dma_wait3A_172 : memref<!tpu.dma_semaphore, #tpu.memory_space<semaphore_mem>>) src(%dma_wait3A_174 : memref<880x128xf32, #tpu.memory_space<hbm>>) dst(%arg5 : memref<880x128xf32, #tpu.memory_space<vmem>>)
      %mul3A_175 = arith.constant 880 : i32
      %mul3A_176 = arith.muli %add3A_165, %mul3A_175 : i32
      %add3A_177 = arith.constant 26400 : i32
      %add3A_178 = arith.addi %add3A_177, %mul3A_176 : i32
      %dma_wait3A_179 = arith.constant 0 : i32
      %dma_wait3A_180 = arith.constant 1 : i32
      %dma_wait3A_181 = tpu.memref_slice %arg25[%dma_wait3A_179, %dma_wait3A_180] : memref<10x2x!tpu.dma_semaphore, #tpu.memory_space<semaphore_mem>> -> memref<1x1x!tpu.dma_semaphore, #tpu.memory_space<semaphore_mem>>
      %dma_wait3A_182 = tpu.memref_squeeze %dma_wait3A_181 : memref<1x1x!tpu.dma_semaphore, #tpu.memory_space<semaphore_mem>> -> memref<!tpu.dma_semaphore, #tpu.memory_space<semaphore_mem>>
      %dma_wait3A_183 = arith.constant 0 : i32
      %dma_wait3A_184 = tpu.memref_slice %arg2[%add3A_178, %dma_wait3A_183] : memref<100000x512xf32, #tpu.memory_space<hbm>> -> memref<880x512xf32, #tpu.memory_space<hbm>>
      tpu.wait_dma2 semaphore(%dma_wait3A_182 : memref<!tpu.dma_semaphore, #tpu.memory_space<semaphore_mem>>) src(%dma_wait3A_184 : memref<880x512xf32, #tpu.memory_space<hbm>>) dst(%arg15 : memref<880x512xf32, #tpu.memory_space<vmem>>)
      %get3A_185 = arith.constant 0 : index
      %get3A_186 = arith.constant 0 : index
      %get3A_187 = vector.load %arg5[%get3A_185, %get3A_186] : memref<880x128xf32, #tpu.memory_space<vmem>>, vector<880x128xf32>
      %get3A_188 = arith.constant 0 : index
      %get3A_189 = arith.constant 0 : index
      %get3A_190 = vector.load %arg15[%get3A_188, %get3A_189] : memref<880x512xf32, #tpu.memory_space<vmem>>, vector<880x512xf32>
      %transpose3A = tpu.transpose %get3A_187, [1, 0] : vector<880x128xf32> -> vector<128x880xf32>
      %dot_general3A = arith.constant dense<0.000000e+00> : vector<1x880xf32>
      %dot_general3A_191 = tpu.matmul %get3A_140, %transpose3A, %dot_general3A {dimension_numbers = #tpu.dot_dimension_numbers<[1], [0], [0], [1], [0, 0, 1, 1], [], []>, transpose_lhs_hint = false} : vector<1x128xf32>, vector<128x880xf32>, vector<1x880xf32> -> vector<1x880xf32>
      %mul3A_192 = arith.mulf %transpose3A, %transpose3A : vector<128x880xf32>
      %dot_general3A_193 = arith.constant dense<0.000000e+00> : vector<1x880xf32>
      %dot_general3A_194 = tpu.matmul %broadcast_in_dim3A_145, %mul3A_192, %dot_general3A_193 {dimension_numbers = #tpu.dot_dimension_numbers<[1], [0], [0], [1], [0, 0, 1, 1], [], []>, transpose_lhs_hint = false} : vector<1x128xf32>, vector<128x880xf32>, vector<1x880xf32> -> vector<1x880xf32>
      %sqrt3A_195 = math.sqrt %dot_general3A_194 : vector<1x880xf32>
      %mul3A_196 = vector.broadcast %sqrt3A : f32 to vector<1x880xf32>
      %mul3A_197 = arith.mulf %mul3A_196, %sqrt3A_195 : vector<1x880xf32>
      %max3A = arith.constant 9.99999997E-7 : f32
      %max3A_198 = vector.broadcast %max3A : f32 to vector<1x880xf32>
      %max3A_199 = arith.maximumf %mul3A_197, %max3A_198 : vector<1x880xf32>
      %div3A = arith.divf %dot_general3A_191, %max3A_199 : vector<1x880xf32>
      %exp3A = math.exp %div3A : vector<1x880xf32>
      %dot_general3A_200 = arith.constant dense<0.000000e+00> : vector<1x512xf32>
      %dot_general3A_201 = tpu.matmul %exp3A, %get3A_190, %dot_general3A_200 {dimension_numbers = #tpu.dot_dimension_numbers<[1], [0], [0], [1], [0, 0, 1, 1], [], []>, transpose_lhs_hint = false} : vector<1x880xf32>, vector<880x512xf32>, vector<1x512xf32> -> vector<1x512xf32>
      %reduce_sum3A_202 = vector.shape_cast %exp3A : vector<1x880xf32> to vector<1x1x880xf32>
      %reduce_sum3A_203 = arith.constant dense<0.000000e+00> : vector<1xf32>
      %reduce_sum3A_204 = vector.multi_reduction <add>, %reduce_sum3A_202, %reduce_sum3A_203 [1, 2] : vector<1x1x880xf32> to vector<1xf32>
      %reduce_sum3A_205 = vector.shape_cast %reduce_sum3A_204 : vector<1xf32> to vector<1x1x1xf32>
      %reduce_sum3A_206 = vector.extract %reduce_sum3A_205[0, 0, 0] : f32 from vector<1x1x1xf32>
      %add3A_207 = arith.constant 10 : i32
      %add3A_208 = arith.addi %add3A_165, %add3A_207 : i32
      %lt3A = arith.constant 40 : i32
      %lt3A_209 = arith.cmpi slt, %add3A_208, %lt3A : i32
      %convert_element_type3A = arith.extui %lt3A_209 : i1 to i32
      %cond3A = arith.constant 0 : i32
      %cond3A_210 = arith.cmpi ne, %convert_element_type3A, %cond3A : i32
      scf.if %cond3A_210 {
        %add3A_753 = arith.constant 10 : i32
        %add3A_754 = arith.addi %add3A_165, %add3A_753 : i32
        %mul3A_755 = arith.constant 880 : i32
        %mul3A_756 = arith.muli %add3A_754, %mul3A_755 : i32
        %add3A_757 = arith.constant 26400 : i32
        %add3A_758 = arith.addi %add3A_757, %mul3A_756 : i32
        %dma_start3A_759 = arith.constant 0 : i32
        %dma_start3A_760 = arith.constant 0 : i32
        %dma_start3A_761 = tpu.memref_slice %arg25[%dma_start3A_759, %dma_start3A_760] : memref<10x2x!tpu.dma_semaphore, #tpu.memory_space<semaphore_mem>> -> memref<1x1x!tpu.dma_semaphore, #tpu.memory_space<semaphore_mem>>
        %dma_start3A_762 = tpu.memref_squeeze %dma_start3A_761 : memref<1x1x!tpu.dma_semaphore, #tpu.memory_space<semaphore_mem>> -> memref<!tpu.dma_semaphore, #tpu.memory_space<semaphore_mem>>
        %dma_start3A_763 = arith.constant 0 : i32
        %dma_start3A_764 = tpu.memref_slice %arg1[%add3A_758, %dma_start3A_763] : memref<100000x128xf32, #tpu.memory_space<hbm>> -> memref<880x128xf32, #tpu.memory_space<hbm>>
        tpu.enqueue_dma source(%dma_start3A_764 : memref<880x128xf32, #tpu.memory_space<hbm>>) target(%arg5 : memref<880x128xf32, #tpu.memory_space<vmem>>) target_semaphore(%dma_start3A_762 : memref<!tpu.dma_semaphore, #tpu.memory_space<semaphore_mem>>)
        %add3A_765 = arith.constant 10 : i32
        %add3A_766 = arith.addi %add3A_165, %add3A_765 : i32
        %mul3A_767 = arith.constant 880 : i32
        %mul3A_768 = arith.muli %add3A_766, %mul3A_767 : i32
        %add3A_769 = arith.constant 26400 : i32
        %add3A_770 = arith.addi %add3A_769, %mul3A_768 : i32
        %dma_start3A_771 = arith.constant 0 : i32
        %dma_start3A_772 = arith.constant 1 : i32
        %dma_start3A_773 = tpu.memref_slice %arg25[%dma_start3A_771, %dma_start3A_772] : memref<10x2x!tpu.dma_semaphore, #tpu.memory_space<semaphore_mem>> -> memref<1x1x!tpu.dma_semaphore, #tpu.memory_space<semaphore_mem>>
        %dma_start3A_774 = tpu.memref_squeeze %dma_start3A_773 : memref<1x1x!tpu.dma_semaphore, #tpu.memory_space<semaphore_mem>> -> memref<!tpu.dma_semaphore, #tpu.memory_space<semaphore_mem>>
        %dma_start3A_775 = arith.constant 0 : i32
        %dma_start3A_776 = tpu.memref_slice %arg2[%add3A_770, %dma_start3A_775] : memref<100000x512xf32, #tpu.memory_space<hbm>> -> memref<880x512xf32, #tpu.memory_space<hbm>>
        tpu.enqueue_dma source(%dma_start3A_776 : memref<880x512xf32, #tpu.memory_space<hbm>>) target(%arg15 : memref<880x512xf32, #tpu.memory_space<vmem>>) target_semaphore(%dma_start3A_774 : memref<!tpu.dma_semaphore, #tpu.memory_space<semaphore_mem>>)
      } else {
      }
      %add3A_211 = arith.addf %scan3A_161, %dot_general3A_201 : vector<1x512xf32>
      %add3A_212 = arith.addf %scan3A_162, %reduce_sum3A_206 : f32
      %mul3A_213 = arith.constant 10 : i32
      %mul3A_214 = arith.muli %scan3A_160, %mul3A_213 : i32
      %add3A_215 = arith.constant 1 : i32
      %add3A_216 = arith.addi %mul3A_214, %add3A_215 : i32
      %mul3A_217 = arith.constant 880 : i32
      %mul3A_218 = arith.muli %add3A_216, %mul3A_217 : i32
      %add3A_219 = arith.constant 26400 : i32
      %add3A_220 = arith.addi %add3A_219, %mul3A_218 : i32
      %dma_wait3A_221 = arith.constant 1 : i32
      %dma_wait3A_222 = arith.constant 0 : i32
      %dma_wait3A_223 = tpu.memref_slice %arg25[%dma_wait3A_221, %dma_wait3A_222] : memref<10x2x!tpu.dma_semaphore, #tpu.memory_space<semaphore_mem>> -> memref<1x1x!tpu.dma_semaphore, #tpu.memory_space<semaphore_mem>>
      %dma_wait3A_224 = tpu.memref_squeeze %dma_wait3A_223 : memref<1x1x!tpu.dma_semaphore, #tpu.memory_space<semaphore_mem>> -> memref<!tpu.dma_semaphore, #tpu.memory_space<semaphore_mem>>
      %dma_wait3A_225 = arith.constant 0 : i32
      %dma_wait3A_226 = tpu.memref_slice %arg1[%add3A_220, %dma_wait3A_225] : memref<100000x128xf32, #tpu.memory_space<hbm>> -> memref<880x128xf32, #tpu.memory_space<hbm>>
      tpu.wait_dma2 semaphore(%dma_wait3A_224 : memref<!tpu.dma_semaphore, #tpu.memory_space<semaphore_mem>>) src(%dma_wait3A_226 : memref<880x128xf32, #tpu.memory_space<hbm>>) dst(%arg6 : memref<880x128xf32, #tpu.memory_space<vmem>>)
      %mul3A_227 = arith.constant 880 : i32
      %mul3A_228 = arith.muli %add3A_216, %mul3A_227 : i32
      %add3A_229 = arith.constant 26400 : i32
      %add3A_230 = arith.addi %add3A_229, %mul3A_228 : i32
      %dma_wait3A_231 = arith.constant 1 : i32
      %dma_wait3A_232 = arith.constant 1 : i32
      %dma_wait3A_233 = tpu.memref_slice %arg25[%dma_wait3A_231, %dma_wait3A_232] : memref<10x2x!tpu.dma_semaphore, #tpu.memory_space<semaphore_mem>> -> memref<1x1x!tpu.dma_semaphore, #tpu.memory_space<semaphore_mem>>
      %dma_wait3A_234 = tpu.memref_squeeze %dma_wait3A_233 : memref<1x1x!tpu.dma_semaphore, #tpu.memory_space<semaphore_mem>> -> memref<!tpu.dma_semaphore, #tpu.memory_space<semaphore_mem>>
      %dma_wait3A_235 = arith.constant 0 : i32
      %dma_wait3A_236 = tpu.memref_slice %arg2[%add3A_230, %dma_wait3A_235] : memref<100000x512xf32, #tpu.memory_space<hbm>> -> memref<880x512xf32, #tpu.memory_space<hbm>>
      tpu.wait_dma2 semaphore(%dma_wait3A_234 : memref<!tpu.dma_semaphore, #tpu.memory_space<semaphore_mem>>) src(%dma_wait3A_236 : memref<880x512xf32, #tpu.memory_space<hbm>>) dst(%arg16 : memref<880x512xf32, #tpu.memory_space<vmem>>)
      %get3A_237 = arith.constant 0 : index
      %get3A_238 = arith.constant 0 : index
      %get3A_239 = vector.load %arg6[%get3A_237, %get3A_238] : memref<880x128xf32, #tpu.memory_space<vmem>>, vector<880x128xf32>
      %get3A_240 = arith.constant 0 : index
      %get3A_241 = arith.constant 0 : index
      %get3A_242 = vector.load %arg16[%get3A_240, %get3A_241] : memref<880x512xf32, #tpu.memory_space<vmem>>, vector<880x512xf32>
      %transpose3A_243 = tpu.transpose %get3A_239, [1, 0] : vector<880x128xf32> -> vector<128x880xf32>
      %dot_general3A_244 = arith.constant dense<0.000000e+00> : vector<1x880xf32>
      %dot_general3A_245 = tpu.matmul %get3A_140, %transpose3A_243, %dot_general3A_244 {dimension_numbers = #tpu.dot_dimension_numbers<[1], [0], [0], [1], [0, 0, 1, 1], [], []>, transpose_lhs_hint = false} : vector<1x128xf32>, vector<128x880xf32>, vector<1x880xf32> -> vector<1x880xf32>
      %mul3A_246 = arith.mulf %transpose3A_243, %transpose3A_243 : vector<128x880xf32>
      %dot_general3A_247 = arith.constant dense<0.000000e+00> : vector<1x880xf32>
      %dot_general3A_248 = tpu.matmul %broadcast_in_dim3A_145, %mul3A_246, %dot_general3A_247 {dimension_numbers = #tpu.dot_dimension_numbers<[1], [0], [0], [1], [0, 0, 1, 1], [], []>, transpose_lhs_hint = false} : vector<1x128xf32>, vector<128x880xf32>, vector<1x880xf32> -> vector<1x880xf32>
      %sqrt3A_249 = math.sqrt %dot_general3A_248 : vector<1x880xf32>
      %mul3A_250 = vector.broadcast %sqrt3A : f32 to vector<1x880xf32>
      %mul3A_251 = arith.mulf %mul3A_250, %sqrt3A_249 : vector<1x880xf32>
      %max3A_252 = arith.constant 9.99999997E-7 : f32
      %max3A_253 = vector.broadcast %max3A_252 : f32 to vector<1x880xf32>
      %max3A_254 = arith.maximumf %mul3A_251, %max3A_253 : vector<1x880xf32>
      %div3A_255 = arith.divf %dot_general3A_245, %max3A_254 : vector<1x880xf32>
      %exp3A_256 = math.exp %div3A_255 : vector<1x880xf32>
      %dot_general3A_257 = arith.constant dense<0.000000e+00> : vector<1x512xf32>
      %dot_general3A_258 = tpu.matmul %exp3A_256, %get3A_242, %dot_general3A_257 {dimension_numbers = #tpu.dot_dimension_numbers<[1], [0], [0], [1], [0, 0, 1, 1], [], []>, transpose_lhs_hint = false} : vector<1x880xf32>, vector<880x512xf32>, vector<1x512xf32> -> vector<1x512xf32>
      %reduce_sum3A_259 = vector.shape_cast %exp3A_256 : vector<1x880xf32> to vector<1x1x880xf32>
      %reduce_sum3A_260 = arith.constant dense<0.000000e+00> : vector<1xf32>
      %reduce_sum3A_261 = vector.multi_reduction <add>, %reduce_sum3A_259, %reduce_sum3A_260 [1, 2] : vector<1x1x880xf32> to vector<1xf32>
      %reduce_sum3A_262 = vector.shape_cast %reduce_sum3A_261 : vector<1xf32> to vector<1x1x1xf32>
      %reduce_sum3A_263 = vector.extract %reduce_sum3A_262[0, 0, 0] : f32 from vector<1x1x1xf32>
      %add3A_264 = arith.constant 10 : i32
      %add3A_265 = arith.addi %add3A_216, %add3A_264 : i32
      %lt3A_266 = arith.constant 40 : i32
      %lt3A_267 = arith.cmpi slt, %add3A_265, %lt3A_266 : i32
      %convert_element_type3A_268 = arith.extui %lt3A_267 : i1 to i32
      %cond3A_269 = arith.constant 0 : i32
      %cond3A_270 = arith.cmpi ne, %convert_element_type3A_268, %cond3A_269 : i32
      scf.if %cond3A_270 {
        %add3A_753 = arith.constant 10 : i32
        %add3A_754 = arith.addi %add3A_216, %add3A_753 : i32
        %mul3A_755 = arith.constant 880 : i32
        %mul3A_756 = arith.muli %add3A_754, %mul3A_755 : i32
        %add3A_757 = arith.constant 26400 : i32
        %add3A_758 = arith.addi %add3A_757, %mul3A_756 : i32
        %dma_start3A_759 = arith.constant 1 : i32
        %dma_start3A_760 = arith.constant 0 : i32
        %dma_start3A_761 = tpu.memref_slice %arg25[%dma_start3A_759, %dma_start3A_760] : memref<10x2x!tpu.dma_semaphore, #tpu.memory_space<semaphore_mem>> -> memref<1x1x!tpu.dma_semaphore, #tpu.memory_space<semaphore_mem>>
        %dma_start3A_762 = tpu.memref_squeeze %dma_start3A_761 : memref<1x1x!tpu.dma_semaphore, #tpu.memory_space<semaphore_mem>> -> memref<!tpu.dma_semaphore, #tpu.memory_space<semaphore_mem>>
        %dma_start3A_763 = arith.constant 0 : i32
        %dma_start3A_764 = tpu.memref_slice %arg1[%add3A_758, %dma_start3A_763] : memref<100000x128xf32, #tpu.memory_space<hbm>> -> memref<880x128xf32, #tpu.memory_space<hbm>>
        tpu.enqueue_dma source(%dma_start3A_764 : memref<880x128xf32, #tpu.memory_space<hbm>>) target(%arg6 : memref<880x128xf32, #tpu.memory_space<vmem>>) target_semaphore(%dma_start3A_762 : memref<!tpu.dma_semaphore, #tpu.memory_space<semaphore_mem>>)
        %add3A_765 = arith.constant 10 : i32
        %add3A_766 = arith.addi %add3A_216, %add3A_765 : i32
        %mul3A_767 = arith.constant 880 : i32
        %mul3A_768 = arith.muli %add3A_766, %mul3A_767 : i32
        %add3A_769 = arith.constant 26400 : i32
        %add3A_770 = arith.addi %add3A_769, %mul3A_768 : i32
        %dma_start3A_771 = arith.constant 1 : i32
        %dma_start3A_772 = arith.constant 1 : i32
        %dma_start3A_773 = tpu.memref_slice %arg25[%dma_start3A_771, %dma_start3A_772] : memref<10x2x!tpu.dma_semaphore, #tpu.memory_space<semaphore_mem>> -> memref<1x1x!tpu.dma_semaphore, #tpu.memory_space<semaphore_mem>>
        %dma_start3A_774 = tpu.memref_squeeze %dma_start3A_773 : memref<1x1x!tpu.dma_semaphore, #tpu.memory_space<semaphore_mem>> -> memref<!tpu.dma_semaphore, #tpu.memory_space<semaphore_mem>>
        %dma_start3A_775 = arith.constant 0 : i32
        %dma_start3A_776 = tpu.memref_slice %arg2[%add3A_770, %dma_start3A_775] : memref<100000x512xf32, #tpu.memory_space<hbm>> -> memref<880x512xf32, #tpu.memory_space<hbm>>
        tpu.enqueue_dma source(%dma_start3A_776 : memref<880x512xf32, #tpu.memory_space<hbm>>) target(%arg16 : memref<880x512xf32, #tpu.memory_space<vmem>>) target_semaphore(%dma_start3A_774 : memref<!tpu.dma_semaphore, #tpu.memory_space<semaphore_mem>>)
      } else {
      }
      %add3A_271 = arith.addf %add3A_211, %dot_general3A_258 : vector<1x512xf32>
      %add3A_272 = arith.addf %add3A_212, %reduce_sum3A_263 : f32
      %mul3A_273 = arith.constant 10 : i32
      %mul3A_274 = arith.muli %scan3A_160, %mul3A_273 : i32
      %add3A_275 = arith.constant 2 : i32
      %add3A_276 = arith.addi %mul3A_274, %add3A_275 : i32
      %mul3A_277 = arith.constant 880 : i32
      %mul3A_278 = arith.muli %add3A_276, %mul3A_277 : i32
      %add3A_279 = arith.constant 26400 : i32
      %add3A_280 = arith.addi %add3A_279, %mul3A_278 : i32
      %dma_wait3A_281 = arith.constant 2 : i32
      %dma_wait3A_282 = arith.constant 0 : i32
      %dma_wait3A_283 = tpu.memref_slice %arg25[%dma_wait3A_281, %dma_wait3A_282] : memref<10x2x!tpu.dma_semaphore, #tpu.memory_space<semaphore_mem>> -> memref<1x1x!tpu.dma_semaphore, #tpu.memory_space<semaphore_mem>>
      %dma_wait3A_284 = tpu.memref_squeeze %dma_wait3A_283 : memref<1x1x!tpu.dma_semaphore, #tpu.memory_space<semaphore_mem>> -> memref<!tpu.dma_semaphore, #tpu.memory_space<semaphore_mem>>
      %dma_wait3A_285 = arith.constant 0 : i32
      %dma_wait3A_286 = tpu.memref_slice %arg1[%add3A_280, %dma_wait3A_285] : memref<100000x128xf32, #tpu.memory_space<hbm>> -> memref<880x128xf32, #tpu.memory_space<hbm>>
      tpu.wait_dma2 semaphore(%dma_wait3A_284 : memref<!tpu.dma_semaphore, #tpu.memory_space<semaphore_mem>>) src(%dma_wait3A_286 : memref<880x128xf32, #tpu.memory_space<hbm>>) dst(%arg7 : memref<880x128xf32, #tpu.memory_space<vmem>>)
      %mul3A_287 = arith.constant 880 : i32
      %mul3A_288 = arith.muli %add3A_276, %mul3A_287 : i32
      %add3A_289 = arith.constant 26400 : i32
      %add3A_290 = arith.addi %add3A_289, %mul3A_288 : i32
      %dma_wait3A_291 = arith.constant 2 : i32
      %dma_wait3A_292 = arith.constant 1 : i32
      %dma_wait3A_293 = tpu.memref_slice %arg25[%dma_wait3A_291, %dma_wait3A_292] : memref<10x2x!tpu.dma_semaphore, #tpu.memory_space<semaphore_mem>> -> memref<1x1x!tpu.dma_semaphore, #tpu.memory_space<semaphore_mem>>
      %dma_wait3A_294 = tpu.memref_squeeze %dma_wait3A_293 : memref<1x1x!tpu.dma_semaphore, #tpu.memory_space<semaphore_mem>> -> memref<!tpu.dma_semaphore, #tpu.memory_space<semaphore_mem>>
      %dma_wait3A_295 = arith.constant 0 : i32
      %dma_wait3A_296 = tpu.memref_slice %arg2[%add3A_290, %dma_wait3A_295] : memref<100000x512xf32, #tpu.memory_space<hbm>> -> memref<880x512xf32, #tpu.memory_space<hbm>>
      tpu.wait_dma2 semaphore(%dma_wait3A_294 : memref<!tpu.dma_semaphore, #tpu.memory_space<semaphore_mem>>) src(%dma_wait3A_296 : memref<880x512xf32, #tpu.memory_space<hbm>>) dst(%arg17 : memref<880x512xf32, #tpu.memory_space<vmem>>)
      %get3A_297 = arith.constant 0 : index
      %get3A_298 = arith.constant 0 : index
      %get3A_299 = vector.load %arg7[%get3A_297, %get3A_298] : memref<880x128xf32, #tpu.memory_space<vmem>>, vector<880x128xf32>
      %get3A_300 = arith.constant 0 : index
      %get3A_301 = arith.constant 0 : index
      %get3A_302 = vector.load %arg17[%get3A_300, %get3A_301] : memref<880x512xf32, #tpu.memory_space<vmem>>, vector<880x512xf32>
      %transpose3A_303 = tpu.transpose %get3A_299, [1, 0] : vector<880x128xf32> -> vector<128x880xf32>
      %dot_general3A_304 = arith.constant dense<0.000000e+00> : vector<1x880xf32>
      %dot_general3A_305 = tpu.matmul %get3A_140, %transpose3A_303, %dot_general3A_304 {dimension_numbers = #tpu.dot_dimension_numbers<[1], [0], [0], [1], [0, 0, 1, 1], [], []>, transpose_lhs_hint = false} : vector<1x128xf32>, vector<128x880xf32>, vector<1x880xf32> -> vector<1x880xf32>
      %mul3A_306 = arith.mulf %transpose3A_303, %transpose3A_303 : vector<128x880xf32>
      %dot_general3A_307 = arith.constant dense<0.000000e+00> : vector<1x880xf32>
      %dot_general3A_308 = tpu.matmul %broadcast_in_dim3A_145, %mul3A_306, %dot_general3A_307 {dimension_numbers = #tpu.dot_dimension_numbers<[1], [0], [0], [1], [0, 0, 1, 1], [], []>, transpose_lhs_hint = false} : vector<1x128xf32>, vector<128x880xf32>, vector<1x880xf32> -> vector<1x880xf32>
      %sqrt3A_309 = math.sqrt %dot_general3A_308 : vector<1x880xf32>
      %mul3A_310 = vector.broadcast %sqrt3A : f32 to vector<1x880xf32>
      %mul3A_311 = arith.mulf %mul3A_310, %sqrt3A_309 : vector<1x880xf32>
      %max3A_312 = arith.constant 9.99999997E-7 : f32
      %max3A_313 = vector.broadcast %max3A_312 : f32 to vector<1x880xf32>
      %max3A_314 = arith.maximumf %mul3A_311, %max3A_313 : vector<1x880xf32>
      %div3A_315 = arith.divf %dot_general3A_305, %max3A_314 : vector<1x880xf32>
      %exp3A_316 = math.exp %div3A_315 : vector<1x880xf32>
      %dot_general3A_317 = arith.constant dense<0.000000e+00> : vector<1x512xf32>
      %dot_general3A_318 = tpu.matmul %exp3A_316, %get3A_302, %dot_general3A_317 {dimension_numbers = #tpu.dot_dimension_numbers<[1], [0], [0], [1], [0, 0, 1, 1], [], []>, transpose_lhs_hint = false} : vector<1x880xf32>, vector<880x512xf32>, vector<1x512xf32> -> vector<1x512xf32>
      %reduce_sum3A_319 = vector.shape_cast %exp3A_316 : vector<1x880xf32> to vector<1x1x880xf32>
      %reduce_sum3A_320 = arith.constant dense<0.000000e+00> : vector<1xf32>
      %reduce_sum3A_321 = vector.multi_reduction <add>, %reduce_sum3A_319, %reduce_sum3A_320 [1, 2] : vector<1x1x880xf32> to vector<1xf32>
      %reduce_sum3A_322 = vector.shape_cast %reduce_sum3A_321 : vector<1xf32> to vector<1x1x1xf32>
      %reduce_sum3A_323 = vector.extract %reduce_sum3A_322[0, 0, 0] : f32 from vector<1x1x1xf32>
      %add3A_324 = arith.constant 10 : i32
      %add3A_325 = arith.addi %add3A_276, %add3A_324 : i32
      %lt3A_326 = arith.constant 40 : i32
      %lt3A_327 = arith.cmpi slt, %add3A_325, %lt3A_326 : i32
      %convert_element_type3A_328 = arith.extui %lt3A_327 : i1 to i32
      %cond3A_329 = arith.constant 0 : i32
      %cond3A_330 = arith.cmpi ne, %convert_element_type3A_328, %cond3A_329 : i32
      scf.if %cond3A_330 {
        %add3A_753 = arith.constant 10 : i32
        %add3A_754 = arith.addi %add3A_276, %add3A_753 : i32
        %mul3A_755 = arith.constant 880 : i32
        %mul3A_756 = arith.muli %add3A_754, %mul3A_755 : i32
        %add3A_757 = arith.constant 26400 : i32
        %add3A_758 = arith.addi %add3A_757, %mul3A_756 : i32
        %dma_start3A_759 = arith.constant 2 : i32
        %dma_start3A_760 = arith.constant 0 : i32
        %dma_start3A_761 = tpu.memref_slice %arg25[%dma_start3A_759, %dma_start3A_760] : memref<10x2x!tpu.dma_semaphore, #tpu.memory_space<semaphore_mem>> -> memref<1x1x!tpu.dma_semaphore, #tpu.memory_space<semaphore_mem>>
        %dma_start3A_762 = tpu.memref_squeeze %dma_start3A_761 : memref<1x1x!tpu.dma_semaphore, #tpu.memory_space<semaphore_mem>> -> memref<!tpu.dma_semaphore, #tpu.memory_space<semaphore_mem>>
        %dma_start3A_763 = arith.constant 0 : i32
        %dma_start3A_764 = tpu.memref_slice %arg1[%add3A_758, %dma_start3A_763] : memref<100000x128xf32, #tpu.memory_space<hbm>> -> memref<880x128xf32, #tpu.memory_space<hbm>>
        tpu.enqueue_dma source(%dma_start3A_764 : memref<880x128xf32, #tpu.memory_space<hbm>>) target(%arg7 : memref<880x128xf32, #tpu.memory_space<vmem>>) target_semaphore(%dma_start3A_762 : memref<!tpu.dma_semaphore, #tpu.memory_space<semaphore_mem>>)
        %add3A_765 = arith.constant 10 : i32
        %add3A_766 = arith.addi %add3A_276, %add3A_765 : i32
        %mul3A_767 = arith.constant 880 : i32
        %mul3A_768 = arith.muli %add3A_766, %mul3A_767 : i32
        %add3A_769 = arith.constant 26400 : i32
        %add3A_770 = arith.addi %add3A_769, %mul3A_768 : i32
        %dma_start3A_771 = arith.constant 2 : i32
        %dma_start3A_772 = arith.constant 1 : i32
        %dma_start3A_773 = tpu.memref_slice %arg25[%dma_start3A_771, %dma_start3A_772] : memref<10x2x!tpu.dma_semaphore, #tpu.memory_space<semaphore_mem>> -> memref<1x1x!tpu.dma_semaphore, #tpu.memory_space<semaphore_mem>>
        %dma_start3A_774 = tpu.memref_squeeze %dma_start3A_773 : memref<1x1x!tpu.dma_semaphore, #tpu.memory_space<semaphore_mem>> -> memref<!tpu.dma_semaphore, #tpu.memory_space<semaphore_mem>>
        %dma_start3A_775 = arith.constant 0 : i32
        %dma_start3A_776 = tpu.memref_slice %arg2[%add3A_770, %dma_start3A_775] : memref<100000x512xf32, #tpu.memory_space<hbm>> -> memref<880x512xf32, #tpu.memory_space<hbm>>
        tpu.enqueue_dma source(%dma_start3A_776 : memref<880x512xf32, #tpu.memory_space<hbm>>) target(%arg17 : memref<880x512xf32, #tpu.memory_space<vmem>>) target_semaphore(%dma_start3A_774 : memref<!tpu.dma_semaphore, #tpu.memory_space<semaphore_mem>>)
      } else {
      }
      %add3A_331 = arith.addf %add3A_271, %dot_general3A_318 : vector<1x512xf32>
      %add3A_332 = arith.addf %add3A_272, %reduce_sum3A_323 : f32
      %mul3A_333 = arith.constant 10 : i32
      %mul3A_334 = arith.muli %scan3A_160, %mul3A_333 : i32
      %add3A_335 = arith.constant 3 : i32
      %add3A_336 = arith.addi %mul3A_334, %add3A_335 : i32
      %mul3A_337 = arith.constant 880 : i32
      %mul3A_338 = arith.muli %add3A_336, %mul3A_337 : i32
      %add3A_339 = arith.constant 26400 : i32
      %add3A_340 = arith.addi %add3A_339, %mul3A_338 : i32
      %dma_wait3A_341 = arith.constant 3 : i32
      %dma_wait3A_342 = arith.constant 0 : i32
      %dma_wait3A_343 = tpu.memref_slice %arg25[%dma_wait3A_341, %dma_wait3A_342] : memref<10x2x!tpu.dma_semaphore, #tpu.memory_space<semaphore_mem>> -> memref<1x1x!tpu.dma_semaphore, #tpu.memory_space<semaphore_mem>>
      %dma_wait3A_344 = tpu.memref_squeeze %dma_wait3A_343 : memref<1x1x!tpu.dma_semaphore, #tpu.memory_space<semaphore_mem>> -> memref<!tpu.dma_semaphore, #tpu.memory_space<semaphore_mem>>
      %dma_wait3A_345 = arith.constant 0 : i32
      %dma_wait3A_346 = tpu.memref_slice %arg1[%add3A_340, %dma_wait3A_345] : memref<100000x128xf32, #tpu.memory_space<hbm>> -> memref<880x128xf32, #tpu.memory_space<hbm>>
      tpu.wait_dma2 semaphore(%dma_wait3A_344 : memref<!tpu.dma_semaphore, #tpu.memory_space<semaphore_mem>>) src(%dma_wait3A_346 : memref<880x128xf32, #tpu.memory_space<hbm>>) dst(%arg8 : memref<880x128xf32, #tpu.memory_space<vmem>>)
      %mul3A_347 = arith.constant 880 : i32
      %mul3A_348 = arith.muli %add3A_336, %mul3A_347 : i32
      %add3A_349 = arith.constant 26400 : i32
      %add3A_350 = arith.addi %add3A_349, %mul3A_348 : i32
      %dma_wait3A_351 = arith.constant 3 : i32
      %dma_wait3A_352 = arith.constant 1 : i32
      %dma_wait3A_353 = tpu.memref_slice %arg25[%dma_wait3A_351, %dma_wait3A_352] : memref<10x2x!tpu.dma_semaphore, #tpu.memory_space<semaphore_mem>> -> memref<1x1x!tpu.dma_semaphore, #tpu.memory_space<semaphore_mem>>
      %dma_wait3A_354 = tpu.memref_squeeze %dma_wait3A_353 : memref<1x1x!tpu.dma_semaphore, #tpu.memory_space<semaphore_mem>> -> memref<!tpu.dma_semaphore, #tpu.memory_space<semaphore_mem>>
      %dma_wait3A_355 = arith.constant 0 : i32
      %dma_wait3A_356 = tpu.memref_slice %arg2[%add3A_350, %dma_wait3A_355] : memref<100000x512xf32, #tpu.memory_space<hbm>> -> memref<880x512xf32, #tpu.memory_space<hbm>>
      tpu.wait_dma2 semaphore(%dma_wait3A_354 : memref<!tpu.dma_semaphore, #tpu.memory_space<semaphore_mem>>) src(%dma_wait3A_356 : memref<880x512xf32, #tpu.memory_space<hbm>>) dst(%arg18 : memref<880x512xf32, #tpu.memory_space<vmem>>)
      %get3A_357 = arith.constant 0 : index
      %get3A_358 = arith.constant 0 : index
      %get3A_359 = vector.load %arg8[%get3A_357, %get3A_358] : memref<880x128xf32, #tpu.memory_space<vmem>>, vector<880x128xf32>
      %get3A_360 = arith.constant 0 : index
      %get3A_361 = arith.constant 0 : index
      %get3A_362 = vector.load %arg18[%get3A_360, %get3A_361] : memref<880x512xf32, #tpu.memory_space<vmem>>, vector<880x512xf32>
      %transpose3A_363 = tpu.transpose %get3A_359, [1, 0] : vector<880x128xf32> -> vector<128x880xf32>
      %dot_general3A_364 = arith.constant dense<0.000000e+00> : vector<1x880xf32>
      %dot_general3A_365 = tpu.matmul %get3A_140, %transpose3A_363, %dot_general3A_364 {dimension_numbers = #tpu.dot_dimension_numbers<[1], [0], [0], [1], [0, 0, 1, 1], [], []>, transpose_lhs_hint = false} : vector<1x128xf32>, vector<128x880xf32>, vector<1x880xf32> -> vector<1x880xf32>
      %mul3A_366 = arith.mulf %transpose3A_363, %transpose3A_363 : vector<128x880xf32>
      %dot_general3A_367 = arith.constant dense<0.000000e+00> : vector<1x880xf32>
      %dot_general3A_368 = tpu.matmul %broadcast_in_dim3A_145, %mul3A_366, %dot_general3A_367 {dimension_numbers = #tpu.dot_dimension_numbers<[1], [0], [0], [1], [0, 0, 1, 1], [], []>, transpose_lhs_hint = false} : vector<1x128xf32>, vector<128x880xf32>, vector<1x880xf32> -> vector<1x880xf32>
      %sqrt3A_369 = math.sqrt %dot_general3A_368 : vector<1x880xf32>
      %mul3A_370 = vector.broadcast %sqrt3A : f32 to vector<1x880xf32>
      %mul3A_371 = arith.mulf %mul3A_370, %sqrt3A_369 : vector<1x880xf32>
      %max3A_372 = arith.constant 9.99999997E-7 : f32
      %max3A_373 = vector.broadcast %max3A_372 : f32 to vector<1x880xf32>
      %max3A_374 = arith.maximumf %mul3A_371, %max3A_373 : vector<1x880xf32>
      %div3A_375 = arith.divf %dot_general3A_365, %max3A_374 : vector<1x880xf32>
      %exp3A_376 = math.exp %div3A_375 : vector<1x880xf32>
      %dot_general3A_377 = arith.constant dense<0.000000e+00> : vector<1x512xf32>
      %dot_general3A_378 = tpu.matmul %exp3A_376, %get3A_362, %dot_general3A_377 {dimension_numbers = #tpu.dot_dimension_numbers<[1], [0], [0], [1], [0, 0, 1, 1], [], []>, transpose_lhs_hint = false} : vector<1x880xf32>, vector<880x512xf32>, vector<1x512xf32> -> vector<1x512xf32>
      %reduce_sum3A_379 = vector.shape_cast %exp3A_376 : vector<1x880xf32> to vector<1x1x880xf32>
      %reduce_sum3A_380 = arith.constant dense<0.000000e+00> : vector<1xf32>
      %reduce_sum3A_381 = vector.multi_reduction <add>, %reduce_sum3A_379, %reduce_sum3A_380 [1, 2] : vector<1x1x880xf32> to vector<1xf32>
      %reduce_sum3A_382 = vector.shape_cast %reduce_sum3A_381 : vector<1xf32> to vector<1x1x1xf32>
      %reduce_sum3A_383 = vector.extract %reduce_sum3A_382[0, 0, 0] : f32 from vector<1x1x1xf32>
      %add3A_384 = arith.constant 10 : i32
      %add3A_385 = arith.addi %add3A_336, %add3A_384 : i32
      %lt3A_386 = arith.constant 40 : i32
      %lt3A_387 = arith.cmpi slt, %add3A_385, %lt3A_386 : i32
      %convert_element_type3A_388 = arith.extui %lt3A_387 : i1 to i32
      %cond3A_389 = arith.constant 0 : i32
      %cond3A_390 = arith.cmpi ne, %convert_element_type3A_388, %cond3A_389 : i32
      scf.if %cond3A_390 {
        %add3A_753 = arith.constant 10 : i32
        %add3A_754 = arith.addi %add3A_336, %add3A_753 : i32
        %mul3A_755 = arith.constant 880 : i32
        %mul3A_756 = arith.muli %add3A_754, %mul3A_755 : i32
        %add3A_757 = arith.constant 26400 : i32
        %add3A_758 = arith.addi %add3A_757, %mul3A_756 : i32
        %dma_start3A_759 = arith.constant 3 : i32
        %dma_start3A_760 = arith.constant 0 : i32
        %dma_start3A_761 = tpu.memref_slice %arg25[%dma_start3A_759, %dma_start3A_760] : memref<10x2x!tpu.dma_semaphore, #tpu.memory_space<semaphore_mem>> -> memref<1x1x!tpu.dma_semaphore, #tpu.memory_space<semaphore_mem>>
        %dma_start3A_762 = tpu.memref_squeeze %dma_start3A_761 : memref<1x1x!tpu.dma_semaphore, #tpu.memory_space<semaphore_mem>> -> memref<!tpu.dma_semaphore, #tpu.memory_space<semaphore_mem>>
        %dma_start3A_763 = arith.constant 0 : i32
        %dma_start3A_764 = tpu.memref_slice %arg1[%add3A_758, %dma_start3A_763] : memref<100000x128xf32, #tpu.memory_space<hbm>> -> memref<880x128xf32, #tpu.memory_space<hbm>>
        tpu.enqueue_dma source(%dma_start3A_764 : memref<880x128xf32, #tpu.memory_space<hbm>>) target(%arg8 : memref<880x128xf32, #tpu.memory_space<vmem>>) target_semaphore(%dma_start3A_762 : memref<!tpu.dma_semaphore, #tpu.memory_space<semaphore_mem>>)
        %add3A_765 = arith.constant 10 : i32
        %add3A_766 = arith.addi %add3A_336, %add3A_765 : i32
        %mul3A_767 = arith.constant 880 : i32
        %mul3A_768 = arith.muli %add3A_766, %mul3A_767 : i32
        %add3A_769 = arith.constant 26400 : i32
        %add3A_770 = arith.addi %add3A_769, %mul3A_768 : i32
        %dma_start3A_771 = arith.constant 3 : i32
        %dma_start3A_772 = arith.constant 1 : i32
        %dma_start3A_773 = tpu.memref_slice %arg25[%dma_start3A_771, %dma_start3A_772] : memref<10x2x!tpu.dma_semaphore, #tpu.memory_space<semaphore_mem>> -> memref<1x1x!tpu.dma_semaphore, #tpu.memory_space<semaphore_mem>>
        %dma_start3A_774 = tpu.memref_squeeze %dma_start3A_773 : memref<1x1x!tpu.dma_semaphore, #tpu.memory_space<semaphore_mem>> -> memref<!tpu.dma_semaphore, #tpu.memory_space<semaphore_mem>>
        %dma_start3A_775 = arith.constant 0 : i32
        %dma_start3A_776 = tpu.memref_slice %arg2[%add3A_770, %dma_start3A_775] : memref<100000x512xf32, #tpu.memory_space<hbm>> -> memref<880x512xf32, #tpu.memory_space<hbm>>
        tpu.enqueue_dma source(%dma_start3A_776 : memref<880x512xf32, #tpu.memory_space<hbm>>) target(%arg18 : memref<880x512xf32, #tpu.memory_space<vmem>>) target_semaphore(%dma_start3A_774 : memref<!tpu.dma_semaphore, #tpu.memory_space<semaphore_mem>>)
      } else {
      }
      %add3A_391 = arith.addf %add3A_331, %dot_general3A_378 : vector<1x512xf32>
      %add3A_392 = arith.addf %add3A_332, %reduce_sum3A_383 : f32
      %mul3A_393 = arith.constant 10 : i32
      %mul3A_394 = arith.muli %scan3A_160, %mul3A_393 : i32
      %add3A_395 = arith.constant 4 : i32
      %add3A_396 = arith.addi %mul3A_394, %add3A_395 : i32
      %mul3A_397 = arith.constant 880 : i32
      %mul3A_398 = arith.muli %add3A_396, %mul3A_397 : i32
      %add3A_399 = arith.constant 26400 : i32
      %add3A_400 = arith.addi %add3A_399, %mul3A_398 : i32
      %dma_wait3A_401 = arith.constant 4 : i32
      %dma_wait3A_402 = arith.constant 0 : i32
      %dma_wait3A_403 = tpu.memref_slice %arg25[%dma_wait3A_401, %dma_wait3A_402] : memref<10x2x!tpu.dma_semaphore, #tpu.memory_space<semaphore_mem>> -> memref<1x1x!tpu.dma_semaphore, #tpu.memory_space<semaphore_mem>>
      %dma_wait3A_404 = tpu.memref_squeeze %dma_wait3A_403 : memref<1x1x!tpu.dma_semaphore, #tpu.memory_space<semaphore_mem>> -> memref<!tpu.dma_semaphore, #tpu.memory_space<semaphore_mem>>
      %dma_wait3A_405 = arith.constant 0 : i32
      %dma_wait3A_406 = tpu.memref_slice %arg1[%add3A_400, %dma_wait3A_405] : memref<100000x128xf32, #tpu.memory_space<hbm>> -> memref<880x128xf32, #tpu.memory_space<hbm>>
      tpu.wait_dma2 semaphore(%dma_wait3A_404 : memref<!tpu.dma_semaphore, #tpu.memory_space<semaphore_mem>>) src(%dma_wait3A_406 : memref<880x128xf32, #tpu.memory_space<hbm>>) dst(%arg9 : memref<880x128xf32, #tpu.memory_space<vmem>>)
      %mul3A_407 = arith.constant 880 : i32
      %mul3A_408 = arith.muli %add3A_396, %mul3A_407 : i32
      %add3A_409 = arith.constant 26400 : i32
      %add3A_410 = arith.addi %add3A_409, %mul3A_408 : i32
      %dma_wait3A_411 = arith.constant 4 : i32
      %dma_wait3A_412 = arith.constant 1 : i32
      %dma_wait3A_413 = tpu.memref_slice %arg25[%dma_wait3A_411, %dma_wait3A_412] : memref<10x2x!tpu.dma_semaphore, #tpu.memory_space<semaphore_mem>> -> memref<1x1x!tpu.dma_semaphore, #tpu.memory_space<semaphore_mem>>
      %dma_wait3A_414 = tpu.memref_squeeze %dma_wait3A_413 : memref<1x1x!tpu.dma_semaphore, #tpu.memory_space<semaphore_mem>> -> memref<!tpu.dma_semaphore, #tpu.memory_space<semaphore_mem>>
      %dma_wait3A_415 = arith.constant 0 : i32
      %dma_wait3A_416 = tpu.memref_slice %arg2[%add3A_410, %dma_wait3A_415] : memref<100000x512xf32, #tpu.memory_space<hbm>> -> memref<880x512xf32, #tpu.memory_space<hbm>>
      tpu.wait_dma2 semaphore(%dma_wait3A_414 : memref<!tpu.dma_semaphore, #tpu.memory_space<semaphore_mem>>) src(%dma_wait3A_416 : memref<880x512xf32, #tpu.memory_space<hbm>>) dst(%arg19 : memref<880x512xf32, #tpu.memory_space<vmem>>)
      %get3A_417 = arith.constant 0 : index
      %get3A_418 = arith.constant 0 : index
      %get3A_419 = vector.load %arg9[%get3A_417, %get3A_418] : memref<880x128xf32, #tpu.memory_space<vmem>>, vector<880x128xf32>
      %get3A_420 = arith.constant 0 : index
      %get3A_421 = arith.constant 0 : index
      %get3A_422 = vector.load %arg19[%get3A_420, %get3A_421] : memref<880x512xf32, #tpu.memory_space<vmem>>, vector<880x512xf32>
      %transpose3A_423 = tpu.transpose %get3A_419, [1, 0] : vector<880x128xf32> -> vector<128x880xf32>
      %dot_general3A_424 = arith.constant dense<0.000000e+00> : vector<1x880xf32>
      %dot_general3A_425 = tpu.matmul %get3A_140, %transpose3A_423, %dot_general3A_424 {dimension_numbers = #tpu.dot_dimension_numbers<[1], [0], [0], [1], [0, 0, 1, 1], [], []>, transpose_lhs_hint = false} : vector<1x128xf32>, vector<128x880xf32>, vector<1x880xf32> -> vector<1x880xf32>
      %mul3A_426 = arith.mulf %transpose3A_423, %transpose3A_423 : vector<128x880xf32>
      %dot_general3A_427 = arith.constant dense<0.000000e+00> : vector<1x880xf32>
      %dot_general3A_428 = tpu.matmul %broadcast_in_dim3A_145, %mul3A_426, %dot_general3A_427 {dimension_numbers = #tpu.dot_dimension_numbers<[1], [0], [0], [1], [0, 0, 1, 1], [], []>, transpose_lhs_hint = false} : vector<1x128xf32>, vector<128x880xf32>, vector<1x880xf32> -> vector<1x880xf32>
      %sqrt3A_429 = math.sqrt %dot_general3A_428 : vector<1x880xf32>
      %mul3A_430 = vector.broadcast %sqrt3A : f32 to vector<1x880xf32>
      %mul3A_431 = arith.mulf %mul3A_430, %sqrt3A_429 : vector<1x880xf32>
      %max3A_432 = arith.constant 9.99999997E-7 : f32
      %max3A_433 = vector.broadcast %max3A_432 : f32 to vector<1x880xf32>
      %max3A_434 = arith.maximumf %mul3A_431, %max3A_433 : vector<1x880xf32>
      %div3A_435 = arith.divf %dot_general3A_425, %max3A_434 : vector<1x880xf32>
      %exp3A_436 = math.exp %div3A_435 : vector<1x880xf32>
      %dot_general3A_437 = arith.constant dense<0.000000e+00> : vector<1x512xf32>
      %dot_general3A_438 = tpu.matmul %exp3A_436, %get3A_422, %dot_general3A_437 {dimension_numbers = #tpu.dot_dimension_numbers<[1], [0], [0], [1], [0, 0, 1, 1], [], []>, transpose_lhs_hint = false} : vector<1x880xf32>, vector<880x512xf32>, vector<1x512xf32> -> vector<1x512xf32>
      %reduce_sum3A_439 = vector.shape_cast %exp3A_436 : vector<1x880xf32> to vector<1x1x880xf32>
      %reduce_sum3A_440 = arith.constant dense<0.000000e+00> : vector<1xf32>
      %reduce_sum3A_441 = vector.multi_reduction <add>, %reduce_sum3A_439, %reduce_sum3A_440 [1, 2] : vector<1x1x880xf32> to vector<1xf32>
      %reduce_sum3A_442 = vector.shape_cast %reduce_sum3A_441 : vector<1xf32> to vector<1x1x1xf32>
      %reduce_sum3A_443 = vector.extract %reduce_sum3A_442[0, 0, 0] : f32 from vector<1x1x1xf32>
      %add3A_444 = arith.constant 10 : i32
      %add3A_445 = arith.addi %add3A_396, %add3A_444 : i32
      %lt3A_446 = arith.constant 40 : i32
      %lt3A_447 = arith.cmpi slt, %add3A_445, %lt3A_446 : i32
      %convert_element_type3A_448 = arith.extui %lt3A_447 : i1 to i32
      %cond3A_449 = arith.constant 0 : i32
      %cond3A_450 = arith.cmpi ne, %convert_element_type3A_448, %cond3A_449 : i32
      scf.if %cond3A_450 {
        %add3A_753 = arith.constant 10 : i32
        %add3A_754 = arith.addi %add3A_396, %add3A_753 : i32
        %mul3A_755 = arith.constant 880 : i32
        %mul3A_756 = arith.muli %add3A_754, %mul3A_755 : i32
        %add3A_757 = arith.constant 26400 : i32
        %add3A_758 = arith.addi %add3A_757, %mul3A_756 : i32
        %dma_start3A_759 = arith.constant 4 : i32
        %dma_start3A_760 = arith.constant 0 : i32
        %dma_start3A_761 = tpu.memref_slice %arg25[%dma_start3A_759, %dma_start3A_760] : memref<10x2x!tpu.dma_semaphore, #tpu.memory_space<semaphore_mem>> -> memref<1x1x!tpu.dma_semaphore, #tpu.memory_space<semaphore_mem>>
        %dma_start3A_762 = tpu.memref_squeeze %dma_start3A_761 : memref<1x1x!tpu.dma_semaphore, #tpu.memory_space<semaphore_mem>> -> memref<!tpu.dma_semaphore, #tpu.memory_space<semaphore_mem>>
        %dma_start3A_763 = arith.constant 0 : i32
        %dma_start3A_764 = tpu.memref_slice %arg1[%add3A_758, %dma_start3A_763] : memref<100000x128xf32, #tpu.memory_space<hbm>> -> memref<880x128xf32, #tpu.memory_space<hbm>>
        tpu.enqueue_dma source(%dma_start3A_764 : memref<880x128xf32, #tpu.memory_space<hbm>>) target(%arg9 : memref<880x128xf32, #tpu.memory_space<vmem>>) target_semaphore(%dma_start3A_762 : memref<!tpu.dma_semaphore, #tpu.memory_space<semaphore_mem>>)
        %add3A_765 = arith.constant 10 : i32
        %add3A_766 = arith.addi %add3A_396, %add3A_765 : i32
        %mul3A_767 = arith.constant 880 : i32
        %mul3A_768 = arith.muli %add3A_766, %mul3A_767 : i32
        %add3A_769 = arith.constant 26400 : i32
        %add3A_770 = arith.addi %add3A_769, %mul3A_768 : i32
        %dma_start3A_771 = arith.constant 4 : i32
        %dma_start3A_772 = arith.constant 1 : i32
        %dma_start3A_773 = tpu.memref_slice %arg25[%dma_start3A_771, %dma_start3A_772] : memref<10x2x!tpu.dma_semaphore, #tpu.memory_space<semaphore_mem>> -> memref<1x1x!tpu.dma_semaphore, #tpu.memory_space<semaphore_mem>>
        %dma_start3A_774 = tpu.memref_squeeze %dma_start3A_773 : memref<1x1x!tpu.dma_semaphore, #tpu.memory_space<semaphore_mem>> -> memref<!tpu.dma_semaphore, #tpu.memory_space<semaphore_mem>>
        %dma_start3A_775 = arith.constant 0 : i32
        %dma_start3A_776 = tpu.memref_slice %arg2[%add3A_770, %dma_start3A_775] : memref<100000x512xf32, #tpu.memory_space<hbm>> -> memref<880x512xf32, #tpu.memory_space<hbm>>
        tpu.enqueue_dma source(%dma_start3A_776 : memref<880x512xf32, #tpu.memory_space<hbm>>) target(%arg19 : memref<880x512xf32, #tpu.memory_space<vmem>>) target_semaphore(%dma_start3A_774 : memref<!tpu.dma_semaphore, #tpu.memory_space<semaphore_mem>>)
      } else {
      }
      %add3A_451 = arith.addf %add3A_391, %dot_general3A_438 : vector<1x512xf32>
      %add3A_452 = arith.addf %add3A_392, %reduce_sum3A_443 : f32
      %mul3A_453 = arith.constant 10 : i32
      %mul3A_454 = arith.muli %scan3A_160, %mul3A_453 : i32
      %add3A_455 = arith.constant 5 : i32
      %add3A_456 = arith.addi %mul3A_454, %add3A_455 : i32
      %mul3A_457 = arith.constant 880 : i32
      %mul3A_458 = arith.muli %add3A_456, %mul3A_457 : i32
      %add3A_459 = arith.constant 26400 : i32
      %add3A_460 = arith.addi %add3A_459, %mul3A_458 : i32
      %dma_wait3A_461 = arith.constant 5 : i32
      %dma_wait3A_462 = arith.constant 0 : i32
      %dma_wait3A_463 = tpu.memref_slice %arg25[%dma_wait3A_461, %dma_wait3A_462] : memref<10x2x!tpu.dma_semaphore, #tpu.memory_space<semaphore_mem>> -> memref<1x1x!tpu.dma_semaphore, #tpu.memory_space<semaphore_mem>>
      %dma_wait3A_464 = tpu.memref_squeeze %dma_wait3A_463 : memref<1x1x!tpu.dma_semaphore, #tpu.memory_space<semaphore_mem>> -> memref<!tpu.dma_semaphore, #tpu.memory_space<semaphore_mem>>
      %dma_wait3A_465 = arith.constant 0 : i32
      %dma_wait3A_466 = tpu.memref_slice %arg1[%add3A_460, %dma_wait3A_465] : memref<100000x128xf32, #tpu.memory_space<hbm>> -> memref<880x128xf32, #tpu.memory_space<hbm>>
      tpu.wait_dma2 semaphore(%dma_wait3A_464 : memref<!tpu.dma_semaphore, #tpu.memory_space<semaphore_mem>>) src(%dma_wait3A_466 : memref<880x128xf32, #tpu.memory_space<hbm>>) dst(%arg10 : memref<880x128xf32, #tpu.memory_space<vmem>>)
      %mul3A_467 = arith.constant 880 : i32
      %mul3A_468 = arith.muli %add3A_456, %mul3A_467 : i32
      %add3A_469 = arith.constant 26400 : i32
      %add3A_470 = arith.addi %add3A_469, %mul3A_468 : i32
      %dma_wait3A_471 = arith.constant 5 : i32
      %dma_wait3A_472 = arith.constant 1 : i32
      %dma_wait3A_473 = tpu.memref_slice %arg25[%dma_wait3A_471, %dma_wait3A_472] : memref<10x2x!tpu.dma_semaphore, #tpu.memory_space<semaphore_mem>> -> memref<1x1x!tpu.dma_semaphore, #tpu.memory_space<semaphore_mem>>
      %dma_wait3A_474 = tpu.memref_squeeze %dma_wait3A_473 : memref<1x1x!tpu.dma_semaphore, #tpu.memory_space<semaphore_mem>> -> memref<!tpu.dma_semaphore, #tpu.memory_space<semaphore_mem>>
      %dma_wait3A_475 = arith.constant 0 : i32
      %dma_wait3A_476 = tpu.memref_slice %arg2[%add3A_470, %dma_wait3A_475] : memref<100000x512xf32, #tpu.memory_space<hbm>> -> memref<880x512xf32, #tpu.memory_space<hbm>>
      tpu.wait_dma2 semaphore(%dma_wait3A_474 : memref<!tpu.dma_semaphore, #tpu.memory_space<semaphore_mem>>) src(%dma_wait3A_476 : memref<880x512xf32, #tpu.memory_space<hbm>>) dst(%arg20 : memref<880x512xf32, #tpu.memory_space<vmem>>)
      %get3A_477 = arith.constant 0 : index
      %get3A_478 = arith.constant 0 : index
      %get3A_479 = vector.load %arg10[%get3A_477, %get3A_478] : memref<880x128xf32, #tpu.memory_space<vmem>>, vector<880x128xf32>
      %get3A_480 = arith.constant 0 : index
      %get3A_481 = arith.constant 0 : index
      %get3A_482 = vector.load %arg20[%get3A_480, %get3A_481] : memref<880x512xf32, #tpu.memory_space<vmem>>, vector<880x512xf32>
      %transpose3A_483 = tpu.transpose %get3A_479, [1, 0] : vector<880x128xf32> -> vector<128x880xf32>
      %dot_general3A_484 = arith.constant dense<0.000000e+00> : vector<1x880xf32>
      %dot_general3A_485 = tpu.matmul %get3A_140, %transpose3A_483, %dot_general3A_484 {dimension_numbers = #tpu.dot_dimension_numbers<[1], [0], [0], [1], [0, 0, 1, 1], [], []>, transpose_lhs_hint = false} : vector<1x128xf32>, vector<128x880xf32>, vector<1x880xf32> -> vector<1x880xf32>
      %mul3A_486 = arith.mulf %transpose3A_483, %transpose3A_483 : vector<128x880xf32>
      %dot_general3A_487 = arith.constant dense<0.000000e+00> : vector<1x880xf32>
      %dot_general3A_488 = tpu.matmul %broadcast_in_dim3A_145, %mul3A_486, %dot_general3A_487 {dimension_numbers = #tpu.dot_dimension_numbers<[1], [0], [0], [1], [0, 0, 1, 1], [], []>, transpose_lhs_hint = false} : vector<1x128xf32>, vector<128x880xf32>, vector<1x880xf32> -> vector<1x880xf32>
      %sqrt3A_489 = math.sqrt %dot_general3A_488 : vector<1x880xf32>
      %mul3A_490 = vector.broadcast %sqrt3A : f32 to vector<1x880xf32>
      %mul3A_491 = arith.mulf %mul3A_490, %sqrt3A_489 : vector<1x880xf32>
      %max3A_492 = arith.constant 9.99999997E-7 : f32
      %max3A_493 = vector.broadcast %max3A_492 : f32 to vector<1x880xf32>
      %max3A_494 = arith.maximumf %mul3A_491, %max3A_493 : vector<1x880xf32>
      %div3A_495 = arith.divf %dot_general3A_485, %max3A_494 : vector<1x880xf32>
      %exp3A_496 = math.exp %div3A_495 : vector<1x880xf32>
      %dot_general3A_497 = arith.constant dense<0.000000e+00> : vector<1x512xf32>
      %dot_general3A_498 = tpu.matmul %exp3A_496, %get3A_482, %dot_general3A_497 {dimension_numbers = #tpu.dot_dimension_numbers<[1], [0], [0], [1], [0, 0, 1, 1], [], []>, transpose_lhs_hint = false} : vector<1x880xf32>, vector<880x512xf32>, vector<1x512xf32> -> vector<1x512xf32>
      %reduce_sum3A_499 = vector.shape_cast %exp3A_496 : vector<1x880xf32> to vector<1x1x880xf32>
      %reduce_sum3A_500 = arith.constant dense<0.000000e+00> : vector<1xf32>
      %reduce_sum3A_501 = vector.multi_reduction <add>, %reduce_sum3A_499, %reduce_sum3A_500 [1, 2] : vector<1x1x880xf32> to vector<1xf32>
      %reduce_sum3A_502 = vector.shape_cast %reduce_sum3A_501 : vector<1xf32> to vector<1x1x1xf32>
      %reduce_sum3A_503 = vector.extract %reduce_sum3A_502[0, 0, 0] : f32 from vector<1x1x1xf32>
      %add3A_504 = arith.constant 10 : i32
      %add3A_505 = arith.addi %add3A_456, %add3A_504 : i32
      %lt3A_506 = arith.constant 40 : i32
      %lt3A_507 = arith.cmpi slt, %add3A_505, %lt3A_506 : i32
      %convert_element_type3A_508 = arith.extui %lt3A_507 : i1 to i32
      %cond3A_509 = arith.constant 0 : i32
      %cond3A_510 = arith.cmpi ne, %convert_element_type3A_508, %cond3A_509 : i32
      scf.if %cond3A_510 {
        %add3A_753 = arith.constant 10 : i32
        %add3A_754 = arith.addi %add3A_456, %add3A_753 : i32
        %mul3A_755 = arith.constant 880 : i32
        %mul3A_756 = arith.muli %add3A_754, %mul3A_755 : i32
        %add3A_757 = arith.constant 26400 : i32
        %add3A_758 = arith.addi %add3A_757, %mul3A_756 : i32
        %dma_start3A_759 = arith.constant 5 : i32
        %dma_start3A_760 = arith.constant 0 : i32
        %dma_start3A_761 = tpu.memref_slice %arg25[%dma_start3A_759, %dma_start3A_760] : memref<10x2x!tpu.dma_semaphore, #tpu.memory_space<semaphore_mem>> -> memref<1x1x!tpu.dma_semaphore, #tpu.memory_space<semaphore_mem>>
        %dma_start3A_762 = tpu.memref_squeeze %dma_start3A_761 : memref<1x1x!tpu.dma_semaphore, #tpu.memory_space<semaphore_mem>> -> memref<!tpu.dma_semaphore, #tpu.memory_space<semaphore_mem>>
        %dma_start3A_763 = arith.constant 0 : i32
        %dma_start3A_764 = tpu.memref_slice %arg1[%add3A_758, %dma_start3A_763] : memref<100000x128xf32, #tpu.memory_space<hbm>> -> memref<880x128xf32, #tpu.memory_space<hbm>>
        tpu.enqueue_dma source(%dma_start3A_764 : memref<880x128xf32, #tpu.memory_space<hbm>>) target(%arg10 : memref<880x128xf32, #tpu.memory_space<vmem>>) target_semaphore(%dma_start3A_762 : memref<!tpu.dma_semaphore, #tpu.memory_space<semaphore_mem>>)
        %add3A_765 = arith.constant 10 : i32
        %add3A_766 = arith.addi %add3A_456, %add3A_765 : i32
        %mul3A_767 = arith.constant 880 : i32
        %mul3A_768 = arith.muli %add3A_766, %mul3A_767 : i32
        %add3A_769 = arith.constant 26400 : i32
        %add3A_770 = arith.addi %add3A_769, %mul3A_768 : i32
        %dma_start3A_771 = arith.constant 5 : i32
        %dma_start3A_772 = arith.constant 1 : i32
        %dma_start3A_773 = tpu.memref_slice %arg25[%dma_start3A_771, %dma_start3A_772] : memref<10x2x!tpu.dma_semaphore, #tpu.memory_space<semaphore_mem>> -> memref<1x1x!tpu.dma_semaphore, #tpu.memory_space<semaphore_mem>>
        %dma_start3A_774 = tpu.memref_squeeze %dma_start3A_773 : memref<1x1x!tpu.dma_semaphore, #tpu.memory_space<semaphore_mem>> -> memref<!tpu.dma_semaphore, #tpu.memory_space<semaphore_mem>>
        %dma_start3A_775 = arith.constant 0 : i32
        %dma_start3A_776 = tpu.memref_slice %arg2[%add3A_770, %dma_start3A_775] : memref<100000x512xf32, #tpu.memory_space<hbm>> -> memref<880x512xf32, #tpu.memory_space<hbm>>
        tpu.enqueue_dma source(%dma_start3A_776 : memref<880x512xf32, #tpu.memory_space<hbm>>) target(%arg20 : memref<880x512xf32, #tpu.memory_space<vmem>>) target_semaphore(%dma_start3A_774 : memref<!tpu.dma_semaphore, #tpu.memory_space<semaphore_mem>>)
      } else {
      }
      %add3A_511 = arith.addf %add3A_451, %dot_general3A_498 : vector<1x512xf32>
      %add3A_512 = arith.addf %add3A_452, %reduce_sum3A_503 : f32
      %mul3A_513 = arith.constant 10 : i32
      %mul3A_514 = arith.muli %scan3A_160, %mul3A_513 : i32
      %add3A_515 = arith.constant 6 : i32
      %add3A_516 = arith.addi %mul3A_514, %add3A_515 : i32
      %mul3A_517 = arith.constant 880 : i32
      %mul3A_518 = arith.muli %add3A_516, %mul3A_517 : i32
      %add3A_519 = arith.constant 26400 : i32
      %add3A_520 = arith.addi %add3A_519, %mul3A_518 : i32
      %dma_wait3A_521 = arith.constant 6 : i32
      %dma_wait3A_522 = arith.constant 0 : i32
      %dma_wait3A_523 = tpu.memref_slice %arg25[%dma_wait3A_521, %dma_wait3A_522] : memref<10x2x!tpu.dma_semaphore, #tpu.memory_space<semaphore_mem>> -> memref<1x1x!tpu.dma_semaphore, #tpu.memory_space<semaphore_mem>>
      %dma_wait3A_524 = tpu.memref_squeeze %dma_wait3A_523 : memref<1x1x!tpu.dma_semaphore, #tpu.memory_space<semaphore_mem>> -> memref<!tpu.dma_semaphore, #tpu.memory_space<semaphore_mem>>
      %dma_wait3A_525 = arith.constant 0 : i32
      %dma_wait3A_526 = tpu.memref_slice %arg1[%add3A_520, %dma_wait3A_525] : memref<100000x128xf32, #tpu.memory_space<hbm>> -> memref<880x128xf32, #tpu.memory_space<hbm>>
      tpu.wait_dma2 semaphore(%dma_wait3A_524 : memref<!tpu.dma_semaphore, #tpu.memory_space<semaphore_mem>>) src(%dma_wait3A_526 : memref<880x128xf32, #tpu.memory_space<hbm>>) dst(%arg11 : memref<880x128xf32, #tpu.memory_space<vmem>>)
      %mul3A_527 = arith.constant 880 : i32
      %mul3A_528 = arith.muli %add3A_516, %mul3A_527 : i32
      %add3A_529 = arith.constant 26400 : i32
      %add3A_530 = arith.addi %add3A_529, %mul3A_528 : i32
      %dma_wait3A_531 = arith.constant 6 : i32
      %dma_wait3A_532 = arith.constant 1 : i32
      %dma_wait3A_533 = tpu.memref_slice %arg25[%dma_wait3A_531, %dma_wait3A_532] : memref<10x2x!tpu.dma_semaphore, #tpu.memory_space<semaphore_mem>> -> memref<1x1x!tpu.dma_semaphore, #tpu.memory_space<semaphore_mem>>
      %dma_wait3A_534 = tpu.memref_squeeze %dma_wait3A_533 : memref<1x1x!tpu.dma_semaphore, #tpu.memory_space<semaphore_mem>> -> memref<!tpu.dma_semaphore, #tpu.memory_space<semaphore_mem>>
      %dma_wait3A_535 = arith.constant 0 : i32
      %dma_wait3A_536 = tpu.memref_slice %arg2[%add3A_530, %dma_wait3A_535] : memref<100000x512xf32, #tpu.memory_space<hbm>> -> memref<880x512xf32, #tpu.memory_space<hbm>>
      tpu.wait_dma2 semaphore(%dma_wait3A_534 : memref<!tpu.dma_semaphore, #tpu.memory_space<semaphore_mem>>) src(%dma_wait3A_536 : memref<880x512xf32, #tpu.memory_space<hbm>>) dst(%arg21 : memref<880x512xf32, #tpu.memory_space<vmem>>)
      %get3A_537 = arith.constant 0 : index
      %get3A_538 = arith.constant 0 : index
      %get3A_539 = vector.load %arg11[%get3A_537, %get3A_538] : memref<880x128xf32, #tpu.memory_space<vmem>>, vector<880x128xf32>
      %get3A_540 = arith.constant 0 : index
      %get3A_541 = arith.constant 0 : index
      %get3A_542 = vector.load %arg21[%get3A_540, %get3A_541] : memref<880x512xf32, #tpu.memory_space<vmem>>, vector<880x512xf32>
      %transpose3A_543 = tpu.transpose %get3A_539, [1, 0] : vector<880x128xf32> -> vector<128x880xf32>
      %dot_general3A_544 = arith.constant dense<0.000000e+00> : vector<1x880xf32>
      %dot_general3A_545 = tpu.matmul %get3A_140, %transpose3A_543, %dot_general3A_544 {dimension_numbers = #tpu.dot_dimension_numbers<[1], [0], [0], [1], [0, 0, 1, 1], [], []>, transpose_lhs_hint = false} : vector<1x128xf32>, vector<128x880xf32>, vector<1x880xf32> -> vector<1x880xf32>
      %mul3A_546 = arith.mulf %transpose3A_543, %transpose3A_543 : vector<128x880xf32>
      %dot_general3A_547 = arith.constant dense<0.000000e+00> : vector<1x880xf32>
      %dot_general3A_548 = tpu.matmul %broadcast_in_dim3A_145, %mul3A_546, %dot_general3A_547 {dimension_numbers = #tpu.dot_dimension_numbers<[1], [0], [0], [1], [0, 0, 1, 1], [], []>, transpose_lhs_hint = false} : vector<1x128xf32>, vector<128x880xf32>, vector<1x880xf32> -> vector<1x880xf32>
      %sqrt3A_549 = math.sqrt %dot_general3A_548 : vector<1x880xf32>
      %mul3A_550 = vector.broadcast %sqrt3A : f32 to vector<1x880xf32>
      %mul3A_551 = arith.mulf %mul3A_550, %sqrt3A_549 : vector<1x880xf32>
      %max3A_552 = arith.constant 9.99999997E-7 : f32
      %max3A_553 = vector.broadcast %max3A_552 : f32 to vector<1x880xf32>
      %max3A_554 = arith.maximumf %mul3A_551, %max3A_553 : vector<1x880xf32>
      %div3A_555 = arith.divf %dot_general3A_545, %max3A_554 : vector<1x880xf32>
      %exp3A_556 = math.exp %div3A_555 : vector<1x880xf32>
      %dot_general3A_557 = arith.constant dense<0.000000e+00> : vector<1x512xf32>
      %dot_general3A_558 = tpu.matmul %exp3A_556, %get3A_542, %dot_general3A_557 {dimension_numbers = #tpu.dot_dimension_numbers<[1], [0], [0], [1], [0, 0, 1, 1], [], []>, transpose_lhs_hint = false} : vector<1x880xf32>, vector<880x512xf32>, vector<1x512xf32> -> vector<1x512xf32>
      %reduce_sum3A_559 = vector.shape_cast %exp3A_556 : vector<1x880xf32> to vector<1x1x880xf32>
      %reduce_sum3A_560 = arith.constant dense<0.000000e+00> : vector<1xf32>
      %reduce_sum3A_561 = vector.multi_reduction <add>, %reduce_sum3A_559, %reduce_sum3A_560 [1, 2] : vector<1x1x880xf32> to vector<1xf32>
      %reduce_sum3A_562 = vector.shape_cast %reduce_sum3A_561 : vector<1xf32> to vector<1x1x1xf32>
      %reduce_sum3A_563 = vector.extract %reduce_sum3A_562[0, 0, 0] : f32 from vector<1x1x1xf32>
      %add3A_564 = arith.constant 10 : i32
      %add3A_565 = arith.addi %add3A_516, %add3A_564 : i32
      %lt3A_566 = arith.constant 40 : i32
      %lt3A_567 = arith.cmpi slt, %add3A_565, %lt3A_566 : i32
      %convert_element_type3A_568 = arith.extui %lt3A_567 : i1 to i32
      %cond3A_569 = arith.constant 0 : i32
      %cond3A_570 = arith.cmpi ne, %convert_element_type3A_568, %cond3A_569 : i32
      scf.if %cond3A_570 {
        %add3A_753 = arith.constant 10 : i32
        %add3A_754 = arith.addi %add3A_516, %add3A_753 : i32
        %mul3A_755 = arith.constant 880 : i32
        %mul3A_756 = arith.muli %add3A_754, %mul3A_755 : i32
        %add3A_757 = arith.constant 26400 : i32
        %add3A_758 = arith.addi %add3A_757, %mul3A_756 : i32
        %dma_start3A_759 = arith.constant 6 : i32
        %dma_start3A_760 = arith.constant 0 : i32
        %dma_start3A_761 = tpu.memref_slice %arg25[%dma_start3A_759, %dma_start3A_760] : memref<10x2x!tpu.dma_semaphore, #tpu.memory_space<semaphore_mem>> -> memref<1x1x!tpu.dma_semaphore, #tpu.memory_space<semaphore_mem>>
        %dma_start3A_762 = tpu.memref_squeeze %dma_start3A_761 : memref<1x1x!tpu.dma_semaphore, #tpu.memory_space<semaphore_mem>> -> memref<!tpu.dma_semaphore, #tpu.memory_space<semaphore_mem>>
        %dma_start3A_763 = arith.constant 0 : i32
        %dma_start3A_764 = tpu.memref_slice %arg1[%add3A_758, %dma_start3A_763] : memref<100000x128xf32, #tpu.memory_space<hbm>> -> memref<880x128xf32, #tpu.memory_space<hbm>>
        tpu.enqueue_dma source(%dma_start3A_764 : memref<880x128xf32, #tpu.memory_space<hbm>>) target(%arg11 : memref<880x128xf32, #tpu.memory_space<vmem>>) target_semaphore(%dma_start3A_762 : memref<!tpu.dma_semaphore, #tpu.memory_space<semaphore_mem>>)
        %add3A_765 = arith.constant 10 : i32
        %add3A_766 = arith.addi %add3A_516, %add3A_765 : i32
        %mul3A_767 = arith.constant 880 : i32
        %mul3A_768 = arith.muli %add3A_766, %mul3A_767 : i32
        %add3A_769 = arith.constant 26400 : i32
        %add3A_770 = arith.addi %add3A_769, %mul3A_768 : i32
        %dma_start3A_771 = arith.constant 6 : i32
        %dma_start3A_772 = arith.constant 1 : i32
        %dma_start3A_773 = tpu.memref_slice %arg25[%dma_start3A_771, %dma_start3A_772] : memref<10x2x!tpu.dma_semaphore, #tpu.memory_space<semaphore_mem>> -> memref<1x1x!tpu.dma_semaphore, #tpu.memory_space<semaphore_mem>>
        %dma_start3A_774 = tpu.memref_squeeze %dma_start3A_773 : memref<1x1x!tpu.dma_semaphore, #tpu.memory_space<semaphore_mem>> -> memref<!tpu.dma_semaphore, #tpu.memory_space<semaphore_mem>>
        %dma_start3A_775 = arith.constant 0 : i32
        %dma_start3A_776 = tpu.memref_slice %arg2[%add3A_770, %dma_start3A_775] : memref<100000x512xf32, #tpu.memory_space<hbm>> -> memref<880x512xf32, #tpu.memory_space<hbm>>
        tpu.enqueue_dma source(%dma_start3A_776 : memref<880x512xf32, #tpu.memory_space<hbm>>) target(%arg21 : memref<880x512xf32, #tpu.memory_space<vmem>>) target_semaphore(%dma_start3A_774 : memref<!tpu.dma_semaphore, #tpu.memory_space<semaphore_mem>>)
      } else {
      }
      %add3A_571 = arith.addf %add3A_511, %dot_general3A_558 : vector<1x512xf32>
      %add3A_572 = arith.addf %add3A_512, %reduce_sum3A_563 : f32
      %mul3A_573 = arith.constant 10 : i32
      %mul3A_574 = arith.muli %scan3A_160, %mul3A_573 : i32
      %add3A_575 = arith.constant 7 : i32
      %add3A_576 = arith.addi %mul3A_574, %add3A_575 : i32
      %mul3A_577 = arith.constant 880 : i32
      %mul3A_578 = arith.muli %add3A_576, %mul3A_577 : i32
      %add3A_579 = arith.constant 26400 : i32
      %add3A_580 = arith.addi %add3A_579, %mul3A_578 : i32
      %dma_wait3A_581 = arith.constant 7 : i32
      %dma_wait3A_582 = arith.constant 0 : i32
      %dma_wait3A_583 = tpu.memref_slice %arg25[%dma_wait3A_581, %dma_wait3A_582] : memref<10x2x!tpu.dma_semaphore, #tpu.memory_space<semaphore_mem>> -> memref<1x1x!tpu.dma_semaphore, #tpu.memory_space<semaphore_mem>>
      %dma_wait3A_584 = tpu.memref_squeeze %dma_wait3A_583 : memref<1x1x!tpu.dma_semaphore, #tpu.memory_space<semaphore_mem>> -> memref<!tpu.dma_semaphore, #tpu.memory_space<semaphore_mem>>
      %dma_wait3A_585 = arith.constant 0 : i32
      %dma_wait3A_586 = tpu.memref_slice %arg1[%add3A_580, %dma_wait3A_585] : memref<100000x128xf32, #tpu.memory_space<hbm>> -> memref<880x128xf32, #tpu.memory_space<hbm>>
      tpu.wait_dma2 semaphore(%dma_wait3A_584 : memref<!tpu.dma_semaphore, #tpu.memory_space<semaphore_mem>>) src(%dma_wait3A_586 : memref<880x128xf32, #tpu.memory_space<hbm>>) dst(%arg12 : memref<880x128xf32, #tpu.memory_space<vmem>>)
      %mul3A_587 = arith.constant 880 : i32
      %mul3A_588 = arith.muli %add3A_576, %mul3A_587 : i32
      %add3A_589 = arith.constant 26400 : i32
      %add3A_590 = arith.addi %add3A_589, %mul3A_588 : i32
      %dma_wait3A_591 = arith.constant 7 : i32
      %dma_wait3A_592 = arith.constant 1 : i32
      %dma_wait3A_593 = tpu.memref_slice %arg25[%dma_wait3A_591, %dma_wait3A_592] : memref<10x2x!tpu.dma_semaphore, #tpu.memory_space<semaphore_mem>> -> memref<1x1x!tpu.dma_semaphore, #tpu.memory_space<semaphore_mem>>
      %dma_wait3A_594 = tpu.memref_squeeze %dma_wait3A_593 : memref<1x1x!tpu.dma_semaphore, #tpu.memory_space<semaphore_mem>> -> memref<!tpu.dma_semaphore, #tpu.memory_space<semaphore_mem>>
      %dma_wait3A_595 = arith.constant 0 : i32
      %dma_wait3A_596 = tpu.memref_slice %arg2[%add3A_590, %dma_wait3A_595] : memref<100000x512xf32, #tpu.memory_space<hbm>> -> memref<880x512xf32, #tpu.memory_space<hbm>>
      tpu.wait_dma2 semaphore(%dma_wait3A_594 : memref<!tpu.dma_semaphore, #tpu.memory_space<semaphore_mem>>) src(%dma_wait3A_596 : memref<880x512xf32, #tpu.memory_space<hbm>>) dst(%arg22 : memref<880x512xf32, #tpu.memory_space<vmem>>)
      %get3A_597 = arith.constant 0 : index
      %get3A_598 = arith.constant 0 : index
      %get3A_599 = vector.load %arg12[%get3A_597, %get3A_598] : memref<880x128xf32, #tpu.memory_space<vmem>>, vector<880x128xf32>
      %get3A_600 = arith.constant 0 : index
      %get3A_601 = arith.constant 0 : index
      %get3A_602 = vector.load %arg22[%get3A_600, %get3A_601] : memref<880x512xf32, #tpu.memory_space<vmem>>, vector<880x512xf32>
      %transpose3A_603 = tpu.transpose %get3A_599, [1, 0] : vector<880x128xf32> -> vector<128x880xf32>
      %dot_general3A_604 = arith.constant dense<0.000000e+00> : vector<1x880xf32>
      %dot_general3A_605 = tpu.matmul %get3A_140, %transpose3A_603, %dot_general3A_604 {dimension_numbers = #tpu.dot_dimension_numbers<[1], [0], [0], [1], [0, 0, 1, 1], [], []>, transpose_lhs_hint = false} : vector<1x128xf32>, vector<128x880xf32>, vector<1x880xf32> -> vector<1x880xf32>
      %mul3A_606 = arith.mulf %transpose3A_603, %transpose3A_603 : vector<128x880xf32>
      %dot_general3A_607 = arith.constant dense<0.000000e+00> : vector<1x880xf32>
      %dot_general3A_608 = tpu.matmul %broadcast_in_dim3A_145, %mul3A_606, %dot_general3A_607 {dimension_numbers = #tpu.dot_dimension_numbers<[1], [0], [0], [1], [0, 0, 1, 1], [], []>, transpose_lhs_hint = false} : vector<1x128xf32>, vector<128x880xf32>, vector<1x880xf32> -> vector<1x880xf32>
      %sqrt3A_609 = math.sqrt %dot_general3A_608 : vector<1x880xf32>
      %mul3A_610 = vector.broadcast %sqrt3A : f32 to vector<1x880xf32>
      %mul3A_611 = arith.mulf %mul3A_610, %sqrt3A_609 : vector<1x880xf32>
      %max3A_612 = arith.constant 9.99999997E-7 : f32
      %max3A_613 = vector.broadcast %max3A_612 : f32 to vector<1x880xf32>
      %max3A_614 = arith.maximumf %mul3A_611, %max3A_613 : vector<1x880xf32>
      %div3A_615 = arith.divf %dot_general3A_605, %max3A_614 : vector<1x880xf32>
      %exp3A_616 = math.exp %div3A_615 : vector<1x880xf32>
      %dot_general3A_617 = arith.constant dense<0.000000e+00> : vector<1x512xf32>
      %dot_general3A_618 = tpu.matmul %exp3A_616, %get3A_602, %dot_general3A_617 {dimension_numbers = #tpu.dot_dimension_numbers<[1], [0], [0], [1], [0, 0, 1, 1], [], []>, transpose_lhs_hint = false} : vector<1x880xf32>, vector<880x512xf32>, vector<1x512xf32> -> vector<1x512xf32>
      %reduce_sum3A_619 = vector.shape_cast %exp3A_616 : vector<1x880xf32> to vector<1x1x880xf32>
      %reduce_sum3A_620 = arith.constant dense<0.000000e+00> : vector<1xf32>
      %reduce_sum3A_621 = vector.multi_reduction <add>, %reduce_sum3A_619, %reduce_sum3A_620 [1, 2] : vector<1x1x880xf32> to vector<1xf32>
      %reduce_sum3A_622 = vector.shape_cast %reduce_sum3A_621 : vector<1xf32> to vector<1x1x1xf32>
      %reduce_sum3A_623 = vector.extract %reduce_sum3A_622[0, 0, 0] : f32 from vector<1x1x1xf32>
      %add3A_624 = arith.constant 10 : i32
      %add3A_625 = arith.addi %add3A_576, %add3A_624 : i32
      %lt3A_626 = arith.constant 40 : i32
      %lt3A_627 = arith.cmpi slt, %add3A_625, %lt3A_626 : i32
      %convert_element_type3A_628 = arith.extui %lt3A_627 : i1 to i32
      %cond3A_629 = arith.constant 0 : i32
      %cond3A_630 = arith.cmpi ne, %convert_element_type3A_628, %cond3A_629 : i32
      scf.if %cond3A_630 {
        %add3A_753 = arith.constant 10 : i32
        %add3A_754 = arith.addi %add3A_576, %add3A_753 : i32
        %mul3A_755 = arith.constant 880 : i32
        %mul3A_756 = arith.muli %add3A_754, %mul3A_755 : i32
        %add3A_757 = arith.constant 26400 : i32
        %add3A_758 = arith.addi %add3A_757, %mul3A_756 : i32
        %dma_start3A_759 = arith.constant 7 : i32
        %dma_start3A_760 = arith.constant 0 : i32
        %dma_start3A_761 = tpu.memref_slice %arg25[%dma_start3A_759, %dma_start3A_760] : memref<10x2x!tpu.dma_semaphore, #tpu.memory_space<semaphore_mem>> -> memref<1x1x!tpu.dma_semaphore, #tpu.memory_space<semaphore_mem>>
        %dma_start3A_762 = tpu.memref_squeeze %dma_start3A_761 : memref<1x1x!tpu.dma_semaphore, #tpu.memory_space<semaphore_mem>> -> memref<!tpu.dma_semaphore, #tpu.memory_space<semaphore_mem>>
        %dma_start3A_763 = arith.constant 0 : i32
        %dma_start3A_764 = tpu.memref_slice %arg1[%add3A_758, %dma_start3A_763] : memref<100000x128xf32, #tpu.memory_space<hbm>> -> memref<880x128xf32, #tpu.memory_space<hbm>>
        tpu.enqueue_dma source(%dma_start3A_764 : memref<880x128xf32, #tpu.memory_space<hbm>>) target(%arg12 : memref<880x128xf32, #tpu.memory_space<vmem>>) target_semaphore(%dma_start3A_762 : memref<!tpu.dma_semaphore, #tpu.memory_space<semaphore_mem>>)
        %add3A_765 = arith.constant 10 : i32
        %add3A_766 = arith.addi %add3A_576, %add3A_765 : i32
        %mul3A_767 = arith.constant 880 : i32
        %mul3A_768 = arith.muli %add3A_766, %mul3A_767 : i32
        %add3A_769 = arith.constant 26400 : i32
        %add3A_770 = arith.addi %add3A_769, %mul3A_768 : i32
        %dma_start3A_771 = arith.constant 7 : i32
        %dma_start3A_772 = arith.constant 1 : i32
        %dma_start3A_773 = tpu.memref_slice %arg25[%dma_start3A_771, %dma_start3A_772] : memref<10x2x!tpu.dma_semaphore, #tpu.memory_space<semaphore_mem>> -> memref<1x1x!tpu.dma_semaphore, #tpu.memory_space<semaphore_mem>>
        %dma_start3A_774 = tpu.memref_squeeze %dma_start3A_773 : memref<1x1x!tpu.dma_semaphore, #tpu.memory_space<semaphore_mem>> -> memref<!tpu.dma_semaphore, #tpu.memory_space<semaphore_mem>>
        %dma_start3A_775 = arith.constant 0 : i32
        %dma_start3A_776 = tpu.memref_slice %arg2[%add3A_770, %dma_start3A_775] : memref<100000x512xf32, #tpu.memory_space<hbm>> -> memref<880x512xf32, #tpu.memory_space<hbm>>
        tpu.enqueue_dma source(%dma_start3A_776 : memref<880x512xf32, #tpu.memory_space<hbm>>) target(%arg22 : memref<880x512xf32, #tpu.memory_space<vmem>>) target_semaphore(%dma_start3A_774 : memref<!tpu.dma_semaphore, #tpu.memory_space<semaphore_mem>>)
      } else {
      }
      %add3A_631 = arith.addf %add3A_571, %dot_general3A_618 : vector<1x512xf32>
      %add3A_632 = arith.addf %add3A_572, %reduce_sum3A_623 : f32
      %mul3A_633 = arith.constant 10 : i32
      %mul3A_634 = arith.muli %scan3A_160, %mul3A_633 : i32
      %add3A_635 = arith.constant 8 : i32
      %add3A_636 = arith.addi %mul3A_634, %add3A_635 : i32
      %mul3A_637 = arith.constant 880 : i32
      %mul3A_638 = arith.muli %add3A_636, %mul3A_637 : i32
      %add3A_639 = arith.constant 26400 : i32
      %add3A_640 = arith.addi %add3A_639, %mul3A_638 : i32
      %dma_wait3A_641 = arith.constant 8 : i32
      %dma_wait3A_642 = arith.constant 0 : i32
      %dma_wait3A_643 = tpu.memref_slice %arg25[%dma_wait3A_641, %dma_wait3A_642] : memref<10x2x!tpu.dma_semaphore, #tpu.memory_space<semaphore_mem>> -> memref<1x1x!tpu.dma_semaphore, #tpu.memory_space<semaphore_mem>>
      %dma_wait3A_644 = tpu.memref_squeeze %dma_wait3A_643 : memref<1x1x!tpu.dma_semaphore, #tpu.memory_space<semaphore_mem>> -> memref<!tpu.dma_semaphore, #tpu.memory_space<semaphore_mem>>
      %dma_wait3A_645 = arith.constant 0 : i32
      %dma_wait3A_646 = tpu.memref_slice %arg1[%add3A_640, %dma_wait3A_645] : memref<100000x128xf32, #tpu.memory_space<hbm>> -> memref<880x128xf32, #tpu.memory_space<hbm>>
      tpu.wait_dma2 semaphore(%dma_wait3A_644 : memref<!tpu.dma_semaphore, #tpu.memory_space<semaphore_mem>>) src(%dma_wait3A_646 : memref<880x128xf32, #tpu.memory_space<hbm>>) dst(%arg13 : memref<880x128xf32, #tpu.memory_space<vmem>>)
      %mul3A_647 = arith.constant 880 : i32
      %mul3A_648 = arith.muli %add3A_636, %mul3A_647 : i32
      %add3A_649 = arith.constant 26400 : i32
      %add3A_650 = arith.addi %add3A_649, %mul3A_648 : i32
      %dma_wait3A_651 = arith.constant 8 : i32
      %dma_wait3A_652 = arith.constant 1 : i32
      %dma_wait3A_653 = tpu.memref_slice %arg25[%dma_wait3A_651, %dma_wait3A_652] : memref<10x2x!tpu.dma_semaphore, #tpu.memory_space<semaphore_mem>> -> memref<1x1x!tpu.dma_semaphore, #tpu.memory_space<semaphore_mem>>
      %dma_wait3A_654 = tpu.memref_squeeze %dma_wait3A_653 : memref<1x1x!tpu.dma_semaphore, #tpu.memory_space<semaphore_mem>> -> memref<!tpu.dma_semaphore, #tpu.memory_space<semaphore_mem>>
      %dma_wait3A_655 = arith.constant 0 : i32
      %dma_wait3A_656 = tpu.memref_slice %arg2[%add3A_650, %dma_wait3A_655] : memref<100000x512xf32, #tpu.memory_space<hbm>> -> memref<880x512xf32, #tpu.memory_space<hbm>>
      tpu.wait_dma2 semaphore(%dma_wait3A_654 : memref<!tpu.dma_semaphore, #tpu.memory_space<semaphore_mem>>) src(%dma_wait3A_656 : memref<880x512xf32, #tpu.memory_space<hbm>>) dst(%arg23 : memref<880x512xf32, #tpu.memory_space<vmem>>)
      %get3A_657 = arith.constant 0 : index
      %get3A_658 = arith.constant 0 : index
      %get3A_659 = vector.load %arg13[%get3A_657, %get3A_658] : memref<880x128xf32, #tpu.memory_space<vmem>>, vector<880x128xf32>
      %get3A_660 = arith.constant 0 : index
      %get3A_661 = arith.constant 0 : index
      %get3A_662 = vector.load %arg23[%get3A_660, %get3A_661] : memref<880x512xf32, #tpu.memory_space<vmem>>, vector<880x512xf32>
      %transpose3A_663 = tpu.transpose %get3A_659, [1, 0] : vector<880x128xf32> -> vector<128x880xf32>
      %dot_general3A_664 = arith.constant dense<0.000000e+00> : vector<1x880xf32>
      %dot_general3A_665 = tpu.matmul %get3A_140, %transpose3A_663, %dot_general3A_664 {dimension_numbers = #tpu.dot_dimension_numbers<[1], [0], [0], [1], [0, 0, 1, 1], [], []>, transpose_lhs_hint = false} : vector<1x128xf32>, vector<128x880xf32>, vector<1x880xf32> -> vector<1x880xf32>
      %mul3A_666 = arith.mulf %transpose3A_663, %transpose3A_663 : vector<128x880xf32>
      %dot_general3A_667 = arith.constant dense<0.000000e+00> : vector<1x880xf32>
      %dot_general3A_668 = tpu.matmul %broadcast_in_dim3A_145, %mul3A_666, %dot_general3A_667 {dimension_numbers = #tpu.dot_dimension_numbers<[1], [0], [0], [1], [0, 0, 1, 1], [], []>, transpose_lhs_hint = false} : vector<1x128xf32>, vector<128x880xf32>, vector<1x880xf32> -> vector<1x880xf32>
      %sqrt3A_669 = math.sqrt %dot_general3A_668 : vector<1x880xf32>
      %mul3A_670 = vector.broadcast %sqrt3A : f32 to vector<1x880xf32>
      %mul3A_671 = arith.mulf %mul3A_670, %sqrt3A_669 : vector<1x880xf32>
      %max3A_672 = arith.constant 9.99999997E-7 : f32
      %max3A_673 = vector.broadcast %max3A_672 : f32 to vector<1x880xf32>
      %max3A_674 = arith.maximumf %mul3A_671, %max3A_673 : vector<1x880xf32>
      %div3A_675 = arith.divf %dot_general3A_665, %max3A_674 : vector<1x880xf32>
      %exp3A_676 = math.exp %div3A_675 : vector<1x880xf32>
      %dot_general3A_677 = arith.constant dense<0.000000e+00> : vector<1x512xf32>
      %dot_general3A_678 = tpu.matmul %exp3A_676, %get3A_662, %dot_general3A_677 {dimension_numbers = #tpu.dot_dimension_numbers<[1], [0], [0], [1], [0, 0, 1, 1], [], []>, transpose_lhs_hint = false} : vector<1x880xf32>, vector<880x512xf32>, vector<1x512xf32> -> vector<1x512xf32>
      %reduce_sum3A_679 = vector.shape_cast %exp3A_676 : vector<1x880xf32> to vector<1x1x880xf32>
      %reduce_sum3A_680 = arith.constant dense<0.000000e+00> : vector<1xf32>
      %reduce_sum3A_681 = vector.multi_reduction <add>, %reduce_sum3A_679, %reduce_sum3A_680 [1, 2] : vector<1x1x880xf32> to vector<1xf32>
      %reduce_sum3A_682 = vector.shape_cast %reduce_sum3A_681 : vector<1xf32> to vector<1x1x1xf32>
      %reduce_sum3A_683 = vector.extract %reduce_sum3A_682[0, 0, 0] : f32 from vector<1x1x1xf32>
      %add3A_684 = arith.constant 10 : i32
      %add3A_685 = arith.addi %add3A_636, %add3A_684 : i32
      %lt3A_686 = arith.constant 40 : i32
      %lt3A_687 = arith.cmpi slt, %add3A_685, %lt3A_686 : i32
      %convert_element_type3A_688 = arith.extui %lt3A_687 : i1 to i32
      %cond3A_689 = arith.constant 0 : i32
      %cond3A_690 = arith.cmpi ne, %convert_element_type3A_688, %cond3A_689 : i32
      scf.if %cond3A_690 {
        %add3A_753 = arith.constant 10 : i32
        %add3A_754 = arith.addi %add3A_636, %add3A_753 : i32
        %mul3A_755 = arith.constant 880 : i32
        %mul3A_756 = arith.muli %add3A_754, %mul3A_755 : i32
        %add3A_757 = arith.constant 26400 : i32
        %add3A_758 = arith.addi %add3A_757, %mul3A_756 : i32
        %dma_start3A_759 = arith.constant 8 : i32
        %dma_start3A_760 = arith.constant 0 : i32
        %dma_start3A_761 = tpu.memref_slice %arg25[%dma_start3A_759, %dma_start3A_760] : memref<10x2x!tpu.dma_semaphore, #tpu.memory_space<semaphore_mem>> -> memref<1x1x!tpu.dma_semaphore, #tpu.memory_space<semaphore_mem>>
        %dma_start3A_762 = tpu.memref_squeeze %dma_start3A_761 : memref<1x1x!tpu.dma_semaphore, #tpu.memory_space<semaphore_mem>> -> memref<!tpu.dma_semaphore, #tpu.memory_space<semaphore_mem>>
        %dma_start3A_763 = arith.constant 0 : i32
        %dma_start3A_764 = tpu.memref_slice %arg1[%add3A_758, %dma_start3A_763] : memref<100000x128xf32, #tpu.memory_space<hbm>> -> memref<880x128xf32, #tpu.memory_space<hbm>>
        tpu.enqueue_dma source(%dma_start3A_764 : memref<880x128xf32, #tpu.memory_space<hbm>>) target(%arg13 : memref<880x128xf32, #tpu.memory_space<vmem>>) target_semaphore(%dma_start3A_762 : memref<!tpu.dma_semaphore, #tpu.memory_space<semaphore_mem>>)
        %add3A_765 = arith.constant 10 : i32
        %add3A_766 = arith.addi %add3A_636, %add3A_765 : i32
        %mul3A_767 = arith.constant 880 : i32
        %mul3A_768 = arith.muli %add3A_766, %mul3A_767 : i32
        %add3A_769 = arith.constant 26400 : i32
        %add3A_770 = arith.addi %add3A_769, %mul3A_768 : i32
        %dma_start3A_771 = arith.constant 8 : i32
        %dma_start3A_772 = arith.constant 1 : i32
        %dma_start3A_773 = tpu.memref_slice %arg25[%dma_start3A_771, %dma_start3A_772] : memref<10x2x!tpu.dma_semaphore, #tpu.memory_space<semaphore_mem>> -> memref<1x1x!tpu.dma_semaphore, #tpu.memory_space<semaphore_mem>>
        %dma_start3A_774 = tpu.memref_squeeze %dma_start3A_773 : memref<1x1x!tpu.dma_semaphore, #tpu.memory_space<semaphore_mem>> -> memref<!tpu.dma_semaphore, #tpu.memory_space<semaphore_mem>>
        %dma_start3A_775 = arith.constant 0 : i32
        %dma_start3A_776 = tpu.memref_slice %arg2[%add3A_770, %dma_start3A_775] : memref<100000x512xf32, #tpu.memory_space<hbm>> -> memref<880x512xf32, #tpu.memory_space<hbm>>
        tpu.enqueue_dma source(%dma_start3A_776 : memref<880x512xf32, #tpu.memory_space<hbm>>) target(%arg23 : memref<880x512xf32, #tpu.memory_space<vmem>>) target_semaphore(%dma_start3A_774 : memref<!tpu.dma_semaphore, #tpu.memory_space<semaphore_mem>>)
      } else {
      }
      %add3A_691 = arith.addf %add3A_631, %dot_general3A_678 : vector<1x512xf32>
      %add3A_692 = arith.addf %add3A_632, %reduce_sum3A_683 : f32
      %mul3A_693 = arith.constant 10 : i32
      %mul3A_694 = arith.muli %scan3A_160, %mul3A_693 : i32
      %add3A_695 = arith.constant 9 : i32
      %add3A_696 = arith.addi %mul3A_694, %add3A_695 : i32
      %mul3A_697 = arith.constant 880 : i32
      %mul3A_698 = arith.muli %add3A_696, %mul3A_697 : i32
      %add3A_699 = arith.constant 26400 : i32
      %add3A_700 = arith.addi %add3A_699, %mul3A_698 : i32
      %dma_wait3A_701 = arith.constant 9 : i32
      %dma_wait3A_702 = arith.constant 0 : i32
      %dma_wait3A_703 = tpu.memref_slice %arg25[%dma_wait3A_701, %dma_wait3A_702] : memref<10x2x!tpu.dma_semaphore, #tpu.memory_space<semaphore_mem>> -> memref<1x1x!tpu.dma_semaphore, #tpu.memory_space<semaphore_mem>>
      %dma_wait3A_704 = tpu.memref_squeeze %dma_wait3A_703 : memref<1x1x!tpu.dma_semaphore, #tpu.memory_space<semaphore_mem>> -> memref<!tpu.dma_semaphore, #tpu.memory_space<semaphore_mem>>
      %dma_wait3A_705 = arith.constant 0 : i32
      %dma_wait3A_706 = tpu.memref_slice %arg1[%add3A_700, %dma_wait3A_705] : memref<100000x128xf32, #tpu.memory_space<hbm>> -> memref<880x128xf32, #tpu.memory_space<hbm>>
      tpu.wait_dma2 semaphore(%dma_wait3A_704 : memref<!tpu.dma_semaphore, #tpu.memory_space<semaphore_mem>>) src(%dma_wait3A_706 : memref<880x128xf32, #tpu.memory_space<hbm>>) dst(%arg14 : memref<880x128xf32, #tpu.memory_space<vmem>>)
      %mul3A_707 = arith.constant 880 : i32
      %mul3A_708 = arith.muli %add3A_696, %mul3A_707 : i32
      %add3A_709 = arith.constant 26400 : i32
      %add3A_710 = arith.addi %add3A_709, %mul3A_708 : i32
      %dma_wait3A_711 = arith.constant 9 : i32
      %dma_wait3A_712 = arith.constant 1 : i32
      %dma_wait3A_713 = tpu.memref_slice %arg25[%dma_wait3A_711, %dma_wait3A_712] : memref<10x2x!tpu.dma_semaphore, #tpu.memory_space<semaphore_mem>> -> memref<1x1x!tpu.dma_semaphore, #tpu.memory_space<semaphore_mem>>
      %dma_wait3A_714 = tpu.memref_squeeze %dma_wait3A_713 : memref<1x1x!tpu.dma_semaphore, #tpu.memory_space<semaphore_mem>> -> memref<!tpu.dma_semaphore, #tpu.memory_space<semaphore_mem>>
      %dma_wait3A_715 = arith.constant 0 : i32
      %dma_wait3A_716 = tpu.memref_slice %arg2[%add3A_710, %dma_wait3A_715] : memref<100000x512xf32, #tpu.memory_space<hbm>> -> memref<880x512xf32, #tpu.memory_space<hbm>>
      tpu.wait_dma2 semaphore(%dma_wait3A_714 : memref<!tpu.dma_semaphore, #tpu.memory_space<semaphore_mem>>) src(%dma_wait3A_716 : memref<880x512xf32, #tpu.memory_space<hbm>>) dst(%arg24 : memref<880x512xf32, #tpu.memory_space<vmem>>)
      %get3A_717 = arith.constant 0 : index
      %get3A_718 = arith.constant 0 : index
      %get3A_719 = vector.load %arg14[%get3A_717, %get3A_718] : memref<880x128xf32, #tpu.memory_space<vmem>>, vector<880x128xf32>
      %get3A_720 = arith.constant 0 : index
      %get3A_721 = arith.constant 0 : index
      %get3A_722 = vector.load %arg24[%get3A_720, %get3A_721] : memref<880x512xf32, #tpu.memory_space<vmem>>, vector<880x512xf32>
      %transpose3A_723 = tpu.transpose %get3A_719, [1, 0] : vector<880x128xf32> -> vector<128x880xf32>
      %dot_general3A_724 = arith.constant dense<0.000000e+00> : vector<1x880xf32>
      %dot_general3A_725 = tpu.matmul %get3A_140, %transpose3A_723, %dot_general3A_724 {dimension_numbers = #tpu.dot_dimension_numbers<[1], [0], [0], [1], [0, 0, 1, 1], [], []>, transpose_lhs_hint = false} : vector<1x128xf32>, vector<128x880xf32>, vector<1x880xf32> -> vector<1x880xf32>
      %mul3A_726 = arith.mulf %transpose3A_723, %transpose3A_723 : vector<128x880xf32>
      %dot_general3A_727 = arith.constant dense<0.000000e+00> : vector<1x880xf32>
      %dot_general3A_728 = tpu.matmul %broadcast_in_dim3A_145, %mul3A_726, %dot_general3A_727 {dimension_numbers = #tpu.dot_dimension_numbers<[1], [0], [0], [1], [0, 0, 1, 1], [], []>, transpose_lhs_hint = false} : vector<1x128xf32>, vector<128x880xf32>, vector<1x880xf32> -> vector<1x880xf32>
      %sqrt3A_729 = math.sqrt %dot_general3A_728 : vector<1x880xf32>
      %mul3A_730 = vector.broadcast %sqrt3A : f32 to vector<1x880xf32>
      %mul3A_731 = arith.mulf %mul3A_730, %sqrt3A_729 : vector<1x880xf32>
      %max3A_732 = arith.constant 9.99999997E-7 : f32
      %max3A_733 = vector.broadcast %max3A_732 : f32 to vector<1x880xf32>
      %max3A_734 = arith.maximumf %mul3A_731, %max3A_733 : vector<1x880xf32>
      %div3A_735 = arith.divf %dot_general3A_725, %max3A_734 : vector<1x880xf32>
      %exp3A_736 = math.exp %div3A_735 : vector<1x880xf32>
      %dot_general3A_737 = arith.constant dense<0.000000e+00> : vector<1x512xf32>
      %dot_general3A_738 = tpu.matmul %exp3A_736, %get3A_722, %dot_general3A_737 {dimension_numbers = #tpu.dot_dimension_numbers<[1], [0], [0], [1], [0, 0, 1, 1], [], []>, transpose_lhs_hint = false} : vector<1x880xf32>, vector<880x512xf32>, vector<1x512xf32> -> vector<1x512xf32>
      %reduce_sum3A_739 = vector.shape_cast %exp3A_736 : vector<1x880xf32> to vector<1x1x880xf32>
      %reduce_sum3A_740 = arith.constant dense<0.000000e+00> : vector<1xf32>
      %reduce_sum3A_741 = vector.multi_reduction <add>, %reduce_sum3A_739, %reduce_sum3A_740 [1, 2] : vector<1x1x880xf32> to vector<1xf32>
      %reduce_sum3A_742 = vector.shape_cast %reduce_sum3A_741 : vector<1xf32> to vector<1x1x1xf32>
      %reduce_sum3A_743 = vector.extract %reduce_sum3A_742[0, 0, 0] : f32 from vector<1x1x1xf32>
      %add3A_744 = arith.constant 10 : i32
      %add3A_745 = arith.addi %add3A_696, %add3A_744 : i32
      %lt3A_746 = arith.constant 40 : i32
      %lt3A_747 = arith.cmpi slt, %add3A_745, %lt3A_746 : i32
      %convert_element_type3A_748 = arith.extui %lt3A_747 : i1 to i32
      %cond3A_749 = arith.constant 0 : i32
      %cond3A_750 = arith.cmpi ne, %convert_element_type3A_748, %cond3A_749 : i32
      scf.if %cond3A_750 {
        %add3A_753 = arith.constant 10 : i32
        %add3A_754 = arith.addi %add3A_696, %add3A_753 : i32
        %mul3A_755 = arith.constant 880 : i32
        %mul3A_756 = arith.muli %add3A_754, %mul3A_755 : i32
        %add3A_757 = arith.constant 26400 : i32
        %add3A_758 = arith.addi %add3A_757, %mul3A_756 : i32
        %dma_start3A_759 = arith.constant 9 : i32
        %dma_start3A_760 = arith.constant 0 : i32
        %dma_start3A_761 = tpu.memref_slice %arg25[%dma_start3A_759, %dma_start3A_760] : memref<10x2x!tpu.dma_semaphore, #tpu.memory_space<semaphore_mem>> -> memref<1x1x!tpu.dma_semaphore, #tpu.memory_space<semaphore_mem>>
        %dma_start3A_762 = tpu.memref_squeeze %dma_start3A_761 : memref<1x1x!tpu.dma_semaphore, #tpu.memory_space<semaphore_mem>> -> memref<!tpu.dma_semaphore, #tpu.memory_space<semaphore_mem>>
        %dma_start3A_763 = arith.constant 0 : i32
        %dma_start3A_764 = tpu.memref_slice %arg1[%add3A_758, %dma_start3A_763] : memref<100000x128xf32, #tpu.memory_space<hbm>> -> memref<880x128xf32, #tpu.memory_space<hbm>>
        tpu.enqueue_dma source(%dma_start3A_764 : memref<880x128xf32, #tpu.memory_space<hbm>>) target(%arg14 : memref<880x128xf32, #tpu.memory_space<vmem>>) target_semaphore(%dma_start3A_762 : memref<!tpu.dma_semaphore, #tpu.memory_space<semaphore_mem>>)
        %add3A_765 = arith.constant 10 : i32
        %add3A_766 = arith.addi %add3A_696, %add3A_765 : i32
        %mul3A_767 = arith.constant 880 : i32
        %mul3A_768 = arith.muli %add3A_766, %mul3A_767 : i32
        %add3A_769 = arith.constant 26400 : i32
        %add3A_770 = arith.addi %add3A_769, %mul3A_768 : i32
        %dma_start3A_771 = arith.constant 9 : i32
        %dma_start3A_772 = arith.constant 1 : i32
        %dma_start3A_773 = tpu.memref_slice %arg25[%dma_start3A_771, %dma_start3A_772] : memref<10x2x!tpu.dma_semaphore, #tpu.memory_space<semaphore_mem>> -> memref<1x1x!tpu.dma_semaphore, #tpu.memory_space<semaphore_mem>>
        %dma_start3A_774 = tpu.memref_squeeze %dma_start3A_773 : memref<1x1x!tpu.dma_semaphore, #tpu.memory_space<semaphore_mem>> -> memref<!tpu.dma_semaphore, #tpu.memory_space<semaphore_mem>>
        %dma_start3A_775 = arith.constant 0 : i32
        %dma_start3A_776 = tpu.memref_slice %arg2[%add3A_770, %dma_start3A_775] : memref<100000x512xf32, #tpu.memory_space<hbm>> -> memref<880x512xf32, #tpu.memory_space<hbm>>
        tpu.enqueue_dma source(%dma_start3A_776 : memref<880x512xf32, #tpu.memory_space<hbm>>) target(%arg24 : memref<880x512xf32, #tpu.memory_space<vmem>>) target_semaphore(%dma_start3A_774 : memref<!tpu.dma_semaphore, #tpu.memory_space<semaphore_mem>>)
      } else {
      }
      %add3A_751 = arith.addf %add3A_691, %dot_general3A_738 : vector<1x512xf32>
      %add3A_752 = arith.addf %add3A_692, %reduce_sum3A_743 : f32
      scf.yield %add3A_751, %add3A_752 : vector<1x512xf32>, f32
    }
    %scan3A_153 = arith.constant 4 : i32
    %swap3A = arith.constant 0 : index
    %swap3A_154 = arith.constant 0 : index
    %swap3A_155 = vector.load %arg3[%swap3A, %swap3A_154] : memref<1x512xf32, #tpu.memory_space<vmem>>, vector<1x512xf32>
    tpu.vector_store %arg3[%swap3A, %swap3A_154], %scan3A_152#0 {strides = array<i32>} : memref<1x512xf32, #tpu.memory_space<vmem>>, vector<1x512xf32>,
    %broadcast_in_dim3A_156 = vector.broadcast %scan3A_152#1 : f32 to vector<1x128xf32>
    %swap3A_157 = arith.constant 0 : index
    %swap3A_158 = arith.constant 0 : index
    %swap3A_159 = vector.load %arg4[%swap3A_157, %swap3A_158] : memref<1x128xf32, #tpu.memory_space<vmem>>, vector<1x128xf32>
    tpu.vector_store %arg4[%swap3A_157, %swap3A_158], %broadcast_in_dim3A_156 {strides = array<i32>} : memref<1x128xf32, #tpu.memory_space<vmem>>, vector<1x128xf32>,
    return
  }
}

module attributes {stable_mosaic.version = 14 : i64} {
  func.func @_combine_kernel(%arg0: memref<1x512xf32, #tpu.memory_space<vmem>>, %arg1: memref<1x512xf32, #tpu.memory_space<vmem>>, %arg2: memref<1x128xf32, #tpu.memory_space<vmem>>, %arg3: memref<1x512xf32, #tpu.memory_space<vmem>>, %arg4: memref<1x128xf32, #tpu.memory_space<vmem>>, %arg5: memref<32x512xf32, #tpu.memory_space<vmem>>, %arg6: memref<32x128xf32, #tpu.memory_space<vmem>>, %arg7: memref<1x512xf32, #tpu.memory_space<vmem>>) attributes {dimension_semantics = [], scalar_prefetch = 0 : i64, scratch_operands = 0 : i64, tpu.core_type = #tpu.core_type<tc>} {
    %get3A = arith.constant 0 : index
    %get3A_0 = arith.constant 0 : index
    %get3A_1 = vector.load %arg1[%get3A, %get3A_0] : memref<1x512xf32, #tpu.memory_space<vmem>>, vector<1x512xf32>
    %get3A_2 = arith.constant 0 : index
    %get3A_3 = arith.constant 0 : index
    %get3A_4 = vector.load %arg3[%get3A_2, %get3A_3] : memref<1x512xf32, #tpu.memory_space<vmem>>, vector<1x512xf32>
    %add3A = arith.addf %get3A_1, %get3A_4 : vector<1x512xf32>
    %get3A_5 = arith.constant 0 : index
    %get3A_6 = arith.constant 0 : index
    %get3A_7 = vector.load %arg5[%get3A_5, %get3A_6] : memref<32x512xf32, #tpu.memory_space<vmem>>, vector<32x512xf32>
    %reduce_sum3A = arith.constant dense<0.000000e+00> : vector<512xf32>
    %reduce_sum3A_8 = vector.multi_reduction <add>, %get3A_7, %reduce_sum3A [0] : vector<32x512xf32> to vector<512xf32>
    %broadcast_in_dim3A = vector.shape_cast %reduce_sum3A_8 : vector<512xf32> to vector<1x512xf32>
    %add3A_9 = arith.addf %add3A, %broadcast_in_dim3A : vector<1x512xf32>
    %get3A_10 = arith.constant 0 : index
    %get3A_11 = arith.constant 0 : index
    %get3A_12 = vector.load %arg2[%get3A_10, %get3A_11] : memref<1x128xf32, #tpu.memory_space<vmem>>, vector<1x1xf32>
    %get3A_13 = vector.extract %get3A_12[0, 0] : f32 from vector<1x1xf32>
    %get3A_14 = arith.constant 0 : index
    %get3A_15 = arith.constant 0 : index
    %get3A_16 = vector.load %arg4[%get3A_14, %get3A_15] : memref<1x128xf32, #tpu.memory_space<vmem>>, vector<1x1xf32>
    %get3A_17 = vector.extract %get3A_16[0, 0] : f32 from vector<1x1xf32>
    %add3A_18 = arith.addf %get3A_13, %get3A_17 : f32
    %get3A_19 = arith.constant 0 : index
    %get3A_20 = arith.constant 0 : index
    %get3A_21 = vector.load %arg6[%get3A_19, %get3A_20] : memref<32x128xf32, #tpu.memory_space<vmem>>, vector<32x128xf32>
    %reduce_sum3A_22 = vector.shape_cast %get3A_21 : vector<32x128xf32> to vector<1x32x128xf32>
    %reduce_sum3A_23 = arith.constant dense<0.000000e+00> : vector<1xf32>
    %reduce_sum3A_24 = vector.multi_reduction <add>, %reduce_sum3A_22, %reduce_sum3A_23 [1, 2] : vector<1x32x128xf32> to vector<1xf32>
    %reduce_sum3A_25 = vector.shape_cast %reduce_sum3A_24 : vector<1xf32> to vector<1x1x1xf32>
    %reduce_sum3A_26 = vector.extract %reduce_sum3A_25[0, 0, 0] : f32 from vector<1x1x1xf32>
    %add3A_27 = arith.addf %add3A_18, %reduce_sum3A_26 : f32
    %div3A = vector.broadcast %add3A_27 : f32 to vector<1x512xf32>
    %div3A_28 = arith.divf %add3A_9, %div3A : vector<1x512xf32>
    %mul3A = arith.constant 0.699999988 : f32
    %mul3A_29 = vector.broadcast %mul3A : f32 to vector<1x512xf32>
    %mul3A_30 = arith.mulf %mul3A_29, %div3A_28 : vector<1x512xf32>
    %get3A_31 = arith.constant 0 : index
    %get3A_32 = arith.constant 0 : index
    %get3A_33 = vector.load %arg0[%get3A_31, %get3A_32] : memref<1x512xf32, #tpu.memory_space<vmem>>, vector<1x512xf32>
    %mul3A_34 = arith.constant 3.000000e-01 : f32
    %mul3A_35 = vector.broadcast %mul3A_34 : f32 to vector<1x512xf32>
    %mul3A_36 = arith.mulf %mul3A_35, %get3A_33 : vector<1x512xf32>
    %add3A_37 = arith.addf %mul3A_30, %mul3A_36 : vector<1x512xf32>
    %swap3A = arith.constant 0 : index
    %swap3A_38 = arith.constant 0 : index
    %swap3A_39 = vector.load %arg7[%swap3A, %swap3A_38] : memref<1x512xf32, #tpu.memory_space<vmem>>, vector<1x512xf32>
    tpu.vector_store %arg7[%swap3A, %swap3A_38], %add3A_37 {strides = array<i32>} : memref<1x512xf32, #tpu.memory_space<vmem>>, vector<1x512xf32>,
    return
  }
}

module attributes {stable_mosaic.version = 14 : i64} {
  func.func @_tc_soft_read_kernel(%arg0: memref<1x128xf32, #tpu.memory_space<vmem>>, %arg1: memref<100000x128xf32, #tpu.memory_space<hbm>>, %arg2: memref<100000x512xf32, #tpu.memory_space<hbm>>, %arg3: memref<1x512xf32, #tpu.memory_space<vmem>>, %arg4: memref<1x128xf32, #tpu.memory_space<vmem>>, %arg5: memref<880x128xf32, #tpu.memory_space<vmem>>, %arg6: memref<880x128xf32, #tpu.memory_space<vmem>>, %arg7: memref<880x128xf32, #tpu.memory_space<vmem>>, %arg8: memref<880x128xf32, #tpu.memory_space<vmem>>, %arg9: memref<880x128xf32, #tpu.memory_space<vmem>>, %arg10: memref<880x128xf32, #tpu.memory_space<vmem>>, %arg11: memref<880x128xf32, #tpu.memory_space<vmem>>, %arg12: memref<880x128xf32, #tpu.memory_space<vmem>>, %arg13: memref<880x128xf32, #tpu.memory_space<vmem>>, %arg14: memref<880x128xf32, #tpu.memory_space<vmem>>, %arg15: memref<880x512xf32, #tpu.memory_space<vmem>>, %arg16: memref<880x512xf32, #tpu.memory_space<vmem>>, %arg17: memref<880x512xf32, #tpu.memory_space<vmem>>, %arg18: memref<880x512xf32, #tpu.memory_space<vmem>>, %arg19: memref<880x512xf32, #tpu.memory_space<vmem>>, %arg20: memref<880x512xf32, #tpu.memory_space<vmem>>, %arg21: memref<880x512xf32, #tpu.memory_space<vmem>>, %arg22: memref<880x512xf32, #tpu.memory_space<vmem>>, %arg23: memref<880x512xf32, #tpu.memory_space<vmem>>, %arg24: memref<880x512xf32, #tpu.memory_space<vmem>>, %arg25: memref<10x2x!tpu.dma_semaphore, #tpu.memory_space<semaphore_mem>>) attributes {dimension_semantics = [], scalar_prefetch = 0 : i64, scratch_operands = 21 : i64, tpu.core_type = #tpu.core_type<tc>} {
    %dma_start3A = arith.constant 0 : i32
    %dma_start3A_0 = arith.constant 0 : i32
    %dma_start3A_1 = tpu.memref_slice %arg25[%dma_start3A, %dma_start3A_0] : memref<10x2x!tpu.dma_semaphore, #tpu.memory_space<semaphore_mem>> -> memref<1x1x!tpu.dma_semaphore, #tpu.memory_space<semaphore_mem>>
    %dma_start3A_2 = tpu.memref_squeeze %dma_start3A_1 : memref<1x1x!tpu.dma_semaphore, #tpu.memory_space<semaphore_mem>> -> memref<!tpu.dma_semaphore, #tpu.memory_space<semaphore_mem>>
    %dma_start3A_3 = arith.constant 0 : i32
    %dma_start3A_4 = arith.constant 0 : i32
    %dma_start3A_5 = tpu.memref_slice %arg1[%dma_start3A_3, %dma_start3A_4] : memref<100000x128xf32, #tpu.memory_space<hbm>> -> memref<880x128xf32, #tpu.memory_space<hbm>>
    tpu.enqueue_dma source(%dma_start3A_5 : memref<880x128xf32, #tpu.memory_space<hbm>>) target(%arg5 : memref<880x128xf32, #tpu.memory_space<vmem>>) target_semaphore(%dma_start3A_2 : memref<!tpu.dma_semaphore, #tpu.memory_space<semaphore_mem>>)
    %dma_start3A_6 = arith.constant 0 : i32
    %dma_start3A_7 = arith.constant 1 : i32
    %dma_start3A_8 = tpu.memref_slice %arg25[%dma_start3A_6, %dma_start3A_7] : memref<10x2x!tpu.dma_semaphore, #tpu.memory_space<semaphore_mem>> -> memref<1x1x!tpu.dma_semaphore, #tpu.memory_space<semaphore_mem>>
    %dma_start3A_9 = tpu.memref_squeeze %dma_start3A_8 : memref<1x1x!tpu.dma_semaphore, #tpu.memory_space<semaphore_mem>> -> memref<!tpu.dma_semaphore, #tpu.memory_space<semaphore_mem>>
    %dma_start3A_10 = arith.constant 0 : i32
    %dma_start3A_11 = arith.constant 0 : i32
    %dma_start3A_12 = tpu.memref_slice %arg2[%dma_start3A_10, %dma_start3A_11] : memref<100000x512xf32, #tpu.memory_space<hbm>> -> memref<880x512xf32, #tpu.memory_space<hbm>>
    tpu.enqueue_dma source(%dma_start3A_12 : memref<880x512xf32, #tpu.memory_space<hbm>>) target(%arg15 : memref<880x512xf32, #tpu.memory_space<vmem>>) target_semaphore(%dma_start3A_9 : memref<!tpu.dma_semaphore, #tpu.memory_space<semaphore_mem>>)
    %dma_start3A_13 = arith.constant 1 : i32
    %dma_start3A_14 = arith.constant 0 : i32
    %dma_start3A_15 = tpu.memref_slice %arg25[%dma_start3A_13, %dma_start3A_14] : memref<10x2x!tpu.dma_semaphore, #tpu.memory_space<semaphore_mem>> -> memref<1x1x!tpu.dma_semaphore, #tpu.memory_space<semaphore_mem>>
    %dma_start3A_16 = tpu.memref_squeeze %dma_start3A_15 : memref<1x1x!tpu.dma_semaphore, #tpu.memory_space<semaphore_mem>> -> memref<!tpu.dma_semaphore, #tpu.memory_space<semaphore_mem>>
    %dma_start3A_17 = arith.constant 880 : i32
    %dma_start3A_18 = arith.constant 0 : i32
    %dma_start3A_19 = tpu.memref_slice %arg1[%dma_start3A_17, %dma_start3A_18] : memref<100000x128xf32, #tpu.memory_space<hbm>> -> memref<880x128xf32, #tpu.memory_space<hbm>>
    tpu.enqueue_dma source(%dma_start3A_19 : memref<880x128xf32, #tpu.memory_space<hbm>>) target(%arg6 : memref<880x128xf32, #tpu.memory_space<vmem>>) target_semaphore(%dma_start3A_16 : memref<!tpu.dma_semaphore, #tpu.memory_space<semaphore_mem>>)
    %dma_start3A_20 = arith.constant 1 : i32
    %dma_start3A_21 = arith.constant 1 : i32
    %dma_start3A_22 = tpu.memref_slice %arg25[%dma_start3A_20, %dma_start3A_21] : memref<10x2x!tpu.dma_semaphore, #tpu.memory_space<semaphore_mem>> -> memref<1x1x!tpu.dma_semaphore, #tpu.memory_space<semaphore_mem>>
    %dma_start3A_23 = tpu.memref_squeeze %dma_start3A_22 : memref<1x1x!tpu.dma_semaphore, #tpu.memory_space<semaphore_mem>> -> memref<!tpu.dma_semaphore, #tpu.memory_space<semaphore_mem>>
    %dma_start3A_24 = arith.constant 880 : i32
    %dma_start3A_25 = arith.constant 0 : i32
    %dma_start3A_26 = tpu.memref_slice %arg2[%dma_start3A_24, %dma_start3A_25] : memref<100000x512xf32, #tpu.memory_space<hbm>> -> memref<880x512xf32, #tpu.memory_space<hbm>>
    tpu.enqueue_dma source(%dma_start3A_26 : memref<880x512xf32, #tpu.memory_space<hbm>>) target(%arg16 : memref<880x512xf32, #tpu.memory_space<vmem>>) target_semaphore(%dma_start3A_23 : memref<!tpu.dma_semaphore, #tpu.memory_space<semaphore_mem>>)
    %dma_start3A_27 = arith.constant 2 : i32
    %dma_start3A_28 = arith.constant 0 : i32
    %dma_start3A_29 = tpu.memref_slice %arg25[%dma_start3A_27, %dma_start3A_28] : memref<10x2x!tpu.dma_semaphore, #tpu.memory_space<semaphore_mem>> -> memref<1x1x!tpu.dma_semaphore, #tpu.memory_space<semaphore_mem>>
    %dma_start3A_30 = tpu.memref_squeeze %dma_start3A_29 : memref<1x1x!tpu.dma_semaphore, #tpu.memory_space<semaphore_mem>> -> memref<!tpu.dma_semaphore, #tpu.memory_space<semaphore_mem>>
    %dma_start3A_31 = arith.constant 1760 : i32
    %dma_start3A_32 = arith.constant 0 : i32
    %dma_start3A_33 = tpu.memref_slice %arg1[%dma_start3A_31, %dma_start3A_32] : memref<100000x128xf32, #tpu.memory_space<hbm>> -> memref<880x128xf32, #tpu.memory_space<hbm>>
    tpu.enqueue_dma source(%dma_start3A_33 : memref<880x128xf32, #tpu.memory_space<hbm>>) target(%arg7 : memref<880x128xf32, #tpu.memory_space<vmem>>) target_semaphore(%dma_start3A_30 : memref<!tpu.dma_semaphore, #tpu.memory_space<semaphore_mem>>)
    %dma_start3A_34 = arith.constant 2 : i32
    %dma_start3A_35 = arith.constant 1 : i32
    %dma_start3A_36 = tpu.memref_slice %arg25[%dma_start3A_34, %dma_start3A_35] : memref<10x2x!tpu.dma_semaphore, #tpu.memory_space<semaphore_mem>> -> memref<1x1x!tpu.dma_semaphore, #tpu.memory_space<semaphore_mem>>
    %dma_start3A_37 = tpu.memref_squeeze %dma_start3A_36 : memref<1x1x!tpu.dma_semaphore, #tpu.memory_space<semaphore_mem>> -> memref<!tpu.dma_semaphore, #tpu.memory_space<semaphore_mem>>
    %dma_start3A_38 = arith.constant 1760 : i32
    %dma_start3A_39 = arith.constant 0 : i32
    %dma_start3A_40 = tpu.memref_slice %arg2[%dma_start3A_38, %dma_start3A_39] : memref<100000x512xf32, #tpu.memory_space<hbm>> -> memref<880x512xf32, #tpu.memory_space<hbm>>
    tpu.enqueue_dma source(%dma_start3A_40 : memref<880x512xf32, #tpu.memory_space<hbm>>) target(%arg17 : memref<880x512xf32, #tpu.memory_space<vmem>>) target_semaphore(%dma_start3A_37 : memref<!tpu.dma_semaphore, #tpu.memory_space<semaphore_mem>>)
    %dma_start3A_41 = arith.constant 3 : i32
    %dma_start3A_42 = arith.constant 0 : i32
    %dma_start3A_43 = tpu.memref_slice %arg25[%dma_start3A_41, %dma_start3A_42] : memref<10x2x!tpu.dma_semaphore, #tpu.memory_space<semaphore_mem>> -> memref<1x1x!tpu.dma_semaphore, #tpu.memory_space<semaphore_mem>>
    %dma_start3A_44 = tpu.memref_squeeze %dma_start3A_43 : memref<1x1x!tpu.dma_semaphore, #tpu.memory_space<semaphore_mem>> -> memref<!tpu.dma_semaphore, #tpu.memory_space<semaphore_mem>>
    %dma_start3A_45 = arith.constant 2640 : i32
    %dma_start3A_46 = arith.constant 0 : i32
    %dma_start3A_47 = tpu.memref_slice %arg1[%dma_start3A_45, %dma_start3A_46] : memref<100000x128xf32, #tpu.memory_space<hbm>> -> memref<880x128xf32, #tpu.memory_space<hbm>>
    tpu.enqueue_dma source(%dma_start3A_47 : memref<880x128xf32, #tpu.memory_space<hbm>>) target(%arg8 : memref<880x128xf32, #tpu.memory_space<vmem>>) target_semaphore(%dma_start3A_44 : memref<!tpu.dma_semaphore, #tpu.memory_space<semaphore_mem>>)
    %dma_start3A_48 = arith.constant 3 : i32
    %dma_start3A_49 = arith.constant 1 : i32
    %dma_start3A_50 = tpu.memref_slice %arg25[%dma_start3A_48, %dma_start3A_49] : memref<10x2x!tpu.dma_semaphore, #tpu.memory_space<semaphore_mem>> -> memref<1x1x!tpu.dma_semaphore, #tpu.memory_space<semaphore_mem>>
    %dma_start3A_51 = tpu.memref_squeeze %dma_start3A_50 : memref<1x1x!tpu.dma_semaphore, #tpu.memory_space<semaphore_mem>> -> memref<!tpu.dma_semaphore, #tpu.memory_space<semaphore_mem>>
    %dma_start3A_52 = arith.constant 2640 : i32
    %dma_start3A_53 = arith.constant 0 : i32
    %dma_start3A_54 = tpu.memref_slice %arg2[%dma_start3A_52, %dma_start3A_53] : memref<100000x512xf32, #tpu.memory_space<hbm>> -> memref<880x512xf32, #tpu.memory_space<hbm>>
    tpu.enqueue_dma source(%dma_start3A_54 : memref<880x512xf32, #tpu.memory_space<hbm>>) target(%arg18 : memref<880x512xf32, #tpu.memory_space<vmem>>) target_semaphore(%dma_start3A_51 : memref<!tpu.dma_semaphore, #tpu.memory_space<semaphore_mem>>)
    %dma_start3A_55 = arith.constant 4 : i32
    %dma_start3A_56 = arith.constant 0 : i32
    %dma_start3A_57 = tpu.memref_slice %arg25[%dma_start3A_55, %dma_start3A_56] : memref<10x2x!tpu.dma_semaphore, #tpu.memory_space<semaphore_mem>> -> memref<1x1x!tpu.dma_semaphore, #tpu.memory_space<semaphore_mem>>
    %dma_start3A_58 = tpu.memref_squeeze %dma_start3A_57 : memref<1x1x!tpu.dma_semaphore, #tpu.memory_space<semaphore_mem>> -> memref<!tpu.dma_semaphore, #tpu.memory_space<semaphore_mem>>
    %dma_start3A_59 = arith.constant 3520 : i32
    %dma_start3A_60 = arith.constant 0 : i32
    %dma_start3A_61 = tpu.memref_slice %arg1[%dma_start3A_59, %dma_start3A_60] : memref<100000x128xf32, #tpu.memory_space<hbm>> -> memref<880x128xf32, #tpu.memory_space<hbm>>
    tpu.enqueue_dma source(%dma_start3A_61 : memref<880x128xf32, #tpu.memory_space<hbm>>) target(%arg9 : memref<880x128xf32, #tpu.memory_space<vmem>>) target_semaphore(%dma_start3A_58 : memref<!tpu.dma_semaphore, #tpu.memory_space<semaphore_mem>>)
    %dma_start3A_62 = arith.constant 4 : i32
    %dma_start3A_63 = arith.constant 1 : i32
    %dma_start3A_64 = tpu.memref_slice %arg25[%dma_start3A_62, %dma_start3A_63] : memref<10x2x!tpu.dma_semaphore, #tpu.memory_space<semaphore_mem>> -> memref<1x1x!tpu.dma_semaphore, #tpu.memory_space<semaphore_mem>>
    %dma_start3A_65 = tpu.memref_squeeze %dma_start3A_64 : memref<1x1x!tpu.dma_semaphore, #tpu.memory_space<semaphore_mem>> -> memref<!tpu.dma_semaphore, #tpu.memory_space<semaphore_mem>>
    %dma_start3A_66 = arith.constant 3520 : i32
    %dma_start3A_67 = arith.constant 0 : i32
    %dma_start3A_68 = tpu.memref_slice %arg2[%dma_start3A_66, %dma_start3A_67] : memref<100000x512xf32, #tpu.memory_space<hbm>> -> memref<880x512xf32, #tpu.memory_space<hbm>>
    tpu.enqueue_dma source(%dma_start3A_68 : memref<880x512xf32, #tpu.memory_space<hbm>>) target(%arg19 : memref<880x512xf32, #tpu.memory_space<vmem>>) target_semaphore(%dma_start3A_65 : memref<!tpu.dma_semaphore, #tpu.memory_space<semaphore_mem>>)
    %dma_start3A_69 = arith.constant 5 : i32
    %dma_start3A_70 = arith.constant 0 : i32
    %dma_start3A_71 = tpu.memref_slice %arg25[%dma_start3A_69, %dma_start3A_70] : memref<10x2x!tpu.dma_semaphore, #tpu.memory_space<semaphore_mem>> -> memref<1x1x!tpu.dma_semaphore, #tpu.memory_space<semaphore_mem>>
    %dma_start3A_72 = tpu.memref_squeeze %dma_start3A_71 : memref<1x1x!tpu.dma_semaphore, #tpu.memory_space<semaphore_mem>> -> memref<!tpu.dma_semaphore, #tpu.memory_space<semaphore_mem>>
    %dma_start3A_73 = arith.constant 4400 : i32
    %dma_start3A_74 = arith.constant 0 : i32
    %dma_start3A_75 = tpu.memref_slice %arg1[%dma_start3A_73, %dma_start3A_74] : memref<100000x128xf32, #tpu.memory_space<hbm>> -> memref<880x128xf32, #tpu.memory_space<hbm>>
    tpu.enqueue_dma source(%dma_start3A_75 : memref<880x128xf32, #tpu.memory_space<hbm>>) target(%arg10 : memref<880x128xf32, #tpu.memory_space<vmem>>) target_semaphore(%dma_start3A_72 : memref<!tpu.dma_semaphore, #tpu.memory_space<semaphore_mem>>)
    %dma_start3A_76 = arith.constant 5 : i32
    %dma_start3A_77 = arith.constant 1 : i32
    %dma_start3A_78 = tpu.memref_slice %arg25[%dma_start3A_76, %dma_start3A_77] : memref<10x2x!tpu.dma_semaphore, #tpu.memory_space<semaphore_mem>> -> memref<1x1x!tpu.dma_semaphore, #tpu.memory_space<semaphore_mem>>
    %dma_start3A_79 = tpu.memref_squeeze %dma_start3A_78 : memref<1x1x!tpu.dma_semaphore, #tpu.memory_space<semaphore_mem>> -> memref<!tpu.dma_semaphore, #tpu.memory_space<semaphore_mem>>
    %dma_start3A_80 = arith.constant 4400 : i32
    %dma_start3A_81 = arith.constant 0 : i32
    %dma_start3A_82 = tpu.memref_slice %arg2[%dma_start3A_80, %dma_start3A_81] : memref<100000x512xf32, #tpu.memory_space<hbm>> -> memref<880x512xf32, #tpu.memory_space<hbm>>
    tpu.enqueue_dma source(%dma_start3A_82 : memref<880x512xf32, #tpu.memory_space<hbm>>) target(%arg20 : memref<880x512xf32, #tpu.memory_space<vmem>>) target_semaphore(%dma_start3A_79 : memref<!tpu.dma_semaphore, #tpu.memory_space<semaphore_mem>>)
    %dma_start3A_83 = arith.constant 6 : i32
    %dma_start3A_84 = arith.constant 0 : i32
    %dma_start3A_85 = tpu.memref_slice %arg25[%dma_start3A_83, %dma_start3A_84] : memref<10x2x!tpu.dma_semaphore, #tpu.memory_space<semaphore_mem>> -> memref<1x1x!tpu.dma_semaphore, #tpu.memory_space<semaphore_mem>>
    %dma_start3A_86 = tpu.memref_squeeze %dma_start3A_85 : memref<1x1x!tpu.dma_semaphore, #tpu.memory_space<semaphore_mem>> -> memref<!tpu.dma_semaphore, #tpu.memory_space<semaphore_mem>>
    %dma_start3A_87 = arith.constant 5280 : i32
    %dma_start3A_88 = arith.constant 0 : i32
    %dma_start3A_89 = tpu.memref_slice %arg1[%dma_start3A_87, %dma_start3A_88] : memref<100000x128xf32, #tpu.memory_space<hbm>> -> memref<880x128xf32, #tpu.memory_space<hbm>>
    tpu.enqueue_dma source(%dma_start3A_89 : memref<880x128xf32, #tpu.memory_space<hbm>>) target(%arg11 : memref<880x128xf32, #tpu.memory_space<vmem>>) target_semaphore(%dma_start3A_86 : memref<!tpu.dma_semaphore, #tpu.memory_space<semaphore_mem>>)
    %dma_start3A_90 = arith.constant 6 : i32
    %dma_start3A_91 = arith.constant 1 : i32
    %dma_start3A_92 = tpu.memref_slice %arg25[%dma_start3A_90, %dma_start3A_91] : memref<10x2x!tpu.dma_semaphore, #tpu.memory_space<semaphore_mem>> -> memref<1x1x!tpu.dma_semaphore, #tpu.memory_space<semaphore_mem>>
    %dma_start3A_93 = tpu.memref_squeeze %dma_start3A_92 : memref<1x1x!tpu.dma_semaphore, #tpu.memory_space<semaphore_mem>> -> memref<!tpu.dma_semaphore, #tpu.memory_space<semaphore_mem>>
    %dma_start3A_94 = arith.constant 5280 : i32
    %dma_start3A_95 = arith.constant 0 : i32
    %dma_start3A_96 = tpu.memref_slice %arg2[%dma_start3A_94, %dma_start3A_95] : memref<100000x512xf32, #tpu.memory_space<hbm>> -> memref<880x512xf32, #tpu.memory_space<hbm>>
    tpu.enqueue_dma source(%dma_start3A_96 : memref<880x512xf32, #tpu.memory_space<hbm>>) target(%arg21 : memref<880x512xf32, #tpu.memory_space<vmem>>) target_semaphore(%dma_start3A_93 : memref<!tpu.dma_semaphore, #tpu.memory_space<semaphore_mem>>)
    %dma_start3A_97 = arith.constant 7 : i32
    %dma_start3A_98 = arith.constant 0 : i32
    %dma_start3A_99 = tpu.memref_slice %arg25[%dma_start3A_97, %dma_start3A_98] : memref<10x2x!tpu.dma_semaphore, #tpu.memory_space<semaphore_mem>> -> memref<1x1x!tpu.dma_semaphore, #tpu.memory_space<semaphore_mem>>
    %dma_start3A_100 = tpu.memref_squeeze %dma_start3A_99 : memref<1x1x!tpu.dma_semaphore, #tpu.memory_space<semaphore_mem>> -> memref<!tpu.dma_semaphore, #tpu.memory_space<semaphore_mem>>
    %dma_start3A_101 = arith.constant 6160 : i32
    %dma_start3A_102 = arith.constant 0 : i32
    %dma_start3A_103 = tpu.memref_slice %arg1[%dma_start3A_101, %dma_start3A_102] : memref<100000x128xf32, #tpu.memory_space<hbm>> -> memref<880x128xf32, #tpu.memory_space<hbm>>
    tpu.enqueue_dma source(%dma_start3A_103 : memref<880x128xf32, #tpu.memory_space<hbm>>) target(%arg12 : memref<880x128xf32, #tpu.memory_space<vmem>>) target_semaphore(%dma_start3A_100 : memref<!tpu.dma_semaphore, #tpu.memory_space<semaphore_mem>>)
    %dma_start3A_104 = arith.constant 7 : i32
    %dma_start3A_105 = arith.constant 1 : i32
    %dma_start3A_106 = tpu.memref_slice %arg25[%dma_start3A_104, %dma_start3A_105] : memref<10x2x!tpu.dma_semaphore, #tpu.memory_space<semaphore_mem>> -> memref<1x1x!tpu.dma_semaphore, #tpu.memory_space<semaphore_mem>>
    %dma_start3A_107 = tpu.memref_squeeze %dma_start3A_106 : memref<1x1x!tpu.dma_semaphore, #tpu.memory_space<semaphore_mem>> -> memref<!tpu.dma_semaphore, #tpu.memory_space<semaphore_mem>>
    %dma_start3A_108 = arith.constant 6160 : i32
    %dma_start3A_109 = arith.constant 0 : i32
    %dma_start3A_110 = tpu.memref_slice %arg2[%dma_start3A_108, %dma_start3A_109] : memref<100000x512xf32, #tpu.memory_space<hbm>> -> memref<880x512xf32, #tpu.memory_space<hbm>>
    tpu.enqueue_dma source(%dma_start3A_110 : memref<880x512xf32, #tpu.memory_space<hbm>>) target(%arg22 : memref<880x512xf32, #tpu.memory_space<vmem>>) target_semaphore(%dma_start3A_107 : memref<!tpu.dma_semaphore, #tpu.memory_space<semaphore_mem>>)
    %dma_start3A_111 = arith.constant 8 : i32
    %dma_start3A_112 = arith.constant 0 : i32
    %dma_start3A_113 = tpu.memref_slice %arg25[%dma_start3A_111, %dma_start3A_112] : memref<10x2x!tpu.dma_semaphore, #tpu.memory_space<semaphore_mem>> -> memref<1x1x!tpu.dma_semaphore, #tpu.memory_space<semaphore_mem>>
    %dma_start3A_114 = tpu.memref_squeeze %dma_start3A_113 : memref<1x1x!tpu.dma_semaphore, #tpu.memory_space<semaphore_mem>> -> memref<!tpu.dma_semaphore, #tpu.memory_space<semaphore_mem>>
    %dma_start3A_115 = arith.constant 7040 : i32
    %dma_start3A_116 = arith.constant 0 : i32
    %dma_start3A_117 = tpu.memref_slice %arg1[%dma_start3A_115, %dma_start3A_116] : memref<100000x128xf32, #tpu.memory_space<hbm>> -> memref<880x128xf32, #tpu.memory_space<hbm>>
    tpu.enqueue_dma source(%dma_start3A_117 : memref<880x128xf32, #tpu.memory_space<hbm>>) target(%arg13 : memref<880x128xf32, #tpu.memory_space<vmem>>) target_semaphore(%dma_start3A_114 : memref<!tpu.dma_semaphore, #tpu.memory_space<semaphore_mem>>)
    %dma_start3A_118 = arith.constant 8 : i32
    %dma_start3A_119 = arith.constant 1 : i32
    %dma_start3A_120 = tpu.memref_slice %arg25[%dma_start3A_118, %dma_start3A_119] : memref<10x2x!tpu.dma_semaphore, #tpu.memory_space<semaphore_mem>> -> memref<1x1x!tpu.dma_semaphore, #tpu.memory_space<semaphore_mem>>
    %dma_start3A_121 = tpu.memref_squeeze %dma_start3A_120 : memref<1x1x!tpu.dma_semaphore, #tpu.memory_space<semaphore_mem>> -> memref<!tpu.dma_semaphore, #tpu.memory_space<semaphore_mem>>
    %dma_start3A_122 = arith.constant 7040 : i32
    %dma_start3A_123 = arith.constant 0 : i32
    %dma_start3A_124 = tpu.memref_slice %arg2[%dma_start3A_122, %dma_start3A_123] : memref<100000x512xf32, #tpu.memory_space<hbm>> -> memref<880x512xf32, #tpu.memory_space<hbm>>
    tpu.enqueue_dma source(%dma_start3A_124 : memref<880x512xf32, #tpu.memory_space<hbm>>) target(%arg23 : memref<880x512xf32, #tpu.memory_space<vmem>>) target_semaphore(%dma_start3A_121 : memref<!tpu.dma_semaphore, #tpu.memory_space<semaphore_mem>>)
    %dma_start3A_125 = arith.constant 9 : i32
    %dma_start3A_126 = arith.constant 0 : i32
    %dma_start3A_127 = tpu.memref_slice %arg25[%dma_start3A_125, %dma_start3A_126] : memref<10x2x!tpu.dma_semaphore, #tpu.memory_space<semaphore_mem>> -> memref<1x1x!tpu.dma_semaphore, #tpu.memory_space<semaphore_mem>>
    %dma_start3A_128 = tpu.memref_squeeze %dma_start3A_127 : memref<1x1x!tpu.dma_semaphore, #tpu.memory_space<semaphore_mem>> -> memref<!tpu.dma_semaphore, #tpu.memory_space<semaphore_mem>>
    %dma_start3A_129 = arith.constant 7920 : i32
    %dma_start3A_130 = arith.constant 0 : i32
    %dma_start3A_131 = tpu.memref_slice %arg1[%dma_start3A_129, %dma_start3A_130] : memref<100000x128xf32, #tpu.memory_space<hbm>> -> memref<880x128xf32, #tpu.memory_space<hbm>>
    tpu.enqueue_dma source(%dma_start3A_131 : memref<880x128xf32, #tpu.memory_space<hbm>>) target(%arg14 : memref<880x128xf32, #tpu.memory_space<vmem>>) target_semaphore(%dma_start3A_128 : memref<!tpu.dma_semaphore, #tpu.memory_space<semaphore_mem>>)
    %dma_start3A_132 = arith.constant 9 : i32
    %dma_start3A_133 = arith.constant 1 : i32
    %dma_start3A_134 = tpu.memref_slice %arg25[%dma_start3A_132, %dma_start3A_133] : memref<10x2x!tpu.dma_semaphore, #tpu.memory_space<semaphore_mem>> -> memref<1x1x!tpu.dma_semaphore, #tpu.memory_space<semaphore_mem>>
    %dma_start3A_135 = tpu.memref_squeeze %dma_start3A_134 : memref<1x1x!tpu.dma_semaphore, #tpu.memory_space<semaphore_mem>> -> memref<!tpu.dma_semaphore, #tpu.memory_space<semaphore_mem>>
    %dma_start3A_136 = arith.constant 7920 : i32
    %dma_start3A_137 = arith.constant 0 : i32
    %dma_start3A_138 = tpu.memref_slice %arg2[%dma_start3A_136, %dma_start3A_137] : memref<100000x512xf32, #tpu.memory_space<hbm>> -> memref<880x512xf32, #tpu.memory_space<hbm>>
    tpu.enqueue_dma source(%dma_start3A_138 : memref<880x512xf32, #tpu.memory_space<hbm>>) target(%arg24 : memref<880x512xf32, #tpu.memory_space<vmem>>) target_semaphore(%dma_start3A_135 : memref<!tpu.dma_semaphore, #tpu.memory_space<semaphore_mem>>)
    %get3A = arith.constant 0 : index
    %get3A_139 = arith.constant 0 : index
    %get3A_140 = vector.load %arg0[%get3A, %get3A_139] : memref<1x128xf32, #tpu.memory_space<vmem>>, vector<1x128xf32>
    %mul3A = arith.mulf %get3A_140, %get3A_140 : vector<1x128xf32>
    %reduce_sum3A = vector.shape_cast %mul3A : vector<1x128xf32> to vector<1x1x128xf32>
    %reduce_sum3A_141 = arith.constant dense<0.000000e+00> : vector<1xf32>
    %reduce_sum3A_142 = vector.multi_reduction <add>, %reduce_sum3A, %reduce_sum3A_141 [1, 2] : vector<1x1x128xf32> to vector<1xf32>
    %reduce_sum3A_143 = vector.shape_cast %reduce_sum3A_142 : vector<1xf32> to vector<1x1x1xf32>
    %reduce_sum3A_144 = vector.extract %reduce_sum3A_143[0, 0, 0] : f32 from vector<1x1x1xf32>
    %sqrt3A = math.sqrt %reduce_sum3A_144 : f32
    %broadcast_in_dim3A = arith.constant 1.000000e+00 : f32
    %broadcast_in_dim3A_145 = vector.broadcast %broadcast_in_dim3A : f32 to vector<1x128xf32>
    %broadcast_in_dim3A_146 = arith.constant 0.000000e+00 : f32
    %broadcast_in_dim3A_147 = vector.broadcast %broadcast_in_dim3A_146 : f32 to vector<1x512xf32>
    %scan3A = arith.constant 0.000000e+00 : f32
    %scan3A_148 = arith.constant 0 : i32
    %scan3A_149 = arith.constant 3 : i32
    %scan3A_150 = arith.addi %scan3A_148, %scan3A_149 : i32
    %scan3A_151 = arith.constant 1 : i32
    %scan3A_152:2 = scf.for %scan3A_160 = %scan3A_148 to %scan3A_150 step %scan3A_151 iter_args(%scan3A_161 = %broadcast_in_dim3A_147, %scan3A_162 = %scan3A) -> (vector<1x512xf32>, f32)  : i32 {
      %mul3A_163 = arith.constant 10 : i32
      %mul3A_164 = arith.muli %scan3A_160, %mul3A_163 : i32
      %add3A = arith.constant 0 : i32
      %add3A_165 = arith.addi %mul3A_164, %add3A : i32
      %mul3A_166 = arith.constant 880 : i32
      %mul3A_167 = arith.muli %add3A_165, %mul3A_166 : i32
      %add3A_168 = arith.constant 0 : i32
      %add3A_169 = arith.addi %add3A_168, %mul3A_167 : i32
      %dma_wait3A = arith.constant 0 : i32
      %dma_wait3A_170 = arith.constant 0 : i32
      %dma_wait3A_171 = tpu.memref_slice %arg25[%dma_wait3A, %dma_wait3A_170] : memref<10x2x!tpu.dma_semaphore, #tpu.memory_space<semaphore_mem>> -> memref<1x1x!tpu.dma_semaphore, #tpu.memory_space<semaphore_mem>>
      %dma_wait3A_172 = tpu.memref_squeeze %dma_wait3A_171 : memref<1x1x!tpu.dma_semaphore, #tpu.memory_space<semaphore_mem>> -> memref<!tpu.dma_semaphore, #tpu.memory_space<semaphore_mem>>
      %dma_wait3A_173 = arith.constant 0 : i32
      %dma_wait3A_174 = tpu.memref_slice %arg1[%add3A_169, %dma_wait3A_173] : memref<100000x128xf32, #tpu.memory_space<hbm>> -> memref<880x128xf32, #tpu.memory_space<hbm>>
      tpu.wait_dma2 semaphore(%dma_wait3A_172 : memref<!tpu.dma_semaphore, #tpu.memory_space<semaphore_mem>>) src(%dma_wait3A_174 : memref<880x128xf32, #tpu.memory_space<hbm>>) dst(%arg5 : memref<880x128xf32, #tpu.memory_space<vmem>>)
      %mul3A_175 = arith.constant 880 : i32
      %mul3A_176 = arith.muli %add3A_165, %mul3A_175 : i32
      %add3A_177 = arith.constant 0 : i32
      %add3A_178 = arith.addi %add3A_177, %mul3A_176 : i32
      %dma_wait3A_179 = arith.constant 0 : i32
      %dma_wait3A_180 = arith.constant 1 : i32
      %dma_wait3A_181 = tpu.memref_slice %arg25[%dma_wait3A_179, %dma_wait3A_180] : memref<10x2x!tpu.dma_semaphore, #tpu.memory_space<semaphore_mem>> -> memref<1x1x!tpu.dma_semaphore, #tpu.memory_space<semaphore_mem>>
      %dma_wait3A_182 = tpu.memref_squeeze %dma_wait3A_181 : memref<1x1x!tpu.dma_semaphore, #tpu.memory_space<semaphore_mem>> -> memref<!tpu.dma_semaphore, #tpu.memory_space<semaphore_mem>>
      %dma_wait3A_183 = arith.constant 0 : i32
      %dma_wait3A_184 = tpu.memref_slice %arg2[%add3A_178, %dma_wait3A_183] : memref<100000x512xf32, #tpu.memory_space<hbm>> -> memref<880x512xf32, #tpu.memory_space<hbm>>
      tpu.wait_dma2 semaphore(%dma_wait3A_182 : memref<!tpu.dma_semaphore, #tpu.memory_space<semaphore_mem>>) src(%dma_wait3A_184 : memref<880x512xf32, #tpu.memory_space<hbm>>) dst(%arg15 : memref<880x512xf32, #tpu.memory_space<vmem>>)
      %get3A_185 = arith.constant 0 : index
      %get3A_186 = arith.constant 0 : index
      %get3A_187 = vector.load %arg5[%get3A_185, %get3A_186] : memref<880x128xf32, #tpu.memory_space<vmem>>, vector<880x128xf32>
      %get3A_188 = arith.constant 0 : index
      %get3A_189 = arith.constant 0 : index
      %get3A_190 = vector.load %arg15[%get3A_188, %get3A_189] : memref<880x512xf32, #tpu.memory_space<vmem>>, vector<880x512xf32>
      %transpose3A = tpu.transpose %get3A_187, [1, 0] : vector<880x128xf32> -> vector<128x880xf32>
      %dot_general3A = arith.constant dense<0.000000e+00> : vector<1x880xf32>
      %dot_general3A_191 = tpu.matmul %get3A_140, %transpose3A, %dot_general3A {dimension_numbers = #tpu.dot_dimension_numbers<[1], [0], [0], [1], [0, 0, 1, 1], [], []>, transpose_lhs_hint = false} : vector<1x128xf32>, vector<128x880xf32>, vector<1x880xf32> -> vector<1x880xf32>
      %mul3A_192 = arith.mulf %transpose3A, %transpose3A : vector<128x880xf32>
      %dot_general3A_193 = arith.constant dense<0.000000e+00> : vector<1x880xf32>
      %dot_general3A_194 = tpu.matmul %broadcast_in_dim3A_145, %mul3A_192, %dot_general3A_193 {dimension_numbers = #tpu.dot_dimension_numbers<[1], [0], [0], [1], [0, 0, 1, 1], [], []>, transpose_lhs_hint = false} : vector<1x128xf32>, vector<128x880xf32>, vector<1x880xf32> -> vector<1x880xf32>
      %sqrt3A_195 = math.sqrt %dot_general3A_194 : vector<1x880xf32>
      %mul3A_196 = vector.broadcast %sqrt3A : f32 to vector<1x880xf32>
      %mul3A_197 = arith.mulf %mul3A_196, %sqrt3A_195 : vector<1x880xf32>
      %max3A = arith.constant 9.99999997E-7 : f32
      %max3A_198 = vector.broadcast %max3A : f32 to vector<1x880xf32>
      %max3A_199 = arith.maximumf %mul3A_197, %max3A_198 : vector<1x880xf32>
      %div3A = arith.divf %dot_general3A_191, %max3A_199 : vector<1x880xf32>
      %exp3A = math.exp %div3A : vector<1x880xf32>
      %dot_general3A_200 = arith.constant dense<0.000000e+00> : vector<1x512xf32>
      %dot_general3A_201 = tpu.matmul %exp3A, %get3A_190, %dot_general3A_200 {dimension_numbers = #tpu.dot_dimension_numbers<[1], [0], [0], [1], [0, 0, 1, 1], [], []>, transpose_lhs_hint = false} : vector<1x880xf32>, vector<880x512xf32>, vector<1x512xf32> -> vector<1x512xf32>
      %reduce_sum3A_202 = vector.shape_cast %exp3A : vector<1x880xf32> to vector<1x1x880xf32>
      %reduce_sum3A_203 = arith.constant dense<0.000000e+00> : vector<1xf32>
      %reduce_sum3A_204 = vector.multi_reduction <add>, %reduce_sum3A_202, %reduce_sum3A_203 [1, 2] : vector<1x1x880xf32> to vector<1xf32>
      %reduce_sum3A_205 = vector.shape_cast %reduce_sum3A_204 : vector<1xf32> to vector<1x1x1xf32>
      %reduce_sum3A_206 = vector.extract %reduce_sum3A_205[0, 0, 0] : f32 from vector<1x1x1xf32>
      %add3A_207 = arith.constant 10 : i32
      %add3A_208 = arith.addi %add3A_165, %add3A_207 : i32
      %lt3A = arith.constant 30 : i32
      %lt3A_209 = arith.cmpi slt, %add3A_208, %lt3A : i32
      %convert_element_type3A = arith.extui %lt3A_209 : i1 to i32
      %cond3A = arith.constant 0 : i32
      %cond3A_210 = arith.cmpi ne, %convert_element_type3A, %cond3A : i32
      scf.if %cond3A_210 {
        %add3A_753 = arith.constant 10 : i32
        %add3A_754 = arith.addi %add3A_165, %add3A_753 : i32
        %mul3A_755 = arith.constant 880 : i32
        %mul3A_756 = arith.muli %add3A_754, %mul3A_755 : i32
        %add3A_757 = arith.constant 0 : i32
        %add3A_758 = arith.addi %add3A_757, %mul3A_756 : i32
        %dma_start3A_759 = arith.constant 0 : i32
        %dma_start3A_760 = arith.constant 0 : i32
        %dma_start3A_761 = tpu.memref_slice %arg25[%dma_start3A_759, %dma_start3A_760] : memref<10x2x!tpu.dma_semaphore, #tpu.memory_space<semaphore_mem>> -> memref<1x1x!tpu.dma_semaphore, #tpu.memory_space<semaphore_mem>>
        %dma_start3A_762 = tpu.memref_squeeze %dma_start3A_761 : memref<1x1x!tpu.dma_semaphore, #tpu.memory_space<semaphore_mem>> -> memref<!tpu.dma_semaphore, #tpu.memory_space<semaphore_mem>>
        %dma_start3A_763 = arith.constant 0 : i32
        %dma_start3A_764 = tpu.memref_slice %arg1[%add3A_758, %dma_start3A_763] : memref<100000x128xf32, #tpu.memory_space<hbm>> -> memref<880x128xf32, #tpu.memory_space<hbm>>
        tpu.enqueue_dma source(%dma_start3A_764 : memref<880x128xf32, #tpu.memory_space<hbm>>) target(%arg5 : memref<880x128xf32, #tpu.memory_space<vmem>>) target_semaphore(%dma_start3A_762 : memref<!tpu.dma_semaphore, #tpu.memory_space<semaphore_mem>>)
        %add3A_765 = arith.constant 10 : i32
        %add3A_766 = arith.addi %add3A_165, %add3A_765 : i32
        %mul3A_767 = arith.constant 880 : i32
        %mul3A_768 = arith.muli %add3A_766, %mul3A_767 : i32
        %add3A_769 = arith.constant 0 : i32
        %add3A_770 = arith.addi %add3A_769, %mul3A_768 : i32
        %dma_start3A_771 = arith.constant 0 : i32
        %dma_start3A_772 = arith.constant 1 : i32
        %dma_start3A_773 = tpu.memref_slice %arg25[%dma_start3A_771, %dma_start3A_772] : memref<10x2x!tpu.dma_semaphore, #tpu.memory_space<semaphore_mem>> -> memref<1x1x!tpu.dma_semaphore, #tpu.memory_space<semaphore_mem>>
        %dma_start3A_774 = tpu.memref_squeeze %dma_start3A_773 : memref<1x1x!tpu.dma_semaphore, #tpu.memory_space<semaphore_mem>> -> memref<!tpu.dma_semaphore, #tpu.memory_space<semaphore_mem>>
        %dma_start3A_775 = arith.constant 0 : i32
        %dma_start3A_776 = tpu.memref_slice %arg2[%add3A_770, %dma_start3A_775] : memref<100000x512xf32, #tpu.memory_space<hbm>> -> memref<880x512xf32, #tpu.memory_space<hbm>>
        tpu.enqueue_dma source(%dma_start3A_776 : memref<880x512xf32, #tpu.memory_space<hbm>>) target(%arg15 : memref<880x512xf32, #tpu.memory_space<vmem>>) target_semaphore(%dma_start3A_774 : memref<!tpu.dma_semaphore, #tpu.memory_space<semaphore_mem>>)
      } else {
      }
      %add3A_211 = arith.addf %scan3A_161, %dot_general3A_201 : vector<1x512xf32>
      %add3A_212 = arith.addf %scan3A_162, %reduce_sum3A_206 : f32
      %mul3A_213 = arith.constant 10 : i32
      %mul3A_214 = arith.muli %scan3A_160, %mul3A_213 : i32
      %add3A_215 = arith.constant 1 : i32
      %add3A_216 = arith.addi %mul3A_214, %add3A_215 : i32
      %mul3A_217 = arith.constant 880 : i32
      %mul3A_218 = arith.muli %add3A_216, %mul3A_217 : i32
      %add3A_219 = arith.constant 0 : i32
      %add3A_220 = arith.addi %add3A_219, %mul3A_218 : i32
      %dma_wait3A_221 = arith.constant 1 : i32
      %dma_wait3A_222 = arith.constant 0 : i32
      %dma_wait3A_223 = tpu.memref_slice %arg25[%dma_wait3A_221, %dma_wait3A_222] : memref<10x2x!tpu.dma_semaphore, #tpu.memory_space<semaphore_mem>> -> memref<1x1x!tpu.dma_semaphore, #tpu.memory_space<semaphore_mem>>
      %dma_wait3A_224 = tpu.memref_squeeze %dma_wait3A_223 : memref<1x1x!tpu.dma_semaphore, #tpu.memory_space<semaphore_mem>> -> memref<!tpu.dma_semaphore, #tpu.memory_space<semaphore_mem>>
      %dma_wait3A_225 = arith.constant 0 : i32
      %dma_wait3A_226 = tpu.memref_slice %arg1[%add3A_220, %dma_wait3A_225] : memref<100000x128xf32, #tpu.memory_space<hbm>> -> memref<880x128xf32, #tpu.memory_space<hbm>>
      tpu.wait_dma2 semaphore(%dma_wait3A_224 : memref<!tpu.dma_semaphore, #tpu.memory_space<semaphore_mem>>) src(%dma_wait3A_226 : memref<880x128xf32, #tpu.memory_space<hbm>>) dst(%arg6 : memref<880x128xf32, #tpu.memory_space<vmem>>)
      %mul3A_227 = arith.constant 880 : i32
      %mul3A_228 = arith.muli %add3A_216, %mul3A_227 : i32
      %add3A_229 = arith.constant 0 : i32
      %add3A_230 = arith.addi %add3A_229, %mul3A_228 : i32
      %dma_wait3A_231 = arith.constant 1 : i32
      %dma_wait3A_232 = arith.constant 1 : i32
      %dma_wait3A_233 = tpu.memref_slice %arg25[%dma_wait3A_231, %dma_wait3A_232] : memref<10x2x!tpu.dma_semaphore, #tpu.memory_space<semaphore_mem>> -> memref<1x1x!tpu.dma_semaphore, #tpu.memory_space<semaphore_mem>>
      %dma_wait3A_234 = tpu.memref_squeeze %dma_wait3A_233 : memref<1x1x!tpu.dma_semaphore, #tpu.memory_space<semaphore_mem>> -> memref<!tpu.dma_semaphore, #tpu.memory_space<semaphore_mem>>
      %dma_wait3A_235 = arith.constant 0 : i32
      %dma_wait3A_236 = tpu.memref_slice %arg2[%add3A_230, %dma_wait3A_235] : memref<100000x512xf32, #tpu.memory_space<hbm>> -> memref<880x512xf32, #tpu.memory_space<hbm>>
      tpu.wait_dma2 semaphore(%dma_wait3A_234 : memref<!tpu.dma_semaphore, #tpu.memory_space<semaphore_mem>>) src(%dma_wait3A_236 : memref<880x512xf32, #tpu.memory_space<hbm>>) dst(%arg16 : memref<880x512xf32, #tpu.memory_space<vmem>>)
      %get3A_237 = arith.constant 0 : index
      %get3A_238 = arith.constant 0 : index
      %get3A_239 = vector.load %arg6[%get3A_237, %get3A_238] : memref<880x128xf32, #tpu.memory_space<vmem>>, vector<880x128xf32>
      %get3A_240 = arith.constant 0 : index
      %get3A_241 = arith.constant 0 : index
      %get3A_242 = vector.load %arg16[%get3A_240, %get3A_241] : memref<880x512xf32, #tpu.memory_space<vmem>>, vector<880x512xf32>
      %transpose3A_243 = tpu.transpose %get3A_239, [1, 0] : vector<880x128xf32> -> vector<128x880xf32>
      %dot_general3A_244 = arith.constant dense<0.000000e+00> : vector<1x880xf32>
      %dot_general3A_245 = tpu.matmul %get3A_140, %transpose3A_243, %dot_general3A_244 {dimension_numbers = #tpu.dot_dimension_numbers<[1], [0], [0], [1], [0, 0, 1, 1], [], []>, transpose_lhs_hint = false} : vector<1x128xf32>, vector<128x880xf32>, vector<1x880xf32> -> vector<1x880xf32>
      %mul3A_246 = arith.mulf %transpose3A_243, %transpose3A_243 : vector<128x880xf32>
      %dot_general3A_247 = arith.constant dense<0.000000e+00> : vector<1x880xf32>
      %dot_general3A_248 = tpu.matmul %broadcast_in_dim3A_145, %mul3A_246, %dot_general3A_247 {dimension_numbers = #tpu.dot_dimension_numbers<[1], [0], [0], [1], [0, 0, 1, 1], [], []>, transpose_lhs_hint = false} : vector<1x128xf32>, vector<128x880xf32>, vector<1x880xf32> -> vector<1x880xf32>
      %sqrt3A_249 = math.sqrt %dot_general3A_248 : vector<1x880xf32>
      %mul3A_250 = vector.broadcast %sqrt3A : f32 to vector<1x880xf32>
      %mul3A_251 = arith.mulf %mul3A_250, %sqrt3A_249 : vector<1x880xf32>
      %max3A_252 = arith.constant 9.99999997E-7 : f32
      %max3A_253 = vector.broadcast %max3A_252 : f32 to vector<1x880xf32>
      %max3A_254 = arith.maximumf %mul3A_251, %max3A_253 : vector<1x880xf32>
      %div3A_255 = arith.divf %dot_general3A_245, %max3A_254 : vector<1x880xf32>
      %exp3A_256 = math.exp %div3A_255 : vector<1x880xf32>
      %dot_general3A_257 = arith.constant dense<0.000000e+00> : vector<1x512xf32>
      %dot_general3A_258 = tpu.matmul %exp3A_256, %get3A_242, %dot_general3A_257 {dimension_numbers = #tpu.dot_dimension_numbers<[1], [0], [0], [1], [0, 0, 1, 1], [], []>, transpose_lhs_hint = false} : vector<1x880xf32>, vector<880x512xf32>, vector<1x512xf32> -> vector<1x512xf32>
      %reduce_sum3A_259 = vector.shape_cast %exp3A_256 : vector<1x880xf32> to vector<1x1x880xf32>
      %reduce_sum3A_260 = arith.constant dense<0.000000e+00> : vector<1xf32>
      %reduce_sum3A_261 = vector.multi_reduction <add>, %reduce_sum3A_259, %reduce_sum3A_260 [1, 2] : vector<1x1x880xf32> to vector<1xf32>
      %reduce_sum3A_262 = vector.shape_cast %reduce_sum3A_261 : vector<1xf32> to vector<1x1x1xf32>
      %reduce_sum3A_263 = vector.extract %reduce_sum3A_262[0, 0, 0] : f32 from vector<1x1x1xf32>
      %add3A_264 = arith.constant 10 : i32
      %add3A_265 = arith.addi %add3A_216, %add3A_264 : i32
      %lt3A_266 = arith.constant 30 : i32
      %lt3A_267 = arith.cmpi slt, %add3A_265, %lt3A_266 : i32
      %convert_element_type3A_268 = arith.extui %lt3A_267 : i1 to i32
      %cond3A_269 = arith.constant 0 : i32
      %cond3A_270 = arith.cmpi ne, %convert_element_type3A_268, %cond3A_269 : i32
      scf.if %cond3A_270 {
        %add3A_753 = arith.constant 10 : i32
        %add3A_754 = arith.addi %add3A_216, %add3A_753 : i32
        %mul3A_755 = arith.constant 880 : i32
        %mul3A_756 = arith.muli %add3A_754, %mul3A_755 : i32
        %add3A_757 = arith.constant 0 : i32
        %add3A_758 = arith.addi %add3A_757, %mul3A_756 : i32
        %dma_start3A_759 = arith.constant 1 : i32
        %dma_start3A_760 = arith.constant 0 : i32
        %dma_start3A_761 = tpu.memref_slice %arg25[%dma_start3A_759, %dma_start3A_760] : memref<10x2x!tpu.dma_semaphore, #tpu.memory_space<semaphore_mem>> -> memref<1x1x!tpu.dma_semaphore, #tpu.memory_space<semaphore_mem>>
        %dma_start3A_762 = tpu.memref_squeeze %dma_start3A_761 : memref<1x1x!tpu.dma_semaphore, #tpu.memory_space<semaphore_mem>> -> memref<!tpu.dma_semaphore, #tpu.memory_space<semaphore_mem>>
        %dma_start3A_763 = arith.constant 0 : i32
        %dma_start3A_764 = tpu.memref_slice %arg1[%add3A_758, %dma_start3A_763] : memref<100000x128xf32, #tpu.memory_space<hbm>> -> memref<880x128xf32, #tpu.memory_space<hbm>>
        tpu.enqueue_dma source(%dma_start3A_764 : memref<880x128xf32, #tpu.memory_space<hbm>>) target(%arg6 : memref<880x128xf32, #tpu.memory_space<vmem>>) target_semaphore(%dma_start3A_762 : memref<!tpu.dma_semaphore, #tpu.memory_space<semaphore_mem>>)
        %add3A_765 = arith.constant 10 : i32
        %add3A_766 = arith.addi %add3A_216, %add3A_765 : i32
        %mul3A_767 = arith.constant 880 : i32
        %mul3A_768 = arith.muli %add3A_766, %mul3A_767 : i32
        %add3A_769 = arith.constant 0 : i32
        %add3A_770 = arith.addi %add3A_769, %mul3A_768 : i32
        %dma_start3A_771 = arith.constant 1 : i32
        %dma_start3A_772 = arith.constant 1 : i32
        %dma_start3A_773 = tpu.memref_slice %arg25[%dma_start3A_771, %dma_start3A_772] : memref<10x2x!tpu.dma_semaphore, #tpu.memory_space<semaphore_mem>> -> memref<1x1x!tpu.dma_semaphore, #tpu.memory_space<semaphore_mem>>
        %dma_start3A_774 = tpu.memref_squeeze %dma_start3A_773 : memref<1x1x!tpu.dma_semaphore, #tpu.memory_space<semaphore_mem>> -> memref<!tpu.dma_semaphore, #tpu.memory_space<semaphore_mem>>
        %dma_start3A_775 = arith.constant 0 : i32
        %dma_start3A_776 = tpu.memref_slice %arg2[%add3A_770, %dma_start3A_775] : memref<100000x512xf32, #tpu.memory_space<hbm>> -> memref<880x512xf32, #tpu.memory_space<hbm>>
        tpu.enqueue_dma source(%dma_start3A_776 : memref<880x512xf32, #tpu.memory_space<hbm>>) target(%arg16 : memref<880x512xf32, #tpu.memory_space<vmem>>) target_semaphore(%dma_start3A_774 : memref<!tpu.dma_semaphore, #tpu.memory_space<semaphore_mem>>)
      } else {
      }
      %add3A_271 = arith.addf %add3A_211, %dot_general3A_258 : vector<1x512xf32>
      %add3A_272 = arith.addf %add3A_212, %reduce_sum3A_263 : f32
      %mul3A_273 = arith.constant 10 : i32
      %mul3A_274 = arith.muli %scan3A_160, %mul3A_273 : i32
      %add3A_275 = arith.constant 2 : i32
      %add3A_276 = arith.addi %mul3A_274, %add3A_275 : i32
      %mul3A_277 = arith.constant 880 : i32
      %mul3A_278 = arith.muli %add3A_276, %mul3A_277 : i32
      %add3A_279 = arith.constant 0 : i32
      %add3A_280 = arith.addi %add3A_279, %mul3A_278 : i32
      %dma_wait3A_281 = arith.constant 2 : i32
      %dma_wait3A_282 = arith.constant 0 : i32
      %dma_wait3A_283 = tpu.memref_slice %arg25[%dma_wait3A_281, %dma_wait3A_282] : memref<10x2x!tpu.dma_semaphore, #tpu.memory_space<semaphore_mem>> -> memref<1x1x!tpu.dma_semaphore, #tpu.memory_space<semaphore_mem>>
      %dma_wait3A_284 = tpu.memref_squeeze %dma_wait3A_283 : memref<1x1x!tpu.dma_semaphore, #tpu.memory_space<semaphore_mem>> -> memref<!tpu.dma_semaphore, #tpu.memory_space<semaphore_mem>>
      %dma_wait3A_285 = arith.constant 0 : i32
      %dma_wait3A_286 = tpu.memref_slice %arg1[%add3A_280, %dma_wait3A_285] : memref<100000x128xf32, #tpu.memory_space<hbm>> -> memref<880x128xf32, #tpu.memory_space<hbm>>
      tpu.wait_dma2 semaphore(%dma_wait3A_284 : memref<!tpu.dma_semaphore, #tpu.memory_space<semaphore_mem>>) src(%dma_wait3A_286 : memref<880x128xf32, #tpu.memory_space<hbm>>) dst(%arg7 : memref<880x128xf32, #tpu.memory_space<vmem>>)
      %mul3A_287 = arith.constant 880 : i32
      %mul3A_288 = arith.muli %add3A_276, %mul3A_287 : i32
      %add3A_289 = arith.constant 0 : i32
      %add3A_290 = arith.addi %add3A_289, %mul3A_288 : i32
      %dma_wait3A_291 = arith.constant 2 : i32
      %dma_wait3A_292 = arith.constant 1 : i32
      %dma_wait3A_293 = tpu.memref_slice %arg25[%dma_wait3A_291, %dma_wait3A_292] : memref<10x2x!tpu.dma_semaphore, #tpu.memory_space<semaphore_mem>> -> memref<1x1x!tpu.dma_semaphore, #tpu.memory_space<semaphore_mem>>
      %dma_wait3A_294 = tpu.memref_squeeze %dma_wait3A_293 : memref<1x1x!tpu.dma_semaphore, #tpu.memory_space<semaphore_mem>> -> memref<!tpu.dma_semaphore, #tpu.memory_space<semaphore_mem>>
      %dma_wait3A_295 = arith.constant 0 : i32
      %dma_wait3A_296 = tpu.memref_slice %arg2[%add3A_290, %dma_wait3A_295] : memref<100000x512xf32, #tpu.memory_space<hbm>> -> memref<880x512xf32, #tpu.memory_space<hbm>>
      tpu.wait_dma2 semaphore(%dma_wait3A_294 : memref<!tpu.dma_semaphore, #tpu.memory_space<semaphore_mem>>) src(%dma_wait3A_296 : memref<880x512xf32, #tpu.memory_space<hbm>>) dst(%arg17 : memref<880x512xf32, #tpu.memory_space<vmem>>)
      %get3A_297 = arith.constant 0 : index
      %get3A_298 = arith.constant 0 : index
      %get3A_299 = vector.load %arg7[%get3A_297, %get3A_298] : memref<880x128xf32, #tpu.memory_space<vmem>>, vector<880x128xf32>
      %get3A_300 = arith.constant 0 : index
      %get3A_301 = arith.constant 0 : index
      %get3A_302 = vector.load %arg17[%get3A_300, %get3A_301] : memref<880x512xf32, #tpu.memory_space<vmem>>, vector<880x512xf32>
      %transpose3A_303 = tpu.transpose %get3A_299, [1, 0] : vector<880x128xf32> -> vector<128x880xf32>
      %dot_general3A_304 = arith.constant dense<0.000000e+00> : vector<1x880xf32>
      %dot_general3A_305 = tpu.matmul %get3A_140, %transpose3A_303, %dot_general3A_304 {dimension_numbers = #tpu.dot_dimension_numbers<[1], [0], [0], [1], [0, 0, 1, 1], [], []>, transpose_lhs_hint = false} : vector<1x128xf32>, vector<128x880xf32>, vector<1x880xf32> -> vector<1x880xf32>
      %mul3A_306 = arith.mulf %transpose3A_303, %transpose3A_303 : vector<128x880xf32>
      %dot_general3A_307 = arith.constant dense<0.000000e+00> : vector<1x880xf32>
      %dot_general3A_308 = tpu.matmul %broadcast_in_dim3A_145, %mul3A_306, %dot_general3A_307 {dimension_numbers = #tpu.dot_dimension_numbers<[1], [0], [0], [1], [0, 0, 1, 1], [], []>, transpose_lhs_hint = false} : vector<1x128xf32>, vector<128x880xf32>, vector<1x880xf32> -> vector<1x880xf32>
      %sqrt3A_309 = math.sqrt %dot_general3A_308 : vector<1x880xf32>
      %mul3A_310 = vector.broadcast %sqrt3A : f32 to vector<1x880xf32>
      %mul3A_311 = arith.mulf %mul3A_310, %sqrt3A_309 : vector<1x880xf32>
      %max3A_312 = arith.constant 9.99999997E-7 : f32
      %max3A_313 = vector.broadcast %max3A_312 : f32 to vector<1x880xf32>
      %max3A_314 = arith.maximumf %mul3A_311, %max3A_313 : vector<1x880xf32>
      %div3A_315 = arith.divf %dot_general3A_305, %max3A_314 : vector<1x880xf32>
      %exp3A_316 = math.exp %div3A_315 : vector<1x880xf32>
      %dot_general3A_317 = arith.constant dense<0.000000e+00> : vector<1x512xf32>
      %dot_general3A_318 = tpu.matmul %exp3A_316, %get3A_302, %dot_general3A_317 {dimension_numbers = #tpu.dot_dimension_numbers<[1], [0], [0], [1], [0, 0, 1, 1], [], []>, transpose_lhs_hint = false} : vector<1x880xf32>, vector<880x512xf32>, vector<1x512xf32> -> vector<1x512xf32>
      %reduce_sum3A_319 = vector.shape_cast %exp3A_316 : vector<1x880xf32> to vector<1x1x880xf32>
      %reduce_sum3A_320 = arith.constant dense<0.000000e+00> : vector<1xf32>
      %reduce_sum3A_321 = vector.multi_reduction <add>, %reduce_sum3A_319, %reduce_sum3A_320 [1, 2] : vector<1x1x880xf32> to vector<1xf32>
      %reduce_sum3A_322 = vector.shape_cast %reduce_sum3A_321 : vector<1xf32> to vector<1x1x1xf32>
      %reduce_sum3A_323 = vector.extract %reduce_sum3A_322[0, 0, 0] : f32 from vector<1x1x1xf32>
      %add3A_324 = arith.constant 10 : i32
      %add3A_325 = arith.addi %add3A_276, %add3A_324 : i32
      %lt3A_326 = arith.constant 30 : i32
      %lt3A_327 = arith.cmpi slt, %add3A_325, %lt3A_326 : i32
      %convert_element_type3A_328 = arith.extui %lt3A_327 : i1 to i32
      %cond3A_329 = arith.constant 0 : i32
      %cond3A_330 = arith.cmpi ne, %convert_element_type3A_328, %cond3A_329 : i32
      scf.if %cond3A_330 {
        %add3A_753 = arith.constant 10 : i32
        %add3A_754 = arith.addi %add3A_276, %add3A_753 : i32
        %mul3A_755 = arith.constant 880 : i32
        %mul3A_756 = arith.muli %add3A_754, %mul3A_755 : i32
        %add3A_757 = arith.constant 0 : i32
        %add3A_758 = arith.addi %add3A_757, %mul3A_756 : i32
        %dma_start3A_759 = arith.constant 2 : i32
        %dma_start3A_760 = arith.constant 0 : i32
        %dma_start3A_761 = tpu.memref_slice %arg25[%dma_start3A_759, %dma_start3A_760] : memref<10x2x!tpu.dma_semaphore, #tpu.memory_space<semaphore_mem>> -> memref<1x1x!tpu.dma_semaphore, #tpu.memory_space<semaphore_mem>>
        %dma_start3A_762 = tpu.memref_squeeze %dma_start3A_761 : memref<1x1x!tpu.dma_semaphore, #tpu.memory_space<semaphore_mem>> -> memref<!tpu.dma_semaphore, #tpu.memory_space<semaphore_mem>>
        %dma_start3A_763 = arith.constant 0 : i32
        %dma_start3A_764 = tpu.memref_slice %arg1[%add3A_758, %dma_start3A_763] : memref<100000x128xf32, #tpu.memory_space<hbm>> -> memref<880x128xf32, #tpu.memory_space<hbm>>
        tpu.enqueue_dma source(%dma_start3A_764 : memref<880x128xf32, #tpu.memory_space<hbm>>) target(%arg7 : memref<880x128xf32, #tpu.memory_space<vmem>>) target_semaphore(%dma_start3A_762 : memref<!tpu.dma_semaphore, #tpu.memory_space<semaphore_mem>>)
        %add3A_765 = arith.constant 10 : i32
        %add3A_766 = arith.addi %add3A_276, %add3A_765 : i32
        %mul3A_767 = arith.constant 880 : i32
        %mul3A_768 = arith.muli %add3A_766, %mul3A_767 : i32
        %add3A_769 = arith.constant 0 : i32
        %add3A_770 = arith.addi %add3A_769, %mul3A_768 : i32
        %dma_start3A_771 = arith.constant 2 : i32
        %dma_start3A_772 = arith.constant 1 : i32
        %dma_start3A_773 = tpu.memref_slice %arg25[%dma_start3A_771, %dma_start3A_772] : memref<10x2x!tpu.dma_semaphore, #tpu.memory_space<semaphore_mem>> -> memref<1x1x!tpu.dma_semaphore, #tpu.memory_space<semaphore_mem>>
        %dma_start3A_774 = tpu.memref_squeeze %dma_start3A_773 : memref<1x1x!tpu.dma_semaphore, #tpu.memory_space<semaphore_mem>> -> memref<!tpu.dma_semaphore, #tpu.memory_space<semaphore_mem>>
        %dma_start3A_775 = arith.constant 0 : i32
        %dma_start3A_776 = tpu.memref_slice %arg2[%add3A_770, %dma_start3A_775] : memref<100000x512xf32, #tpu.memory_space<hbm>> -> memref<880x512xf32, #tpu.memory_space<hbm>>
        tpu.enqueue_dma source(%dma_start3A_776 : memref<880x512xf32, #tpu.memory_space<hbm>>) target(%arg17 : memref<880x512xf32, #tpu.memory_space<vmem>>) target_semaphore(%dma_start3A_774 : memref<!tpu.dma_semaphore, #tpu.memory_space<semaphore_mem>>)
      } else {
      }
      %add3A_331 = arith.addf %add3A_271, %dot_general3A_318 : vector<1x512xf32>
      %add3A_332 = arith.addf %add3A_272, %reduce_sum3A_323 : f32
      %mul3A_333 = arith.constant 10 : i32
      %mul3A_334 = arith.muli %scan3A_160, %mul3A_333 : i32
      %add3A_335 = arith.constant 3 : i32
      %add3A_336 = arith.addi %mul3A_334, %add3A_335 : i32
      %mul3A_337 = arith.constant 880 : i32
      %mul3A_338 = arith.muli %add3A_336, %mul3A_337 : i32
      %add3A_339 = arith.constant 0 : i32
      %add3A_340 = arith.addi %add3A_339, %mul3A_338 : i32
      %dma_wait3A_341 = arith.constant 3 : i32
      %dma_wait3A_342 = arith.constant 0 : i32
      %dma_wait3A_343 = tpu.memref_slice %arg25[%dma_wait3A_341, %dma_wait3A_342] : memref<10x2x!tpu.dma_semaphore, #tpu.memory_space<semaphore_mem>> -> memref<1x1x!tpu.dma_semaphore, #tpu.memory_space<semaphore_mem>>
      %dma_wait3A_344 = tpu.memref_squeeze %dma_wait3A_343 : memref<1x1x!tpu.dma_semaphore, #tpu.memory_space<semaphore_mem>> -> memref<!tpu.dma_semaphore, #tpu.memory_space<semaphore_mem>>
      %dma_wait3A_345 = arith.constant 0 : i32
      %dma_wait3A_346 = tpu.memref_slice %arg1[%add3A_340, %dma_wait3A_345] : memref<100000x128xf32, #tpu.memory_space<hbm>> -> memref<880x128xf32, #tpu.memory_space<hbm>>
      tpu.wait_dma2 semaphore(%dma_wait3A_344 : memref<!tpu.dma_semaphore, #tpu.memory_space<semaphore_mem>>) src(%dma_wait3A_346 : memref<880x128xf32, #tpu.memory_space<hbm>>) dst(%arg8 : memref<880x128xf32, #tpu.memory_space<vmem>>)
      %mul3A_347 = arith.constant 880 : i32
      %mul3A_348 = arith.muli %add3A_336, %mul3A_347 : i32
      %add3A_349 = arith.constant 0 : i32
      %add3A_350 = arith.addi %add3A_349, %mul3A_348 : i32
      %dma_wait3A_351 = arith.constant 3 : i32
      %dma_wait3A_352 = arith.constant 1 : i32
      %dma_wait3A_353 = tpu.memref_slice %arg25[%dma_wait3A_351, %dma_wait3A_352] : memref<10x2x!tpu.dma_semaphore, #tpu.memory_space<semaphore_mem>> -> memref<1x1x!tpu.dma_semaphore, #tpu.memory_space<semaphore_mem>>
      %dma_wait3A_354 = tpu.memref_squeeze %dma_wait3A_353 : memref<1x1x!tpu.dma_semaphore, #tpu.memory_space<semaphore_mem>> -> memref<!tpu.dma_semaphore, #tpu.memory_space<semaphore_mem>>
      %dma_wait3A_355 = arith.constant 0 : i32
      %dma_wait3A_356 = tpu.memref_slice %arg2[%add3A_350, %dma_wait3A_355] : memref<100000x512xf32, #tpu.memory_space<hbm>> -> memref<880x512xf32, #tpu.memory_space<hbm>>
      tpu.wait_dma2 semaphore(%dma_wait3A_354 : memref<!tpu.dma_semaphore, #tpu.memory_space<semaphore_mem>>) src(%dma_wait3A_356 : memref<880x512xf32, #tpu.memory_space<hbm>>) dst(%arg18 : memref<880x512xf32, #tpu.memory_space<vmem>>)
      %get3A_357 = arith.constant 0 : index
      %get3A_358 = arith.constant 0 : index
      %get3A_359 = vector.load %arg8[%get3A_357, %get3A_358] : memref<880x128xf32, #tpu.memory_space<vmem>>, vector<880x128xf32>
      %get3A_360 = arith.constant 0 : index
      %get3A_361 = arith.constant 0 : index
      %get3A_362 = vector.load %arg18[%get3A_360, %get3A_361] : memref<880x512xf32, #tpu.memory_space<vmem>>, vector<880x512xf32>
      %transpose3A_363 = tpu.transpose %get3A_359, [1, 0] : vector<880x128xf32> -> vector<128x880xf32>
      %dot_general3A_364 = arith.constant dense<0.000000e+00> : vector<1x880xf32>
      %dot_general3A_365 = tpu.matmul %get3A_140, %transpose3A_363, %dot_general3A_364 {dimension_numbers = #tpu.dot_dimension_numbers<[1], [0], [0], [1], [0, 0, 1, 1], [], []>, transpose_lhs_hint = false} : vector<1x128xf32>, vector<128x880xf32>, vector<1x880xf32> -> vector<1x880xf32>
      %mul3A_366 = arith.mulf %transpose3A_363, %transpose3A_363 : vector<128x880xf32>
      %dot_general3A_367 = arith.constant dense<0.000000e+00> : vector<1x880xf32>
      %dot_general3A_368 = tpu.matmul %broadcast_in_dim3A_145, %mul3A_366, %dot_general3A_367 {dimension_numbers = #tpu.dot_dimension_numbers<[1], [0], [0], [1], [0, 0, 1, 1], [], []>, transpose_lhs_hint = false} : vector<1x128xf32>, vector<128x880xf32>, vector<1x880xf32> -> vector<1x880xf32>
      %sqrt3A_369 = math.sqrt %dot_general3A_368 : vector<1x880xf32>
      %mul3A_370 = vector.broadcast %sqrt3A : f32 to vector<1x880xf32>
      %mul3A_371 = arith.mulf %mul3A_370, %sqrt3A_369 : vector<1x880xf32>
      %max3A_372 = arith.constant 9.99999997E-7 : f32
      %max3A_373 = vector.broadcast %max3A_372 : f32 to vector<1x880xf32>
      %max3A_374 = arith.maximumf %mul3A_371, %max3A_373 : vector<1x880xf32>
      %div3A_375 = arith.divf %dot_general3A_365, %max3A_374 : vector<1x880xf32>
      %exp3A_376 = math.exp %div3A_375 : vector<1x880xf32>
      %dot_general3A_377 = arith.constant dense<0.000000e+00> : vector<1x512xf32>
      %dot_general3A_378 = tpu.matmul %exp3A_376, %get3A_362, %dot_general3A_377 {dimension_numbers = #tpu.dot_dimension_numbers<[1], [0], [0], [1], [0, 0, 1, 1], [], []>, transpose_lhs_hint = false} : vector<1x880xf32>, vector<880x512xf32>, vector<1x512xf32> -> vector<1x512xf32>
      %reduce_sum3A_379 = vector.shape_cast %exp3A_376 : vector<1x880xf32> to vector<1x1x880xf32>
      %reduce_sum3A_380 = arith.constant dense<0.000000e+00> : vector<1xf32>
      %reduce_sum3A_381 = vector.multi_reduction <add>, %reduce_sum3A_379, %reduce_sum3A_380 [1, 2] : vector<1x1x880xf32> to vector<1xf32>
      %reduce_sum3A_382 = vector.shape_cast %reduce_sum3A_381 : vector<1xf32> to vector<1x1x1xf32>
      %reduce_sum3A_383 = vector.extract %reduce_sum3A_382[0, 0, 0] : f32 from vector<1x1x1xf32>
      %add3A_384 = arith.constant 10 : i32
      %add3A_385 = arith.addi %add3A_336, %add3A_384 : i32
      %lt3A_386 = arith.constant 30 : i32
      %lt3A_387 = arith.cmpi slt, %add3A_385, %lt3A_386 : i32
      %convert_element_type3A_388 = arith.extui %lt3A_387 : i1 to i32
      %cond3A_389 = arith.constant 0 : i32
      %cond3A_390 = arith.cmpi ne, %convert_element_type3A_388, %cond3A_389 : i32
      scf.if %cond3A_390 {
        %add3A_753 = arith.constant 10 : i32
        %add3A_754 = arith.addi %add3A_336, %add3A_753 : i32
        %mul3A_755 = arith.constant 880 : i32
        %mul3A_756 = arith.muli %add3A_754, %mul3A_755 : i32
        %add3A_757 = arith.constant 0 : i32
        %add3A_758 = arith.addi %add3A_757, %mul3A_756 : i32
        %dma_start3A_759 = arith.constant 3 : i32
        %dma_start3A_760 = arith.constant 0 : i32
        %dma_start3A_761 = tpu.memref_slice %arg25[%dma_start3A_759, %dma_start3A_760] : memref<10x2x!tpu.dma_semaphore, #tpu.memory_space<semaphore_mem>> -> memref<1x1x!tpu.dma_semaphore, #tpu.memory_space<semaphore_mem>>
        %dma_start3A_762 = tpu.memref_squeeze %dma_start3A_761 : memref<1x1x!tpu.dma_semaphore, #tpu.memory_space<semaphore_mem>> -> memref<!tpu.dma_semaphore, #tpu.memory_space<semaphore_mem>>
        %dma_start3A_763 = arith.constant 0 : i32
        %dma_start3A_764 = tpu.memref_slice %arg1[%add3A_758, %dma_start3A_763] : memref<100000x128xf32, #tpu.memory_space<hbm>> -> memref<880x128xf32, #tpu.memory_space<hbm>>
        tpu.enqueue_dma source(%dma_start3A_764 : memref<880x128xf32, #tpu.memory_space<hbm>>) target(%arg8 : memref<880x128xf32, #tpu.memory_space<vmem>>) target_semaphore(%dma_start3A_762 : memref<!tpu.dma_semaphore, #tpu.memory_space<semaphore_mem>>)
        %add3A_765 = arith.constant 10 : i32
        %add3A_766 = arith.addi %add3A_336, %add3A_765 : i32
        %mul3A_767 = arith.constant 880 : i32
        %mul3A_768 = arith.muli %add3A_766, %mul3A_767 : i32
        %add3A_769 = arith.constant 0 : i32
        %add3A_770 = arith.addi %add3A_769, %mul3A_768 : i32
        %dma_start3A_771 = arith.constant 3 : i32
        %dma_start3A_772 = arith.constant 1 : i32
        %dma_start3A_773 = tpu.memref_slice %arg25[%dma_start3A_771, %dma_start3A_772] : memref<10x2x!tpu.dma_semaphore, #tpu.memory_space<semaphore_mem>> -> memref<1x1x!tpu.dma_semaphore, #tpu.memory_space<semaphore_mem>>
        %dma_start3A_774 = tpu.memref_squeeze %dma_start3A_773 : memref<1x1x!tpu.dma_semaphore, #tpu.memory_space<semaphore_mem>> -> memref<!tpu.dma_semaphore, #tpu.memory_space<semaphore_mem>>
        %dma_start3A_775 = arith.constant 0 : i32
        %dma_start3A_776 = tpu.memref_slice %arg2[%add3A_770, %dma_start3A_775] : memref<100000x512xf32, #tpu.memory_space<hbm>> -> memref<880x512xf32, #tpu.memory_space<hbm>>
        tpu.enqueue_dma source(%dma_start3A_776 : memref<880x512xf32, #tpu.memory_space<hbm>>) target(%arg18 : memref<880x512xf32, #tpu.memory_space<vmem>>) target_semaphore(%dma_start3A_774 : memref<!tpu.dma_semaphore, #tpu.memory_space<semaphore_mem>>)
      } else {
      }
      %add3A_391 = arith.addf %add3A_331, %dot_general3A_378 : vector<1x512xf32>
      %add3A_392 = arith.addf %add3A_332, %reduce_sum3A_383 : f32
      %mul3A_393 = arith.constant 10 : i32
      %mul3A_394 = arith.muli %scan3A_160, %mul3A_393 : i32
      %add3A_395 = arith.constant 4 : i32
      %add3A_396 = arith.addi %mul3A_394, %add3A_395 : i32
      %mul3A_397 = arith.constant 880 : i32
      %mul3A_398 = arith.muli %add3A_396, %mul3A_397 : i32
      %add3A_399 = arith.constant 0 : i32
      %add3A_400 = arith.addi %add3A_399, %mul3A_398 : i32
      %dma_wait3A_401 = arith.constant 4 : i32
      %dma_wait3A_402 = arith.constant 0 : i32
      %dma_wait3A_403 = tpu.memref_slice %arg25[%dma_wait3A_401, %dma_wait3A_402] : memref<10x2x!tpu.dma_semaphore, #tpu.memory_space<semaphore_mem>> -> memref<1x1x!tpu.dma_semaphore, #tpu.memory_space<semaphore_mem>>
      %dma_wait3A_404 = tpu.memref_squeeze %dma_wait3A_403 : memref<1x1x!tpu.dma_semaphore, #tpu.memory_space<semaphore_mem>> -> memref<!tpu.dma_semaphore, #tpu.memory_space<semaphore_mem>>
      %dma_wait3A_405 = arith.constant 0 : i32
      %dma_wait3A_406 = tpu.memref_slice %arg1[%add3A_400, %dma_wait3A_405] : memref<100000x128xf32, #tpu.memory_space<hbm>> -> memref<880x128xf32, #tpu.memory_space<hbm>>
      tpu.wait_dma2 semaphore(%dma_wait3A_404 : memref<!tpu.dma_semaphore, #tpu.memory_space<semaphore_mem>>) src(%dma_wait3A_406 : memref<880x128xf32, #tpu.memory_space<hbm>>) dst(%arg9 : memref<880x128xf32, #tpu.memory_space<vmem>>)
      %mul3A_407 = arith.constant 880 : i32
      %mul3A_408 = arith.muli %add3A_396, %mul3A_407 : i32
      %add3A_409 = arith.constant 0 : i32
      %add3A_410 = arith.addi %add3A_409, %mul3A_408 : i32
      %dma_wait3A_411 = arith.constant 4 : i32
      %dma_wait3A_412 = arith.constant 1 : i32
      %dma_wait3A_413 = tpu.memref_slice %arg25[%dma_wait3A_411, %dma_wait3A_412] : memref<10x2x!tpu.dma_semaphore, #tpu.memory_space<semaphore_mem>> -> memref<1x1x!tpu.dma_semaphore, #tpu.memory_space<semaphore_mem>>
      %dma_wait3A_414 = tpu.memref_squeeze %dma_wait3A_413 : memref<1x1x!tpu.dma_semaphore, #tpu.memory_space<semaphore_mem>> -> memref<!tpu.dma_semaphore, #tpu.memory_space<semaphore_mem>>
      %dma_wait3A_415 = arith.constant 0 : i32
      %dma_wait3A_416 = tpu.memref_slice %arg2[%add3A_410, %dma_wait3A_415] : memref<100000x512xf32, #tpu.memory_space<hbm>> -> memref<880x512xf32, #tpu.memory_space<hbm>>
      tpu.wait_dma2 semaphore(%dma_wait3A_414 : memref<!tpu.dma_semaphore, #tpu.memory_space<semaphore_mem>>) src(%dma_wait3A_416 : memref<880x512xf32, #tpu.memory_space<hbm>>) dst(%arg19 : memref<880x512xf32, #tpu.memory_space<vmem>>)
      %get3A_417 = arith.constant 0 : index
      %get3A_418 = arith.constant 0 : index
      %get3A_419 = vector.load %arg9[%get3A_417, %get3A_418] : memref<880x128xf32, #tpu.memory_space<vmem>>, vector<880x128xf32>
      %get3A_420 = arith.constant 0 : index
      %get3A_421 = arith.constant 0 : index
      %get3A_422 = vector.load %arg19[%get3A_420, %get3A_421] : memref<880x512xf32, #tpu.memory_space<vmem>>, vector<880x512xf32>
      %transpose3A_423 = tpu.transpose %get3A_419, [1, 0] : vector<880x128xf32> -> vector<128x880xf32>
      %dot_general3A_424 = arith.constant dense<0.000000e+00> : vector<1x880xf32>
      %dot_general3A_425 = tpu.matmul %get3A_140, %transpose3A_423, %dot_general3A_424 {dimension_numbers = #tpu.dot_dimension_numbers<[1], [0], [0], [1], [0, 0, 1, 1], [], []>, transpose_lhs_hint = false} : vector<1x128xf32>, vector<128x880xf32>, vector<1x880xf32> -> vector<1x880xf32>
      %mul3A_426 = arith.mulf %transpose3A_423, %transpose3A_423 : vector<128x880xf32>
      %dot_general3A_427 = arith.constant dense<0.000000e+00> : vector<1x880xf32>
      %dot_general3A_428 = tpu.matmul %broadcast_in_dim3A_145, %mul3A_426, %dot_general3A_427 {dimension_numbers = #tpu.dot_dimension_numbers<[1], [0], [0], [1], [0, 0, 1, 1], [], []>, transpose_lhs_hint = false} : vector<1x128xf32>, vector<128x880xf32>, vector<1x880xf32> -> vector<1x880xf32>
      %sqrt3A_429 = math.sqrt %dot_general3A_428 : vector<1x880xf32>
      %mul3A_430 = vector.broadcast %sqrt3A : f32 to vector<1x880xf32>
      %mul3A_431 = arith.mulf %mul3A_430, %sqrt3A_429 : vector<1x880xf32>
      %max3A_432 = arith.constant 9.99999997E-7 : f32
      %max3A_433 = vector.broadcast %max3A_432 : f32 to vector<1x880xf32>
      %max3A_434 = arith.maximumf %mul3A_431, %max3A_433 : vector<1x880xf32>
      %div3A_435 = arith.divf %dot_general3A_425, %max3A_434 : vector<1x880xf32>
      %exp3A_436 = math.exp %div3A_435 : vector<1x880xf32>
      %dot_general3A_437 = arith.constant dense<0.000000e+00> : vector<1x512xf32>
      %dot_general3A_438 = tpu.matmul %exp3A_436, %get3A_422, %dot_general3A_437 {dimension_numbers = #tpu.dot_dimension_numbers<[1], [0], [0], [1], [0, 0, 1, 1], [], []>, transpose_lhs_hint = false} : vector<1x880xf32>, vector<880x512xf32>, vector<1x512xf32> -> vector<1x512xf32>
      %reduce_sum3A_439 = vector.shape_cast %exp3A_436 : vector<1x880xf32> to vector<1x1x880xf32>
      %reduce_sum3A_440 = arith.constant dense<0.000000e+00> : vector<1xf32>
      %reduce_sum3A_441 = vector.multi_reduction <add>, %reduce_sum3A_439, %reduce_sum3A_440 [1, 2] : vector<1x1x880xf32> to vector<1xf32>
      %reduce_sum3A_442 = vector.shape_cast %reduce_sum3A_441 : vector<1xf32> to vector<1x1x1xf32>
      %reduce_sum3A_443 = vector.extract %reduce_sum3A_442[0, 0, 0] : f32 from vector<1x1x1xf32>
      %add3A_444 = arith.constant 10 : i32
      %add3A_445 = arith.addi %add3A_396, %add3A_444 : i32
      %lt3A_446 = arith.constant 30 : i32
      %lt3A_447 = arith.cmpi slt, %add3A_445, %lt3A_446 : i32
      %convert_element_type3A_448 = arith.extui %lt3A_447 : i1 to i32
      %cond3A_449 = arith.constant 0 : i32
      %cond3A_450 = arith.cmpi ne, %convert_element_type3A_448, %cond3A_449 : i32
      scf.if %cond3A_450 {
        %add3A_753 = arith.constant 10 : i32
        %add3A_754 = arith.addi %add3A_396, %add3A_753 : i32
        %mul3A_755 = arith.constant 880 : i32
        %mul3A_756 = arith.muli %add3A_754, %mul3A_755 : i32
        %add3A_757 = arith.constant 0 : i32
        %add3A_758 = arith.addi %add3A_757, %mul3A_756 : i32
        %dma_start3A_759 = arith.constant 4 : i32
        %dma_start3A_760 = arith.constant 0 : i32
        %dma_start3A_761 = tpu.memref_slice %arg25[%dma_start3A_759, %dma_start3A_760] : memref<10x2x!tpu.dma_semaphore, #tpu.memory_space<semaphore_mem>> -> memref<1x1x!tpu.dma_semaphore, #tpu.memory_space<semaphore_mem>>
        %dma_start3A_762 = tpu.memref_squeeze %dma_start3A_761 : memref<1x1x!tpu.dma_semaphore, #tpu.memory_space<semaphore_mem>> -> memref<!tpu.dma_semaphore, #tpu.memory_space<semaphore_mem>>
        %dma_start3A_763 = arith.constant 0 : i32
        %dma_start3A_764 = tpu.memref_slice %arg1[%add3A_758, %dma_start3A_763] : memref<100000x128xf32, #tpu.memory_space<hbm>> -> memref<880x128xf32, #tpu.memory_space<hbm>>
        tpu.enqueue_dma source(%dma_start3A_764 : memref<880x128xf32, #tpu.memory_space<hbm>>) target(%arg9 : memref<880x128xf32, #tpu.memory_space<vmem>>) target_semaphore(%dma_start3A_762 : memref<!tpu.dma_semaphore, #tpu.memory_space<semaphore_mem>>)
        %add3A_765 = arith.constant 10 : i32
        %add3A_766 = arith.addi %add3A_396, %add3A_765 : i32
        %mul3A_767 = arith.constant 880 : i32
        %mul3A_768 = arith.muli %add3A_766, %mul3A_767 : i32
        %add3A_769 = arith.constant 0 : i32
        %add3A_770 = arith.addi %add3A_769, %mul3A_768 : i32
        %dma_start3A_771 = arith.constant 4 : i32
        %dma_start3A_772 = arith.constant 1 : i32
        %dma_start3A_773 = tpu.memref_slice %arg25[%dma_start3A_771, %dma_start3A_772] : memref<10x2x!tpu.dma_semaphore, #tpu.memory_space<semaphore_mem>> -> memref<1x1x!tpu.dma_semaphore, #tpu.memory_space<semaphore_mem>>
        %dma_start3A_774 = tpu.memref_squeeze %dma_start3A_773 : memref<1x1x!tpu.dma_semaphore, #tpu.memory_space<semaphore_mem>> -> memref<!tpu.dma_semaphore, #tpu.memory_space<semaphore_mem>>
        %dma_start3A_775 = arith.constant 0 : i32
        %dma_start3A_776 = tpu.memref_slice %arg2[%add3A_770, %dma_start3A_775] : memref<100000x512xf32, #tpu.memory_space<hbm>> -> memref<880x512xf32, #tpu.memory_space<hbm>>
        tpu.enqueue_dma source(%dma_start3A_776 : memref<880x512xf32, #tpu.memory_space<hbm>>) target(%arg19 : memref<880x512xf32, #tpu.memory_space<vmem>>) target_semaphore(%dma_start3A_774 : memref<!tpu.dma_semaphore, #tpu.memory_space<semaphore_mem>>)
      } else {
      }
      %add3A_451 = arith.addf %add3A_391, %dot_general3A_438 : vector<1x512xf32>
      %add3A_452 = arith.addf %add3A_392, %reduce_sum3A_443 : f32
      %mul3A_453 = arith.constant 10 : i32
      %mul3A_454 = arith.muli %scan3A_160, %mul3A_453 : i32
      %add3A_455 = arith.constant 5 : i32
      %add3A_456 = arith.addi %mul3A_454, %add3A_455 : i32
      %mul3A_457 = arith.constant 880 : i32
      %mul3A_458 = arith.muli %add3A_456, %mul3A_457 : i32
      %add3A_459 = arith.constant 0 : i32
      %add3A_460 = arith.addi %add3A_459, %mul3A_458 : i32
      %dma_wait3A_461 = arith.constant 5 : i32
      %dma_wait3A_462 = arith.constant 0 : i32
      %dma_wait3A_463 = tpu.memref_slice %arg25[%dma_wait3A_461, %dma_wait3A_462] : memref<10x2x!tpu.dma_semaphore, #tpu.memory_space<semaphore_mem>> -> memref<1x1x!tpu.dma_semaphore, #tpu.memory_space<semaphore_mem>>
      %dma_wait3A_464 = tpu.memref_squeeze %dma_wait3A_463 : memref<1x1x!tpu.dma_semaphore, #tpu.memory_space<semaphore_mem>> -> memref<!tpu.dma_semaphore, #tpu.memory_space<semaphore_mem>>
      %dma_wait3A_465 = arith.constant 0 : i32
      %dma_wait3A_466 = tpu.memref_slice %arg1[%add3A_460, %dma_wait3A_465] : memref<100000x128xf32, #tpu.memory_space<hbm>> -> memref<880x128xf32, #tpu.memory_space<hbm>>
      tpu.wait_dma2 semaphore(%dma_wait3A_464 : memref<!tpu.dma_semaphore, #tpu.memory_space<semaphore_mem>>) src(%dma_wait3A_466 : memref<880x128xf32, #tpu.memory_space<hbm>>) dst(%arg10 : memref<880x128xf32, #tpu.memory_space<vmem>>)
      %mul3A_467 = arith.constant 880 : i32
      %mul3A_468 = arith.muli %add3A_456, %mul3A_467 : i32
      %add3A_469 = arith.constant 0 : i32
      %add3A_470 = arith.addi %add3A_469, %mul3A_468 : i32
      %dma_wait3A_471 = arith.constant 5 : i32
      %dma_wait3A_472 = arith.constant 1 : i32
      %dma_wait3A_473 = tpu.memref_slice %arg25[%dma_wait3A_471, %dma_wait3A_472] : memref<10x2x!tpu.dma_semaphore, #tpu.memory_space<semaphore_mem>> -> memref<1x1x!tpu.dma_semaphore, #tpu.memory_space<semaphore_mem>>
      %dma_wait3A_474 = tpu.memref_squeeze %dma_wait3A_473 : memref<1x1x!tpu.dma_semaphore, #tpu.memory_space<semaphore_mem>> -> memref<!tpu.dma_semaphore, #tpu.memory_space<semaphore_mem>>
      %dma_wait3A_475 = arith.constant 0 : i32
      %dma_wait3A_476 = tpu.memref_slice %arg2[%add3A_470, %dma_wait3A_475] : memref<100000x512xf32, #tpu.memory_space<hbm>> -> memref<880x512xf32, #tpu.memory_space<hbm>>
      tpu.wait_dma2 semaphore(%dma_wait3A_474 : memref<!tpu.dma_semaphore, #tpu.memory_space<semaphore_mem>>) src(%dma_wait3A_476 : memref<880x512xf32, #tpu.memory_space<hbm>>) dst(%arg20 : memref<880x512xf32, #tpu.memory_space<vmem>>)
      %get3A_477 = arith.constant 0 : index
      %get3A_478 = arith.constant 0 : index
      %get3A_479 = vector.load %arg10[%get3A_477, %get3A_478] : memref<880x128xf32, #tpu.memory_space<vmem>>, vector<880x128xf32>
      %get3A_480 = arith.constant 0 : index
      %get3A_481 = arith.constant 0 : index
      %get3A_482 = vector.load %arg20[%get3A_480, %get3A_481] : memref<880x512xf32, #tpu.memory_space<vmem>>, vector<880x512xf32>
      %transpose3A_483 = tpu.transpose %get3A_479, [1, 0] : vector<880x128xf32> -> vector<128x880xf32>
      %dot_general3A_484 = arith.constant dense<0.000000e+00> : vector<1x880xf32>
      %dot_general3A_485 = tpu.matmul %get3A_140, %transpose3A_483, %dot_general3A_484 {dimension_numbers = #tpu.dot_dimension_numbers<[1], [0], [0], [1], [0, 0, 1, 1], [], []>, transpose_lhs_hint = false} : vector<1x128xf32>, vector<128x880xf32>, vector<1x880xf32> -> vector<1x880xf32>
      %mul3A_486 = arith.mulf %transpose3A_483, %transpose3A_483 : vector<128x880xf32>
      %dot_general3A_487 = arith.constant dense<0.000000e+00> : vector<1x880xf32>
      %dot_general3A_488 = tpu.matmul %broadcast_in_dim3A_145, %mul3A_486, %dot_general3A_487 {dimension_numbers = #tpu.dot_dimension_numbers<[1], [0], [0], [1], [0, 0, 1, 1], [], []>, transpose_lhs_hint = false} : vector<1x128xf32>, vector<128x880xf32>, vector<1x880xf32> -> vector<1x880xf32>
      %sqrt3A_489 = math.sqrt %dot_general3A_488 : vector<1x880xf32>
      %mul3A_490 = vector.broadcast %sqrt3A : f32 to vector<1x880xf32>
      %mul3A_491 = arith.mulf %mul3A_490, %sqrt3A_489 : vector<1x880xf32>
      %max3A_492 = arith.constant 9.99999997E-7 : f32
      %max3A_493 = vector.broadcast %max3A_492 : f32 to vector<1x880xf32>
      %max3A_494 = arith.maximumf %mul3A_491, %max3A_493 : vector<1x880xf32>
      %div3A_495 = arith.divf %dot_general3A_485, %max3A_494 : vector<1x880xf32>
      %exp3A_496 = math.exp %div3A_495 : vector<1x880xf32>
      %dot_general3A_497 = arith.constant dense<0.000000e+00> : vector<1x512xf32>
      %dot_general3A_498 = tpu.matmul %exp3A_496, %get3A_482, %dot_general3A_497 {dimension_numbers = #tpu.dot_dimension_numbers<[1], [0], [0], [1], [0, 0, 1, 1], [], []>, transpose_lhs_hint = false} : vector<1x880xf32>, vector<880x512xf32>, vector<1x512xf32> -> vector<1x512xf32>
      %reduce_sum3A_499 = vector.shape_cast %exp3A_496 : vector<1x880xf32> to vector<1x1x880xf32>
      %reduce_sum3A_500 = arith.constant dense<0.000000e+00> : vector<1xf32>
      %reduce_sum3A_501 = vector.multi_reduction <add>, %reduce_sum3A_499, %reduce_sum3A_500 [1, 2] : vector<1x1x880xf32> to vector<1xf32>
      %reduce_sum3A_502 = vector.shape_cast %reduce_sum3A_501 : vector<1xf32> to vector<1x1x1xf32>
      %reduce_sum3A_503 = vector.extract %reduce_sum3A_502[0, 0, 0] : f32 from vector<1x1x1xf32>
      %add3A_504 = arith.constant 10 : i32
      %add3A_505 = arith.addi %add3A_456, %add3A_504 : i32
      %lt3A_506 = arith.constant 30 : i32
      %lt3A_507 = arith.cmpi slt, %add3A_505, %lt3A_506 : i32
      %convert_element_type3A_508 = arith.extui %lt3A_507 : i1 to i32
      %cond3A_509 = arith.constant 0 : i32
      %cond3A_510 = arith.cmpi ne, %convert_element_type3A_508, %cond3A_509 : i32
      scf.if %cond3A_510 {
        %add3A_753 = arith.constant 10 : i32
        %add3A_754 = arith.addi %add3A_456, %add3A_753 : i32
        %mul3A_755 = arith.constant 880 : i32
        %mul3A_756 = arith.muli %add3A_754, %mul3A_755 : i32
        %add3A_757 = arith.constant 0 : i32
        %add3A_758 = arith.addi %add3A_757, %mul3A_756 : i32
        %dma_start3A_759 = arith.constant 5 : i32
        %dma_start3A_760 = arith.constant 0 : i32
        %dma_start3A_761 = tpu.memref_slice %arg25[%dma_start3A_759, %dma_start3A_760] : memref<10x2x!tpu.dma_semaphore, #tpu.memory_space<semaphore_mem>> -> memref<1x1x!tpu.dma_semaphore, #tpu.memory_space<semaphore_mem>>
        %dma_start3A_762 = tpu.memref_squeeze %dma_start3A_761 : memref<1x1x!tpu.dma_semaphore, #tpu.memory_space<semaphore_mem>> -> memref<!tpu.dma_semaphore, #tpu.memory_space<semaphore_mem>>
        %dma_start3A_763 = arith.constant 0 : i32
        %dma_start3A_764 = tpu.memref_slice %arg1[%add3A_758, %dma_start3A_763] : memref<100000x128xf32, #tpu.memory_space<hbm>> -> memref<880x128xf32, #tpu.memory_space<hbm>>
        tpu.enqueue_dma source(%dma_start3A_764 : memref<880x128xf32, #tpu.memory_space<hbm>>) target(%arg10 : memref<880x128xf32, #tpu.memory_space<vmem>>) target_semaphore(%dma_start3A_762 : memref<!tpu.dma_semaphore, #tpu.memory_space<semaphore_mem>>)
        %add3A_765 = arith.constant 10 : i32
        %add3A_766 = arith.addi %add3A_456, %add3A_765 : i32
        %mul3A_767 = arith.constant 880 : i32
        %mul3A_768 = arith.muli %add3A_766, %mul3A_767 : i32
        %add3A_769 = arith.constant 0 : i32
        %add3A_770 = arith.addi %add3A_769, %mul3A_768 : i32
        %dma_start3A_771 = arith.constant 5 : i32
        %dma_start3A_772 = arith.constant 1 : i32
        %dma_start3A_773 = tpu.memref_slice %arg25[%dma_start3A_771, %dma_start3A_772] : memref<10x2x!tpu.dma_semaphore, #tpu.memory_space<semaphore_mem>> -> memref<1x1x!tpu.dma_semaphore, #tpu.memory_space<semaphore_mem>>
        %dma_start3A_774 = tpu.memref_squeeze %dma_start3A_773 : memref<1x1x!tpu.dma_semaphore, #tpu.memory_space<semaphore_mem>> -> memref<!tpu.dma_semaphore, #tpu.memory_space<semaphore_mem>>
        %dma_start3A_775 = arith.constant 0 : i32
        %dma_start3A_776 = tpu.memref_slice %arg2[%add3A_770, %dma_start3A_775] : memref<100000x512xf32, #tpu.memory_space<hbm>> -> memref<880x512xf32, #tpu.memory_space<hbm>>
        tpu.enqueue_dma source(%dma_start3A_776 : memref<880x512xf32, #tpu.memory_space<hbm>>) target(%arg20 : memref<880x512xf32, #tpu.memory_space<vmem>>) target_semaphore(%dma_start3A_774 : memref<!tpu.dma_semaphore, #tpu.memory_space<semaphore_mem>>)
      } else {
      }
      %add3A_511 = arith.addf %add3A_451, %dot_general3A_498 : vector<1x512xf32>
      %add3A_512 = arith.addf %add3A_452, %reduce_sum3A_503 : f32
      %mul3A_513 = arith.constant 10 : i32
      %mul3A_514 = arith.muli %scan3A_160, %mul3A_513 : i32
      %add3A_515 = arith.constant 6 : i32
      %add3A_516 = arith.addi %mul3A_514, %add3A_515 : i32
      %mul3A_517 = arith.constant 880 : i32
      %mul3A_518 = arith.muli %add3A_516, %mul3A_517 : i32
      %add3A_519 = arith.constant 0 : i32
      %add3A_520 = arith.addi %add3A_519, %mul3A_518 : i32
      %dma_wait3A_521 = arith.constant 6 : i32
      %dma_wait3A_522 = arith.constant 0 : i32
      %dma_wait3A_523 = tpu.memref_slice %arg25[%dma_wait3A_521, %dma_wait3A_522] : memref<10x2x!tpu.dma_semaphore, #tpu.memory_space<semaphore_mem>> -> memref<1x1x!tpu.dma_semaphore, #tpu.memory_space<semaphore_mem>>
      %dma_wait3A_524 = tpu.memref_squeeze %dma_wait3A_523 : memref<1x1x!tpu.dma_semaphore, #tpu.memory_space<semaphore_mem>> -> memref<!tpu.dma_semaphore, #tpu.memory_space<semaphore_mem>>
      %dma_wait3A_525 = arith.constant 0 : i32
      %dma_wait3A_526 = tpu.memref_slice %arg1[%add3A_520, %dma_wait3A_525] : memref<100000x128xf32, #tpu.memory_space<hbm>> -> memref<880x128xf32, #tpu.memory_space<hbm>>
      tpu.wait_dma2 semaphore(%dma_wait3A_524 : memref<!tpu.dma_semaphore, #tpu.memory_space<semaphore_mem>>) src(%dma_wait3A_526 : memref<880x128xf32, #tpu.memory_space<hbm>>) dst(%arg11 : memref<880x128xf32, #tpu.memory_space<vmem>>)
      %mul3A_527 = arith.constant 880 : i32
      %mul3A_528 = arith.muli %add3A_516, %mul3A_527 : i32
      %add3A_529 = arith.constant 0 : i32
      %add3A_530 = arith.addi %add3A_529, %mul3A_528 : i32
      %dma_wait3A_531 = arith.constant 6 : i32
      %dma_wait3A_532 = arith.constant 1 : i32
      %dma_wait3A_533 = tpu.memref_slice %arg25[%dma_wait3A_531, %dma_wait3A_532] : memref<10x2x!tpu.dma_semaphore, #tpu.memory_space<semaphore_mem>> -> memref<1x1x!tpu.dma_semaphore, #tpu.memory_space<semaphore_mem>>
      %dma_wait3A_534 = tpu.memref_squeeze %dma_wait3A_533 : memref<1x1x!tpu.dma_semaphore, #tpu.memory_space<semaphore_mem>> -> memref<!tpu.dma_semaphore, #tpu.memory_space<semaphore_mem>>
      %dma_wait3A_535 = arith.constant 0 : i32
      %dma_wait3A_536 = tpu.memref_slice %arg2[%add3A_530, %dma_wait3A_535] : memref<100000x512xf32, #tpu.memory_space<hbm>> -> memref<880x512xf32, #tpu.memory_space<hbm>>
      tpu.wait_dma2 semaphore(%dma_wait3A_534 : memref<!tpu.dma_semaphore, #tpu.memory_space<semaphore_mem>>) src(%dma_wait3A_536 : memref<880x512xf32, #tpu.memory_space<hbm>>) dst(%arg21 : memref<880x512xf32, #tpu.memory_space<vmem>>)
      %get3A_537 = arith.constant 0 : index
      %get3A_538 = arith.constant 0 : index
      %get3A_539 = vector.load %arg11[%get3A_537, %get3A_538] : memref<880x128xf32, #tpu.memory_space<vmem>>, vector<880x128xf32>
      %get3A_540 = arith.constant 0 : index
      %get3A_541 = arith.constant 0 : index
      %get3A_542 = vector.load %arg21[%get3A_540, %get3A_541] : memref<880x512xf32, #tpu.memory_space<vmem>>, vector<880x512xf32>
      %transpose3A_543 = tpu.transpose %get3A_539, [1, 0] : vector<880x128xf32> -> vector<128x880xf32>
      %dot_general3A_544 = arith.constant dense<0.000000e+00> : vector<1x880xf32>
      %dot_general3A_545 = tpu.matmul %get3A_140, %transpose3A_543, %dot_general3A_544 {dimension_numbers = #tpu.dot_dimension_numbers<[1], [0], [0], [1], [0, 0, 1, 1], [], []>, transpose_lhs_hint = false} : vector<1x128xf32>, vector<128x880xf32>, vector<1x880xf32> -> vector<1x880xf32>
      %mul3A_546 = arith.mulf %transpose3A_543, %transpose3A_543 : vector<128x880xf32>
      %dot_general3A_547 = arith.constant dense<0.000000e+00> : vector<1x880xf32>
      %dot_general3A_548 = tpu.matmul %broadcast_in_dim3A_145, %mul3A_546, %dot_general3A_547 {dimension_numbers = #tpu.dot_dimension_numbers<[1], [0], [0], [1], [0, 0, 1, 1], [], []>, transpose_lhs_hint = false} : vector<1x128xf32>, vector<128x880xf32>, vector<1x880xf32> -> vector<1x880xf32>
      %sqrt3A_549 = math.sqrt %dot_general3A_548 : vector<1x880xf32>
      %mul3A_550 = vector.broadcast %sqrt3A : f32 to vector<1x880xf32>
      %mul3A_551 = arith.mulf %mul3A_550, %sqrt3A_549 : vector<1x880xf32>
      %max3A_552 = arith.constant 9.99999997E-7 : f32
      %max3A_553 = vector.broadcast %max3A_552 : f32 to vector<1x880xf32>
      %max3A_554 = arith.maximumf %mul3A_551, %max3A_553 : vector<1x880xf32>
      %div3A_555 = arith.divf %dot_general3A_545, %max3A_554 : vector<1x880xf32>
      %exp3A_556 = math.exp %div3A_555 : vector<1x880xf32>
      %dot_general3A_557 = arith.constant dense<0.000000e+00> : vector<1x512xf32>
      %dot_general3A_558 = tpu.matmul %exp3A_556, %get3A_542, %dot_general3A_557 {dimension_numbers = #tpu.dot_dimension_numbers<[1], [0], [0], [1], [0, 0, 1, 1], [], []>, transpose_lhs_hint = false} : vector<1x880xf32>, vector<880x512xf32>, vector<1x512xf32> -> vector<1x512xf32>
      %reduce_sum3A_559 = vector.shape_cast %exp3A_556 : vector<1x880xf32> to vector<1x1x880xf32>
      %reduce_sum3A_560 = arith.constant dense<0.000000e+00> : vector<1xf32>
      %reduce_sum3A_561 = vector.multi_reduction <add>, %reduce_sum3A_559, %reduce_sum3A_560 [1, 2] : vector<1x1x880xf32> to vector<1xf32>
      %reduce_sum3A_562 = vector.shape_cast %reduce_sum3A_561 : vector<1xf32> to vector<1x1x1xf32>
      %reduce_sum3A_563 = vector.extract %reduce_sum3A_562[0, 0, 0] : f32 from vector<1x1x1xf32>
      %add3A_564 = arith.constant 10 : i32
      %add3A_565 = arith.addi %add3A_516, %add3A_564 : i32
      %lt3A_566 = arith.constant 30 : i32
      %lt3A_567 = arith.cmpi slt, %add3A_565, %lt3A_566 : i32
      %convert_element_type3A_568 = arith.extui %lt3A_567 : i1 to i32
      %cond3A_569 = arith.constant 0 : i32
      %cond3A_570 = arith.cmpi ne, %convert_element_type3A_568, %cond3A_569 : i32
      scf.if %cond3A_570 {
        %add3A_753 = arith.constant 10 : i32
        %add3A_754 = arith.addi %add3A_516, %add3A_753 : i32
        %mul3A_755 = arith.constant 880 : i32
        %mul3A_756 = arith.muli %add3A_754, %mul3A_755 : i32
        %add3A_757 = arith.constant 0 : i32
        %add3A_758 = arith.addi %add3A_757, %mul3A_756 : i32
        %dma_start3A_759 = arith.constant 6 : i32
        %dma_start3A_760 = arith.constant 0 : i32
        %dma_start3A_761 = tpu.memref_slice %arg25[%dma_start3A_759, %dma_start3A_760] : memref<10x2x!tpu.dma_semaphore, #tpu.memory_space<semaphore_mem>> -> memref<1x1x!tpu.dma_semaphore, #tpu.memory_space<semaphore_mem>>
        %dma_start3A_762 = tpu.memref_squeeze %dma_start3A_761 : memref<1x1x!tpu.dma_semaphore, #tpu.memory_space<semaphore_mem>> -> memref<!tpu.dma_semaphore, #tpu.memory_space<semaphore_mem>>
        %dma_start3A_763 = arith.constant 0 : i32
        %dma_start3A_764 = tpu.memref_slice %arg1[%add3A_758, %dma_start3A_763] : memref<100000x128xf32, #tpu.memory_space<hbm>> -> memref<880x128xf32, #tpu.memory_space<hbm>>
        tpu.enqueue_dma source(%dma_start3A_764 : memref<880x128xf32, #tpu.memory_space<hbm>>) target(%arg11 : memref<880x128xf32, #tpu.memory_space<vmem>>) target_semaphore(%dma_start3A_762 : memref<!tpu.dma_semaphore, #tpu.memory_space<semaphore_mem>>)
        %add3A_765 = arith.constant 10 : i32
        %add3A_766 = arith.addi %add3A_516, %add3A_765 : i32
        %mul3A_767 = arith.constant 880 : i32
        %mul3A_768 = arith.muli %add3A_766, %mul3A_767 : i32
        %add3A_769 = arith.constant 0 : i32
        %add3A_770 = arith.addi %add3A_769, %mul3A_768 : i32
        %dma_start3A_771 = arith.constant 6 : i32
        %dma_start3A_772 = arith.constant 1 : i32
        %dma_start3A_773 = tpu.memref_slice %arg25[%dma_start3A_771, %dma_start3A_772] : memref<10x2x!tpu.dma_semaphore, #tpu.memory_space<semaphore_mem>> -> memref<1x1x!tpu.dma_semaphore, #tpu.memory_space<semaphore_mem>>
        %dma_start3A_774 = tpu.memref_squeeze %dma_start3A_773 : memref<1x1x!tpu.dma_semaphore, #tpu.memory_space<semaphore_mem>> -> memref<!tpu.dma_semaphore, #tpu.memory_space<semaphore_mem>>
        %dma_start3A_775 = arith.constant 0 : i32
        %dma_start3A_776 = tpu.memref_slice %arg2[%add3A_770, %dma_start3A_775] : memref<100000x512xf32, #tpu.memory_space<hbm>> -> memref<880x512xf32, #tpu.memory_space<hbm>>
        tpu.enqueue_dma source(%dma_start3A_776 : memref<880x512xf32, #tpu.memory_space<hbm>>) target(%arg21 : memref<880x512xf32, #tpu.memory_space<vmem>>) target_semaphore(%dma_start3A_774 : memref<!tpu.dma_semaphore, #tpu.memory_space<semaphore_mem>>)
      } else {
      }
      %add3A_571 = arith.addf %add3A_511, %dot_general3A_558 : vector<1x512xf32>
      %add3A_572 = arith.addf %add3A_512, %reduce_sum3A_563 : f32
      %mul3A_573 = arith.constant 10 : i32
      %mul3A_574 = arith.muli %scan3A_160, %mul3A_573 : i32
      %add3A_575 = arith.constant 7 : i32
      %add3A_576 = arith.addi %mul3A_574, %add3A_575 : i32
      %mul3A_577 = arith.constant 880 : i32
      %mul3A_578 = arith.muli %add3A_576, %mul3A_577 : i32
      %add3A_579 = arith.constant 0 : i32
      %add3A_580 = arith.addi %add3A_579, %mul3A_578 : i32
      %dma_wait3A_581 = arith.constant 7 : i32
      %dma_wait3A_582 = arith.constant 0 : i32
      %dma_wait3A_583 = tpu.memref_slice %arg25[%dma_wait3A_581, %dma_wait3A_582] : memref<10x2x!tpu.dma_semaphore, #tpu.memory_space<semaphore_mem>> -> memref<1x1x!tpu.dma_semaphore, #tpu.memory_space<semaphore_mem>>
      %dma_wait3A_584 = tpu.memref_squeeze %dma_wait3A_583 : memref<1x1x!tpu.dma_semaphore, #tpu.memory_space<semaphore_mem>> -> memref<!tpu.dma_semaphore, #tpu.memory_space<semaphore_mem>>
      %dma_wait3A_585 = arith.constant 0 : i32
      %dma_wait3A_586 = tpu.memref_slice %arg1[%add3A_580, %dma_wait3A_585] : memref<100000x128xf32, #tpu.memory_space<hbm>> -> memref<880x128xf32, #tpu.memory_space<hbm>>
      tpu.wait_dma2 semaphore(%dma_wait3A_584 : memref<!tpu.dma_semaphore, #tpu.memory_space<semaphore_mem>>) src(%dma_wait3A_586 : memref<880x128xf32, #tpu.memory_space<hbm>>) dst(%arg12 : memref<880x128xf32, #tpu.memory_space<vmem>>)
      %mul3A_587 = arith.constant 880 : i32
      %mul3A_588 = arith.muli %add3A_576, %mul3A_587 : i32
      %add3A_589 = arith.constant 0 : i32
      %add3A_590 = arith.addi %add3A_589, %mul3A_588 : i32
      %dma_wait3A_591 = arith.constant 7 : i32
      %dma_wait3A_592 = arith.constant 1 : i32
      %dma_wait3A_593 = tpu.memref_slice %arg25[%dma_wait3A_591, %dma_wait3A_592] : memref<10x2x!tpu.dma_semaphore, #tpu.memory_space<semaphore_mem>> -> memref<1x1x!tpu.dma_semaphore, #tpu.memory_space<semaphore_mem>>
      %dma_wait3A_594 = tpu.memref_squeeze %dma_wait3A_593 : memref<1x1x!tpu.dma_semaphore, #tpu.memory_space<semaphore_mem>> -> memref<!tpu.dma_semaphore, #tpu.memory_space<semaphore_mem>>
      %dma_wait3A_595 = arith.constant 0 : i32
      %dma_wait3A_596 = tpu.memref_slice %arg2[%add3A_590, %dma_wait3A_595] : memref<100000x512xf32, #tpu.memory_space<hbm>> -> memref<880x512xf32, #tpu.memory_space<hbm>>
      tpu.wait_dma2 semaphore(%dma_wait3A_594 : memref<!tpu.dma_semaphore, #tpu.memory_space<semaphore_mem>>) src(%dma_wait3A_596 : memref<880x512xf32, #tpu.memory_space<hbm>>) dst(%arg22 : memref<880x512xf32, #tpu.memory_space<vmem>>)
      %get3A_597 = arith.constant 0 : index
      %get3A_598 = arith.constant 0 : index
      %get3A_599 = vector.load %arg12[%get3A_597, %get3A_598] : memref<880x128xf32, #tpu.memory_space<vmem>>, vector<880x128xf32>
      %get3A_600 = arith.constant 0 : index
      %get3A_601 = arith.constant 0 : index
      %get3A_602 = vector.load %arg22[%get3A_600, %get3A_601] : memref<880x512xf32, #tpu.memory_space<vmem>>, vector<880x512xf32>
      %transpose3A_603 = tpu.transpose %get3A_599, [1, 0] : vector<880x128xf32> -> vector<128x880xf32>
      %dot_general3A_604 = arith.constant dense<0.000000e+00> : vector<1x880xf32>
      %dot_general3A_605 = tpu.matmul %get3A_140, %transpose3A_603, %dot_general3A_604 {dimension_numbers = #tpu.dot_dimension_numbers<[1], [0], [0], [1], [0, 0, 1, 1], [], []>, transpose_lhs_hint = false} : vector<1x128xf32>, vector<128x880xf32>, vector<1x880xf32> -> vector<1x880xf32>
      %mul3A_606 = arith.mulf %transpose3A_603, %transpose3A_603 : vector<128x880xf32>
      %dot_general3A_607 = arith.constant dense<0.000000e+00> : vector<1x880xf32>
      %dot_general3A_608 = tpu.matmul %broadcast_in_dim3A_145, %mul3A_606, %dot_general3A_607 {dimension_numbers = #tpu.dot_dimension_numbers<[1], [0], [0], [1], [0, 0, 1, 1], [], []>, transpose_lhs_hint = false} : vector<1x128xf32>, vector<128x880xf32>, vector<1x880xf32> -> vector<1x880xf32>
      %sqrt3A_609 = math.sqrt %dot_general3A_608 : vector<1x880xf32>
      %mul3A_610 = vector.broadcast %sqrt3A : f32 to vector<1x880xf32>
      %mul3A_611 = arith.mulf %mul3A_610, %sqrt3A_609 : vector<1x880xf32>
      %max3A_612 = arith.constant 9.99999997E-7 : f32
      %max3A_613 = vector.broadcast %max3A_612 : f32 to vector<1x880xf32>
      %max3A_614 = arith.maximumf %mul3A_611, %max3A_613 : vector<1x880xf32>
      %div3A_615 = arith.divf %dot_general3A_605, %max3A_614 : vector<1x880xf32>
      %exp3A_616 = math.exp %div3A_615 : vector<1x880xf32>
      %dot_general3A_617 = arith.constant dense<0.000000e+00> : vector<1x512xf32>
      %dot_general3A_618 = tpu.matmul %exp3A_616, %get3A_602, %dot_general3A_617 {dimension_numbers = #tpu.dot_dimension_numbers<[1], [0], [0], [1], [0, 0, 1, 1], [], []>, transpose_lhs_hint = false} : vector<1x880xf32>, vector<880x512xf32>, vector<1x512xf32> -> vector<1x512xf32>
      %reduce_sum3A_619 = vector.shape_cast %exp3A_616 : vector<1x880xf32> to vector<1x1x880xf32>
      %reduce_sum3A_620 = arith.constant dense<0.000000e+00> : vector<1xf32>
      %reduce_sum3A_621 = vector.multi_reduction <add>, %reduce_sum3A_619, %reduce_sum3A_620 [1, 2] : vector<1x1x880xf32> to vector<1xf32>
      %reduce_sum3A_622 = vector.shape_cast %reduce_sum3A_621 : vector<1xf32> to vector<1x1x1xf32>
      %reduce_sum3A_623 = vector.extract %reduce_sum3A_622[0, 0, 0] : f32 from vector<1x1x1xf32>
      %add3A_624 = arith.constant 10 : i32
      %add3A_625 = arith.addi %add3A_576, %add3A_624 : i32
      %lt3A_626 = arith.constant 30 : i32
      %lt3A_627 = arith.cmpi slt, %add3A_625, %lt3A_626 : i32
      %convert_element_type3A_628 = arith.extui %lt3A_627 : i1 to i32
      %cond3A_629 = arith.constant 0 : i32
      %cond3A_630 = arith.cmpi ne, %convert_element_type3A_628, %cond3A_629 : i32
      scf.if %cond3A_630 {
        %add3A_753 = arith.constant 10 : i32
        %add3A_754 = arith.addi %add3A_576, %add3A_753 : i32
        %mul3A_755 = arith.constant 880 : i32
        %mul3A_756 = arith.muli %add3A_754, %mul3A_755 : i32
        %add3A_757 = arith.constant 0 : i32
        %add3A_758 = arith.addi %add3A_757, %mul3A_756 : i32
        %dma_start3A_759 = arith.constant 7 : i32
        %dma_start3A_760 = arith.constant 0 : i32
        %dma_start3A_761 = tpu.memref_slice %arg25[%dma_start3A_759, %dma_start3A_760] : memref<10x2x!tpu.dma_semaphore, #tpu.memory_space<semaphore_mem>> -> memref<1x1x!tpu.dma_semaphore, #tpu.memory_space<semaphore_mem>>
        %dma_start3A_762 = tpu.memref_squeeze %dma_start3A_761 : memref<1x1x!tpu.dma_semaphore, #tpu.memory_space<semaphore_mem>> -> memref<!tpu.dma_semaphore, #tpu.memory_space<semaphore_mem>>
        %dma_start3A_763 = arith.constant 0 : i32
        %dma_start3A_764 = tpu.memref_slice %arg1[%add3A_758, %dma_start3A_763] : memref<100000x128xf32, #tpu.memory_space<hbm>> -> memref<880x128xf32, #tpu.memory_space<hbm>>
        tpu.enqueue_dma source(%dma_start3A_764 : memref<880x128xf32, #tpu.memory_space<hbm>>) target(%arg12 : memref<880x128xf32, #tpu.memory_space<vmem>>) target_semaphore(%dma_start3A_762 : memref<!tpu.dma_semaphore, #tpu.memory_space<semaphore_mem>>)
        %add3A_765 = arith.constant 10 : i32
        %add3A_766 = arith.addi %add3A_576, %add3A_765 : i32
        %mul3A_767 = arith.constant 880 : i32
        %mul3A_768 = arith.muli %add3A_766, %mul3A_767 : i32
        %add3A_769 = arith.constant 0 : i32
        %add3A_770 = arith.addi %add3A_769, %mul3A_768 : i32
        %dma_start3A_771 = arith.constant 7 : i32
        %dma_start3A_772 = arith.constant 1 : i32
        %dma_start3A_773 = tpu.memref_slice %arg25[%dma_start3A_771, %dma_start3A_772] : memref<10x2x!tpu.dma_semaphore, #tpu.memory_space<semaphore_mem>> -> memref<1x1x!tpu.dma_semaphore, #tpu.memory_space<semaphore_mem>>
        %dma_start3A_774 = tpu.memref_squeeze %dma_start3A_773 : memref<1x1x!tpu.dma_semaphore, #tpu.memory_space<semaphore_mem>> -> memref<!tpu.dma_semaphore, #tpu.memory_space<semaphore_mem>>
        %dma_start3A_775 = arith.constant 0 : i32
        %dma_start3A_776 = tpu.memref_slice %arg2[%add3A_770, %dma_start3A_775] : memref<100000x512xf32, #tpu.memory_space<hbm>> -> memref<880x512xf32, #tpu.memory_space<hbm>>
        tpu.enqueue_dma source(%dma_start3A_776 : memref<880x512xf32, #tpu.memory_space<hbm>>) target(%arg22 : memref<880x512xf32, #tpu.memory_space<vmem>>) target_semaphore(%dma_start3A_774 : memref<!tpu.dma_semaphore, #tpu.memory_space<semaphore_mem>>)
      } else {
      }
      %add3A_631 = arith.addf %add3A_571, %dot_general3A_618 : vector<1x512xf32>
      %add3A_632 = arith.addf %add3A_572, %reduce_sum3A_623 : f32
      %mul3A_633 = arith.constant 10 : i32
      %mul3A_634 = arith.muli %scan3A_160, %mul3A_633 : i32
      %add3A_635 = arith.constant 8 : i32
      %add3A_636 = arith.addi %mul3A_634, %add3A_635 : i32
      %mul3A_637 = arith.constant 880 : i32
      %mul3A_638 = arith.muli %add3A_636, %mul3A_637 : i32
      %add3A_639 = arith.constant 0 : i32
      %add3A_640 = arith.addi %add3A_639, %mul3A_638 : i32
      %dma_wait3A_641 = arith.constant 8 : i32
      %dma_wait3A_642 = arith.constant 0 : i32
      %dma_wait3A_643 = tpu.memref_slice %arg25[%dma_wait3A_641, %dma_wait3A_642] : memref<10x2x!tpu.dma_semaphore, #tpu.memory_space<semaphore_mem>> -> memref<1x1x!tpu.dma_semaphore, #tpu.memory_space<semaphore_mem>>
      %dma_wait3A_644 = tpu.memref_squeeze %dma_wait3A_643 : memref<1x1x!tpu.dma_semaphore, #tpu.memory_space<semaphore_mem>> -> memref<!tpu.dma_semaphore, #tpu.memory_space<semaphore_mem>>
      %dma_wait3A_645 = arith.constant 0 : i32
      %dma_wait3A_646 = tpu.memref_slice %arg1[%add3A_640, %dma_wait3A_645] : memref<100000x128xf32, #tpu.memory_space<hbm>> -> memref<880x128xf32, #tpu.memory_space<hbm>>
      tpu.wait_dma2 semaphore(%dma_wait3A_644 : memref<!tpu.dma_semaphore, #tpu.memory_space<semaphore_mem>>) src(%dma_wait3A_646 : memref<880x128xf32, #tpu.memory_space<hbm>>) dst(%arg13 : memref<880x128xf32, #tpu.memory_space<vmem>>)
      %mul3A_647 = arith.constant 880 : i32
      %mul3A_648 = arith.muli %add3A_636, %mul3A_647 : i32
      %add3A_649 = arith.constant 0 : i32
      %add3A_650 = arith.addi %add3A_649, %mul3A_648 : i32
      %dma_wait3A_651 = arith.constant 8 : i32
      %dma_wait3A_652 = arith.constant 1 : i32
      %dma_wait3A_653 = tpu.memref_slice %arg25[%dma_wait3A_651, %dma_wait3A_652] : memref<10x2x!tpu.dma_semaphore, #tpu.memory_space<semaphore_mem>> -> memref<1x1x!tpu.dma_semaphore, #tpu.memory_space<semaphore_mem>>
      %dma_wait3A_654 = tpu.memref_squeeze %dma_wait3A_653 : memref<1x1x!tpu.dma_semaphore, #tpu.memory_space<semaphore_mem>> -> memref<!tpu.dma_semaphore, #tpu.memory_space<semaphore_mem>>
      %dma_wait3A_655 = arith.constant 0 : i32
      %dma_wait3A_656 = tpu.memref_slice %arg2[%add3A_650, %dma_wait3A_655] : memref<100000x512xf32, #tpu.memory_space<hbm>> -> memref<880x512xf32, #tpu.memory_space<hbm>>
      tpu.wait_dma2 semaphore(%dma_wait3A_654 : memref<!tpu.dma_semaphore, #tpu.memory_space<semaphore_mem>>) src(%dma_wait3A_656 : memref<880x512xf32, #tpu.memory_space<hbm>>) dst(%arg23 : memref<880x512xf32, #tpu.memory_space<vmem>>)
      %get3A_657 = arith.constant 0 : index
      %get3A_658 = arith.constant 0 : index
      %get3A_659 = vector.load %arg13[%get3A_657, %get3A_658] : memref<880x128xf32, #tpu.memory_space<vmem>>, vector<880x128xf32>
      %get3A_660 = arith.constant 0 : index
      %get3A_661 = arith.constant 0 : index
      %get3A_662 = vector.load %arg23[%get3A_660, %get3A_661] : memref<880x512xf32, #tpu.memory_space<vmem>>, vector<880x512xf32>
      %transpose3A_663 = tpu.transpose %get3A_659, [1, 0] : vector<880x128xf32> -> vector<128x880xf32>
      %dot_general3A_664 = arith.constant dense<0.000000e+00> : vector<1x880xf32>
      %dot_general3A_665 = tpu.matmul %get3A_140, %transpose3A_663, %dot_general3A_664 {dimension_numbers = #tpu.dot_dimension_numbers<[1], [0], [0], [1], [0, 0, 1, 1], [], []>, transpose_lhs_hint = false} : vector<1x128xf32>, vector<128x880xf32>, vector<1x880xf32> -> vector<1x880xf32>
      %mul3A_666 = arith.mulf %transpose3A_663, %transpose3A_663 : vector<128x880xf32>
      %dot_general3A_667 = arith.constant dense<0.000000e+00> : vector<1x880xf32>
      %dot_general3A_668 = tpu.matmul %broadcast_in_dim3A_145, %mul3A_666, %dot_general3A_667 {dimension_numbers = #tpu.dot_dimension_numbers<[1], [0], [0], [1], [0, 0, 1, 1], [], []>, transpose_lhs_hint = false} : vector<1x128xf32>, vector<128x880xf32>, vector<1x880xf32> -> vector<1x880xf32>
      %sqrt3A_669 = math.sqrt %dot_general3A_668 : vector<1x880xf32>
      %mul3A_670 = vector.broadcast %sqrt3A : f32 to vector<1x880xf32>
      %mul3A_671 = arith.mulf %mul3A_670, %sqrt3A_669 : vector<1x880xf32>
      %max3A_672 = arith.constant 9.99999997E-7 : f32
      %max3A_673 = vector.broadcast %max3A_672 : f32 to vector<1x880xf32>
      %max3A_674 = arith.maximumf %mul3A_671, %max3A_673 : vector<1x880xf32>
      %div3A_675 = arith.divf %dot_general3A_665, %max3A_674 : vector<1x880xf32>
      %exp3A_676 = math.exp %div3A_675 : vector<1x880xf32>
      %dot_general3A_677 = arith.constant dense<0.000000e+00> : vector<1x512xf32>
      %dot_general3A_678 = tpu.matmul %exp3A_676, %get3A_662, %dot_general3A_677 {dimension_numbers = #tpu.dot_dimension_numbers<[1], [0], [0], [1], [0, 0, 1, 1], [], []>, transpose_lhs_hint = false} : vector<1x880xf32>, vector<880x512xf32>, vector<1x512xf32> -> vector<1x512xf32>
      %reduce_sum3A_679 = vector.shape_cast %exp3A_676 : vector<1x880xf32> to vector<1x1x880xf32>
      %reduce_sum3A_680 = arith.constant dense<0.000000e+00> : vector<1xf32>
      %reduce_sum3A_681 = vector.multi_reduction <add>, %reduce_sum3A_679, %reduce_sum3A_680 [1, 2] : vector<1x1x880xf32> to vector<1xf32>
      %reduce_sum3A_682 = vector.shape_cast %reduce_sum3A_681 : vector<1xf32> to vector<1x1x1xf32>
      %reduce_sum3A_683 = vector.extract %reduce_sum3A_682[0, 0, 0] : f32 from vector<1x1x1xf32>
      %add3A_684 = arith.constant 10 : i32
      %add3A_685 = arith.addi %add3A_636, %add3A_684 : i32
      %lt3A_686 = arith.constant 30 : i32
      %lt3A_687 = arith.cmpi slt, %add3A_685, %lt3A_686 : i32
      %convert_element_type3A_688 = arith.extui %lt3A_687 : i1 to i32
      %cond3A_689 = arith.constant 0 : i32
      %cond3A_690 = arith.cmpi ne, %convert_element_type3A_688, %cond3A_689 : i32
      scf.if %cond3A_690 {
        %add3A_753 = arith.constant 10 : i32
        %add3A_754 = arith.addi %add3A_636, %add3A_753 : i32
        %mul3A_755 = arith.constant 880 : i32
        %mul3A_756 = arith.muli %add3A_754, %mul3A_755 : i32
        %add3A_757 = arith.constant 0 : i32
        %add3A_758 = arith.addi %add3A_757, %mul3A_756 : i32
        %dma_start3A_759 = arith.constant 8 : i32
        %dma_start3A_760 = arith.constant 0 : i32
        %dma_start3A_761 = tpu.memref_slice %arg25[%dma_start3A_759, %dma_start3A_760] : memref<10x2x!tpu.dma_semaphore, #tpu.memory_space<semaphore_mem>> -> memref<1x1x!tpu.dma_semaphore, #tpu.memory_space<semaphore_mem>>
        %dma_start3A_762 = tpu.memref_squeeze %dma_start3A_761 : memref<1x1x!tpu.dma_semaphore, #tpu.memory_space<semaphore_mem>> -> memref<!tpu.dma_semaphore, #tpu.memory_space<semaphore_mem>>
        %dma_start3A_763 = arith.constant 0 : i32
        %dma_start3A_764 = tpu.memref_slice %arg1[%add3A_758, %dma_start3A_763] : memref<100000x128xf32, #tpu.memory_space<hbm>> -> memref<880x128xf32, #tpu.memory_space<hbm>>
        tpu.enqueue_dma source(%dma_start3A_764 : memref<880x128xf32, #tpu.memory_space<hbm>>) target(%arg13 : memref<880x128xf32, #tpu.memory_space<vmem>>) target_semaphore(%dma_start3A_762 : memref<!tpu.dma_semaphore, #tpu.memory_space<semaphore_mem>>)
        %add3A_765 = arith.constant 10 : i32
        %add3A_766 = arith.addi %add3A_636, %add3A_765 : i32
        %mul3A_767 = arith.constant 880 : i32
        %mul3A_768 = arith.muli %add3A_766, %mul3A_767 : i32
        %add3A_769 = arith.constant 0 : i32
        %add3A_770 = arith.addi %add3A_769, %mul3A_768 : i32
        %dma_start3A_771 = arith.constant 8 : i32
        %dma_start3A_772 = arith.constant 1 : i32
        %dma_start3A_773 = tpu.memref_slice %arg25[%dma_start3A_771, %dma_start3A_772] : memref<10x2x!tpu.dma_semaphore, #tpu.memory_space<semaphore_mem>> -> memref<1x1x!tpu.dma_semaphore, #tpu.memory_space<semaphore_mem>>
        %dma_start3A_774 = tpu.memref_squeeze %dma_start3A_773 : memref<1x1x!tpu.dma_semaphore, #tpu.memory_space<semaphore_mem>> -> memref<!tpu.dma_semaphore, #tpu.memory_space<semaphore_mem>>
        %dma_start3A_775 = arith.constant 0 : i32
        %dma_start3A_776 = tpu.memref_slice %arg2[%add3A_770, %dma_start3A_775] : memref<100000x512xf32, #tpu.memory_space<hbm>> -> memref<880x512xf32, #tpu.memory_space<hbm>>
        tpu.enqueue_dma source(%dma_start3A_776 : memref<880x512xf32, #tpu.memory_space<hbm>>) target(%arg23 : memref<880x512xf32, #tpu.memory_space<vmem>>) target_semaphore(%dma_start3A_774 : memref<!tpu.dma_semaphore, #tpu.memory_space<semaphore_mem>>)
      } else {
      }
      %add3A_691 = arith.addf %add3A_631, %dot_general3A_678 : vector<1x512xf32>
      %add3A_692 = arith.addf %add3A_632, %reduce_sum3A_683 : f32
      %mul3A_693 = arith.constant 10 : i32
      %mul3A_694 = arith.muli %scan3A_160, %mul3A_693 : i32
      %add3A_695 = arith.constant 9 : i32
      %add3A_696 = arith.addi %mul3A_694, %add3A_695 : i32
      %mul3A_697 = arith.constant 880 : i32
      %mul3A_698 = arith.muli %add3A_696, %mul3A_697 : i32
      %add3A_699 = arith.constant 0 : i32
      %add3A_700 = arith.addi %add3A_699, %mul3A_698 : i32
      %dma_wait3A_701 = arith.constant 9 : i32
      %dma_wait3A_702 = arith.constant 0 : i32
      %dma_wait3A_703 = tpu.memref_slice %arg25[%dma_wait3A_701, %dma_wait3A_702] : memref<10x2x!tpu.dma_semaphore, #tpu.memory_space<semaphore_mem>> -> memref<1x1x!tpu.dma_semaphore, #tpu.memory_space<semaphore_mem>>
      %dma_wait3A_704 = tpu.memref_squeeze %dma_wait3A_703 : memref<1x1x!tpu.dma_semaphore, #tpu.memory_space<semaphore_mem>> -> memref<!tpu.dma_semaphore, #tpu.memory_space<semaphore_mem>>
      %dma_wait3A_705 = arith.constant 0 : i32
      %dma_wait3A_706 = tpu.memref_slice %arg1[%add3A_700, %dma_wait3A_705] : memref<100000x128xf32, #tpu.memory_space<hbm>> -> memref<880x128xf32, #tpu.memory_space<hbm>>
      tpu.wait_dma2 semaphore(%dma_wait3A_704 : memref<!tpu.dma_semaphore, #tpu.memory_space<semaphore_mem>>) src(%dma_wait3A_706 : memref<880x128xf32, #tpu.memory_space<hbm>>) dst(%arg14 : memref<880x128xf32, #tpu.memory_space<vmem>>)
      %mul3A_707 = arith.constant 880 : i32
      %mul3A_708 = arith.muli %add3A_696, %mul3A_707 : i32
      %add3A_709 = arith.constant 0 : i32
      %add3A_710 = arith.addi %add3A_709, %mul3A_708 : i32
      %dma_wait3A_711 = arith.constant 9 : i32
      %dma_wait3A_712 = arith.constant 1 : i32
      %dma_wait3A_713 = tpu.memref_slice %arg25[%dma_wait3A_711, %dma_wait3A_712] : memref<10x2x!tpu.dma_semaphore, #tpu.memory_space<semaphore_mem>> -> memref<1x1x!tpu.dma_semaphore, #tpu.memory_space<semaphore_mem>>
      %dma_wait3A_714 = tpu.memref_squeeze %dma_wait3A_713 : memref<1x1x!tpu.dma_semaphore, #tpu.memory_space<semaphore_mem>> -> memref<!tpu.dma_semaphore, #tpu.memory_space<semaphore_mem>>
      %dma_wait3A_715 = arith.constant 0 : i32
      %dma_wait3A_716 = tpu.memref_slice %arg2[%add3A_710, %dma_wait3A_715] : memref<100000x512xf32, #tpu.memory_space<hbm>> -> memref<880x512xf32, #tpu.memory_space<hbm>>
      tpu.wait_dma2 semaphore(%dma_wait3A_714 : memref<!tpu.dma_semaphore, #tpu.memory_space<semaphore_mem>>) src(%dma_wait3A_716 : memref<880x512xf32, #tpu.memory_space<hbm>>) dst(%arg24 : memref<880x512xf32, #tpu.memory_space<vmem>>)
      %get3A_717 = arith.constant 0 : index
      %get3A_718 = arith.constant 0 : index
      %get3A_719 = vector.load %arg14[%get3A_717, %get3A_718] : memref<880x128xf32, #tpu.memory_space<vmem>>, vector<880x128xf32>
      %get3A_720 = arith.constant 0 : index
      %get3A_721 = arith.constant 0 : index
      %get3A_722 = vector.load %arg24[%get3A_720, %get3A_721] : memref<880x512xf32, #tpu.memory_space<vmem>>, vector<880x512xf32>
      %transpose3A_723 = tpu.transpose %get3A_719, [1, 0] : vector<880x128xf32> -> vector<128x880xf32>
      %dot_general3A_724 = arith.constant dense<0.000000e+00> : vector<1x880xf32>
      %dot_general3A_725 = tpu.matmul %get3A_140, %transpose3A_723, %dot_general3A_724 {dimension_numbers = #tpu.dot_dimension_numbers<[1], [0], [0], [1], [0, 0, 1, 1], [], []>, transpose_lhs_hint = false} : vector<1x128xf32>, vector<128x880xf32>, vector<1x880xf32> -> vector<1x880xf32>
      %mul3A_726 = arith.mulf %transpose3A_723, %transpose3A_723 : vector<128x880xf32>
      %dot_general3A_727 = arith.constant dense<0.000000e+00> : vector<1x880xf32>
      %dot_general3A_728 = tpu.matmul %broadcast_in_dim3A_145, %mul3A_726, %dot_general3A_727 {dimension_numbers = #tpu.dot_dimension_numbers<[1], [0], [0], [1], [0, 0, 1, 1], [], []>, transpose_lhs_hint = false} : vector<1x128xf32>, vector<128x880xf32>, vector<1x880xf32> -> vector<1x880xf32>
      %sqrt3A_729 = math.sqrt %dot_general3A_728 : vector<1x880xf32>
      %mul3A_730 = vector.broadcast %sqrt3A : f32 to vector<1x880xf32>
      %mul3A_731 = arith.mulf %mul3A_730, %sqrt3A_729 : vector<1x880xf32>
      %max3A_732 = arith.constant 9.99999997E-7 : f32
      %max3A_733 = vector.broadcast %max3A_732 : f32 to vector<1x880xf32>
      %max3A_734 = arith.maximumf %mul3A_731, %max3A_733 : vector<1x880xf32>
      %div3A_735 = arith.divf %dot_general3A_725, %max3A_734 : vector<1x880xf32>
      %exp3A_736 = math.exp %div3A_735 : vector<1x880xf32>
      %dot_general3A_737 = arith.constant dense<0.000000e+00> : vector<1x512xf32>
      %dot_general3A_738 = tpu.matmul %exp3A_736, %get3A_722, %dot_general3A_737 {dimension_numbers = #tpu.dot_dimension_numbers<[1], [0], [0], [1], [0, 0, 1, 1], [], []>, transpose_lhs_hint = false} : vector<1x880xf32>, vector<880x512xf32>, vector<1x512xf32> -> vector<1x512xf32>
      %reduce_sum3A_739 = vector.shape_cast %exp3A_736 : vector<1x880xf32> to vector<1x1x880xf32>
      %reduce_sum3A_740 = arith.constant dense<0.000000e+00> : vector<1xf32>
      %reduce_sum3A_741 = vector.multi_reduction <add>, %reduce_sum3A_739, %reduce_sum3A_740 [1, 2] : vector<1x1x880xf32> to vector<1xf32>
      %reduce_sum3A_742 = vector.shape_cast %reduce_sum3A_741 : vector<1xf32> to vector<1x1x1xf32>
      %reduce_sum3A_743 = vector.extract %reduce_sum3A_742[0, 0, 0] : f32 from vector<1x1x1xf32>
      %add3A_744 = arith.constant 10 : i32
      %add3A_745 = arith.addi %add3A_696, %add3A_744 : i32
      %lt3A_746 = arith.constant 30 : i32
      %lt3A_747 = arith.cmpi slt, %add3A_745, %lt3A_746 : i32
      %convert_element_type3A_748 = arith.extui %lt3A_747 : i1 to i32
      %cond3A_749 = arith.constant 0 : i32
      %cond3A_750 = arith.cmpi ne, %convert_element_type3A_748, %cond3A_749 : i32
      scf.if %cond3A_750 {
        %add3A_753 = arith.constant 10 : i32
        %add3A_754 = arith.addi %add3A_696, %add3A_753 : i32
        %mul3A_755 = arith.constant 880 : i32
        %mul3A_756 = arith.muli %add3A_754, %mul3A_755 : i32
        %add3A_757 = arith.constant 0 : i32
        %add3A_758 = arith.addi %add3A_757, %mul3A_756 : i32
        %dma_start3A_759 = arith.constant 9 : i32
        %dma_start3A_760 = arith.constant 0 : i32
        %dma_start3A_761 = tpu.memref_slice %arg25[%dma_start3A_759, %dma_start3A_760] : memref<10x2x!tpu.dma_semaphore, #tpu.memory_space<semaphore_mem>> -> memref<1x1x!tpu.dma_semaphore, #tpu.memory_space<semaphore_mem>>
        %dma_start3A_762 = tpu.memref_squeeze %dma_start3A_761 : memref<1x1x!tpu.dma_semaphore, #tpu.memory_space<semaphore_mem>> -> memref<!tpu.dma_semaphore, #tpu.memory_space<semaphore_mem>>
        %dma_start3A_763 = arith.constant 0 : i32
        %dma_start3A_764 = tpu.memref_slice %arg1[%add3A_758, %dma_start3A_763] : memref<100000x128xf32, #tpu.memory_space<hbm>> -> memref<880x128xf32, #tpu.memory_space<hbm>>
        tpu.enqueue_dma source(%dma_start3A_764 : memref<880x128xf32, #tpu.memory_space<hbm>>) target(%arg14 : memref<880x128xf32, #tpu.memory_space<vmem>>) target_semaphore(%dma_start3A_762 : memref<!tpu.dma_semaphore, #tpu.memory_space<semaphore_mem>>)
        %add3A_765 = arith.constant 10 : i32
        %add3A_766 = arith.addi %add3A_696, %add3A_765 : i32
        %mul3A_767 = arith.constant 880 : i32
        %mul3A_768 = arith.muli %add3A_766, %mul3A_767 : i32
        %add3A_769 = arith.constant 0 : i32
        %add3A_770 = arith.addi %add3A_769, %mul3A_768 : i32
        %dma_start3A_771 = arith.constant 9 : i32
        %dma_start3A_772 = arith.constant 1 : i32
        %dma_start3A_773 = tpu.memref_slice %arg25[%dma_start3A_771, %dma_start3A_772] : memref<10x2x!tpu.dma_semaphore, #tpu.memory_space<semaphore_mem>> -> memref<1x1x!tpu.dma_semaphore, #tpu.memory_space<semaphore_mem>>
        %dma_start3A_774 = tpu.memref_squeeze %dma_start3A_773 : memref<1x1x!tpu.dma_semaphore, #tpu.memory_space<semaphore_mem>> -> memref<!tpu.dma_semaphore, #tpu.memory_space<semaphore_mem>>
        %dma_start3A_775 = arith.constant 0 : i32
        %dma_start3A_776 = tpu.memref_slice %arg2[%add3A_770, %dma_start3A_775] : memref<100000x512xf32, #tpu.memory_space<hbm>> -> memref<880x512xf32, #tpu.memory_space<hbm>>
        tpu.enqueue_dma source(%dma_start3A_776 : memref<880x512xf32, #tpu.memory_space<hbm>>) target(%arg24 : memref<880x512xf32, #tpu.memory_space<vmem>>) target_semaphore(%dma_start3A_774 : memref<!tpu.dma_semaphore, #tpu.memory_space<semaphore_mem>>)
      } else {
      }
      %add3A_751 = arith.addf %add3A_691, %dot_general3A_738 : vector<1x512xf32>
      %add3A_752 = arith.addf %add3A_692, %reduce_sum3A_743 : f32
      scf.yield %add3A_751, %add3A_752 : vector<1x512xf32>, f32
    }
    %scan3A_153 = arith.constant 3 : i32
    %swap3A = arith.constant 0 : index
    %swap3A_154 = arith.constant 0 : index
    %swap3A_155 = vector.load %arg3[%swap3A, %swap3A_154] : memref<1x512xf32, #tpu.memory_space<vmem>>, vector<1x512xf32>
    tpu.vector_store %arg3[%swap3A, %swap3A_154], %scan3A_152#0 {strides = array<i32>} : memref<1x512xf32, #tpu.memory_space<vmem>>, vector<1x512xf32>,
    %broadcast_in_dim3A_156 = vector.broadcast %scan3A_152#1 : f32 to vector<1x128xf32>
    %swap3A_157 = arith.constant 0 : index
    %swap3A_158 = arith.constant 0 : index
    %swap3A_159 = vector.load %arg4[%swap3A_157, %swap3A_158] : memref<1x128xf32, #tpu.memory_space<vmem>>, vector<1x128xf32>
    tpu.vector_store %arg4[%swap3A_157, %swap3A_158], %broadcast_in_dim3A_156 {strides = array<i32>} : memref<1x128xf32, #tpu.memory_space<vmem>>, vector<1x128xf32>,
    return
  }
}

</mosaic_0001>

<sc_bundles>
// kernel: _soft_read.6.cloned.1.call-start
scs
__scs_entry_jumppad:
0x0: {  	(pc) =	sbr.rel $0x88, $3  }
0x1: {  	(tag) =	ssettag $0x0;
	lr =	simm.s32 $0x1  }
0x2: {  	[smem:$0x3F9D] =	sst lr;
	_ =	strace $0xD0000000  }
0x3: {  	_ = 	snop  }
0x4: {  	_ = 	snop  }
0x5: {  	_ = 	snop  }
0x6: {  	_ = 	snop  }
0x7: {  	_ = 	snop  }
__scs_overlays_trampoline_lowered:
0x8: {  	[smem:$0x3FAC] =	sst s0  }
0x9: {  	[smem:$0x3FAD] =	sst s1  }
0xa: {  	[smem:$0x3FAE] =	sst s2  }
0xb: {  	[smem:$0x3FAF] =	sst s3  }
0xc: {  	[smem:$0x3FB0] =	sst s4  }
0xd: {  	[smem:$0x3FB1] =	sst s5  }
0xe: {  	[smem:$0x3FB2] =	sst s6  }
0xf: {  	[smem:$0x3FB3] =	sst s7  }
0x10: {  	[smem:$0x3FB4] =	sst s8  }
0x11: {  	[smem:$0x3FB5] =	sst s9;
	s0 =	simm.s32 @!p0 $0x0  }
0x12: {  	s1 =	sld [smem:$0x3F9B];
	s0 =	simm.s32 @p0 $0x1  }
0x13: {  	[smem:$0x3FB6] =	sst s0;
	s0 =	simm.s32 @!p1 $0x0  }
0x14: {  	s2 =	sld [smem:$0x3F9A];
	s0 =	simm.s32 @p1 $0x1  }
0x15: {  	[smem:$0x3FB7] =	sst s0;
	s0 =	simm.s32 @!p2 $0x0  }
0x16: {  	s3 =	sld [smem:$0x3FDB];
	s0 =	simm.s32 @p2 $0x1  }
0x17: {  	s4 =	simm.s32 $0x1BF5;
	[smem:$0x3FB9] =	sst s0  }
0x18: {  	s0 =	sld [smem:$0x3F9C];
	_ =	swait.ge [sflag:s4], $0x0  }
0x19: {  	s7 =	sld [smem:$0x3F9D]  }
0x1a: {  	s8 =	sadd.s32 $0xFFFFE003, lr  }
0x1b: {  	s9 =	sadd.s32 $0xFFFFFEF7, lr;
	s5 =	simm.s32 $0xFFFFFFFF;
	p2 =	slt.u32 s8, $0xFFFFF086  }
0x1c: {  	p1 =	slt.u32 s9, $0xF7A;
	s5 =	simm.s32 @!p2 $0x0  }
0x1d: {  	s5 =	simm.s32 @p1 $0x1;
	p0 =	seq.s32 s7, s2  }
0x1e: {  	s7 =	smul.u32 @!p0 $0xF7A, s2;
	p2 =	seq.s32 @!p0 s5, $0x0  }
0x1f: {  	s9 =	smul.u32 $0xF7A, s1;
	s8 =	simm.s32 @!p0 $0x1BF5;
	p2 =	por !p2, p0  }
0x20: {  	[sflag:s8] =	ssyncset.s32 @!p0 $0xFFFFF086;
	s6 =	sadd.s32 @!p0 s3, s7;
	s7 =	simm.s32 @!p0 $0x108  }
0x21: {  	s3 =	sadd.s32 s3, s9;
	s6 =	sadd.s32 @!p0 $0x88, s6;
	s7 =	simm.s32 @p2 $0x1082  }
0x22: {  	[simem:s7], [sflag:s8] =	dma.local @!p0 [hbm:s6], $0xF7A  }
0x23: {  	s9 =	sor.u32 $0xD0000000, s2;
	s6 =	simm.s32 $0x108;
	_ =	swait.ge @!p0 [sflag:s8], $0x0  }
0x24: {  	s3 =	sadd.s32 $0x88, s3;
	s6 =	simm.s32 @!p1 $0x1082;
	[sflag:s4] =	ssyncset.s32 $0xFFFFF086  }
0x25: {  	[simem:s6], [sflag:s4] =	dma.local [hbm:s3], $0xF7A  }
0x26: {  	[smem:$0x3F9D] =	sst s1;
	(tag) =	ssettag s2;
	_ =	strace s9  }
0x27: {  	s1 =	sld [smem:$0x3FAD]  }
0x28: {  	s2 =	sld [smem:$0x3FAE]  }
0x29: {  	s4 =	sld [smem:$0x3FB0]  }
0x2a: {  	p0 =	seq.s32 s5, $0x0;
	s5 =	sld [smem:$0x3FB1]  }
0x2b: {  	s6 =	sld [smem:$0x3FB2]  }
0x2c: {  	s7 =	sld [smem:$0x3FB3]  }
0x2d: {  	s3 =	simm.s32 $0x108;
	s8 =	sld [smem:$0x3FB4]  }
0x2e: {  	s3 =	simm.s32 @!p0 $0x1082;
	s9 =	sld [smem:$0x3FB5]  }
0x2f: {  	lr =	sadd.s32 s0, s3;
	s0 =	sld [smem:$0x3FAC]  }
0x30: {  	s3 =	sld [smem:$0x3FAF]  }
0x31: {  	[smem:$0x3FB8] =	sst s10  }
0x32: {  	s10 =	sld [smem:$0x3FB6];
	_ =	sdelay $0x3  }
0x33: {  	p0 =	seq.s32 s10, $0x1;
	s10 =	sld [smem:$0x3FB8];
	_ =	sdelay $0x3  }
0x34: {  	[smem:$0x3FB8] =	sst s10  }
0x35: {  	s10 =	sld [smem:$0x3FB7];
	_ =	sdelay $0x3  }
0x36: {  	p1 =	seq.s32 s10, $0x1;
	s10 =	sld [smem:$0x3FB8];
	_ =	sdelay $0x3  }
0x37: {  	[smem:$0x3FB8] =	sst s10  }
0x38: {  	s10 =	sld [smem:$0x3FB9]  }
0x39: {  	_ = 	snop;
	(pc) =	sbr.ind lr, $3  }
0x3a: {  	_ = 	snop  }
0x3b: {  	_ = 	snop  }
0x3c: {  	p2 =	seq.s32 s10, $0x1;
	s10 =	sld [smem:$0x3FB8]  }
0x3d: {  	_ =	shalt  }
0x3e: {  	_ =	shalt  }
0x3f: {  	_ =	shalt  }
0x40: {  	_ =	shalt  }
0x41: {  	_ =	shalt  }
0x42: {  	_ =	shalt  }
0x43: {  	_ =	shalt  }
0x44: {  	_ =	shalt  }
0x45: {  	_ =	shalt  }
0x46: {  	_ =	shalt  }
0x47: {  	_ =	shalt  }
0x48: {  	_ =	shalt  }
0x49: {  	_ =	shalt  }
0x4a: {  	_ =	shalt  }
0x4b: {  	_ =	shalt  }
0x4c: {  	_ =	shalt  }
0x4d: {  	_ =	shalt  }
0x4e: {  	_ =	shalt  }
0x4f: {  	_ =	shalt  }
0x50: {  	_ =	shalt  }
0x51: {  	_ =	shalt  }
0x52: {  	_ =	shalt  }
0x53: {  	_ =	shalt  }
0x54: {  	_ =	shalt  }
0x55: {  	_ =	shalt  }
0x56: {  	_ =	shalt  }
0x57: {  	_ =	shalt  }
0x58: {  	_ =	shalt  }
0x59: {  	_ =	shalt  }
0x5a: {  	_ =	shalt  }
0x5b: {  	_ =	shalt  }
0x5c: {  	_ =	shalt  }
0x5d: {  	_ =	shalt  }
0x5e: {  	_ =	shalt  }
0x5f: {  	_ =	shalt  }
0x60: {  	_ =	shalt  }
0x61: {  	_ =	shalt  }
0x62: {  	_ =	shalt  }
0x63: {  	_ =	shalt  }
0x64: {  	_ =	shalt  }
0x65: {  	_ =	shalt  }
0x66: {  	_ =	shalt  }
0x67: {  	_ =	shalt  }
0x68: {  	_ =	shalt  }
0x69: {  	_ =	shalt  }
0x6a: {  	_ =	shalt  }
0x6b: {  	_ =	shalt  }
0x6c: {  	_ =	shalt  }
0x6d: {  	_ =	shalt  }
0x6e: {  	_ =	shalt  }
0x6f: {  	_ =	shalt  }
0x70: {  	_ =	shalt  }
0x71: {  	_ =	shalt  }
0x72: {  	_ =	shalt  }
0x73: {  	_ =	shalt  }
0x74: {  	_ =	shalt  }
0x75: {  	_ =	shalt  }
0x76: {  	_ =	shalt  }
0x77: {  	_ =	shalt  }
0x78: {  	_ =	shalt  }
0x79: {  	_ =	shalt  }
0x7a: {  	_ =	shalt  }
0x7b: {  	_ =	shalt  }
0x7c: {  	_ =	shalt  }
0x7d: {  	_ =	shalt  }
0x7e: {  	_ =	shalt  }
0x7f: {  	_ =	shalt  }
0x80: {  	_ =	shalt  }
0x81: {  	_ =	shalt  }
0x82: {  	_ =	shalt  }
0x83: {  	_ =	shalt  }
0x84: {  	_ =	shalt  }
0x85: {  	_ =	shalt  }
0x86: {  	_ =	shalt  }
0x87: {  	_ =	shalt  }
.Lfunc_end0:
.L_simem_size_0:
called_computation_lowered:
.L_overlay_start_0:
0x88: {  	s2 =	sld [smem:$0x3FD9]  }
0x89: {  	s3 =	sld [smem:$0x3FFE];
	_ =	sdelay $0x1  }
0x8a: {  	s1 =	srdreg.scid  }
0x8b: {  	s0 =	sand.u32 $0x1, s1  }
0x8c: {  	s17 =	sshll.u32 s0, $0xA;
	s2 =	sadd.s32 s3, s2  }
0x8d: {  	s2 =	sadd.s32 s2, s17  }
0x8e: {  	[smem:$0x3FC4] =	sst s2  }
0x8f: {  	_ = 	snop  }
0x90: {  	s2 =	sld [smem:$0x3FC9]  }
0x91: {  	s18 =	sld [smem:$0x3FC7]  }
0x92: {  	s4 =	sld [smem:$0x3FD0];
	(tm) =	ssettm $0x1  }
0x93: {  	s5 =	sld [smem:$0x3FFB];
	_ =	sdelay $0x3  }
0x94: {  	_ =	strace s5  }
0x95: {  	s5 =	sld [smem:$0x3FFC];
	_ =	sdelay $0x3  }
0x96: {  	_ =	strace s5  }
0x97: {  	s5 =	sld [smem:$0x3FFD];
	_ =	sdelay $0x3  }
0x98: {  	_ =	strace s5  }
0x99: {  	_ =	strace $0x8FFFFFFF  }
0x9a: {  	s19 =	sld [smem:$0x3FDB];
	_ =	sdelay $0x1  }
0x9b: {  	s6 =	simm.s32 $_scs_section_size  }
0x9c: {  	s7 =	simm.s32 $_size__tile_overlayer_lowered;
	s8 =	simm.s32 $_tile_overlayer_lowered  }
0x9d: {  	s22 =	simm.s32 $0x1BFF;
	s21 =	sshll.u32 s8, $0x1;
	s5 =	sadd.s32 s6, s19  }
0x9e: {  	s9 =	simm.s32 $0x0;
	s20 =	sshll.u32 s7, $0x1;
	s7 =	sadd.s32 s21, s5  }
0x9f: {  	[timem:s9], [sflag:s22] =	dma.local [hbm:s7], s20  }
0xa0: {  	_ =	swait.ge [sflag:s22], s20  }
0xa1: {  	s6 =	ssub.s32 $0x0, s20;
	[sflag:s22] =	ssyncset.done $0x0  }
0xa2: {  	[sflag:s22] =	ssyncadd.s32 s6;
	_ =	sdelay $0x1  }
0xa3: {  	s23 =	simm.s32 $0x1B8B  }
0xa4: {  	_ =	swait.ge [sflag:s23], $0x1  }
0xa5: {  	[sflag:s23] =	ssyncset.done $0x0  }
0xa6: {  	s25 =	simm.s32 $0x1B8E;
	s24 =	sld [smem:$0x3FFE];
	[sflag:s23] =	ssyncadd.s32 $0xFFFFFFFF  }
0xa7: {  	s26 =	simm.s32 $execute0_lowered;
	[smem:$0x3FD2] =	sst s25  }
0xa8: {  	s7 =	sshll.u32 s26, $0x1;
	_ =	strace $0x80000046;
	[dreg:$0x1] =	wrdreg $0xFFFFFFFF  }
0xa9: {  	s28 =	simm.s32 $_size_execute0_lowered;
	s5 =	sadd.s32 s5, s7;
	[dreg:$0x0] =	wrdreg $0x0  }
0xaa: {  	s7 =	sshll.u32 s28, $0x1;
	[dreg:$0x2] =	wrdreg s5  }
0xab: {  	[dreg:$0x3] =	wrdreg s7  }
0xac: {  	[dreg:$0x4] =	wrdreg $0xC0  }
0xad: {  	_ =	task [dreg:s9], $0x5FFFF  }
0xae: {  	[dreg:$0x1] =	wrdreg $0xFFFFFFFF  }
0xaf: {  	[dreg:$0x0] =	wrdreg $0x60  }
0xb0: {  	[dreg:$0x2] =	wrdreg s2  }
0xb1: {  	[dreg:$0x3] =	wrdreg s18  }
0xb2: {  	[dreg:$0x4] =	wrdreg s24  }
0xb3: {  	[dreg:$0x5] =	wrdreg s4  }
0xb4: {  	[dreg:$0x6] =	wrdreg $0x9  }
0xb5: {  	_ =	task.clear_ibuf [dreg:s9], $0x7FFFF;
	_ =	strace $0x90000046  }
0xb6: {  	s29 =	simm.s32 $0x9;
	_ =	strace $0x80000048  }
0xb7: {  	_ =	swait.ge [sflag:s29], $0x1  }
0xb8: {  	[sflag:s29] =	ssyncadd.s32 $0xFFFFFFFF  }
0xb9: {  	_ =	strace $0x90000048  }
0xba: {  	_ =	sfence  }
0xbb: {  	s30 =	sld [smem:$0x0];
	_ =	sdelay $0x2  }
0xbc: {  	s31 =	sshll.u32 s1, $0xD;
	s1 =	sshrl.u32 s1, $0x2  }
0xbd: {  	s3 =	sand.u32 $0x4000, s31;
	s1 =	sadd.s32 s1, s30  }
0xbe: {  	s0 =	sor.u32 s3, s0;
	s1 =	sshll.u32 s1, $0x11  }
0xbf: {  	s0 =	sor.u32 s1, s0  }
0xc0: {  	s0 =	sadd.s32 $0x8F2B, s0  }
0xc1: {  	[sflag:s0] =	ssyncadd.remote.s32 $0x1  }
0xc2: {  	_ =	sfence.sel $0xFFFF  }
0xc3: {  	[dreg:$0x0] =	wrdreg $0xFFFFFFFF;
	(pc) =	sbr.abs _section_cstart, $3  }
0xc4: {  	[dreg:$0x1] =	wrdreg $0xFFFFFFFF  }
0xc5: {  	_ =	task.clear_ibuf [dreg:s9], $0x2FFFF;
	_ =	strace $0x9FFFFFFF  }
0xc6: {  	(tm) =	ssettm $0x7FFFFFFF  }
0xc7: {  	_ =	shalt  }
tec
execute0_lowered:
.L_overlay_start_1:
0x0: {  	(tag) =	ssettag $0x1  }
0x1: {  	s2 =	rddreg [dreg:$0x1]  }
0x2: {  	s0 =	rddreg [dreg:$0x2]  }
0x3: {  	s1 =	rddreg [dreg:$0x3];
	v0 =	vimm.s32 $0xEFCDAB89  }
0x4: {  	s3 =	srdreg.scid;
	s6 =	stileid.u32;
	s4 =	simm.s32 $0x0;
	v1 =	vimm.s32 $0x67452301;
	v2 =	vimm.s32 $0xDCFE98BA;
	v3 =	vimm.s32 $0x54761032  }
0x5: {  	v4 =	vimm.s32 $0xBA98FEDC;
	v5 =	vimm.s32 $0x32107654;
	s16 =	simm.s32 $0x5;
	s17 =	simm.s32 $0x3000;
	s18 =	simm.s32 $0x1800  }
0x6: {  	v6 =	vimm.s32 $0xFEDCBA98;
	v7 =	vimm.s32 $0x76543210;
	s19 =	simm.s32 $0x9000;
	s20 =	simm.s32 $0x1;
	s21 =	simm.s32 $0x2  }
0x7: {  	s22 =	simm.s32 $0x3;
	s28 =	simm.s32 $0xF280;
	s29 =	simm.s32 $0x0;
	v0 =	vunpack.c.l.s4.s8 v0;
	v1 =	vunpack.c.l.s4.s8 v1;
	v2 =	vunpack.c.l.s4.s8 v2  }
0x8: {  	s3 =	sand.u32 $0x1, s3;
	s5 =	sshll.u32 s6, $0x1;
	[smem:$0x7FF] =	sst s4;
	v3 =	vunpack.c.l.s4.s8 v3;
	v4 =	vunpack.c.l.s4.s8 v4;
	v5 =	vunpack.c.l.s4.s8 v5  }
0x9: {  	s8 =	sshrl.u32 s6, $0x2;
	v6 =	vunpack.c.l.s4.s8 v6;
	s5 =	sor.u32 s3, s5;
	_ =	strace $0x80000047;
	v0 =	vunpack.c.0.s8.s32 v0;
	v1 =	vunpack.c.0.s8.s32 v1  }
0xa: {  	v7 =	vunpack.c.l.s4.s8 v7;
	s7 =	sshll.u32 s8, $0xC;
	s3 =	ssub.s32 $0x2, s3;
	s13 =	sshll.u32 s8, $0xA;
	v2 =	vunpack.c.0.s8.s32 v2;
	v3 =	vunpack.c.0.s8.s32 v3  }
0xb: {  	s23 =	sshll.u32 s5, $0x7;
	s11 =	smul.u32 $0x4B0, s5;
	s24 =	sshrl.u32 s3, $0x1;
	v4 =	vunpack.c.0.s8.s32 v4;
	v5 =	vunpack.c.0.s8.s32 v5;
	v8 =	vcombine.low v1, v0  }
0xc: {  	s5 =	sadd.s32 $0x1000, s0;
	s9 =	sand.u32 $0x380, s23;
	s3 =	ssub.s32 s3, s24;
	v2 =	vcombine.low v3, v2  }
0xd: {  	v6 =	vunpack.c.0.s8.s32 v6;
	v62 =	vunpack.c.0.s8.s32 v7;
	s23 =	simm.s32 $0x4;
	s6 =	sor.u32 s7, s9;
	s10 =	sadd.s32 $0xF0A0, s11;
	v7 =	vcombine.low v5, v4;
	[tilespmem:$0x1FF90] =	vst v8  }
0xe: {  	s30 =	sadd.s32 $0xF0D0, s11;
	s31 =	sor.u32 s13, s9;
	s14 =	smax.u32 s3, $0x1;
	[tilespmem:$0x1FFA0] =	vst v2  }
0xf: {  	v63 =	vand.u32 $0xF, v6;
	s6 =	sshrl.u32 s6, $0x3;
	s25 =	sshll.u32 s10, $0x4;
	s26 =	sshll.u32 s10, $0x6;
	v5 =	vand.u32 $0xF, v8;
	[tilespmem:$0x1FFB0] =	vst v7  }
0x10: {  	s12 =	sshll.u32 s30, $0x4;
	s10 =	sshll.u32 s30, $0x6;
	s13 =	sshrl.u32 s31, $0x3;
	v4 =	vcombine.low v63, v62;
	v6 =	vand.u32 $0xF, v2;
	[tilespmem:$0x1FFC0] =	vst v5  }
0x11: {  	s0 =	sadd.s32 s6, s0;
	s6 =	sadd.s32 s2, s25;
	s7 =	sadd.s32 s5, s26;
	[tilespmem:$0x1FFD0] =	vst v6  }
0x12: {  	s8 =	sadd.s32 s2, s12;
	s9 =	sadd.s32 s5, s10;
	s10 =	sadd.s32 $0xF100, s11;
	v14 =	vand.u32 $0xF, v7;
	[tilespmem:$0x1FFE0] =	vst v4  }
0x13: {  	s11 =	sadd.s32 $0xF130, s11;
	s13 =	sadd.s32 s1, s13;
	s12 =	sadd.s32 $0x61B800, s0;
	[tilespmem:$0x1FFF0] =	vst v14  }
.LBB2_1:
0x14: {  	s0 =	rddreg [dreg:$0x0];
	s1 =	simm.s32 $0xF000  }
0x15: {  	[tilespmem:s1], [sflag:$0x5] =	stream.linear.gather [hbm4b:s0+s4], $0x80, $0x38;
	[tilespmem:$0xF300] =	vst v63  }
0x16: {  	_ =	swait.ge [sflag:s16], $0x80  }
0x17: {  	[sflag:s16] =	ssyncset.done $0x0  }
0x18: {  	[sflag:s16] =	ssyncadd.s32 $0xFFFFFF80  }
0x19: {  	[tilespmem:s4], [sflag:$0x1] =	stream.linear.gather [hbm4b:s6+s4], $0x1800, $0x38;
	[tilespmem:$0xF300] =	vst v63  }
0x1a: {  	_ = 	snop  }
0x1b: {  	[tilespmem:s17], [sflag:$0x2] =	stream.linear.gather [hbm4b:s7+s4], $0x6000, $0x38;
	[tilespmem:$0xF300] =	vst v63  }
0x1c: {  	_ = 	snop  }
0x1d: {  	[tilespmem:s18], [sflag:$0x3] =	stream.linear.gather [hbm4b:s8+s4], $0x1800, $0x38;
	[tilespmem:$0xF300] =	vst v63  }
0x1e: {  	_ = 	snop  }
0x1f: {  	[tilespmem:s19], [sflag:$0x4] =	stream.linear.gather [hbm4b:s9+s4], $0x6000, $0x38;
	[tilespmem:$0xF300] =	vst v63  }
0x20: {  	v13 =	vld [tilespmem:$0xF000]  }
0x21: {  	v48 =	vld [tilespmem:$0xF010];
	_ =	sdelay $0x1  }
0x22: {  	v12 =	vld [tilespmem:$0xF020];
	_ =	sdelay $0x1  }
0x23: {  	v15 =	vld [tilespmem:$0xF030]  }
0x24: {  	v0 =	vmul.f32 v13, v13;
	v1 =	vmul.f32 v48, v48  }
0x25: {  	v50 =	vld [tilespmem:$0xF040]  }
0x26: {  	v53 =	vmul.f32 v12, v12;
	v0 =	vadd.f32 v1, v0  }
0x27: {  	v9 =	vld [tilespmem:$0xF050]  }
0x28: {  	v54 =	vmul.f32 v15, v15;
	v0 =	vadd.f32 v53, v0  }
0x29: {  	v10 =	vld [tilespmem:$0xF060]  }
0x2a: {  	v55 =	vmul.f32 v50, v50;
	v0 =	vadd.f32 v54, v0  }
0x2b: {  	v11 =	vld [tilespmem:$0xF070]  }
0x2c: {  	v56 =	vmul.f32 v9, v9;
	v0 =	vadd.f32 v55, v0;
	_ =	sdelay $0x1  }
0x2d: {  	v57 =	vmul.f32 v10, v10;
	v0 =	vadd.f32 v56, v0  }
0x2e: {  	v59 =	vld [tilespmem:$0x1FF90]  }
0x2f: {  	v58 =	vmul.f32 v11, v11;
	v0 =	vadd.f32 v57, v0;
	_ =	sdelay $0x1  }
0x30: {  	v0 =	vadd.f32 v58, v0  }
0x31: {  	v60 =	vld [tilespmem:$0x1FFA0]  }
0x32: {  	v1 =	vperm.xlane v0, v59;
	_ =	sdelay $0x1  }
0x33: {  	v0 =	vadd.f32 v0, v1  }
0x34: {  	v61 =	vld [tilespmem:$0x1FFB0]  }
0x35: {  	v1 =	vperm.xlane v0, v60;
	_ =	sdelay $0x1  }
0x36: {  	v0 =	vadd.f32 v0, v1;
	_ =	sdelay $0x1  }
0x37: {  	v1 =	vperm.xlane v0, v61;
	_ =	sdelay $0x1  }
0x38: {  	v0 =	vadd.f32 v0, v1;
	_ =	sdelay $0x1  }
0x39: {  	v1 =	vperm.xlane v0, v4;
	_ =	sdelay $0x1  }
0x3a: {  	v0 =	vadd.f32 v0, v1;
	_ =	sdelay $0x1  }
0x3b: {  	v1 =	vshra.s32 v0, $0x1;
	v0 =	vmul.f32 $5.000000000e-01, v0  }
0x3c: {  	v1 =	vsub.s32 $0x5F3759DF, v1  }
0x3d: {  	v2 =	vmul.f32 v1, v0;
	_ =	sdelay $0x1  }
0x3e: {  	v2 =	vmul.f32 v1, v2;
	_ =	sdelay $0x1  }
0x3f: {  	v2 =	vsub.f32 $1.500000000e+00, v2;
	_ =	sdelay $0x1  }
0x40: {  	v1 =	vmul.f32 v1, v2;
	_ =	sdelay $0x1  }
0x41: {  	v2 =	vmul.f32 v1, v0;
	_ =	sdelay $0x1  }
0x42: {  	v2 =	vmul.f32 v2, v1;
	_ =	sdelay $0x1  }
0x43: {  	v46 =	vimm.f32 $0.0e+00;
	v16 =	vimm.f32 $0.0e+00;
	v2 =	vsub.f32 $1.500000000e+00, v2  }
0x44: {  	v17 =	vimm.f32 $0.0e+00;
	v18 =	vimm.f32 $0.0e+00;
	v62 =	vimm.f32 $0.0e+00  }
0x45: {  	v19 =	vimm.f32 $0.0e+00;
	v63 =	vimm.f32 $0.0e+00;
	[tilespmem:$0x1FEE0] =	vst v62;
	v1 =	vmul.f32 v2, v1  }
0x46: {  	v21 =	vimm.f32 $0.0e+00;
	v20 =	vimm.f32 $0.0e+00;
	v22 =	vimm.f32 $0.0e+00;
	[tilespmem:$0x1FEF0] =	vst v63  }
0x47: {  	v23 =	vimm.f32 $0.0e+00;
	v24 =	vimm.f32 $0.0e+00;
	[tilespmem:$0x1FF10] =	vst v11;
	v0 =	vmul.f32 v1, v0  }
0x48: {  	v25 =	vimm.f32 $0.0e+00;
	v26 =	vimm.f32 $0.0e+00;
	v27 =	vimm.f32 $0.0e+00;
	[tilespmem:$0x1FF20] =	vst v10  }
0x49: {  	v28 =	vimm.f32 $0.0e+00;
	v29 =	vimm.f32 $0.0e+00;
	[tilespmem:$0x1FF30] =	vst v9;
	v0 =	vmul.f32 v0, v1  }
0x4a: {  	v30 =	vimm.f32 $0.0e+00;
	v31 =	vimm.f32 $0.0e+00;
	v32 =	vimm.f32 $0.0e+00;
	[tilespmem:$0x1FF40] =	vst v50  }
0x4b: {  	v33 =	vimm.f32 $0.0e+00;
	v34 =	vimm.f32 $0.0e+00;
	[tilespmem:$0x1FF50] =	vst v12;
	v0 =	vsub.f32 $1.500000000e+00, v0  }
0x4c: {  	v35 =	vimm.f32 $0.0e+00;
	v36 =	vimm.f32 $0.0e+00;
	v37 =	vimm.f32 $0.0e+00;
	[tilespmem:$0x1FF60] =	vst v15  }
0x4d: {  	v38 =	vimm.f32 $0.0e+00;
	v39 =	vimm.f32 $0.0e+00;
	[tilespmem:$0x1FF70] =	vst v13;
	v51 =	vmul.f32 v0, v1  }
0x4e: {  	v40 =	vimm.f32 $0.0e+00;
	v41 =	vimm.f32 $0.0e+00;
	v42 =	vimm.f32 $0.0e+00;
	[tilespmem:$0x1FF80] =	vst v48  }
0x4f: {  	v43 =	vimm.f32 $0.0e+00;
	v44 =	vimm.f32 $0.0e+00;
	v45 =	vimm.f32 $0.0e+00;
	s30 =	simm.s32 $0x0;
	[tilespmem:$0x1FF00] =	vst v51  }
.LBB2_2:
0x50: {  	_ =	swait.ge [sflag:s20], $0x1800  }
0x51: {  	[sflag:s20] =	ssyncset.done $0x0  }
0x52: {  	[sflag:s20] =	ssyncadd.s32 $0xFFFFE800  }
0x53: {  	_ =	swait.ge [sflag:s21], $0x6000  }
0x54: {  	[sflag:s21] =	ssyncset.done $0x0  }
0x55: {  	s0 =	simm.s32 $0x0;
	[sflag:s21] =	ssyncadd.s32 $0xFFFFA000  }
0x56: {  	v0 =	vld [tilespmem:s0+$0x0]  }
0x57: {  	v1 =	vld [tilespmem:s0+$0x10];
	_ =	sdelay $0x1  }
0x58: {  	v2 =	vld [tilespmem:s0+$0x20];
	_ =	sdelay $0x1  }
0x59: {  	v7 =	vld [tilespmem:s0+$0x30]  }
0x5a: {  	v8 =	vmul.f32 v0, v0;
	v47 =	vmul.f32 v1, v1  }
0x5b: {  	v49 =	vld [tilespmem:s0+$0x40]  }
0x5c: {  	v52 =	vmul.f32 v2, v2;
	v8 =	vadd.f32 v47, v8  }
0x5d: {  	v62 =	vld [tilespmem:s0+$0x50]  }
0x5e: {  	v53 =	vmul.f32 v7, v7;
	v8 =	vadd.f32 v52, v8  }
0x5f: {  	v63 =	vld [tilespmem:s0+$0x60]  }
0x60: {  	v54 =	vmul.f32 v49, v49;
	v8 =	vadd.f32 v53, v8  }
0x61: {  	v57 =	vld [tilespmem:s0+$0x70]  }
0x62: {  	v55 =	vmul.f32 v62, v62;
	v8 =	vadd.f32 v54, v8;
	_ =	sdelay $0x1  }
0x63: {  	v58 =	vmul.f32 v63, v63;
	v8 =	vadd.f32 v55, v8;
	_ =	sdelay $0x1  }
0x64: {  	v59 =	vmul.f32 v57, v57;
	v8 =	vadd.f32 v58, v8;
	_ =	sdelay $0x1  }
0x65: {  	v8 =	vadd.f32 v59, v8;
	_ =	sdelay $0x1  }
0x66: {  	v60 =	vperm.xlane v8, v5;
	_ =	sdelay $0x1  }
0x67: {  	v8 =	vadd.f32 v60, v8;
	_ =	sdelay $0x1  }
0x68: {  	v54 =	vperm.xlane v8, v6;
	_ =	sdelay $0x1  }
0x69: {  	v8 =	vadd.f32 v54, v8;
	_ =	sdelay $0x1  }
0x6a: {  	v54 =	vperm.xlane v8, v14  }
0x6b: {  	v0 =	vmul.f32 v0, v13;
	v1 =	vmul.f32 v1, v48  }
0x6c: {  	v8 =	vadd.f32 v54, v8  }
0x6d: {  	v0 =	vadd.f32 v1, v0;
	v1 =	vmul.f32 v2, v12  }
0x6e: {  	v2 =	vperm.xlane v8, v4  }
0x6f: {  	v0 =	vadd.f32 v1, v0;
	v1 =	vmul.f32 v7, v15  }
0x70: {  	v2 =	vadd.f32 v2, v8  }
0x71: {  	v0 =	vadd.f32 v1, v0;
	v1 =	vmul.f32 v49, v50  }
0x72: {  	v7 =	vshra.s32 v2, $0x1;
	v2 =	vmul.f32 $5.000000000e-01, v2  }
0x73: {  	v0 =	vadd.f32 v1, v0;
	v1 =	vmul.f32 v62, v9;
	v7 =	vsub.s32 $0x5F3759DF, v7  }
0x74: {  	v8 =	vmul.f32 v7, v2  }
0x75: {  	s25 =	simm.s32 $0x80;
	v0 =	vadd.f32 v1, v0;
	v1 =	vmul.f32 v63, v10  }
0x76: {  	v49 =	vld [tilespmem:s25+$0x10];
	v8 =	vmul.f32 v7, v8  }
0x77: {  	v47 =	vld [tilespmem:s25+$0x0];
	v0 =	vadd.f32 v1, v0;
	v1 =	vmul.f32 v57, v11  }
0x78: {  	v8 =	vsub.f32 $1.500000000e+00, v8  }
0x79: {  	v52 =	vld [tilespmem:s25+$0x20];
	v0 =	vadd.f32 v1, v0  }
0x7a: {  	v1 =	vmul.f32 v7, v8  }
0x7b: {  	v56 =	vmul.f32 v49, v49;
	v7 =	vld [tilespmem:s25+$0x30];
	v8 =	vperm.xlane v0, v5  }
0x7c: {  	v54 =	vmul.f32 v47, v47;
	v61 =	vmul.f32 v1, v2  }
0x7d: {  	v55 =	vld [tilespmem:s25+$0x40];
	v0 =	vadd.f32 v0, v8  }
0x7e: {  	v53 =	vmul.f32 v52, v52;
	v60 =	vld [tilespmem:s25+$0x50];
	v54 =	vadd.f32 v56, v54;
	v8 =	vmul.f32 v61, v1  }
0x7f: {  	v62 =	vperm.xlane v0, v6  }
0x80: {  	v59 =	vld [tilespmem:s25+$0x60];
	v53 =	vadd.f32 v53, v54;
	v58 =	vmul.f32 v7, v7;
	v8 =	vsub.f32 $1.500000000e+00, v8  }
0x81: {  	v0 =	vadd.f32 v0, v62  }
0x82: {  	v57 =	vld [tilespmem:s25+$0x70];
	v53 =	vadd.f32 v58, v53;
	v1 =	vmul.f32 v8, v1;
	v8 =	vmul.f32 v55, v55  }
0x83: {  	v61 =	vmul.f32 v60, v60  }
0x84: {  	v63 =	vperm.xlane v0, v14;
	v2 =	vmul.f32 v1, v2;
	v8 =	vadd.f32 v8, v53  }
0x85: {  	v62 =	vmul.f32 v59, v59  }
0x86: {  	v0 =	vadd.f32 v0, v63;
	v2 =	vmul.f32 v2, v1;
	v8 =	vadd.f32 v61, v8  }
0x87: {  	v63 =	vmul.f32 v57, v57  }
0x88: {  	v54 =	vperm.xlane v0, v4;
	v2 =	vsub.f32 $1.500000000e+00, v2;
	v8 =	vadd.f32 v62, v8;
	_ =	sdelay $0x1  }
0x89: {  	v0 =	vadd.f32 v0, v54;
	v1 =	vmul.f32 v2, v1;
	v2 =	vadd.f32 v63, v8;
	_ =	sdelay $0x1  }
0x8a: {  	v0 =	vmul.f32 v1, v0;
	v1 =	vperm.xlane v2, v5;
	_ =	sdelay $0x1  }
0x8b: {  	v0 =	vmul.f32 v0, v51;
	v1 =	vadd.f32 v1, v2;
	_ =	sdelay $0x1  }
0x8c: {  	v0 =	vmul.f32 $1.442695020e+00, v0;
	v2 =	vperm.xlane v1, v6  }
0x8d: {  	v3 =	vmov v13;
	v8 =	vmul.f32 v49, v48  }
0x8e: {  	(erf) = vpow2.f32 v0;
	v0 =	vadd.f32 v2, v1;
	v2 =	vmul.f32 v47, v3  }
0x8f: {  	s26 =	simm.s32 $0x0  }
0x90: {  	s1 =	sand.u32 $0x7000, s26;
	s0 =	sand.u32 $0x380, s26;
	v2 =	vadd.f32 v8, v2;
	v8 =	vmul.f32 v52, v12  }
0x91: {  	s3 =	sor.u32 s0, s1  }
0x92: {  	v7 =	vmul.f32 v7, v15;
	v58 =	vld [tilespmem:s3+$0x3040];
	v1 =	vperm.xlane v0, v14;
	v2 =	vadd.f32 v8, v2  }
0x93: {  	v61 =	vld [tilespmem:s3+$0x3010]  }
0x94: {  	v0 =	vadd.f32 v1, v0;
	v1 =	vld [tilespmem:s3+$0x3000];
	v2 =	vadd.f32 v7, v2;
	v7 =	vmul.f32 v55, v50  }
0x95: {  	v47 =	vld [tilespmem:s3+$0x3C70]  }
0x96: {  	v62 =	vperm.xlane v0, v4;
	v2 =	vadd.f32 v7, v2;
	v7 =	vmul.f32 v60, v9;
	v60 =	vld [tilespmem:$0x1FEF0]  }
0x97: {  	v63 =	vld [tilespmem:s3+$0x3020]  }
0x98: {  	v13 =	vmov v57;
	v57 =	vld [tilespmem:s3+$0x3060];
	v0 =	vadd.f32 v62, v0;
	v49 =	vpop (erf)  }
0x99: {  	v8 =	vld [tilespmem:s3+$0x3030];
	v1 =	vmul.f32 v49, v1  }
0x9a: {  	v51 =	vld [tilespmem:s3+$0x3050];
	v47 =	vmul.f32 v47, v49;
	v53 =	vshra.s32 v0, $0x1  }
0x9b: {  	v0 =	vmul.f32 $5.000000000e-01, v0;
	v48 =	vadd.f32 v1, v60;
	v1 =	vadd.f32 v7, v2;
	v7 =	vld [tilespmem:$0x1FEE0]  }
0x9c: {  	v62 =	vld [tilespmem:s3+$0x3400];
	v52 =	vmul.f32 v49, v61;
	v61 =	vmul.f32 v49, v63;
	v54 =	vsub.s32 $0x5F3759DF, v53  }
0x9d: {  	v63 =	vld [tilespmem:s3+$0x3070];
	v55 =	vmul.f32 v49, v58;
	v56 =	vmul.f32 v54, v0  }
0x9e: {  	v58 =	vld [tilespmem:s3+$0x3420];
	v57 =	vmul.f32 v49, v57;
	v53 =	vmul.f32 v49, v8  }
0x9f: {  	v46 =	vadd.f32 v49, v46;
	v60 =	vld [tilespmem:s3+$0x3410];
	v2 =	vmul.f32 v59, v10;
	v8 =	vmul.f32 v54, v56  }
0xa0: {  	s24 =	simm.s32 $0x80;
	s15 =	simm.s32 $0x200;
	s25 =	simm.s32 $0x100;
	v47 =	vadd.f32 v47, v16;
	v59 =	vld [tilespmem:s3+$0x3430];
	v56 =	vmul.f32 v49, v51;
	v50 =	vadd.f32 v52, v7  }
0xa1: {  	s31 =	simm.s32 $0x180;
	s0 =	simm.s32 $0x100;
	s1 =	simm.s32 $0x400;
	v16 =	vmovc v12;
	v52 =	vld [tilespmem:s25+$0x0];
	v7 =	vadd.f32 v2, v1;
	v2 =	vmul.f32 v13, v11;
	v1 =	vsub.f32 $1.500000000e+00, v8  }
.LBB2_3:
0xa2: {  	_ =	sdelay $0x1  }
0xa3: {  	v8 =	vld [tilespmem:s25+$0x10];
	v45 =	vadd.f32 v61, v45  }
0xa4: {  	v2 =	vadd.f32 v2, v7;
	v1 =	vmul.f32 v54, v1;
	v61 =	vmul.f32 v49, v63  }
0xa5: {  	v51 =	vld [tilespmem:s25+$0x20];
	v44 =	vadd.f32 v53, v44;
	v62 =	vmul.f32 v49, v62;
	v7 =	vmul.f32 v49, v60  }
0xa6: {  	v43 =	vadd.f32 v55, v43;
	v53 =	vld [tilespmem:s25+$0x30];
	v55 =	vmul.f32 v49, v58;
	v60 =	vperm.xlane v2, v5  }
0xa7: {  	v42 =	vadd.f32 v56, v42;
	v54 =	vld [tilespmem:s25+$0x40];
	v63 =	vmul.f32 v1, v0;
	v56 =	vmul.f32 v52, v52  }
0xa8: {  	v41 =	vadd.f32 v57, v41;
	v58 =	vld [tilespmem:s3+$0x3440];
	v57 =	vmul.f32 v49, v59;
	v9 =	vmul.f32 v8, v8  }
0xa9: {  	v59 =	vld [tilespmem:s3+$0x3450];
	v60 =	vadd.f32 v2, v60;
	v63 =	vmul.f32 v63, v1;
	v40 =	vadd.f32 v61, v40  }
0xaa: {  	v10 =	vmul.f32 v51, v51;
	v39 =	vadd.f32 v62, v39;
	v61 =	vld [tilespmem:s3+$0x3460];
	v9 =	vadd.f32 v9, v56  }
0xab: {  	v2 =	vld [tilespmem:s25+$0x50];
	v38 =	vadd.f32 v7, v38;
	v56 =	vperm.xlane v60, v6;
	v62 =	vsub.f32 $1.500000000e+00, v63  }
0xac: {  	v37 =	vadd.f32 v55, v37;
	v63 =	vmul.f32 v53, v53;
	v9 =	vadd.f32 v10, v9  }
0xad: {  	v7 =	vld [tilespmem:s25+$0x60];
	v58 =	vmul.f32 v49, v58;
	v10 =	vadd.f32 v60, v56;
	v56 =	vmul.f32 v62, v1  }
0xae: {  	v55 =	vmul.f32 v49, v59;
	v59 =	vld [tilespmem:s3+$0x3800];
	v60 =	vmul.f32 v54, v54;
	v9 =	vadd.f32 v63, v9  }
0xaf: {  	v36 =	vadd.f32 v57, v36;
	v62 =	vperm.xlane v10, v14;
	v0 =	vmul.f32 v56, v0  }
0xb0: {  	v1 =	vld [tilespmem:s25+$0x70];
	v63 =	vmul.f32 v2, v2;
	v57 =	vmul.f32 v49, v61;
	v9 =	vadd.f32 v60, v9  }
0xb1: {  	v61 =	vld [tilespmem:s3+$0x3810];
	v35 =	vadd.f32 v58, v35;
	v10 =	vadd.f32 v10, v62;
	v0 =	vmul.f32 v0, v56  }
0xb2: {  	v58 =	vld [tilespmem:s3+$0x3830];
	v34 =	vadd.f32 v55, v34;
	v62 =	vmul.f32 v7, v7;
	v9 =	vadd.f32 v63, v9  }
0xb3: {  	v55 =	vmul.f32 v49, v59;
	v59 =	vld [tilespmem:s3+$0x3850];
	v63 =	vperm.xlane v10, v4;
	v0 =	vsub.f32 $1.500000000e+00, v0  }
0xb4: {  	v9 =	vadd.f32 v62, v9;
	v62 =	vld [tilespmem:$0x1FF00]  }
0xb5: {  	v60 =	vld [tilespmem:s3+$0x3820];
	v10 =	vadd.f32 v10, v63;
	v0 =	vmul.f32 v0, v56;
	_ =	sdelay $0x1  }
0xb6: {  	v33 =	vadd.f32 v57, v33;
	v57 =	vmul.f32 v49, v61;
	v0 =	vmul.f32 v0, v10  }
0xb7: {  	v11 =	vld [tilespmem:s3+$0x3470];
	v13 =	vmul.f32 v1, v1;
	v10 =	vmul.f32 v49, v58  }
0xb8: {  	v30 =	vadd.f32 v57, v30;
	v57 =	vld [tilespmem:s3+$0x3C20];
	v58 =	vmul.f32 v59, v49;
	v0 =	vmul.f32 v0, v62  }
0xb9: {  	v60 =	vmul.f32 v49, v60;
	v9 =	vadd.f32 v13, v9;
	v13 =	vld [tilespmem:s3+$0x3C00]  }
0xba: {  	v26 =	vadd.f32 v58, v26;
	v58 =	vld [tilespmem:$0x1FF80];
	v0 =	vmul.f32 $1.442695020e+00, v0  }
0xbb: {  	v29 =	vadd.f32 v60, v29;
	v60 =	vld [tilespmem:s3+$0x3C40]  }
0xbc: {  	v63 =	vperm.xlane v9, v5;
	(erf) = vpow2.f32 v0;
	v0 =	vld [tilespmem:s3+$0x3C60]  }
0xbd: {  	v12 =	vld [tilespmem:s3+$0x3840]  }
0xbe: {  	v9 =	vadd.f32 v63, v9;
	v62 =	vmul.f32 v57, v49;
	v63 =	vmul.f32 v13, v49  }
0xbf: {  	v57 =	vmul.f32 v52, v3;
	v8 =	vmul.f32 v8, v58  }
0xc0: {  	v11 =	vmul.f32 v49, v11;
	v23 =	vadd.f32 v63, v23;
	v63 =	vmul.f32 v60, v49  }
0xc1: {  	v60 =	vmul.f32 v51, v16;
	v8 =	vadd.f32 v8, v57;
	v0 =	vmul.f32 v0, v49  }
0xc2: {  	v32 =	vadd.f32 v11, v32;
	v11 =	vmul.f32 v12, v49  }
0xc3: {  	v12 =	vld [tilespmem:s3+$0x3C10];
	v17 =	vadd.f32 v0, v17;
	v0 =	vadd.f32 v60, v8;
	v8 =	vmul.f32 v53, v15  }
0xc4: {  	v61 =	vld [tilespmem:s3+$0x3870]  }
0xc5: {  	v8 =	vadd.f32 v8, v0;
	v0 =	vld [tilespmem:$0x1FF40]  }
0xc6: {  	v59 =	vld [tilespmem:s3+$0x3C30]  }
0xc7: {  	v58 =	vld [tilespmem:$0x1FF30]  }
0xc8: {  	v13 =	vperm.xlane v9, v6  }
0xc9: {  	s26 =	sand.u32 $0x7000, s15;
	s15 =	smov.u32 s1;
	s1 =	sadd.s32 $0x200, s1;
	v12 =	vmul.f32 v12, v49;
	v31 =	vadd.f32 v55, v31;
	v56 =	vld [tilespmem:s3+$0x3860]  }
0xca: {  	s24 =	sand.u32 $0x380, s24;
	s25 =	sshra.s32 s1, $0x2;
	v55 =	vmul.f32 v61, v49;
	v61 =	vld [tilespmem:s3+$0x3C50];
	v9 =	vadd.f32 v13, v9;
	v53 =	vmul.f32 v54, v0  }
0xcb: {  	v22 =	vadd.f32 v12, v22;
	v52 =	vld [tilespmem:s25+$0x0];
	s3 =	sor.u32 s24, s26;
	v13 =	vmul.f32 v59, v49  }
0xcc: {  	v59 =	vld [tilespmem:s3+$0x3C70];
	v12 =	vperm.xlane v9, v14;
	v2 =	vmul.f32 v2, v58;
	v8 =	vadd.f32 v53, v8  }
0xcd: {  	v20 =	vadd.f32 v62, v20;
	v62 =	vld [tilespmem:s3+$0x3020]  }
0xce: {  	v9 =	vadd.f32 v12, v9;
	v2 =	vadd.f32 v2, v8;
	v8 =	vld [tilespmem:$0x1FF20]  }
0xcf: {  	v28 =	vadd.f32 v10, v28;
	v10 =	vld [tilespmem:s3+$0x3030]  }
0xd0: {  	v27 =	vadd.f32 v11, v27;
	v11 =	vmul.f32 v61, v49;
	v12 =	vld [tilespmem:s3+$0x3000];
	v61 =	vperm.xlane v9, v4  }
0xd1: {  	v56 =	vmul.f32 v56, v49;
	v21 =	vadd.f32 v13, v21;
	v13 =	vld [tilespmem:s3+$0x3010]  }
0xd2: {  	v18 =	vadd.f32 v11, v18;
	v11 =	vld [tilespmem:s3+$0x3040];
	v9 =	vadd.f32 v61, v9  }
0xd3: {  	v25 =	vadd.f32 v56, v25;
	v56 =	vld [tilespmem:s3+$0x3050];
	v19 =	vadd.f32 v63, v19;
	v49 =	vpop (erf);
	v7 =	vmul.f32 v7, v8  }
0xd4: {  	v63 =	vmul.f32 v59, v49;
	v57 =	vshra.s32 v9, $0x1;
	v0 =	vmul.f32 $5.000000000e-01, v9;
	v9 =	vld [tilespmem:s3+$0x3060]  }
0xd5: {  	p0 =	sne.s32 s31, $0x1780;
	v12 =	vmul.f32 v49, v12;
	v54 =	vsub.s32 $0x5F3759DF, v57;
	v7 =	vadd.f32 v7, v2;
	v2 =	vld [tilespmem:$0x1FF10]  }
.Ltmp0:
0xd6: {  	v24 =	vadd.f32 v55, v24;
	v58 =	vld [tilespmem:s3+$0x3420];
	v13 =	vmul.f32 v49, v13;
	v59 =	vmul.f32 v54, v0;
	(pc) =	sbr.rel @p0 .LBB2_3-.Ltmp0, $4  }
0xd7: {  	v60 =	vld [tilespmem:s3+$0x3410];
	v46 =	vadd.f32 v49, v46;
	v61 =	vmul.f32 v49, v62;
	v55 =	vmul.f32 v49, v11  }
0xd8: {  	v62 =	vld [tilespmem:s3+$0x3400];
	v56 =	vmul.f32 v49, v56;
	v47 =	vadd.f32 v63, v47;
	v8 =	vmul.f32 v54, v59  }
0xd9: {  	v63 =	vld [tilespmem:s3+$0x3070];
	v48 =	vadd.f32 v12, v48;
	v50 =	vadd.f32 v13, v50;
	v53 =	vmul.f32 v49, v10  }
0xda: {  	s24 =	smov.u32 s0;
	s0 =	smov.u32 s31;
	s31 =	sadd.s32 $0x80, s31;
	v57 =	vmul.f32 v49, v9;
	v59 =	vld [tilespmem:s3+$0x3430];
	v2 =	vmul.f32 v1, v2;
	v1 =	vsub.f32 $1.500000000e+00, v8  }
0xdb: {  	v8 =	vld [tilespmem:s3+$0x3440];
	_ =	sdelay $0x4  }
0xdc: {  	[tilespmem:$0x1F980] =	vst v8;
	v8 =	vld [tilespmem:s3+$0x3450];
	_ =	sdelay $0x4  }
0xdd: {  	[tilespmem:$0x1F990] =	vst v8;
	v8 =	vld [tilespmem:s3+$0x3460];
	_ =	sdelay $0x4  }
0xde: {  	[tilespmem:$0x1F9A0] =	vst v8;
	v8 =	vld [tilespmem:s3+$0x3470];
	_ =	sdelay $0x4  }
0xdf: {  	[tilespmem:$0x1F9B0] =	vst v8;
	v8 =	vld [tilespmem:s25+$0x60];
	_ =	sdelay $0x4  }
0xe0: {  	[tilespmem:$0x1F960] =	vst v8;
	v8 =	vld [tilespmem:s3+$0x3800];
	_ =	sdelay $0x4  }
0xe1: {  	[tilespmem:$0x1F9C0] =	vst v8;
	v8 =	vld [tilespmem:s25+$0x70];
	_ =	sdelay $0x4  }
0xe2: {  	[tilespmem:$0x1F970] =	vst v8;
	v8 =	vld [tilespmem:s3+$0x3810];
	_ =	sdelay $0x4  }
0xe3: {  	[tilespmem:$0x1F9D0] =	vst v8;
	v8 =	vld [tilespmem:s3+$0x3820];
	_ =	sdelay $0x4  }
0xe4: {  	[tilespmem:$0x1F9E0] =	vst v8;
	v8 =	vld [tilespmem:s3+$0x3830];
	_ =	sdelay $0x4  }
0xe5: {  	[tilespmem:$0x1F9F0] =	vst v8;
	v8 =	vld [tilespmem:s3+$0x3840];
	_ =	sdelay $0x4  }
0xe6: {  	[tilespmem:$0x1FA00] =	vst v8;
	v8 =	vld [tilespmem:s3+$0x3850];
	_ =	sdelay $0x4  }
0xe7: {  	[tilespmem:$0x1FA10] =	vst v8;
	v8 =	vld [tilespmem:s3+$0x3860];
	_ =	sdelay $0x4  }
0xe8: {  	[tilespmem:$0x1FA20] =	vst v8;
	v8 =	vld [tilespmem:s3+$0x3870];
	_ =	sdelay $0x3  }
0xe9: {  	v11 =	vld [tilespmem:s25+$0x10]  }
0xea: {  	[tilespmem:$0x1FA30] =	vst v8;
	v8 =	vld [tilespmem:s3+$0x3C00];
	_ =	sdelay $0x3  }
0xeb: {  	[tilespmem:$0x1F930] =	vst v11  }
0xec: {  	[tilespmem:$0x1FA40] =	vst v8;
	v8 =	vmul.f32 v11, v11;
	v11 =	vld [tilespmem:s3+$0x3C10];
	_ =	sdelay $0x4  }
0xed: {  	[tilespmem:$0x1FA50] =	vst v11;
	v11 =	vld [tilespmem:s3+$0x3C20];
	_ =	sdelay $0x4  }
0xee: {  	[tilespmem:$0x1FA60] =	vst v11;
	v11 =	vld [tilespmem:s3+$0x3C30];
	_ =	sdelay $0x3  }
0xef: {  	v10 =	vld [tilespmem:s25+$0x20]  }
0xf0: {  	[tilespmem:$0x1FA70] =	vst v11;
	v11 =	vld [tilespmem:s3+$0x3C40]  }
0xf1: {  	v12 =	vld [tilespmem:s25+$0x30]  }
0xf2: {  	v9 =	vmul.f32 v52, v52  }
0xf3: {  	v13 =	vld [tilespmem:s25+$0x40]  }
0xf4: {  	v51 =	vld [tilespmem:s25+$0x50];
	v8 =	vadd.f32 v8, v9;
	v9 =	vmul.f32 v10, v10  }
0xf5: {  	[tilespmem:$0x1FA80] =	vst v11;
	v11 =	vld [tilespmem:s3+$0x3C50]  }
0xf6: {  	v8 =	vadd.f32 v9, v8;
	v9 =	vmul.f32 v12, v12;
	_ =	sdelay $0x1  }
0xf7: {  	v8 =	vadd.f32 v9, v8;
	v9 =	vmul.f32 v13, v13;
	_ =	sdelay $0x1  }
0xf8: {  	v8 =	vadd.f32 v9, v8;
	v9 =	vmul.f32 v51, v51;
	[tilespmem:$0x1FA90] =	vst v11;
	v11 =	vld [tilespmem:s3+$0x3C60];
	_ =	sdelay $0x1  }
0xf9: {  	v8 =	vadd.f32 v9, v8;
	v9 =	vld [tilespmem:$0x1F960]  }
0xfa: {  	s15 =	sand.u32 $0x7000, s15;
	s24 =	sand.u32 $0x380, s24  }
0xfb: {  	s15 =	sor.u32 s24, s15  }
0xfc: {  	[tilespmem:$0x1FAA0] =	vst v11;
	v11 =	vld [tilespmem:s15+$0x3C70];
	_ =	sdelay $0x1  }
0xfd: {  	v9 =	vmul.f32 v9, v9;
	_ =	sdelay $0x1  }
0xfe: {  	v8 =	vadd.f32 v9, v8;
	v9 =	vld [tilespmem:$0x1F970]  }
0xff: {  	[tilespmem:$0x1FAB0] =	vst v11;
	v11 =	vld [tilespmem:s15+$0x3000];
	_ =	sdelay $0x4  }
0x100: {  	v9 =	vmul.f32 v9, v9;
	[tilespmem:$0x1FAC0] =	vst v11;
	v11 =	vld [tilespmem:s15+$0x3010];
	_ =	sdelay $0x1  }
0x101: {  	v8 =	vadd.f32 v9, v8;
	v9 =	vld [tilespmem:s15+$0x3070];
	_ =	sdelay $0x2  }
0x102: {  	[tilespmem:$0x1FAD0] =	vst v11;
	v11 =	vld [tilespmem:s15+$0x3020];
	_ =	sdelay $0x1  }
0x103: {  	[tilespmem:$0x1FB30] =	vst v9;
	v9 =	vld [tilespmem:s15+$0x3400];
	_ =	sdelay $0x2  }
0x104: {  	[tilespmem:$0x1FAE0] =	vst v11;
	v11 =	vld [tilespmem:s15+$0x3030];
	_ =	sdelay $0x1  }
0x105: {  	[tilespmem:$0x1FB40] =	vst v9;
	v9 =	vperm.xlane v8, v5;
	_ =	sdelay $0x1  }
0x106: {  	v8 =	vadd.f32 v9, v8;
	v9 =	vld [tilespmem:s15+$0x3430]  }
0x107: {  	[tilespmem:$0x1FAF0] =	vst v11;
	v11 =	vld [tilespmem:s15+$0x3040];
	_ =	sdelay $0x3  }
0x108: {  	[tilespmem:$0x1FB70] =	vst v9;
	v9 =	vld [tilespmem:s15+$0x3440]  }
0x109: {  	[tilespmem:$0x1FB00] =	vst v11;
	v11 =	vld [tilespmem:s15+$0x3050];
	_ =	sdelay $0x3  }
0x10a: {  	[tilespmem:$0x1FB80] =	vst v9  }
0x10b: {  	v9 =	vperm.xlane v8, v6;
	[tilespmem:$0x1FB10] =	vst v11;
	v11 =	vld [tilespmem:s15+$0x3060];
	_ =	sdelay $0x1  }
0x10c: {  	v9 =	vadd.f32 v9, v8;
	v8 =	vld [tilespmem:s15+$0x3470];
	_ =	sdelay $0x2  }
0x10d: {  	[tilespmem:$0x1FB20] =	vst v11;
	v11 =	vld [tilespmem:s15+$0x3410];
	_ =	sdelay $0x1  }
0x10e: {  	[tilespmem:$0x1FBB0] =	vst v8;
	v8 =	vld [tilespmem:s15+$0x3800];
	_ =	sdelay $0x2  }
0x10f: {  	[tilespmem:$0x1FB50] =	vst v11;
	v11 =	vld [tilespmem:s15+$0x3420];
	_ =	sdelay $0x1  }
0x110: {  	[tilespmem:$0x1FBC0] =	vst v8;
	v8 =	vld [tilespmem:s15+$0x3810];
	_ =	sdelay $0x2  }
0x111: {  	[tilespmem:$0x1FB60] =	vst v11;
	v11 =	vld [tilespmem:s15+$0x3450]  }
0x112: {  	[tilespmem:$0x1F940] =	vst v10;
	v10 =	vld [tilespmem:$0x1F930]  }
0x113: {  	[tilespmem:$0x1FBD0] =	vst v8;
	v8 =	vld [tilespmem:$0x1FF80];
	_ =	sdelay $0x2  }
0x114: {  	[tilespmem:$0x1FB90] =	vst v11;
	v11 =	vld [tilespmem:s15+$0x3460];
	_ =	sdelay $0x1  }
0x115: {  	v10 =	vmul.f32 v10, v8;
	v8 =	vld [tilespmem:s15+$0x3820];
	_ =	sdelay $0x2  }
0x116: {  	[tilespmem:$0x1FBA0] =	vst v11;
	v11 =	vperm.xlane v9, v14;
	_ =	sdelay $0x1  }
0x117: {  	[tilespmem:$0x1FBE0] =	vst v8;
	v8 =	vadd.f32 v11, v9;
	v9 =	vld [tilespmem:s15+$0x3830];
	_ =	sdelay $0x2  }
0x118: {  	v52 =	vmul.f32 v52, v3;
	_ =	sdelay $0x1  }
0x119: {  	[tilespmem:$0x1FBF0] =	vst v9;
	v9 =	vadd.f32 v10, v52;
	v52 =	vld [tilespmem:$0x1F940];
	_ =	sdelay $0x4  }
0x11a: {  	v10 =	vmul.f32 v52, v16;
	v52 =	vld [tilespmem:s15+$0x3840];
	_ =	sdelay $0x3  }
0x11b: {  	[tilespmem:$0x1F950] =	vst v12  }
0x11c: {  	[tilespmem:$0x1FC00] =	vst v52;
	v52 =	vld [tilespmem:$0x1F950];
	_ =	sdelay $0x4  }
0x11d: {  	v9 =	vadd.f32 v10, v9;
	v10 =	vmul.f32 v52, v15;
	v52 =	vld [tilespmem:s15+$0x3870];
	_ =	sdelay $0x4  }
0x11e: {  	[tilespmem:$0x1FC30] =	vst v52;
	v52 =	vld [tilespmem:s15+$0x3C00];
	_ =	sdelay $0x4  }
0x11f: {  	[tilespmem:$0x1FC40] =	vst v52;
	v52 =	vld [tilespmem:$0x1FF40];
	_ =	sdelay $0x3  }
0x120: {  	v11 =	vperm.xlane v8, v4  }
0x121: {  	v9 =	vadd.f32 v10, v9;
	v10 =	vmul.f32 v13, v52;
	v13 =	vld [tilespmem:s15+$0x3C30]  }
0x122: {  	v8 =	vadd.f32 v11, v8;
	_ =	sdelay $0x1  }
0x123: {  	v52 =	vshra.s32 v8, $0x1  }
0x124: {  	v11 =	vsub.s32 $0x5F3759DF, v52;
	v52 =	vld [tilespmem:$0x1FF30]  }
0x125: {  	[tilespmem:$0x1FC70] =	vst v13;
	v13 =	vld [tilespmem:s15+$0x3C40]  }
0x126: {  	v12 =	vld [tilespmem:s15+$0x3850];
	_ =	sdelay $0x2  }
0x127: {  	v9 =	vadd.f32 v10, v9;
	v10 =	vmul.f32 v51, v52;
	v52 =	vld [tilespmem:$0x1FF20]  }
0x128: {  	[tilespmem:$0x1FC80] =	vst v13;
	v13 =	vld [tilespmem:$0x1F960]  }
0x129: {  	[tilespmem:$0x1FC10] =	vst v12;
	v12 =	vld [tilespmem:s15+$0x3860];
	_ =	sdelay $0x3  }
0x12a: {  	v9 =	vadd.f32 v10, v9;
	v10 =	vmul.f32 v13, v52;
	v13 =	vld [tilespmem:s15+$0x3C50]  }
0x12b: {  	[tilespmem:$0x1FC20] =	vst v12;
	v12 =	vld [tilespmem:s15+$0x3C10];
	_ =	sdelay $0x3  }
0x12c: {  	[tilespmem:$0x1FC90] =	vst v13;
	v13 =	vld [tilespmem:s15+$0x3C60]  }
0x12d: {  	[tilespmem:$0x1FC50] =	vst v12;
	v12 =	vld [tilespmem:s15+$0x3C20];
	_ =	sdelay $0x2  }
0x12e: {  	v8 =	vmul.f32 $5.000000000e-01, v8;
	v51 =	vld [tilespmem:$0x1FF10]  }
0x12f: {  	s1 =	sand.u32 $0x7000, s1;
	s0 =	sand.u32 $0x380, s0;
	[tilespmem:$0x1FCA0] =	vst v13;
	v13 =	vld [tilespmem:$0x1F970]  }
0x130: {  	s1 =	sor.u32 s0, s1;
	[tilespmem:$0x1FC60] =	vst v12;
	v12 =	vmul.f32 v11, v8  }
0x131: {  	v2 =	vadd.f32 v2, v7;
	v7 =	vld [tilespmem:s1+$0x3000]  }
0x132: {  	v12 =	vmul.f32 v11, v12  }
0x133: {  	v1 =	vmul.f32 v54, v1;
	v54 =	vld [tilespmem:s1+$0x3030]  }
0x134: {  	v12 =	vsub.f32 $1.500000000e+00, v12;
	v9 =	vadd.f32 v10, v9;
	v10 =	vmul.f32 v13, v51;
	_ =	sdelay $0x1  }
0x135: {  	[tilespmem:$0x1FCC0] =	vst v7;
	v7 =	vadd.f32 v10, v9;
	v9 =	vmul.f32 v11, v12;
	v11 =	vmul.f32 v1, v0;
	_ =	sdelay $0x1  }
0x136: {  	[tilespmem:$0x1FCF0] =	vst v54;
	v10 =	vperm.xlane v2, v5;
	v54 =	vmul.f32 v11, v1  }
0x137: {  	v51 =	vld [tilespmem:s1+$0x3040]  }
0x138: {  	v2 =	vadd.f32 v2, v10;
	v10 =	vsub.f32 $1.500000000e+00, v54;
	_ =	sdelay $0x1  }
0x139: {  	v1 =	vmul.f32 v10, v1;
	_ =	sdelay $0x1  }
0x13a: {  	[tilespmem:$0x1FD00] =	vst v51;
	v51 =	vmul.f32 v1, v0;
	v0 =	vld [tilespmem:s1+$0x3420];
	_ =	sdelay $0x4  }
0x13b: {  	[tilespmem:$0x1FD60] =	vst v0;
	v0 =	vld [tilespmem:s1+$0x3430];
	_ =	sdelay $0x4  }
0x13c: {  	[tilespmem:$0x1FD70] =	vst v0;
	v0 =	vld [tilespmem:s1+$0x3440];
	_ =	sdelay $0x4  }
0x13d: {  	[tilespmem:$0x1FD80] =	vst v0;
	v0 =	vld [tilespmem:s1+$0x3450];
	_ =	sdelay $0x4  }
0x13e: {  	[tilespmem:$0x1FD90] =	vst v0;
	v0 =	vld [tilespmem:s1+$0x3460];
	_ =	sdelay $0x4  }
0x13f: {  	[tilespmem:$0x1FDA0] =	vst v0;
	v0 =	vld [tilespmem:s1+$0x3470];
	_ =	sdelay $0x4  }
0x140: {  	[tilespmem:$0x1FDB0] =	vst v0;
	v0 =	vld [tilespmem:s1+$0x3800];
	_ =	sdelay $0x4  }
0x141: {  	[tilespmem:$0x1FDC0] =	vst v0;
	v0 =	vld [tilespmem:s1+$0x3810];
	_ =	sdelay $0x4  }
0x142: {  	[tilespmem:$0x1FDD0] =	vst v0;
	v0 =	vld [tilespmem:s1+$0x3820];
	_ =	sdelay $0x4  }
0x143: {  	[tilespmem:$0x1FDE0] =	vst v0;
	v0 =	vld [tilespmem:s1+$0x3830];
	_ =	sdelay $0x4  }
0x144: {  	[tilespmem:$0x1FDF0] =	vst v0;
	v0 =	vld [tilespmem:s1+$0x3840];
	_ =	sdelay $0x4  }
0x145: {  	[tilespmem:$0x1FE00] =	vst v0;
	v0 =	vld [tilespmem:s1+$0x3850];
	_ =	sdelay $0x4  }
0x146: {  	[tilespmem:$0x1FE10] =	vst v0;
	v0 =	vld [tilespmem:s1+$0x3860];
	_ =	sdelay $0x4  }
0x147: {  	[tilespmem:$0x1FE20] =	vst v0;
	v0 =	vld [tilespmem:s1+$0x3870];
	_ =	sdelay $0x4  }
0x148: {  	[tilespmem:$0x1FE30] =	vst v0;
	v0 =	vld [tilespmem:s1+$0x3C00];
	_ =	sdelay $0x4  }
0x149: {  	[tilespmem:$0x1FE40] =	vst v0;
	v0 =	vld [tilespmem:s1+$0x3C10];
	_ =	sdelay $0x4  }
0x14a: {  	[tilespmem:$0x1FE50] =	vst v0;
	v0 =	vld [tilespmem:s1+$0x3C20];
	_ =	sdelay $0x4  }
0x14b: {  	[tilespmem:$0x1FE60] =	vst v0;
	v0 =	vld [tilespmem:s1+$0x3C30]  }
0x14c: {  	v13 =	vld [tilespmem:s1+$0x3C70]  }
0x14d: {  	v12 =	vld [tilespmem:s1+$0x3020]  }
0x14e: {  	v52 =	vld [tilespmem:s1+$0x3010];
	_ =	sdelay $0x1  }
0x14f: {  	[tilespmem:$0x1FE70] =	vst v0;
	v0 =	vld [tilespmem:s1+$0x3C40]  }
0x150: {  	[tilespmem:$0x1FCB0] =	vst v13;
	v13 =	vmul.f32 v9, v8  }
0x151: {  	[tilespmem:$0x1FCE0] =	vst v12;
	v12 =	vperm.xlane v7, v5  }
0x152: {  	[tilespmem:$0x1FCD0] =	vst v52;
	v52 =	vmul.f32 v13, v9;
	v13 =	vld [tilespmem:s1+$0x3060]  }
0x153: {  	v7 =	vadd.f32 v7, v12;
	v12 =	vld [tilespmem:s1+$0x3050]  }
0x154: {  	[tilespmem:$0x1FE80] =	vst v0;
	v0 =	vld [tilespmem:s1+$0x3C50];
	_ =	sdelay $0x2  }
0x155: {  	v11 =	vsub.f32 $1.500000000e+00, v52;
	v52 =	vld [tilespmem:s1+$0x3400];
	[tilespmem:$0x1FD20] =	vst v13  }
0x156: {  	[tilespmem:$0x1FD10] =	vst v12;
	v12 =	vperm.xlane v2, v6  }
0x157: {  	v13 =	vperm.xlane v7, v6;
	[tilespmem:$0x1FEA0] =	vst v0;
	v0 =	vld [tilespmem:s1+$0x3C60]  }
0x158: {  	v9 =	vmul.f32 v11, v9;
	v2 =	vadd.f32 v2, v12  }
0x159: {  	v7 =	vadd.f32 v7, v13  }
0x15a: {  	v8 =	vmul.f32 v9, v8;
	[tilespmem:$0x1FD40] =	vst v52;
	v52 =	vperm.xlane v2, v14  }
0x15b: {  	v12 =	vperm.xlane v7, v14  }
0x15c: {  	v10 =	vmul.f32 v51, v1;
	v8 =	vmul.f32 v8, v9;
	v2 =	vadd.f32 v2, v52;
	[tilespmem:$0x1FEC0] =	vst v0;
	v0 =	vld [tilespmem:$0x1F980]  }
0x15d: {  	v7 =	vadd.f32 v7, v12  }
0x15e: {  	v10 =	vsub.f32 $1.500000000e+00, v10;
	v8 =	vsub.f32 $1.500000000e+00, v8;
	v11 =	vperm.xlane v2, v4  }
0x15f: {  	v12 =	vperm.xlane v7, v4;
	v52 =	vld [tilespmem:$0x1FF00]  }
0x160: {  	v1 =	vmul.f32 v10, v1;
	v8 =	vmul.f32 v8, v9;
	v2 =	vadd.f32 v2, v11  }
0x161: {  	v9 =	vadd.f32 v56, v42;
	v7 =	vadd.f32 v7, v12;
	v56 =	vmul.f32 v49, v0;
	v0 =	vld [tilespmem:$0x1F990]  }
0x162: {  	v1 =	vmul.f32 v1, v2  }
0x163: {  	v2 =	vmul.f32 v8, v7  }
0x164: {  	v1 =	vmul.f32 v1, v52  }
0x165: {  	v2 =	vmul.f32 v2, v52  }
0x166: {  	v10 =	vadd.f32 v57, v41;
	v1 =	vmul.f32 $1.442695020e+00, v1;
	v57 =	vmul.f32 v49, v0;
	v0 =	vld [tilespmem:$0x1F9A0]  }
0x167: {  	v2 =	vmul.f32 $1.442695020e+00, v2  }
0x168: {  	(erf) = vpow2.f32 v1  }
0x169: {  	(erf) = vpow2.f32 v2;
	v2 =	vmul.f32 v49, v63  }
0x16a: {  	v54 =	vld [tilespmem:s1+$0x3070]  }
0x16b: {  	v13 =	vadd.f32 v2, v40;
	v2 =	vmul.f32 v49, v58;
	v58 =	vmul.f32 v49, v0;
	v0 =	vld [tilespmem:$0x1F9B0];
	_ =	sdelay $0x3  }
0x16c: {  	[tilespmem:$0x1FD30] =	vst v54;
	v54 =	vld [tilespmem:s1+$0x3410]  }
0x16d: {  	v8 =	vadd.f32 v55, v43;
	v55 =	vmul.f32 v49, v59;
	v59 =	vmul.f32 v49, v0;
	v0 =	vld [tilespmem:$0x1F9C0]  }
0x16e: {  	s31 =	smul.u32 $0x60, s30;
	_ =	sdelay $0x1  }
0x16f: {  	s24 =	sadd.s32 s31, s10  }
0x170: {  	s25 =	sshll.u32 s24, $0x4;
	[tilespmem:$0x1FD50] =	vst v54;
	v54 =	vmul.f32 v49, v62  }
0x171: {  	s0 =	simm.s32 $0x0;
	s26 =	sadd.s32 s2, s25;
	s15 =	sshll.u32 s24, $0x6;
	v12 =	vmul.f32 v49, v60;
	v60 =	vmul.f32 v49, v0;
	v0 =	vld [tilespmem:$0x1F9D0]  }
0x172: {  	[tilespmem:s0], [sflag:$0x1] =	stream.linear.gather [hbm4b:s26+s0], $0x1800, $0x38;
	[tilespmem:$0xF300] =	vst v63  }
0x173: {  	v11 =	vadd.f32 v54, v39;
	v39 =	vadd.f32 v2, v37;
	v2 =	vpop (erf);
	s1 =	sadd.s32 s5, s15  }
0x174: {  	v37 =	vpop (erf);
	[tilespmem:s17], [sflag:$0x2] =	stream.linear.gather [hbm4b:s1+s0], $0x6000, $0x38;
	[tilespmem:$0xF300] =	vst v63  }
0x175: {  	_ =	swait.ge [sflag:s22], $0x1800  }
0x176: {  	v1 =	vadd.f32 v61, v45;
	v61 =	vmul.f32 v49, v0;
	v0 =	vld [tilespmem:$0x1F9E0];
	_ =	sdelay $0x4  }
0x177: {  	v62 =	vmul.f32 v49, v0;
	v0 =	vld [tilespmem:$0x1F9F0];
	_ =	sdelay $0x4  }
0x178: {  	v41 =	vadd.f32 v61, v30;
	v30 =	vmul.f32 v49, v0;
	v0 =	vld [tilespmem:$0x1FA00];
	_ =	sdelay $0x4  }
0x179: {  	v40 =	vadd.f32 v60, v31;
	v31 =	vmul.f32 v0, v49;
	v0 =	vld [tilespmem:$0x1FA10];
	_ =	sdelay $0x1  }
0x17a: {  	[sflag:s22] =	ssyncset.done $0x0  }
0x17b: {  	[sflag:s22] =	ssyncadd.s32 $0xFFFFE800  }
0x17c: {  	_ =	swait.ge [sflag:s23], $0x6000  }
0x17d: {  	v63 =	vmul.f32 v0, v49;
	v0 =	vld [tilespmem:$0x1FA20];
	_ =	sdelay $0x4  }
0x17e: {  	v42 =	vadd.f32 v30, v28;
	v28 =	vmul.f32 v0, v49;
	v0 =	vld [tilespmem:$0x1FA30];
	_ =	sdelay $0x4  }
0x17f: {  	v30 =	vmul.f32 v0, v49;
	v0 =	vld [tilespmem:$0x1FA40];
	_ =	sdelay $0x4  }
0x180: {  	v12 =	vadd.f32 v12, v38;
	v38 =	vadd.f32 v63, v26;
	v26 =	vmul.f32 v0, v49;
	v0 =	vld [tilespmem:$0x1FA50];
	_ =	sdelay $0x4  }
0x181: {  	v7 =	vadd.f32 v53, v44;
	v44 =	vadd.f32 v30, v24;
	v24 =	vmul.f32 v0, v49;
	v0 =	vld [tilespmem:$0x1FA60];
	_ =	sdelay $0x4  }
0x182: {  	v23 =	vadd.f32 v26, v23;
	v26 =	vmul.f32 v0, v49;
	v0 =	vld [tilespmem:$0x1FA70];
	_ =	sdelay $0x4  }
0x183: {  	v43 =	vadd.f32 v31, v27;
	v27 =	vmul.f32 v0, v49;
	v0 =	vld [tilespmem:$0x1FA80];
	_ =	sdelay $0x4  }
0x184: {  	v53 =	vadd.f32 v24, v22;
	v22 =	vmul.f32 v0, v49;
	v0 =	vld [tilespmem:$0x1FA90];
	_ =	sdelay $0x4  }
0x185: {  	v24 =	vmul.f32 v0, v49;
	v0 =	vld [tilespmem:$0x1FAA0];
	_ =	sdelay $0x4  }
0x186: {  	v54 =	vadd.f32 v26, v20;
	v20 =	vmul.f32 v0, v49;
	v0 =	vld [tilespmem:$0x1FAB0];
	_ =	sdelay $0x4  }
0x187: {  	v35 =	vadd.f32 v56, v35;
	v56 =	vadd.f32 v24, v18;
	v18 =	vmul.f32 v0, v2;
	v0 =	vld [tilespmem:$0x1FAC0];
	_ =	sdelay $0x4  }
0x188: {  	v34 =	vadd.f32 v57, v34;
	v57 =	vadd.f32 v20, v17;
	v17 =	vmul.f32 v2, v0;
	v0 =	vld [tilespmem:$0x1FAD0];
	_ =	sdelay $0x4  }
0x189: {  	v20 =	vmul.f32 v2, v0;
	v0 =	vld [tilespmem:$0x1FAE0];
	_ =	sdelay $0x4  }
0x18a: {  	v48 =	vadd.f32 v17, v48;
	v17 =	vmul.f32 v2, v0;
	v0 =	vld [tilespmem:$0x1FAF0];
	_ =	sdelay $0x4  }
0x18b: {  	v19 =	vadd.f32 v22, v19;
	v22 =	vmul.f32 v2, v0;
	v0 =	vld [tilespmem:$0x1FB00]  }
0x18c: {  	[sflag:s23] =	ssyncset.done $0x0  }
0x18d: {  	s24 =	simm.s32 $0x0;
	[sflag:s23] =	ssyncadd.s32 $0xFFFFA000  }
0x18e: {  	v45 =	vld [tilespmem:s24+$0x1800]  }
0x18f: {  	v51 =	vld [tilespmem:s24+$0x1810]  }
0x190: {  	v60 =	vadd.f32 v17, v1;
	v1 =	vmul.f32 v2, v0;
	v0 =	vld [tilespmem:$0x1FB10];
	_ =	sdelay $0x1  }
0x191: {  	v49 =	vld [tilespmem:s24+$0x1820]  }
0x192: {  	v36 =	vadd.f32 v55, v36  }
0x193: {  	v33 =	vadd.f32 v58, v33;
	v58 =	vld [tilespmem:s24+$0x1830];
	v55 =	vadd.f32 v27, v21;
	v21 =	vmul.f32 v51, v51  }
0x194: {  	v47 =	vadd.f32 v18, v47;
	v18 =	vmul.f32 v45, v45;
	v17 =	vmul.f32 v2, v0;
	v0 =	vld [tilespmem:$0x1FB20]  }
0x195: {  	v32 =	vadd.f32 v59, v32;
	v59 =	vld [tilespmem:s24+$0x1840]  }
0x196: {  	v18 =	vadd.f32 v21, v18;
	v50 =	vadd.f32 v20, v50;
	v20 =	vmul.f32 v49, v49  }
0x197: {  	v29 =	vadd.f32 v62, v29  }
0x198: {  	v62 =	vld [tilespmem:s24+$0x1850];
	v61 =	vadd.f32 v22, v7;
	v7 =	vadd.f32 v20, v18;
	v18 =	vmul.f32 v58, v58  }
0x199: {  	v63 =	vadd.f32 v1, v8;
	v1 =	vmul.f32 v2, v0;
	v0 =	vld [tilespmem:$0x1FB30]  }
0x19a: {  	v7 =	vadd.f32 v18, v7;
	v9 =	vadd.f32 v17, v9;
	v17 =	vmul.f32 v59, v59;
	_ =	sdelay $0x1  }
0x19b: {  	v7 =	vadd.f32 v17, v7;
	v17 =	vld [tilespmem:$0x1FB50];
	_ =	sdelay $0x1  }
0x19c: {  	v18 =	vmul.f32 v62, v62;
	v8 =	vmul.f32 v2, v0;
	v0 =	vld [tilespmem:s24+$0x1860];
	_ =	sdelay $0x1  }
0x19d: {  	v7 =	vadd.f32 v18, v7;
	v18 =	vld [tilespmem:$0x1FB80]  }
0x19e: {  	v17 =	vmul.f32 v2, v17;
	_ =	sdelay $0x1  }
0x19f: {  	v12 =	vadd.f32 v17, v12;
	v17 =	vmul.f32 v0, v0;
	_ =	sdelay $0x1  }
0x1a0: {  	v18 =	vmul.f32 v2, v18;
	v7 =	vadd.f32 v17, v7;
	v17 =	vld [tilespmem:$0x1FB90];
	_ =	sdelay $0x1  }
0x1a1: {  	v35 =	vadd.f32 v18, v35;
	v18 =	vld [tilespmem:$0x1FBA0];
	_ =	sdelay $0x2  }
0x1a2: {  	v17 =	vmul.f32 v2, v17;
	_ =	sdelay $0x1  }
0x1a3: {  	v18 =	vmul.f32 v2, v18;
	v34 =	vadd.f32 v17, v34;
	v17 =	vld [tilespmem:$0x1FBC0];
	_ =	sdelay $0x1  }
0x1a4: {  	v30 =	vadd.f32 v18, v33;
	v18 =	vld [tilespmem:$0x1FBD0];
	_ =	sdelay $0x2  }
0x1a5: {  	v17 =	vmul.f32 v2, v17  }
0x1a6: {  	v21 =	vld [tilespmem:$0x1FBB0]  }
0x1a7: {  	v18 =	vmul.f32 v2, v18;
	v26 =	vadd.f32 v17, v40;
	v17 =	vld [tilespmem:$0x1FBE0]  }
0x1a8: {  	v20 =	vld [tilespmem:$0x1FB70]  }
0x1a9: {  	v27 =	vadd.f32 v18, v41;
	v18 =	vld [tilespmem:$0x1FBF0]  }
0x1aa: {  	v13 =	vadd.f32 v8, v13;
	v8 =	vld [tilespmem:s24+$0x1870];
	_ =	sdelay $0x1  }
0x1ab: {  	v17 =	vmul.f32 v2, v17  }
0x1ac: {  	v21 =	vmul.f32 v2, v21;
	v20 =	vmul.f32 v2, v20  }
0x1ad: {  	v25 =	vadd.f32 v28, v25;
	v18 =	vmul.f32 v2, v18;
	v28 =	vadd.f32 v17, v29;
	v17 =	vld [tilespmem:$0x1FC10]  }
0x1ae: {  	v31 =	vadd.f32 v21, v32;
	v21 =	vld [tilespmem:$0x1FC00];
	v36 =	vadd.f32 v20, v36;
	v20 =	vmul.f32 v8, v8  }
0x1af: {  	v29 =	vadd.f32 v18, v42;
	v18 =	vld [tilespmem:$0x1FC20]  }
0x1b0: {  	v7 =	vadd.f32 v20, v7;
	_ =	sdelay $0x1  }
0x1b1: {  	v20 =	vperm.xlane v7, v5;
	v17 =	vmul.f32 v17, v2  }
0x1b2: {  	v21 =	vmul.f32 v21, v2  }
0x1b3: {  	v7 =	vadd.f32 v20, v7;
	v18 =	vmul.f32 v18, v2;
	v20 =	vadd.f32 v17, v38;
	v17 =	vld [tilespmem:$0x1FC30];
	_ =	sdelay $0x1  }
0x1b4: {  	v24 =	vadd.f32 v21, v43;
	v21 =	vadd.f32 v18, v25;
	v25 =	vld [tilespmem:$0x1FC50];
	_ =	sdelay $0x2  }
0x1b5: {  	v17 =	vmul.f32 v17, v2  }
0x1b6: {  	v18 =	vld [tilespmem:$0x1FC40]  }
0x1b7: {  	v43 =	vmul.f32 v25, v2;
	v25 =	vadd.f32 v17, v44;
	v17 =	vld [tilespmem:$0x1FC60];
	_ =	sdelay $0x3  }
0x1b8: {  	v22 =	vperm.xlane v7, v6  }
0x1b9: {  	v18 =	vmul.f32 v18, v2;
	v17 =	vmul.f32 v17, v2  }
0x1ba: {  	v7 =	vadd.f32 v22, v7  }
0x1bb: {  	v22 =	vadd.f32 v18, v23;
	v23 =	vld [tilespmem:$0x1FC70];
	v17 =	vadd.f32 v17, v54;
	_ =	sdelay $0x1  }
0x1bc: {  	[tilespmem:$0x1FE90] =	vst v17;
	v17 =	vld [tilespmem:$0x1FC80];
	_ =	sdelay $0x2  }
0x1bd: {  	v23 =	vmul.f32 v23, v2;
	_ =	sdelay $0x1  }
0x1be: {  	v54 =	vmul.f32 v17, v2;
	v17 =	vadd.f32 v23, v55  }
0x1bf: {  	v10 =	vadd.f32 v1, v10;
	v1 =	vld [tilespmem:$0x1FB40]  }
0x1c0: {  	[tilespmem:$0x1FEB0] =	vst v17;
	v17 =	vld [tilespmem:$0x1FF80];
	_ =	sdelay $0x3  }
0x1c1: {  	v1 =	vmul.f32 v2, v1  }
0x1c2: {  	v23 =	vmul.f32 v45, v3;
	v41 =	vmul.f32 v51, v17  }
0x1c3: {  	v1 =	vadd.f32 v1, v11;
	v11 =	vld [tilespmem:$0x1FB60]  }
0x1c4: {  	v42 =	vmul.f32 v49, v16;
	v18 =	vadd.f32 v43, v53;
	v43 =	vld [tilespmem:$0x1FCA0];
	v23 =	vadd.f32 v41, v23  }
0x1c5: {  	v40 =	vperm.xlane v7, v14;
	v51 =	vadd.f32 v54, v19;
	v19 =	vld [tilespmem:$0x1FC90]  }
0x1c6: {  	v32 =	vadd.f32 v42, v23;
	v23 =	vld [tilespmem:$0x1FCB0]  }
0x1c7: {  	v7 =	vadd.f32 v40, v7;
	_ =	sdelay $0x1  }
0x1c8: {  	v11 =	vmul.f32 v2, v11;
	v44 =	vperm.xlane v7, v4  }
0x1c9: {  	v53 =	vadd.f32 v2, v46;
	v19 =	vmul.f32 v19, v2;
	v2 =	vmul.f32 v43, v2  }
0x1ca: {  	v45 =	vmul.f32 v23, v37  }
0x1cb: {  	v23 =	vadd.f32 v2, v57;
	v2 =	vadd.f32 v44, v7  }
0x1cc: {  	v7 =	vadd.f32 v45, v47  }
0x1cd: {  	v49 =	vshra.s32 v2, $0x1;
	v43 =	vmul.f32 $5.000000000e-01, v2;
	v2 =	vld [tilespmem:$0x1FCC0]  }
0x1ce: {  	[tilespmem:$0x1FED0] =	vst v7;
	v7 =	vld [tilespmem:$0x1FF40];
	_ =	sdelay $0x2  }
0x1cf: {  	v46 =	vmul.f32 v58, v15;
	_ =	sdelay $0x1  }
0x1d0: {  	v32 =	vadd.f32 v46, v32;
	v2 =	vmul.f32 v37, v2;
	v47 =	vmul.f32 v59, v7;
	_ =	sdelay $0x1  }
0x1d1: {  	v33 =	vadd.f32 v47, v32;
	v32 =	vadd.f32 v2, v48;
	v2 =	vld [tilespmem:$0x1FCE0];
	_ =	sdelay $0x2  }
0x1d2: {  	v59 =	vld [tilespmem:$0x1FF30];
	_ =	sdelay $0x1  }
0x1d3: {  	v57 =	vmul.f32 v37, v2;
	v2 =	vld [tilespmem:$0x1FF20]  }
0x1d4: {  	v54 =	vld [tilespmem:$0x1FCD0]  }
0x1d5: {  	v41 =	vsub.s32 $0x5F3759DF, v49;
	v48 =	vld [tilespmem:$0x1FF10]  }
0x1d6: {  	v19 =	vadd.f32 v19, v56;
	v56 =	vmul.f32 v41, v43;
	v55 =	vmul.f32 v62, v59;
	_ =	sdelay $0x1  }
0x1d7: {  	v45 =	vld [tilespmem:$0x1FD00];
	v58 =	vmul.f32 v41, v56;
	v33 =	vadd.f32 v55, v33;
	v0 =	vmul.f32 v0, v2  }
0x1d8: {  	v11 =	vadd.f32 v11, v39;
	v39 =	vmul.f32 v37, v54;
	v44 =	vld [tilespmem:$0x1FCF0]  }
0x1d9: {  	v56 =	vld [tilespmem:$0x1FD20];
	v49 =	vsub.f32 $1.500000000e+00, v58;
	v8 =	vmul.f32 v8, v48;
	v0 =	vadd.f32 v0, v33  }
0x1da: {  	v62 =	vadd.f32 v39, v50;
	v50 =	vld [tilespmem:$0x1FD10]  }
0x1db: {  	v0 =	vadd.f32 v8, v0;
	v8 =	vmul.f32 v41, v49;
	v49 =	vld [tilespmem:$0x1FD50]  }
0x1dc: {  	v46 =	vmul.f32 v37, v45  }
0x1dd: {  	v39 =	vmul.f32 v37, v44  }
0x1de: {  	v38 =	vadd.f32 v46, v63;
	v33 =	vmul.f32 v37, v56;
	v63 =	vmul.f32 v8, v43  }
0x1df: {  	v40 =	vadd.f32 v39, v61;
	v39 =	vmul.f32 v37, v50  }
0x1e0: {  	v58 =	vld [tilespmem:$0x1FD40];
	v44 =	vadd.f32 v33, v10;
	v50 =	vmul.f32 v63, v8;
	v33 =	vmul.f32 v37, v49;
	_ =	sdelay $0x1  }
0x1e1: {  	v42 =	vadd.f32 v33, v12;
	v12 =	vsub.f32 $1.500000000e+00, v50  }
0x1e2: {  	v61 =	vperm.xlane v0, v5  }
0x1e3: {  	v8 =	vmul.f32 v12, v8;
	v12 =	vld [tilespmem:$0x1FD70]  }
0x1e4: {  	v47 =	vadd.f32 v57, v60;
	v60 =	vmul.f32 v37, v58;
	v0 =	vadd.f32 v0, v61  }
0x1e5: {  	s25 =	simm.s32 $0x80;
	v57 =	vld [tilespmem:$0x1FD30]  }
0x1e6: {  	v54 =	vld [tilespmem:s25+$0x1800];
	v45 =	vadd.f32 v60, v1;
	v60 =	vperm.xlane v0, v6  }
0x1e7: {  	v55 =	vld [tilespmem:s25+$0x1810]  }
0x1e8: {  	v0 =	vadd.f32 v0, v60;
	v12 =	vmul.f32 v37, v12  }
0x1e9: {  	v56 =	vld [tilespmem:s25+$0x1820];
	v41 =	vadd.f32 v39, v9  }
0x1ea: {  	v9 =	vmul.f32 v37, v57;
	v61 =	vld [tilespmem:$0x1FD60];
	v46 =	vadd.f32 v12, v36;
	v12 =	vperm.xlane v0, v14  }
0x1eb: {  	v48 =	vmul.f32 v54, v54;
	v10 =	vld [tilespmem:s25+$0x1830]  }
0x1ec: {  	v39 =	vadd.f32 v9, v13;
	v13 =	vmul.f32 v55, v55;
	v0 =	vadd.f32 v0, v12;
	v12 =	vld [tilespmem:$0x1FD90]  }
0x1ed: {  	v57 =	vld [tilespmem:s25+$0x1840]  }
0x1ee: {  	v58 =	vmul.f32 v56, v56;
	v1 =	vadd.f32 v13, v48;
	v13 =	vld [tilespmem:s25+$0x1850]  }
0x1ef: {  	v60 =	vld [tilespmem:$0x1FD80];
	v9 =	vmul.f32 v37, v61;
	v50 =	vmul.f32 v8, v43  }
0x1f0: {  	v63 =	vmul.f32 v10, v10;
	v1 =	vadd.f32 v58, v1  }
0x1f1: {  	v58 =	vld [tilespmem:s25+$0x1860];
	v48 =	vadd.f32 v9, v11;
	v11 =	vmul.f32 v50, v8;
	v12 =	vmul.f32 v37, v12  }
0x1f2: {  	v49 =	vmul.f32 v57, v57;
	v1 =	vadd.f32 v63, v1;
	v43 =	vld [tilespmem:$0x1FDB0]  }
0x1f3: {  	v11 =	vsub.f32 $1.500000000e+00, v11;
	v50 =	vadd.f32 v12, v34;
	v12 =	vperm.xlane v0, v4  }
0x1f4: {  	v61 =	vmul.f32 v13, v13;
	v1 =	vadd.f32 v49, v1;
	v9 =	vmul.f32 v37, v60;
	v36 =	vld [tilespmem:$0x1FDA0]  }
0x1f5: {  	v63 =	vld [tilespmem:s25+$0x1870];
	v8 =	vmul.f32 v11, v8;
	v0 =	vadd.f32 v0, v12  }
0x1f6: {  	v1 =	vadd.f32 v61, v1;
	v61 =	vld [tilespmem:$0x1FDC0];
	v49 =	vadd.f32 v9, v35;
	v35 =	vmul.f32 v58, v58  }
0x1f7: {  	v33 =	vmul.f32 v37, v43;
	v0 =	vmul.f32 v8, v0;
	v8 =	vld [tilespmem:$0x1FDD0];
	_ =	sdelay $0x1  }
0x1f8: {  	v1 =	vadd.f32 v35, v1;
	v35 =	vadd.f32 v33, v31;
	v33 =	vld [tilespmem:$0x1FDE0];
	v9 =	vmul.f32 v37, v36  }
0x1f9: {  	v60 =	vmul.f32 v63, v63  }
0x1fa: {  	v43 =	vadd.f32 v9, v30;
	v9 =	vmul.f32 v37, v61  }
0x1fb: {  	v1 =	vadd.f32 v60, v1;
	v8 =	vmul.f32 v37, v8  }
0x1fc: {  	v36 =	vadd.f32 v9, v26  }
0x1fd: {  	v60 =	vld [tilespmem:$0x1FE20];
	v9 =	vmul.f32 v37, v33;
	v33 =	vadd.f32 v8, v27;
	v8 =	vperm.xlane v1, v5  }
0x1fe: {  	v0 =	vmul.f32 v0, v52;
	v52 =	vld [tilespmem:$0x1FE00]  }
0x1ff: {  	v1 =	vadd.f32 v8, v1;
	v8 =	vld [tilespmem:$0x1FE10]  }
0x200: {  	v27 =	vld [tilespmem:$0x1FEA0];
	_ =	sdelay $0x1  }
0x201: {  	v61 =	vld [tilespmem:$0x1FE30]  }
0x202: {  	v34 =	vld [tilespmem:$0x1FDF0];
	v31 =	vadd.f32 v9, v28;
	v9 =	vmul.f32 v52, v37  }
0x203: {  	v12 =	vld [tilespmem:$0x1FE70];
	v8 =	vmul.f32 v8, v37  }
0x204: {  	v26 =	vadd.f32 v9, v24;
	v9 =	vmul.f32 v60, v37;
	v60 =	vmul.f32 v27, v37;
	v27 =	vld [tilespmem:$0x1FEB0]  }
0x205: {  	v20 =	vadd.f32 v8, v20;
	v8 =	vld [tilespmem:$0x1FE40];
	_ =	sdelay $0x1  }
0x206: {  	v11 =	vmul.f32 v37, v34  }
0x207: {  	v12 =	vmul.f32 v12, v37;
	v0 =	vmul.f32 $1.442695020e+00, v0  }
0x208: {  	v34 =	vld [tilespmem:$0x1FE50];
	v29 =	vadd.f32 v11, v29;
	v11 =	vmul.f32 v61, v37  }
0x209: {  	(erf) = vpow2.f32 v0;
	v27 =	vadd.f32 v12, v27;
	v12 =	vld [tilespmem:$0x1FEC0];
	v8 =	vmul.f32 v8, v37  }
0x20a: {  	v52 =	vld [tilespmem:$0x1FE60];
	v0 =	vperm.xlane v1, v6;
	v24 =	vadd.f32 v9, v21  }
0x20b: {  	s26 =	sand.u32 $0x7000, s0;
	s0 =	sand.u32 $0x380, s0;
	v21 =	vadd.f32 v11, v25;
	v25 =	vadd.f32 v8, v22;
	v8 =	vld [tilespmem:$0x1FE80]  }
0x20c: {  	s1 =	sor.u32 s0, s26;
	v0 =	vadd.f32 v0, v1;
	v22 =	vld [tilespmem:$0x1FE90]  }
0x20d: {  	v54 =	vmul.f32 v54, v3;
	v17 =	vmul.f32 v55, v17;
	v30 =	vld [tilespmem:s1+$0x9C70]  }
0x20e: {  	v61 =	vld [tilespmem:s1+$0x9000];
	v1 =	vadd.f32 v37, v53;
	v53 =	vperm.xlane v0, v14;
	v12 =	vmul.f32 v12, v37  }
0x20f: {  	v9 =	vmul.f32 v34, v37;
	v34 =	vld [tilespmem:s1+$0x9020];
	v11 =	vmul.f32 v52, v37;
	v19 =	vadd.f32 v60, v19  }
0x210: {  	v52 =	vld [tilespmem:s1+$0x9070];
	v0 =	vadd.f32 v53, v0;
	v23 =	vadd.f32 v12, v23;
	v8 =	vmul.f32 v8, v37  }
0x211: {  	v60 =	vmul.f32 v57, v7;
	v7 =	vld [tilespmem:$0x1FED0];
	v22 =	vadd.f32 v11, v22;
	v11 =	vadd.f32 v17, v54  }
0x212: {  	v12 =	vld [tilespmem:s1+$0x9030];
	v17 =	vmul.f32 v56, v16;
	v37 =	vpop (erf);
	v28 =	vadd.f32 v8, v51;
	v8 =	vperm.xlane v0, v4  }
0x213: {  	v18 =	vadd.f32 v9, v18;
	v56 =	vld [tilespmem:s1+$0x9010];
	v9 =	vmul.f32 v37, v61  }
0x214: {  	v10 =	vmul.f32 v10, v15;
	v11 =	vadd.f32 v17, v11;
	v51 =	vld [tilespmem:s1+$0x9050];
	v0 =	vadd.f32 v8, v0  }
0x215: {  	v17 =	vadd.f32 v37, v1;
	v32 =	vadd.f32 v9, v32;
	v9 =	vmul.f32 v58, v2;
	v8 =	vld [tilespmem:s1+$0x9040]  }
0x216: {  	v2 =	vld [tilespmem:$0x1FF10];
	v10 =	vadd.f32 v10, v11;
	v61 =	vshra.s32 v0, $0x1;
	v1 =	vmul.f32 $5.000000000e-01, v0  }
0x217: {  	v30 =	vmul.f32 v30, v37;
	v57 =	vmul.f32 v37, v34;
	v0 =	vld [tilespmem:s1+$0x9060];
	v53 =	vsub.s32 $0x5F3759DF, v61  }
0x218: {  	v11 =	vmul.f32 v13, v59;
	v59 =	vld [tilespmem:s1+$0x9400];
	v10 =	vadd.f32 v60, v10;
	v13 =	vmul.f32 v53, v1  }
0x219: {  	v54 =	vmul.f32 v37, v12;
	v30 =	vadd.f32 v30, v7;
	v55 =	vmul.f32 v37, v56;
	v56 =	vld [tilespmem:s1+$0x9420]  }
0x21a: {  	v60 =	vld [tilespmem:s1+$0x9410];
	v7 =	vmul.f32 v37, v8;
	v8 =	vadd.f32 v11, v10;
	v10 =	vmul.f32 v53, v13  }
0x21b: {  	s3 =	simm.s32 $0x400;
	s15 =	simm.s32 $0x200;
	s26 =	simm.s32 $0x100;
	v34 =	vadd.f32 v55, v62;
	v61 =	vmul.f32 v37, v51;
	v55 =	vld [tilespmem:s1+$0x9430];
	v2 =	vmul.f32 v63, v2  }
0x21c: {  	s0 =	simm.s32 $0x100;
	s24 =	simm.s32 $0x80;
	s25 =	simm.s32 $0x180;
	v58 =	vmul.f32 v37, v0;
	v62 =	vadd.f32 v9, v8;
	v0 =	vld [tilespmem:s26+$0x1800];
	v51 =	vsub.f32 $1.500000000e+00, v10  }
.LBB2_5:
0x21d: {  	v8 =	vld [tilespmem:s26+$0x1810]  }
0x21e: {  	v2 =	vadd.f32 v2, v62  }
0x21f: {  	v47 =	vadd.f32 v57, v47;
	v11 =	vmul.f32 v53, v51  }
0x220: {  	v38 =	vadd.f32 v7, v38;
	v7 =	vperm.xlane v2, v5;
	v9 =	vmul.f32 v37, v52;
	v52 =	vld [tilespmem:s26+$0x1820]  }
0x221: {  	v40 =	vadd.f32 v54, v40;
	v53 =	vld [tilespmem:s26+$0x1830];
	v62 =	vmul.f32 v11, v1;
	v10 =	vmul.f32 v37, v59  }
0x222: {  	v41 =	vadd.f32 v61, v41;
	v57 =	vmul.f32 v0, v0;
	v59 =	vmul.f32 v8, v8  }
0x223: {  	v54 =	vld [tilespmem:s26+$0x1840];
	v13 =	vmul.f32 v37, v56;
	v2 =	vadd.f32 v2, v7;
	v56 =	vmul.f32 v62, v11  }
0x224: {  	v51 =	vld [tilespmem:s1+$0x9440];
	v12 =	vmul.f32 v37, v60;
	v45 =	vadd.f32 v10, v45;
	v10 =	vadd.f32 v59, v57  }
0x225: {  	v7 =	vld [tilespmem:s26+$0x1850];
	v57 =	vperm.xlane v2, v6;
	v56 =	vsub.f32 $1.500000000e+00, v56;
	v60 =	vmul.f32 v52, v52  }
0x226: {  	v44 =	vadd.f32 v58, v44;
	v55 =	vmul.f32 v37, v55;
	v59 =	vmul.f32 v53, v53  }
0x227: {  	v61 =	vld [tilespmem:s1+$0x9470];
	v57 =	vadd.f32 v2, v57;
	v11 =	vmul.f32 v56, v11;
	v10 =	vadd.f32 v60, v10  }
0x228: {  	v58 =	vld [tilespmem:s1+$0x9450];
	v39 =	vadd.f32 v9, v39;
	v42 =	vadd.f32 v12, v42;
	v56 =	vmul.f32 v54, v54  }
0x229: {  	v9 =	vld [tilespmem:s1+$0x9460];
	v1 =	vmul.f32 v11, v1;
	v10 =	vadd.f32 v59, v10;
	v59 =	vperm.xlane v57, v14  }
0x22a: {  	v12 =	vmul.f32 v37, v51;
	v46 =	vadd.f32 v55, v46;
	v55 =	vld [tilespmem:s1+$0x9810];
	v60 =	vmul.f32 v7, v7  }
0x22b: {  	v1 =	vmul.f32 v1, v11;
	v10 =	vadd.f32 v56, v10;
	v56 =	vadd.f32 v57, v59;
	v57 =	vld [tilespmem:s1+$0x9820]  }
0x22c: {  	v49 =	vadd.f32 v12, v49;
	v12 =	vmul.f32 v37, v61;
	v61 =	vld [tilespmem:s1+$0x9830]  }
0x22d: {  	v1 =	vsub.f32 $1.500000000e+00, v1;
	v10 =	vadd.f32 v60, v10;
	v60 =	vperm.xlane v56, v4  }
0x22e: {  	v51 =	vld [tilespmem:s26+$0x1860];
	v48 =	vadd.f32 v13, v48;
	v9 =	vmul.f32 v37, v9  }
0x22f: {  	v13 =	vmul.f32 v37, v58;
	v58 =	vld [tilespmem:s1+$0x9800];
	v1 =	vmul.f32 v1, v11;
	v56 =	vadd.f32 v56, v60  }
0x230: {  	v43 =	vadd.f32 v9, v43;
	v9 =	vmul.f32 v37, v55;
	v55 =	vmul.f32 v37, v57;
	v57 =	vld [tilespmem:s1+$0x9870]  }
0x231: {  	v1 =	vmul.f32 v1, v56;
	v56 =	vmul.f32 v37, v61;
	v61 =	vld [tilespmem:$0x1FF00]  }
0x232: {  	v2 =	vld [tilespmem:s26+$0x1870];
	_ =	sdelay $0x1  }
0x233: {  	v50 =	vadd.f32 v13, v50;
	v13 =	vmul.f32 v37, v58;
	v58 =	vld [tilespmem:s1+$0x9850]  }
0x234: {  	v59 =	vmul.f32 v51, v51  }
0x235: {  	v62 =	vld [tilespmem:s1+$0x9840];
	v57 =	vmul.f32 v57, v37;
	v1 =	vmul.f32 v1, v61  }
0x236: {  	v36 =	vadd.f32 v13, v36;
	v13 =	vld [tilespmem:s1+$0x9C10];
	v63 =	vmul.f32 v2, v2  }
0x237: {  	v10 =	vadd.f32 v59, v10;
	v21 =	vadd.f32 v57, v21;
	v57 =	vld [tilespmem:$0x1FF80];
	v1 =	vmul.f32 $1.442695020e+00, v1  }
0x238: {  	v31 =	vadd.f32 v55, v31;
	v55 =	vmul.f32 v58, v37;
	v58 =	vld [tilespmem:s1+$0x9C30]  }
0x239: {  	v10 =	vadd.f32 v63, v10;
	(erf) = vpow2.f32 v1;
	v1 =	vld [tilespmem:s1+$0x9C60]  }
0x23a: {  	v33 =	vadd.f32 v9, v33;
	v9 =	vld [tilespmem:s1+$0x9C20]  }
0x23b: {  	v11 =	vld [tilespmem:s1+$0x9860];
	v60 =	vperm.xlane v10, v5  }
0x23c: {  	v0 =	vmul.f32 v0, v3;
	v59 =	vld [tilespmem:s1+$0x9C00];
	v29 =	vadd.f32 v56, v29;
	v8 =	vmul.f32 v8, v57  }
0x23d: {  	s24 =	sand.u32 $0x380, s24;
	s26 =	sand.u32 $0x7000, s15;
	v56 =	vld [tilespmem:s1+$0x9C50];
	v10 =	vadd.f32 v60, v10;
	v61 =	vmul.f32 v13, v37;
	v13 =	vmul.f32 v58, v37  }
0x23e: {  	v60 =	vld [tilespmem:s1+$0x9C40];
	s1 =	sor.u32 s24, s26;
	v0 =	vadd.f32 v8, v0;
	v8 =	vmul.f32 v52, v16;
	v1 =	vmul.f32 v1, v37  }
0x23f: {  	v35 =	vadd.f32 v12, v35;
	v12 =	vmul.f32 v62, v37;
	v27 =	vadd.f32 v13, v27;
	v13 =	vld [tilespmem:s1+$0x9020]  }
0x240: {  	v0 =	vadd.f32 v8, v0;
	v23 =	vadd.f32 v1, v23;
	v1 =	vmul.f32 v53, v15  }
0x241: {  	v26 =	vadd.f32 v12, v26;
	v9 =	vmul.f32 v9, v37;
	v63 =	vperm.xlane v10, v6  }
0x242: {  	v11 =	vmul.f32 v11, v37;
	v12 =	vmul.f32 v59, v37;
	v0 =	vadd.f32 v1, v0;
	v1 =	vld [tilespmem:$0x1FF40]  }
0x243: {  	v10 =	vadd.f32 v63, v10;
	v63 =	vmul.f32 v56, v37;
	v62 =	vmul.f32 v60, v37;
	v37 =	vpop (erf)  }
0x244: {  	v57 =	vmul.f32 v37, v13;
	v13 =	vld [tilespmem:$0x1FF30];
	_ =	sdelay $0x1  }
0x245: {  	v8 =	vld [tilespmem:s1+$0x9030]  }
0x246: {  	v54 =	vmul.f32 v54, v1  }
0x247: {  	v25 =	vadd.f32 v12, v25  }
0x248: {  	v12 =	vperm.xlane v10, v14;
	v13 =	vmul.f32 v7, v13;
	v0 =	vadd.f32 v54, v0  }
0x249: {  	v58 =	vld [tilespmem:s1+$0x9C70]  }
0x24a: {  	v10 =	vadd.f32 v12, v10;
	v54 =	vmul.f32 v37, v8;
	v8 =	vadd.f32 v13, v0;
	v0 =	vld [tilespmem:$0x1FF20]  }
0x24b: {  	v59 =	vld [tilespmem:s1+$0x9010]  }
0x24c: {  	v18 =	vadd.f32 v61, v18;
	v61 =	vld [tilespmem:s1+$0x9040];
	v60 =	vperm.xlane v10, v4  }
0x24d: {  	v22 =	vadd.f32 v9, v22;
	v12 =	vld [tilespmem:s1+$0x9000]  }
0x24e: {  	v20 =	vadd.f32 v55, v20;
	v55 =	vld [tilespmem:s1+$0x9050];
	v9 =	vadd.f32 v60, v10  }
0x24f: {  	v28 =	vadd.f32 v62, v28;
	v52 =	vld [tilespmem:s1+$0x9070];
	v62 =	vmul.f32 v58, v37;
	v51 =	vmul.f32 v51, v0  }
0x250: {  	v19 =	vadd.f32 v63, v19;
	v63 =	vshra.s32 v9, $0x1;
	v1 =	vmul.f32 $5.000000000e-01, v9;
	v9 =	vld [tilespmem:s1+$0x9060]  }
0x251: {  	p0 =	sne.s32 s25, $0x1780;
	v53 =	vsub.s32 $0x5F3759DF, v63;
	v30 =	vadd.f32 v62, v30;
	v62 =	vadd.f32 v51, v8;
	v8 =	vld [tilespmem:$0x1FF10]  }
.Ltmp1:
0x252: {  	v60 =	vld [tilespmem:s1+$0x9410];
	v12 =	vmul.f32 v37, v12;
	v56 =	vmul.f32 v53, v1;
	(pc) =	sbr.rel @p0 .LBB2_5-.Ltmp1, $4  }
0x253: {  	v24 =	vadd.f32 v11, v24;
	v11 =	vmul.f32 v37, v59;
	v59 =	vld [tilespmem:s1+$0x9400];
	v7 =	vmul.f32 v37, v61  }
0x254: {  	s15 =	smov.u32 s3;
	s3 =	sadd.s32 $0x200, s3;
	v32 =	vadd.f32 v12, v32;
	v61 =	vmul.f32 v37, v55;
	v55 =	vld [tilespmem:s1+$0x9430];
	v12 =	vmul.f32 v53, v56  }
0x255: {  	s26 =	sshra.s32 s3, $0x2;
	v17 =	vadd.f32 v37, v17;
	v34 =	vadd.f32 v11, v34;
	v56 =	vld [tilespmem:s1+$0x9420]  }
0x256: {  	s24 =	smov.u32 s0;
	s0 =	smov.u32 s25;
	s25 =	sadd.s32 $0x80, s25;
	v58 =	vmul.f32 v37, v9;
	v0 =	vld [tilespmem:s26+$0x1800];
	v51 =	vsub.f32 $1.500000000e+00, v12;
	v2 =	vmul.f32 v2, v8  }
0x257: {  	v10 =	vld [tilespmem:s26+$0x1810];
	_ =	sdelay $0x1  }
0x258: {  	v8 =	vld [tilespmem:s26+$0x1820];
	_ =	sdelay $0x1  }
0x259: {  	v9 =	vld [tilespmem:s26+$0x1830]  }
0x25a: {  	v11 =	vmul.f32 v0, v0;
	v12 =	vmul.f32 v10, v10  }
0x25b: {  	v13 =	vld [tilespmem:s26+$0x1840]  }
0x25c: {  	v63 =	vmul.f32 v8, v8;
	v11 =	vadd.f32 v12, v11  }
0x25d: {  	[tilespmem:$0x1F850] =	vst v10;
	v10 =	vld [tilespmem:s26+$0x1850]  }
0x25e: {  	[tilespmem:$0x1F860] =	vst v8;
	v8 =	vmul.f32 v9, v9;
	v11 =	vadd.f32 v63, v11  }
0x25f: {  	v63 =	vld [tilespmem:s26+$0x1860]  }
0x260: {  	[tilespmem:$0x1F870] =	vst v9;
	v9 =	vmul.f32 v13, v13;
	v12 =	vadd.f32 v8, v11  }
0x261: {  	v8 =	vld [tilespmem:s26+$0x1870]  }
0x262: {  	[tilespmem:$0x1F890] =	vst v10;
	v11 =	vmul.f32 v10, v10;
	v10 =	vadd.f32 v9, v12  }
0x263: {  	v53 =	vmul.f32 v53, v51  }
0x264: {  	v9 =	vadd.f32 v2, v62;
	v2 =	vmul.f32 v63, v63;
	v11 =	vadd.f32 v11, v10;
	_ =	sdelay $0x1  }
0x265: {  	[tilespmem:$0x1F8A0] =	vst v8;
	v51 =	vmul.f32 v8, v8;
	v8 =	vadd.f32 v2, v11;
	v2 =	vmul.f32 v53, v1;
	_ =	sdelay $0x1  }
0x266: {  	v11 =	vmul.f32 v2, v53  }
0x267: {  	v62 =	vld [tilespmem:s1+$0x9450]  }
0x268: {  	v7 =	vadd.f32 v7, v38;
	v38 =	vsub.f32 $1.500000000e+00, v11  }
0x269: {  	v52 =	vmul.f32 v37, v52;
	v8 =	vadd.f32 v51, v8  }
0x26a: {  	v57 =	vadd.f32 v57, v47;
	v60 =	vmul.f32 v37, v60;
	v53 =	vmul.f32 v38, v53  }
0x26b: {  	v41 =	vadd.f32 v61, v41;
	v55 =	vmul.f32 v37, v55;
	v61 =	vperm.xlane v8, v5  }
0x26c: {  	v62 =	vmul.f32 v37, v62;
	v1 =	vmul.f32 v53, v1  }
0x26d: {  	v58 =	vadd.f32 v58, v44;
	[tilespmem:$0x1F8B0] =	vst v57;
	v57 =	vld [tilespmem:s1+$0x9470];
	v47 =	vperm.xlane v9, v5;
	v8 =	vadd.f32 v61, v8  }
0x26e: {  	[tilespmem:$0x1F880] =	vst v13;
	v13 =	vld [tilespmem:s1+$0x9440];
	v61 =	vadd.f32 v55, v46;
	v46 =	vmul.f32 v1, v53;
	v1 =	vadd.f32 v62, v50  }
0x26f: {  	v44 =	vadd.f32 v60, v42;
	[tilespmem:$0x1F8E0] =	vst v58;
	v56 =	vmul.f32 v37, v56;
	v0 =	vmul.f32 v0, v3;
	v3 =	vld [tilespmem:$0x1F850]  }
0x270: {  	v47 =	vadd.f32 v9, v47;
	[tilespmem:$0x1F920] =	vst v1;
	v1 =	vld [tilespmem:$0x1FF80]  }
0x271: {  	v58 =	vadd.f32 v52, v39;
	v39 =	vld [tilespmem:s1+$0x9860];
	[tilespmem:$0x1F900] =	vst v44;
	v44 =	vadd.f32 v56, v48;
	v52 =	vperm.xlane v8, v6  }
0x272: {  	v54 =	vadd.f32 v54, v40;
	v40 =	vld [tilespmem:s1+$0x9820];
	[tilespmem:$0x1F8C0] =	vst v7;
	v51 =	vperm.xlane v47, v6  }
0x273: {  	[tilespmem:$0x1F910] =	vst v44;
	v44 =	vld [tilespmem:s1+$0x9C20];
	v8 =	vadd.f32 v52, v8  }
0x274: {  	s15 =	sand.u32 $0x7000, s15;
	s24 =	sand.u32 $0x380, s24;
	[tilespmem:$0x1F8D0] =	vst v41;
	v41 =	vld [tilespmem:s1+$0x9840];
	v57 =	vmul.f32 v37, v57;
	v7 =	vadd.f32 v47, v51;
	v51 =	vmul.f32 v37, v13  }
0x275: {  	v56 =	vld [tilespmem:s1+$0x9C10];
	s26 =	sor.u32 s24, s15;
	v42 =	vperm.xlane v8, v14;
	v13 =	vmul.f32 v3, v1  }
0x276: {  	v39 =	vmul.f32 v39, v37;
	v57 =	vadd.f32 v57, v35;
	v35 =	vld [tilespmem:s26+$0x9020]  }
0x277: {  	v60 =	vadd.f32 v42, v8;
	v8 =	vadd.f32 v13, v0;
	v0 =	vld [tilespmem:$0x1F860]  }
0x278: {  	v24 =	vadd.f32 v39, v24;
	v39 =	vld [tilespmem:s26+$0x9450];
	v44 =	vmul.f32 v44, v37  }
0x279: {  	v12 =	vld [tilespmem:s1+$0x9460]  }
0x27a: {  	v22 =	vadd.f32 v44, v22;
	v44 =	vld [tilespmem:s26+$0x9810]  }
0x27b: {  	v10 =	vld [tilespmem:s1+$0x9800]  }
0x27c: {  	v9 =	vld [tilespmem:s1+$0x9810];
	v0 =	vmul.f32 v0, v16  }
0x27d: {  	v2 =	vld [tilespmem:s1+$0x9830]  }
0x27e: {  	v59 =	vmul.f32 v37, v59;
	v1 =	vadd.f32 v0, v8;
	v0 =	vld [tilespmem:$0x1F870]  }
0x27f: {  	v47 =	vld [tilespmem:s1+$0x9850]  }
0x280: {  	v11 =	vadd.f32 v59, v45;
	v59 =	vld [tilespmem:s1+$0x9870]  }
0x281: {  	v38 =	vld [tilespmem:s1+$0x9C00]  }
0x282: {  	[tilespmem:$0x1F8F0] =	vst v11;
	v11 =	vld [tilespmem:s1+$0x9C30]  }
0x283: {  	v55 =	vld [tilespmem:s1+$0x9C50];
	v0 =	vmul.f32 v0, v15  }
0x284: {  	v3 =	vld [tilespmem:$0x1F880]  }
0x285: {  	v45 =	vperm.xlane v7, v14;
	v0 =	vadd.f32 v0, v1;
	v1 =	vld [tilespmem:$0x1FF40]  }
0x286: {  	v12 =	vmul.f32 v37, v12;
	v50 =	vld [tilespmem:s1+$0x9C40]  }
0x287: {  	v7 =	vadd.f32 v7, v45;
	v62 =	vld [tilespmem:s1+$0x9C60]  }
0x288: {  	v52 =	vadd.f32 v51, v49;
	v51 =	vadd.f32 v12, v43;
	v43 =	vld [tilespmem:s26+$0x9000]  }
0x289: {  	v15 =	vld [tilespmem:$0x1F890]  }
0x28a: {  	v45 =	vperm.xlane v7, v4;
	v46 =	vsub.f32 $1.500000000e+00, v46;
	v48 =	vmul.f32 v3, v1;
	v1 =	vld [tilespmem:$0x1FF30]  }
0x28b: {  	v10 =	vmul.f32 v37, v10;
	v3 =	vld [tilespmem:$0x1FF00]  }
0x28c: {  	v12 =	vld [tilespmem:s26+$0x9010];
	v38 =	vmul.f32 v38, v37;
	v7 =	vadd.f32 v7, v45;
	v46 =	vmul.f32 v46, v53  }
0x28d: {  	v9 =	vmul.f32 v37, v9;
	v49 =	vadd.f32 v10, v36;
	v10 =	vld [tilespmem:s26+$0x9030]  }
0x28e: {  	v2 =	vmul.f32 v37, v2;
	v25 =	vadd.f32 v38, v25;
	v38 =	vld [tilespmem:s26+$0x9470];
	v46 =	vmul.f32 v46, v7  }
0x28f: {  	v45 =	vperm.xlane v60, v4;
	v36 =	vmul.f32 v15, v1;
	v15 =	vld [tilespmem:$0x1FF20]  }
0x290: {  	v42 =	vadd.f32 v2, v29;
	v29 =	vmul.f32 v41, v37;
	v41 =	vld [tilespmem:s26+$0x9420];
	v46 =	vmul.f32 v46, v3  }
0x291: {  	v2 =	vld [tilespmem:$0x1FF10];
	v53 =	vadd.f32 v45, v60  }
0x292: {  	v7 =	vld [tilespmem:s26+$0x9040];
	v16 =	vadd.f32 v9, v33;
	v33 =	vmul.f32 $1.442695020e+00, v46  }
0x293: {  	v13 =	vld [tilespmem:s26+$0x9C70];
	v60 =	vshra.s32 v53, $0x1;
	v53 =	vmul.f32 $5.000000000e-01, v53  }
0x294: {  	v60 =	vsub.s32 $0x5F3759DF, v60;
	(erf) = vpow2.f32 v33;
	v63 =	vmul.f32 v63, v15;
	v15 =	vld [tilespmem:$0x1F8A0]  }
0x295: {  	v40 =	vmul.f32 v37, v40;
	v9 =	vld [tilespmem:s26+$0x9050];
	v0 =	vadd.f32 v48, v0;
	v1 =	vmul.f32 v60, v53  }
0x296: {  	v56 =	vmul.f32 v56, v37;
	v59 =	vmul.f32 v59, v37;
	v8 =	vld [tilespmem:s26+$0x9060]  }
0x297: {  	v48 =	vadd.f32 v40, v31;
	v40 =	vld [tilespmem:s26+$0x9410];
	v0 =	vadd.f32 v36, v0;
	v1 =	vmul.f32 v60, v1  }
0x298: {  	v50 =	vmul.f32 v50, v37;
	v31 =	vadd.f32 v59, v21;
	v21 =	vadd.f32 v56, v18;
	v56 =	vld [tilespmem:s26+$0x9820]  }
0x299: {  	v46 =	vld [tilespmem:s26+$0x9070];
	v1 =	vsub.f32 $1.500000000e+00, v1;
	v0 =	vadd.f32 v63, v0;
	v63 =	vmul.f32 v15, v2  }
0x29a: {  	v47 =	vmul.f32 v47, v37;
	v55 =	vmul.f32 v55, v37;
	v36 =	vld [tilespmem:s26+$0x9400]  }
0x29b: {  	v33 =	vadd.f32 v29, v26;
	v29 =	vld [tilespmem:s26+$0x9430];
	v1 =	vmul.f32 v60, v1;
	v0 =	vadd.f32 v63, v0  }
0x29c: {  	v11 =	vmul.f32 v11, v37;
	v26 =	vadd.f32 v47, v20;
	v20 =	vadd.f32 v55, v19;
	v55 =	vld [tilespmem:s26+$0x9C20]  }
0x29d: {  	v28 =	vadd.f32 v50, v28;
	v60 =	vld [tilespmem:s26+$0x9440];
	v59 =	vmul.f32 v1, v53;
	v50 =	vpop (erf);
	v47 =	vperm.xlane v0, v5  }
0x29e: {  	v2 =	vld [tilespmem:$0x1F8B0];
	v5 =	vadd.f32 v11, v27;
	v13 =	vmul.f32 v13, v50  }
0x29f: {  	v63 =	vld [tilespmem:s26+$0x9460];
	v11 =	vmul.f32 v50, v43;
	v0 =	vadd.f32 v0, v47;
	v47 =	vmul.f32 v59, v1  }
0x2a0: {  	s3 =	sand.u32 $0x7000, s3;
	s0 =	sand.u32 $0x380, s0;
	v43 =	vld [tilespmem:s26+$0x9850];
	v46 =	vmul.f32 v50, v46;
	v29 =	vmul.f32 v50, v29  }
0x2a1: {  	s0 =	sor.u32 s0, s3;
	v44 =	vmul.f32 v50, v44;
	v59 =	vld [tilespmem:s26+$0x9800];
	v27 =	vperm.xlane v0, v6;
	v47 =	vsub.f32 $1.500000000e+00, v47  }
0x2a2: {  	v46 =	vadd.f32 v46, v58;
	v58 =	vld [tilespmem:s0+$0x9C70];
	v29 =	vadd.f32 v29, v61;
	v6 =	vmul.f32 v62, v37  }
0x2a3: {  	v61 =	vadd.f32 v44, v16;
	v44 =	vld [tilespmem:s0+$0x9060];
	v0 =	vadd.f32 v0, v27;
	v1 =	vmul.f32 v47, v1  }
0x2a4: {  	v12 =	vmul.f32 v50, v12;
	v35 =	vmul.f32 v50, v35;
	v62 =	vld [tilespmem:s26+$0x9830];
	v45 =	vadd.f32 v6, v23  }
0x2a5: {  	v37 =	vld [tilespmem:s26+$0x9870];
	v23 =	vadd.f32 v13, v30;
	v30 =	vperm.xlane v0, v14;
	v47 =	vmul.f32 v1, v53  }
0x2a6: {  	v10 =	vmul.f32 v50, v10;
	v27 =	vld [tilespmem:s26+$0x9840];
	v13 =	vadd.f32 v12, v34  }
0x2a7: {  	v34 =	vadd.f32 v35, v2;
	v35 =	vld [tilespmem:s26+$0x9C10];
	v0 =	vadd.f32 v0, v30;
	v30 =	vmul.f32 v47, v1  }
0x2a8: {  	v2 =	vld [tilespmem:$0x1F8C0]  }
0x2a9: {  	v15 =	vmovc v14;
	v19 =	vadd.f32 v10, v54;
	v14 =	vmovc v4;
	v54 =	vperm.xlane v0, v4;
	v30 =	vsub.f32 $1.500000000e+00, v30;
	v4 =	vld [tilespmem:$0x1F8D0]  }
0x2aa: {  	v6 =	vmul.f32 v50, v60;
	v60 =	vld [tilespmem:s0+$0x9000]  }
0x2ab: {  	v53 =	vld [tilespmem:s26+$0x9860];
	v0 =	vadd.f32 v0, v54;
	v1 =	vmul.f32 v30, v1  }
0x2ac: {  	v9 =	vmul.f32 v50, v9;
	v52 =	vadd.f32 v6, v52;
	v6 =	vmul.f32 v50, v59;
	v59 =	vld [tilespmem:s0+$0x9030]  }
0x2ad: {  	v0 =	vmul.f32 v1, v0;
	v1 =	vld [tilespmem:$0x1F8F0]  }
0x2ae: {  	v7 =	vmul.f32 v50, v7;
	v32 =	vadd.f32 v11, v32;
	v11 =	vadd.f32 v9, v4;
	v4 =	vld [tilespmem:$0x1F8E0]  }
0x2af: {  	v47 =	vld [tilespmem:s26+$0x9C00]  }
0x2b0: {  	v36 =	vmul.f32 v50, v36;
	v18 =	vadd.f32 v7, v2;
	v2 =	vld [tilespmem:s26+$0x9C30];
	v27 =	vmul.f32 v27, v50  }
0x2b1: {  	v8 =	vmul.f32 v50, v8;
	v7 =	vld [tilespmem:s26+$0x9C60]  }
0x2b2: {  	v27 =	vadd.f32 v27, v33;
	v36 =	vadd.f32 v36, v1;
	v1 =	vld [tilespmem:$0x1F900]  }
0x2b3: {  	v33 =	vld [tilespmem:s0+$0x9400];
	v0 =	vmul.f32 v0, v3;
	v12 =	vadd.f32 v8, v4;
	v8 =	vmul.f32 v50, v63  }
0x2b4: {  	v49 =	vadd.f32 v6, v49;
	v6 =	vmul.f32 v50, v62;
	v30 =	vld [tilespmem:s26+$0x9C40]  }
0x2b5: {  	v40 =	vmul.f32 v50, v40;
	v54 =	vld [tilespmem:s26+$0x9C50];
	v0 =	vmul.f32 $1.442695020e+00, v0;
	v51 =	vadd.f32 v8, v51  }
0x2b6: {  	v8 =	vmul.f32 v50, v56;
	v56 =	vadd.f32 v6, v42;
	v6 =	vmul.f32 v47, v50;
	v47 =	vld [tilespmem:s0+$0x9410]  }
0x2b7: {  	(erf) = vpow2.f32 v0;
	v9 =	vadd.f32 v40, v1;
	v1 =	vld [tilespmem:$0x1F910]  }
0x2b8: {  	v37 =	vmul.f32 v37, v50;
	v40 =	vld [tilespmem:s0+$0x9020];
	v62 =	vadd.f32 v8, v48;
	v8 =	vmul.f32 v43, v50  }
0x2b9: {  	v48 =	vmul.f32 v53, v50;
	v53 =	vld [tilespmem:s0+$0x9070]  }
0x2ba: {  	v26 =	vadd.f32 v8, v26;
	v8 =	vmul.f32 v55, v50;
	v55 =	vadd.f32 v37, v31;
	v31 =	vld [tilespmem:s0+$0x9420]  }
0x2bb: {  	v24 =	vadd.f32 v48, v24;
	v48 =	vadd.f32 v6, v25;
	v25 =	vmul.f32 v30, v50;
	v30 =	vld [tilespmem:s0+$0x9430]  }
0x2bc: {  	v6 =	vld [tilespmem:s0+$0x9840]  }
0x2bd: {  	v41 =	vmul.f32 v50, v41;
	v8 =	vadd.f32 v8, v22;
	v22 =	vld [tilespmem:s0+$0x9440]  }
0x2be: {  	v39 =	vmul.f32 v50, v39;
	v43 =	vmul.f32 v54, v50;
	v54 =	vadd.f32 v25, v28;
	v25 =	vld [tilespmem:s0+$0x9450]  }
0x2bf: {  	v38 =	vmul.f32 v50, v38;
	v35 =	vmul.f32 v35, v50;
	v10 =	vadd.f32 v41, v1;
	v1 =	vld [tilespmem:$0x1F920]  }
0x2c0: {  	v17 =	vadd.f32 v50, v17;
	v2 =	vmul.f32 v2, v50;
	v7 =	vmul.f32 v7, v50;
	v41 =	vld [tilespmem:s0+$0x9010];
	v0 =	vpop (erf)  }
0x2c1: {  	v50 =	vadd.f32 v43, v20;
	v28 =	vmul.f32 v58, v0;
	v58 =	vld [tilespmem:s0+$0x9460];
	v20 =	vmul.f32 v0, v60  }
0x2c2: {  	v57 =	vadd.f32 v38, v57;
	v60 =	vld [tilespmem:s0+$0x9470]  }
0x2c3: {  	v16 =	vadd.f32 v28, v23;
	v23 =	vmul.f32 v0, v40;
	v28 =	vld [tilespmem:s0+$0x9800];
	v3 =	vadd.f32 v20, v32  }
0x2c4: {  	v20 =	vmul.f32 v0, v59;
	v59 =	vmul.f32 v0, v53;
	v63 =	vadd.f32 v39, v1;
	v39 =	vld [tilespmem:s0+$0x9050]  }
0x2c5: {  	v21 =	vadd.f32 v35, v21;
	v7 =	vadd.f32 v7, v45;
	v1 =	vld [tilespmem:s0+$0x9040];
	v37 =	vmul.f32 v0, v41  }
0x2c6: {  	v45 =	vadd.f32 v23, v34;
	v23 =	vld [tilespmem:s0+$0x9820];
	v40 =	vadd.f32 v59, v46;
	v46 =	vmul.f32 v0, v22  }
0x2c7: {  	v2 =	vadd.f32 v2, v5;
	[tilespmem:$0x1FEF0] =	vst v3;
	v22 =	vld [tilespmem:s0+$0x9870];
	v53 =	vmul.f32 v0, v60;
	v3 =	vadd.f32 v37, v13  }
0x2c8: {  	v30 =	vmul.f32 v0, v30;
	v59 =	vld [tilespmem:s0+$0x9C30];
	v35 =	vadd.f32 v46, v52;
	v46 =	vadd.f32 v0, v17  }
0x2c9: {  	v13 =	vld [tilespmem:s0+$0x9810];
	v32 =	vadd.f32 v53, v57;
	v38 =	vmul.f32 v0, v39;
	v39 =	vmul.f32 v0, v44  }
0x2ca: {  	v1 =	vmul.f32 v0, v1;
	v44 =	vadd.f32 v20, v19;
	v19 =	vld [tilespmem:s0+$0x9830];
	v20 =	vmul.f32 v0, v31  }
0x2cb: {  	v60 =	vld [tilespmem:s0+$0x9C40];
	v23 =	vmul.f32 v0, v23;
	v41 =	vadd.f32 v39, v12;
	v12 =	vmul.f32 v0, v47  }
0x2cc: {  	v43 =	vadd.f32 v1, v18;
	v1 =	vmul.f32 v0, v33;
	v42 =	vadd.f32 v38, v11;
	v18 =	vld [tilespmem:s0+$0x9850]  }
0x2cd: {  	v37 =	vadd.f32 v20, v10;
	v20 =	vld [tilespmem:s0+$0x9C00];
	v38 =	vadd.f32 v12, v9;
	v12 =	vmul.f32 v0, v25  }
0x2ce: {  	v22 =	vmul.f32 v22, v0;
	v47 =	vmul.f32 v0, v58;
	v39 =	vadd.f32 v1, v36;
	v1 =	vld [tilespmem:s0+$0x9860]  }
0x2cf: {  	v58 =	vmul.f32 v0, v13;
	v19 =	vmul.f32 v0, v19;
	v34 =	vadd.f32 v12, v63;
	v12 =	vld [tilespmem:s0+$0x9C10]  }
0x2d0: {  	v13 =	vld [tilespmem:s0+$0x9C20];
	v11 =	vmul.f32 v6, v0;
	v36 =	vadd.f32 v30, v29;
	v33 =	vadd.f32 v47, v51  }
0x2d1: {  	v25 =	vmul.f32 v0, v28;
	v30 =	vadd.f32 v58, v61;
	v28 =	vadd.f32 v19, v56;
	v19 =	vld [tilespmem:s0+$0x9C50]  }
0x2d2: {  	v29 =	vadd.f32 v23, v62;
	v27 =	vadd.f32 v11, v27;
	v61 =	vld [tilespmem:s0+$0x9C60];
	v18 =	vmul.f32 v18, v0  }
0x2d3: {  	v62 =	vmul.f32 v60, v0;
	v31 =	vadd.f32 v25, v49;
	v1 =	vmul.f32 v1, v0  }
0x2d4: {  	p0 =	seq.s32 s30, $0xB;
	v26 =	vadd.f32 v18, v26;
	v18 =	vmul.f32 v20, v0;
	v12 =	vmul.f32 v12, v0  }
.Ltmp2:
0x2d5: {  	v25 =	vadd.f32 v1, v24;
	v24 =	vadd.f32 v22, v55;
	v1 =	vmul.f32 v13, v0;
	(pc) =	sbr.rel @p0 .LBB2_8-.Ltmp2, $4  }
0x2d6: {  	v23 =	vadd.f32 v18, v48;
	v63 =	vmul.f32 v19, v0;
	v19 =	vadd.f32 v62, v54  }
0x2d7: {  	v20 =	vadd.f32 v1, v8;
	v1 =	vmul.f32 v59, v0;
	v0 =	vmul.f32 v61, v0  }
0x2d8: {  	v22 =	vadd.f32 v12, v21;
	v18 =	vadd.f32 v63, v50  }
0x2d9: {  	v21 =	vadd.f32 v1, v2;
	v17 =	vadd.f32 v0, v7  }
0x2da: {  	v51 =	vld [tilespmem:$0x1FF00]  }
0x2db: {  	v11 =	vld [tilespmem:$0x1FF10]  }
0x2dc: {  	v10 =	vld [tilespmem:$0x1FF20]  }
0x2dd: {  	v9 =	vld [tilespmem:$0x1FF30]  }
0x2de: {  	v50 =	vld [tilespmem:$0x1FF40]  }
0x2df: {  	s0 =	sadd.s32 s31, s11;
	v5 =	vld [tilespmem:$0x1FFC0]  }
.Ltmp3:
0x2e0: {  	v6 =	vld [tilespmem:$0x1FFD0];
	s1 =	sshll.u32 s0, $0x4;
	(pc) =	sbr.rel .LBB2_2-.Ltmp3, $4  }
0x2e1: {  	v12 =	vld [tilespmem:$0x1FF50];
	s0 =	sshll.u32 s0, $0x6;
	s1 =	sadd.s32 s2, s1  }
0x2e2: {  	v4 =	vmov v14;
	v14 =	vmov v15;
	v15 =	vld [tilespmem:$0x1FF60];
	[tilespmem:s18], [sflag:$0x3] =	stream.linear.gather [hbm4b:s1+s4], $0x1800, $0x38  }
0x2e3: {  	s30 =	sadd.s32 $0x1, s30;
	v13 =	vld [tilespmem:$0x1FF70];
	[tilespmem:$0x1FEE0] =	vst v3;
	s0 =	sadd.s32 s5, s0  }
0x2e4: {  	v48 =	vld [tilespmem:$0x1FF80];
	[tilespmem:s19], [sflag:$0x4] =	stream.linear.gather [hbm4b:s0+s4], $0x6000, $0x38  }
.LBB2_8:
0x2e5: {  	_ =	swait.ge [sflag:s20], $0x1800  }
0x2e6: {  	[sflag:s20] =	ssyncset.done $0x0  }
0x2e7: {  	[sflag:s20] =	ssyncadd.s32 $0xFFFFE800  }
0x2e8: {  	_ =	swait.ge [sflag:s21], $0x6000  }
0x2e9: {  	[sflag:s21] =	ssyncset.done $0x0  }
0x2ea: {  	s0 =	simm.s32 $0x0;
	[sflag:s21] =	ssyncadd.s32 $0xFFFFA000  }
0x2eb: {  	v0 =	vld [tilespmem:s0+$0x0]  }
0x2ec: {  	v1 =	vld [tilespmem:s0+$0x10];
	_ =	sdelay $0x1  }
0x2ed: {  	v2 =	vld [tilespmem:s0+$0x20];
	_ =	sdelay $0x1  }
0x2ee: {  	v7 =	vld [tilespmem:s0+$0x30]  }
0x2ef: {  	v8 =	vmul.f32 v0, v0;
	v9 =	vmul.f32 v1, v1  }
0x2f0: {  	v10 =	vld [tilespmem:s0+$0x40]  }
0x2f1: {  	v11 =	vmul.f32 v2, v2;
	v8 =	vadd.f32 v9, v8  }
0x2f2: {  	v49 =	vld [tilespmem:s0+$0x50]  }
0x2f3: {  	v12 =	vmul.f32 v7, v7;
	v8 =	vadd.f32 v11, v8  }
0x2f4: {  	v50 =	vld [tilespmem:s0+$0x60]  }
0x2f5: {  	v13 =	vmul.f32 v10, v10;
	v8 =	vadd.f32 v12, v8  }
0x2f6: {  	v12 =	vld [tilespmem:s0+$0x70]  }
0x2f7: {  	v47 =	vmul.f32 v49, v49;
	v8 =	vadd.f32 v13, v8;
	_ =	sdelay $0x1  }
0x2f8: {  	v13 =	vmul.f32 v50, v50;
	v8 =	vadd.f32 v47, v8  }
0x2f9: {  	v4 =	vld [tilespmem:$0x1FFC0]  }
0x2fa: {  	v58 =	vmul.f32 v12, v12;
	v8 =	vadd.f32 v13, v8;
	_ =	sdelay $0x1  }
0x2fb: {  	v8 =	vadd.f32 v58, v8  }
0x2fc: {  	v6 =	vld [tilespmem:$0x1FFD0]  }
0x2fd: {  	v13 =	vperm.xlane v8, v4  }
0x2fe: {  	v55 =	vld [tilespmem:$0x1FF70]  }
0x2ff: {  	v56 =	vld [tilespmem:$0x1FF80];
	v8 =	vadd.f32 v13, v8;
	_ =	sdelay $0x1  }
0x300: {  	v58 =	vld [tilespmem:$0x1FF50];
	v13 =	vperm.xlane v8, v6;
	_ =	sdelay $0x1  }
0x301: {  	v53 =	vld [tilespmem:$0x1FF60];
	v8 =	vadd.f32 v13, v8  }
0x302: {  	v0 =	vmul.f32 v0, v55;
	v1 =	vmul.f32 v1, v56  }
0x303: {  	v57 =	vld [tilespmem:$0x1FF40];
	v13 =	vperm.xlane v8, v15  }
0x304: {  	v0 =	vadd.f32 v1, v0;
	v1 =	vmul.f32 v2, v58  }
0x305: {  	v54 =	vld [tilespmem:$0x1FF30];
	v8 =	vadd.f32 v13, v8  }
0x306: {  	v0 =	vadd.f32 v1, v0;
	v1 =	vmul.f32 v7, v53  }
0x307: {  	v52 =	vmov v14;
	v2 =	vperm.xlane v8, v14;
	v14 =	vld [tilespmem:$0x1FF20]  }
0x308: {  	v0 =	vadd.f32 v1, v0;
	v1 =	vmul.f32 v10, v57;
	_ =	sdelay $0x1  }
0x309: {  	v0 =	vadd.f32 v1, v0;
	v1 =	vmul.f32 v49, v54  }
0x30a: {  	v2 =	vadd.f32 v2, v8  }
0x30b: {  	v0 =	vadd.f32 v1, v0;
	v1 =	vmul.f32 v50, v14  }
0x30c: {  	v7 =	vshra.s32 v2, $0x1;
	v2 =	vmul.f32 $5.000000000e-01, v2  }
0x30d: {  	v7 =	vsub.s32 $0x5F3759DF, v7;
	v0 =	vadd.f32 v1, v0;
	v1 =	vld [tilespmem:$0x1FF10]  }
0x30e: {  	s26 =	simm.s32 $0x80;
	v8 =	vmul.f32 v7, v2  }
0x30f: {  	v9 =	vld [tilespmem:s26+$0x0]  }
0x310: {  	v10 =	vld [tilespmem:s26+$0x10];
	v8 =	vmul.f32 v7, v8;
	_ =	sdelay $0x1  }
0x311: {  	v8 =	vsub.f32 $1.500000000e+00, v8;
	v1 =	vmul.f32 v12, v1  }
0x312: {  	v59 =	vld [tilespmem:s26+$0x20]  }
0x313: {  	v0 =	vadd.f32 v1, v0;
	v1 =	vmul.f32 v7, v8  }
0x314: {  	v13 =	vmul.f32 v9, v9;
	v60 =	vmul.f32 v10, v10;
	v7 =	vld [tilespmem:s26+$0x30]  }
0x315: {  	v8 =	vperm.xlane v0, v4;
	v12 =	vmul.f32 v1, v2  }
0x316: {  	v48 =	vld [tilespmem:s26+$0x40];
	v13 =	vadd.f32 v60, v13  }
0x317: {  	v0 =	vadd.f32 v0, v8;
	v8 =	vmul.f32 v12, v1;
	v12 =	vmul.f32 v59, v59  }
0x318: {  	v50 =	vld [tilespmem:s26+$0x50]  }
0x319: {  	v49 =	vmul.f32 v7, v7;
	v8 =	vsub.f32 $1.500000000e+00, v8;
	v12 =	vadd.f32 v12, v13  }
0x31a: {  	v51 =	vld [tilespmem:s26+$0x60];
	v61 =	vperm.xlane v0, v6  }
0x31b: {  	v1 =	vmul.f32 v8, v1;
	v8 =	vmul.f32 v48, v48;
	v12 =	vadd.f32 v49, v12  }
0x31c: {  	v13 =	vld [tilespmem:s26+$0x70];
	v0 =	vadd.f32 v0, v61  }
0x31d: {  	v62 =	vmul.f32 v50, v50;
	v2 =	vmul.f32 v1, v2;
	v8 =	vadd.f32 v8, v12  }
0x31e: {  	v47 =	vperm.xlane v0, v15  }
0x31f: {  	v12 =	vmul.f32 v51, v51;
	v2 =	vmul.f32 v2, v1;
	v8 =	vadd.f32 v62, v8  }
0x320: {  	v0 =	vadd.f32 v0, v47  }
0x321: {  	v63 =	vmul.f32 v13, v13;
	v2 =	vsub.f32 $1.500000000e+00, v2;
	v8 =	vadd.f32 v12, v8  }
0x322: {  	v47 =	vperm.xlane v0, v52  }
0x323: {  	v1 =	vmul.f32 v2, v1;
	v2 =	vadd.f32 v63, v8;
	v8 =	vld [tilespmem:$0x1FF00]  }
0x324: {  	v0 =	vadd.f32 v0, v47;
	_ =	sdelay $0x1  }
0x325: {  	v0 =	vmul.f32 v1, v0;
	_ =	sdelay $0x1  }
0x326: {  	v0 =	vmul.f32 v0, v8  }
0x327: {  	v1 =	vperm.xlane v2, v4  }
0x328: {  	v0 =	vmul.f32 $1.442695020e+00, v0  }
0x329: {  	v1 =	vadd.f32 v1, v2  }
0x32a: {  	(erf) = vpow2.f32 v0  }
0x32b: {  	s31 =	simm.s32 $0x0;
	v2 =	vperm.xlane v1, v6  }
0x32c: {  	s1 =	sand.u32 $0x7000, s31;
	s0 =	sand.u32 $0x380, s31  }
0x32d: {  	s1 =	sor.u32 s0, s1;
	v8 =	vmul.f32 v10, v56;
	v0 =	vadd.f32 v2, v1;
	v2 =	vmul.f32 v9, v55  }
0x32e: {  	v7 =	vmul.f32 v7, v53;
	v53 =	vld [tilespmem:s1+$0x3060]  }
0x32f: {  	v55 =	vld [tilespmem:s1+$0x3C70];
	v1 =	vperm.xlane v0, v15;
	v2 =	vadd.f32 v8, v2;
	v8 =	vmul.f32 v59, v58  }
0x330: {  	v62 =	vld [tilespmem:s1+$0x3070]  }
0x331: {  	v56 =	vld [tilespmem:s1+$0x3010];
	v0 =	vadd.f32 v1, v0;
	v2 =	vadd.f32 v8, v2  }
0x332: {  	v12 =	vld [tilespmem:s1+$0x3020]  }
0x333: {  	v1 =	vld [tilespmem:s1+$0x3000];
	v58 =	vperm.xlane v0, v52;
	v2 =	vadd.f32 v7, v2;
	v7 =	vmul.f32 v48, v57;
	v49 =	vpop (erf)  }
0x334: {  	v59 =	vld [tilespmem:s1+$0x3040];
	v9 =	vmul.f32 v55, v49  }
0x335: {  	v5 =	vmov v4;
	v8 =	vld [tilespmem:s1+$0x3030];
	v0 =	vadd.f32 v58, v0;
	v2 =	vadd.f32 v7, v2  }
0x336: {  	v4 =	vmovc v6;
	v6 =	vld [tilespmem:$0x1FEF0];
	v47 =	vadd.f32 v49, v46;
	v46 =	vadd.f32 v9, v16;
	v9 =	vmul.f32 v49, v56  }
0x337: {  	v52 =	vld [tilespmem:s1+$0x3050];
	v7 =	vmul.f32 v50, v54;
	v63 =	vshra.s32 v0, $0x1;
	v0 =	vmul.f32 $5.000000000e-01, v0  }
0x338: {  	v1 =	vmul.f32 v49, v1;
	v61 =	vsub.s32 $0x5F3759DF, v63;
	v50 =	vadd.f32 v9, v3;
	v3 =	vld [tilespmem:$0x1FF10]  }
0x339: {  	v57 =	vld [tilespmem:s1+$0x3420];
	v60 =	vmul.f32 v49, v12;
	v10 =	vmul.f32 v61, v0  }
0x33a: {  	v54 =	vmul.f32 v49, v8;
	v59 =	vmul.f32 v49, v59;
	v55 =	vld [tilespmem:s1+$0x3410]  }
0x33b: {  	v7 =	vadd.f32 v7, v2;
	v8 =	vmul.f32 v51, v14;
	v63 =	vld [tilespmem:s1+$0x3400];
	v10 =	vmul.f32 v61, v10  }
0x33c: {  	s24 =	simm.s32 $0x80;
	s15 =	simm.s32 $0x200;
	s25 =	simm.s32 $0x100;
	v58 =	vmul.f32 v49, v53;
	v2 =	vld [tilespmem:s1+$0x3430];
	v48 =	vadd.f32 v1, v6;
	v56 =	vmul.f32 v49, v52  }
0x33d: {  	s3 =	simm.s32 $0x400;
	s30 =	simm.s32 $0x180;
	s0 =	simm.s32 $0x100;
	v1 =	vld [tilespmem:s25+$0x0];
	v51 =	vadd.f32 v8, v7;
	v53 =	vsub.f32 $1.500000000e+00, v10;
	v14 =	vmovc v3;
	v7 =	vmul.f32 v13, v3  }
.LBB2_9:
0x33e: {  	v8 =	vld [tilespmem:s25+$0x10];
	_ =	sdelay $0x1  }
0x33f: {  	v52 =	vld [tilespmem:s25+$0x20];
	v7 =	vadd.f32 v7, v51;
	v11 =	vmul.f32 v61, v53;
	v10 =	vmul.f32 v49, v63  }
0x340: {  	v44 =	vadd.f32 v54, v44;
	v54 =	vld [tilespmem:s25+$0x40];
	v12 =	vmul.f32 v49, v55;
	v13 =	vmul.f32 v49, v57  }
0x341: {  	v45 =	vadd.f32 v60, v45;
	v53 =	vld [tilespmem:s25+$0x30];
	v55 =	vperm.xlane v7, v5;
	v57 =	vmul.f32 v11, v0  }
0x342: {  	v51 =	vld [tilespmem:s1+$0x3440];
	v42 =	vadd.f32 v56, v42;
	v56 =	vmul.f32 v1, v1;
	v60 =	vmul.f32 v8, v8  }
0x343: {  	v3 =	vld [tilespmem:$0x1FFF0];
	v43 =	vadd.f32 v59, v43;
	v7 =	vadd.f32 v7, v55;
	v61 =	vmul.f32 v57, v11  }
0x344: {  	v59 =	vld [tilespmem:s1+$0x3450];
	v57 =	vmul.f32 v52, v52;
	v39 =	vadd.f32 v10, v39;
	v10 =	vadd.f32 v60, v56  }
0x345: {  	v41 =	vadd.f32 v58, v41;
	v58 =	vmul.f32 v49, v2;
	v2 =	vld [tilespmem:s25+$0x50];
	v56 =	vperm.xlane v7, v4  }
0x346: {  	v60 =	vmul.f32 v53, v53;
	v55 =	vsub.f32 $1.500000000e+00, v61;
	v10 =	vadd.f32 v57, v10  }
0x347: {  	v38 =	vadd.f32 v12, v38;
	v12 =	vmul.f32 v49, v51;
	v51 =	vld [tilespmem:s25+$0x60];
	v56 =	vadd.f32 v7, v56  }
0x348: {  	v11 =	vmul.f32 v55, v11;
	v55 =	vmul.f32 v54, v54;
	v10 =	vadd.f32 v60, v10  }
0x349: {  	v37 =	vadd.f32 v13, v37;
	v13 =	vmul.f32 v49, v59;
	v7 =	vld [tilespmem:s25+$0x70]  }
0x34a: {  	v60 =	vmul.f32 v2, v2;
	v59 =	vperm.xlane v56, v3;
	v10 =	vadd.f32 v55, v10  }
0x34b: {  	v16 =	vld [tilespmem:$0x1FFE0]  }
0x34c: {  	v55 =	vadd.f32 v56, v59;
	v59 =	vmul.f32 v51, v51;
	v10 =	vadd.f32 v60, v10;
	_ =	sdelay $0x1  }
0x34d: {  	v63 =	vmul.f32 v7, v7;
	v10 =	vadd.f32 v59, v10  }
0x34e: {  	v61 =	vld [tilespmem:s1+$0x3470]  }
0x34f: {  	v60 =	vperm.xlane v55, v16;
	v10 =	vadd.f32 v63, v10  }
0x350: {  	v9 =	vmul.f32 v49, v62;
	v62 =	vld [tilespmem:s1+$0x3840];
	v0 =	vmul.f32 v11, v0  }
0x351: {  	v55 =	vadd.f32 v55, v60;
	v60 =	vperm.xlane v10, v5  }
0x352: {  	v0 =	vmul.f32 v0, v11;
	v59 =	vld [tilespmem:s1+$0x3C00]  }
0x353: {  	v35 =	vadd.f32 v12, v35;
	v12 =	vmul.f32 v49, v61;
	v61 =	vld [tilespmem:s1+$0x3830];
	v10 =	vadd.f32 v60, v10  }
0x354: {  	v0 =	vsub.f32 $1.500000000e+00, v0  }
0x355: {  	v32 =	vadd.f32 v12, v32;
	v12 =	vmul.f32 v62, v49;
	v63 =	vperm.xlane v10, v4  }
0x356: {  	v0 =	vmul.f32 v0, v11  }
0x357: {  	v27 =	vadd.f32 v12, v27;
	v12 =	vmul.f32 v59, v49;
	v10 =	vadd.f32 v63, v10  }
0x358: {  	v0 =	vmul.f32 v0, v55;
	v55 =	vmul.f32 v49, v61;
	v61 =	vld [tilespmem:$0x1FF00]  }
0x359: {  	v23 =	vadd.f32 v12, v23;
	v12 =	vperm.xlane v10, v3;
	v3 =	vld [tilespmem:$0x1FF70];
	_ =	sdelay $0x4  }
0x35a: {  	v0 =	vmul.f32 v0, v61;
	v1 =	vmul.f32 v1, v3;
	v3 =	vld [tilespmem:$0x1FF80];
	_ =	sdelay $0x1  }
0x35b: {  	v40 =	vadd.f32 v9, v40;
	v9 =	vld [tilespmem:s1+$0x3460];
	v0 =	vmul.f32 $1.442695020e+00, v0  }
0x35c: {  	v36 =	vadd.f32 v58, v36;
	v58 =	vld [tilespmem:s1+$0x3810]  }
0x35d: {  	(erf) = vpow2.f32 v0;
	v0 =	vld [tilespmem:s1+$0x3C60]  }
0x35e: {  	v8 =	vmul.f32 v8, v3;
	v3 =	vld [tilespmem:$0x1FF50]  }
0x35f: {  	v57 =	vld [tilespmem:s1+$0x3800]  }
0x360: {  	v9 =	vmul.f32 v49, v9;
	_ =	sdelay $0x1  }
0x361: {  	v33 =	vadd.f32 v9, v33;
	v9 =	vmul.f32 v49, v58;
	v58 =	vld [tilespmem:s1+$0x3870]  }
0x362: {  	v56 =	vld [tilespmem:s1+$0x3820];
	v0 =	vmul.f32 v0, v49;
	v1 =	vadd.f32 v8, v1;
	v8 =	vmul.f32 v52, v3  }
0x363: {  	v34 =	vadd.f32 v13, v34;
	v13 =	vmul.f32 v49, v57;
	v57 =	vld [tilespmem:s1+$0x3850]  }
0x364: {  	v17 =	vadd.f32 v0, v17;
	v0 =	vadd.f32 v8, v1;
	v1 =	vld [tilespmem:$0x1FF60]  }
0x365: {  	v30 =	vadd.f32 v9, v30;
	v9 =	vld [tilespmem:s1+$0x3C20]  }
0x366: {  	v11 =	vld [tilespmem:s1+$0x3860]  }
0x367: {  	v56 =	vmul.f32 v49, v56;
	v60 =	vld [tilespmem:s1+$0x3C40]  }
0x368: {  	v31 =	vadd.f32 v13, v31;
	v13 =	vld [tilespmem:s1+$0x3C10]  }
0x369: {  	v29 =	vadd.f32 v56, v29;
	v56 =	vmul.f32 v57, v49;
	v57 =	vld [tilespmem:s1+$0x3C30];
	v1 =	vmul.f32 v53, v1  }
0x36a: {  	s31 =	sand.u32 $0x7000, s15;
	s24 =	sand.u32 $0x380, s24;
	v62 =	vld [tilespmem:s1+$0x3C50];
	v58 =	vmul.f32 v58, v49  }
0x36b: {  	s1 =	sor.u32 s24, s31;
	v1 =	vadd.f32 v1, v0;
	v0 =	vld [tilespmem:$0x1FF40]  }
0x36c: {  	v24 =	vadd.f32 v58, v24;
	v11 =	vmul.f32 v11, v49;
	v58 =	vmul.f32 v60, v49;
	v60 =	vld [tilespmem:s1+$0x3C70]  }
0x36d: {  	v26 =	vadd.f32 v56, v26;
	v3 =	vld [tilespmem:$0x1FF30]  }
0x36e: {  	v56 =	vmul.f32 v13, v49;
	v25 =	vadd.f32 v11, v25;
	v13 =	vmul.f32 v57, v49;
	v11 =	vld [tilespmem:s1+$0x3010]  }
0x36f: {  	v10 =	vadd.f32 v12, v10;
	v8 =	vld [tilespmem:s1+$0x3030]  }
0x370: {  	v21 =	vadd.f32 v13, v21;
	v13 =	vld [tilespmem:s1+$0x3020];
	v53 =	vmul.f32 v54, v0  }
0x371: {  	v9 =	vmul.f32 v9, v49;
	v28 =	vadd.f32 v55, v28;
	v12 =	vld [tilespmem:s1+$0x3000];
	v61 =	vperm.xlane v10, v16  }
0x372: {  	v22 =	vadd.f32 v56, v22;
	v56 =	vld [tilespmem:s1+$0x3050];
	v2 =	vmul.f32 v2, v3;
	v1 =	vadd.f32 v53, v1  }
0x373: {  	v20 =	vadd.f32 v9, v20;
	v59 =	vmul.f32 v62, v49;
	v55 =	vld [tilespmem:s1+$0x3410];
	v9 =	vadd.f32 v61, v10;
	v49 =	vpop (erf)  }
0x374: {  	v7 =	vmul.f32 v7, v14;
	v54 =	vmul.f32 v49, v8;
	v8 =	vadd.f32 v2, v1;
	v1 =	vld [tilespmem:$0x1FF20]  }
0x375: {  	v18 =	vadd.f32 v59, v18;
	v10 =	vld [tilespmem:s1+$0x3040];
	v63 =	vshra.s32 v9, $0x1;
	v0 =	vmul.f32 $5.000000000e-01, v9  }
0x376: {  	p0 =	sne.s32 s30, $0x1780;
	v61 =	vsub.s32 $0x5F3759DF, v63;
	v62 =	vmul.f32 v60, v49;
	v12 =	vmul.f32 v49, v12;
	v9 =	vld [tilespmem:s1+$0x3060]  }
.Ltmp4:
0x377: {  	v19 =	vadd.f32 v58, v19;
	v57 =	vld [tilespmem:s1+$0x3420];
	v60 =	vmul.f32 v49, v13;
	v13 =	vmul.f32 v61, v0;
	(pc) =	sbr.rel @p0 .LBB2_9-.Ltmp4, $4  }
0x378: {  	v63 =	vld [tilespmem:s1+$0x3400];
	v47 =	vadd.f32 v49, v47;
	v11 =	vmul.f32 v49, v11;
	v46 =	vadd.f32 v62, v46  }
0x379: {  	s15 =	smov.u32 s3;
	s3 =	sadd.s32 $0x200, s3;
	v62 =	vld [tilespmem:s1+$0x3070];
	v48 =	vadd.f32 v12, v48;
	v12 =	vmul.f32 v61, v13;
	v53 =	vmul.f32 v51, v1  }
0x37a: {  	s25 =	sshra.s32 s3, $0x2;
	v56 =	vmul.f32 v49, v56;
	v59 =	vmul.f32 v49, v10;
	v50 =	vadd.f32 v11, v50;
	v2 =	vld [tilespmem:s1+$0x3430]  }
0x37b: {  	s24 =	smov.u32 s0;
	s0 =	smov.u32 s30;
	s30 =	sadd.s32 $0x80, s30;
	v58 =	vmul.f32 v49, v9;
	v1 =	vld [tilespmem:s25+$0x0];
	v51 =	vadd.f32 v53, v8;
	v53 =	vsub.f32 $1.500000000e+00, v12  }
0x37c: {  	v3 =	vld [tilespmem:s1+$0x3440];
	_ =	sdelay $0x4  }
0x37d: {  	[tilespmem:$0x1F480] =	vst v3;
	v3 =	vld [tilespmem:s1+$0x3450];
	_ =	sdelay $0x4  }
0x37e: {  	[tilespmem:$0x1F490] =	vst v3;
	v3 =	vld [tilespmem:s1+$0x3460];
	_ =	sdelay $0x4  }
0x37f: {  	[tilespmem:$0x1F4A0] =	vst v3;
	v3 =	vld [tilespmem:s1+$0x3470];
	_ =	sdelay $0x4  }
0x380: {  	[tilespmem:$0x1F4B0] =	vst v3;
	v3 =	vld [tilespmem:s1+$0x3800];
	_ =	sdelay $0x4  }
0x381: {  	[tilespmem:$0x1F4C0] =	vst v3;
	v3 =	vld [tilespmem:s1+$0x3810];
	_ =	sdelay $0x4  }
0x382: {  	[tilespmem:$0x1F4D0] =	vst v3;
	v3 =	vld [tilespmem:s1+$0x3820];
	_ =	sdelay $0x4  }
0x383: {  	[tilespmem:$0x1F4E0] =	vst v3;
	v3 =	vld [tilespmem:s1+$0x3830];
	_ =	sdelay $0x4  }
0x384: {  	[tilespmem:$0x1F4F0] =	vst v3;
	v3 =	vld [tilespmem:s1+$0x3840];
	_ =	sdelay $0x4  }
0x385: {  	[tilespmem:$0x1F500] =	vst v3;
	v3 =	vld [tilespmem:s1+$0x3850];
	_ =	sdelay $0x4  }
0x386: {  	[tilespmem:$0x1F510] =	vst v3;
	v3 =	vld [tilespmem:s1+$0x3860];
	_ =	sdelay $0x4  }
0x387: {  	[tilespmem:$0x1F520] =	vst v3;
	v3 =	vld [tilespmem:s1+$0x3870];
	_ =	sdelay $0x4  }
0x388: {  	[tilespmem:$0x1F530] =	vst v3;
	v3 =	vld [tilespmem:s1+$0x3C00];
	_ =	sdelay $0x4  }
0x389: {  	[tilespmem:$0x1F540] =	vst v3;
	v3 =	vld [tilespmem:s1+$0x3C10];
	_ =	sdelay $0x4  }
0x38a: {  	[tilespmem:$0x1F550] =	vst v3;
	v3 =	vld [tilespmem:s1+$0x3C20];
	_ =	sdelay $0x4  }
0x38b: {  	[tilespmem:$0x1F560] =	vst v3;
	v3 =	vld [tilespmem:s1+$0x3C30];
	_ =	sdelay $0x4  }
0x38c: {  	[tilespmem:$0x1F570] =	vst v3;
	v3 =	vld [tilespmem:s1+$0x3C40];
	_ =	sdelay $0x4  }
0x38d: {  	[tilespmem:$0x1F580] =	vst v3;
	v3 =	vld [tilespmem:s1+$0x3C50];
	_ =	sdelay $0x4  }
0x38e: {  	[tilespmem:$0x1F590] =	vst v3;
	v3 =	vld [tilespmem:s1+$0x3C60];
	_ =	sdelay $0x2  }
0x38f: {  	s15 =	sand.u32 $0x7000, s15;
	s24 =	sand.u32 $0x380, s24  }
0x390: {  	s15 =	sor.u32 s24, s15  }
0x391: {  	[tilespmem:$0x1F5A0] =	vst v3;
	v3 =	vld [tilespmem:s15+$0x3C70];
	_ =	sdelay $0x4  }
0x392: {  	[tilespmem:$0x1F7F0] =	vst v3;
	v3 =	vld [tilespmem:s15+$0x3000];
	_ =	sdelay $0x4  }
0x393: {  	[tilespmem:$0x1F5B0] =	vst v3;
	v3 =	vld [tilespmem:s15+$0x3010];
	_ =	sdelay $0x4  }
0x394: {  	[tilespmem:$0x1F5C0] =	vst v3;
	v3 =	vld [tilespmem:s15+$0x3020];
	_ =	sdelay $0x4  }
0x395: {  	[tilespmem:$0x1F5D0] =	vst v3;
	v3 =	vld [tilespmem:s15+$0x3030];
	_ =	sdelay $0x4  }
0x396: {  	[tilespmem:$0x1F5E0] =	vst v3;
	v3 =	vld [tilespmem:s15+$0x3040];
	_ =	sdelay $0x4  }
0x397: {  	[tilespmem:$0x1F5F0] =	vst v3;
	v3 =	vld [tilespmem:s15+$0x3050];
	_ =	sdelay $0x4  }
0x398: {  	[tilespmem:$0x1F600] =	vst v3;
	v3 =	vld [tilespmem:s15+$0x3060];
	_ =	sdelay $0x4  }
0x399: {  	[tilespmem:$0x1F630] =	vst v3;
	v3 =	vadd.f32 v60, v45;
	_ =	sdelay $0x1  }
0x39a: {  	[tilespmem:$0x1F610] =	vst v3;
	v3 =	vadd.f32 v54, v44;
	_ =	sdelay $0x1  }
0x39b: {  	[tilespmem:$0x1F620] =	vst v3;
	v3 =	vld [tilespmem:s15+$0x3400];
	_ =	sdelay $0x4  }
0x39c: {  	v10 =	vld [tilespmem:s25+$0x10];
	[tilespmem:$0x1F660] =	vst v3;
	v3 =	vadd.f32 v59, v43  }
0x39d: {  	v12 =	vld [tilespmem:s25+$0x20]  }
0x39e: {  	[tilespmem:$0x1F640] =	vst v3;
	v3 =	vld [tilespmem:$0x1FF70];
	_ =	sdelay $0x1  }
0x39f: {  	v11 =	vld [tilespmem:s25+$0x30]  }
0x3a0: {  	v9 =	vmul.f32 v1, v1;
	v8 =	vmul.f32 v10, v10  }
0x3a1: {  	v13 =	vld [tilespmem:s25+$0x40]  }
0x3a2: {  	v16 =	vmul.f32 v12, v12;
	v8 =	vadd.f32 v8, v9;
	v44 =	vmul.f32 v1, v3;
	v3 =	vld [tilespmem:$0x1FF80]  }
0x3a3: {  	v52 =	vld [tilespmem:s25+$0x50]  }
0x3a4: {  	v8 =	vadd.f32 v16, v8;
	v16 =	vmul.f32 v11, v11  }
0x3a5: {  	v15 =	vld [tilespmem:s25+$0x60]  }
0x3a6: {  	v6 =	vld [tilespmem:s25+$0x70];
	v8 =	vadd.f32 v16, v8;
	v16 =	vmul.f32 v13, v13  }
0x3a7: {  	v10 =	vmul.f32 v10, v3;
	v3 =	vld [tilespmem:s15+$0x3410]  }
0x3a8: {  	v8 =	vadd.f32 v16, v8;
	v16 =	vmul.f32 v52, v52;
	_ =	sdelay $0x1  }
0x3a9: {  	v8 =	vadd.f32 v16, v8;
	v16 =	vmul.f32 v15, v15;
	_ =	sdelay $0x1  }
0x3aa: {  	v8 =	vadd.f32 v16, v8;
	v16 =	vmul.f32 v6, v6;
	[tilespmem:$0x1F670] =	vst v3;
	v3 =	vadd.f32 v56, v42;
	_ =	sdelay $0x1  }
0x3ab: {  	v8 =	vadd.f32 v16, v8;
	[tilespmem:$0x1F650] =	vst v3;
	v3 =	vld [tilespmem:s15+$0x3420];
	_ =	sdelay $0x1  }
0x3ac: {  	v9 =	vperm.xlane v8, v5;
	_ =	sdelay $0x1  }
0x3ad: {  	v8 =	vadd.f32 v9, v8;
	v45 =	vld [tilespmem:$0x1FFF0]  }
0x3ae: {  	[tilespmem:$0x1F680] =	vst v3;
	v3 =	vld [tilespmem:$0x1FF50]  }
0x3af: {  	v9 =	vperm.xlane v8, v4  }
0x3b0: {  	v7 =	vadd.f32 v7, v51  }
0x3b1: {  	v51 =	vadd.f32 v58, v41;
	v41 =	vld [tilespmem:$0x1FF30];
	v8 =	vadd.f32 v9, v8  }
0x3b2: {  	v53 =	vmul.f32 v61, v53;
	v61 =	vperm.xlane v7, v5;
	v42 =	vmov v5;
	v5 =	vld [tilespmem:$0x1FFE0]  }
0x3b3: {  	v9 =	vperm.xlane v8, v45;
	v1 =	vadd.f32 v10, v44;
	v59 =	vmul.f32 v12, v3;
	v3 =	vld [tilespmem:$0x1FF60]  }
0x3b4: {  	v7 =	vadd.f32 v7, v61;
	v61 =	vld [tilespmem:s15+$0x3800]  }
0x3b5: {  	v8 =	vadd.f32 v9, v8;
	v9 =	vadd.f32 v59, v1;
	v59 =	vld [tilespmem:$0x1FF40]  }
0x3b6: {  	v52 =	vmul.f32 v52, v41  }
0x3b7: {  	v54 =	vmul.f32 v53, v0;
	v44 =	vmul.f32 v49, v62  }
0x3b8: {  	v41 =	vld [tilespmem:s15+$0x3850];
	v12 =	vperm.xlane v8, v5;
	v60 =	vmul.f32 v11, v3  }
0x3b9: {  	[tilespmem:$0x1F6E0] =	vst v61;
	v61 =	vmul.f32 v49, v63;
	v63 =	vld [tilespmem:$0x1FF20];
	v44 =	vadd.f32 v44, v40;
	v56 =	vmul.f32 v54, v53  }
0x3ba: {  	v40 =	vld [tilespmem:s15+$0x3810];
	v8 =	vadd.f32 v12, v8;
	v9 =	vadd.f32 v60, v9;
	v60 =	vmul.f32 v13, v59  }
0x3bb: {  	v58 =	vld [tilespmem:s15+$0x3470];
	v62 =	vperm.xlane v7, v4;
	v10 =	vsub.f32 $1.500000000e+00, v56  }
0x3bc: {  	v12 =	vshra.s32 v8, $0x1;
	v8 =	vmul.f32 $5.000000000e-01, v8;
	v11 =	vld [tilespmem:s15+$0x3840];
	v9 =	vadd.f32 v60, v9  }
0x3bd: {  	[tilespmem:$0x1F730] =	vst v41;
	v41 =	vld [tilespmem:s15+$0x3C30];
	v7 =	vadd.f32 v7, v62;
	v53 =	vmul.f32 v10, v53;
	v13 =	vsub.s32 $0x5F3759DF, v12  }
0x3be: {  	v10 =	vmul.f32 v15, v63;
	v43 =	vmul.f32 v13, v8;
	v60 =	vld [tilespmem:s15+$0x3820];
	v9 =	vadd.f32 v52, v9  }
0x3bf: {  	v55 =	vmul.f32 v49, v55;
	v16 =	vld [tilespmem:s15+$0x3070];
	[tilespmem:$0x1F6F0] =	vst v40;
	v40 =	vperm.xlane v7, v45  }
0x3c0: {  	v1 =	vld [tilespmem:$0x1FF00];
	v56 =	vmul.f32 v13, v43;
	v43 =	vmul.f32 v6, v14;
	v52 =	vadd.f32 v10, v9  }
0x3c1: {  	v61 =	vadd.f32 v61, v39;
	v39 =	vmul.f32 v53, v0;
	v7 =	vadd.f32 v7, v40;
	[tilespmem:$0x1F720] =	vst v11;
	v11 =	vld [tilespmem:s15+$0x3C10]  }
0x3c2: {  	v63 =	vmul.f32 v49, v57;
	v56 =	vsub.f32 $1.500000000e+00, v56;
	v9 =	vld [tilespmem:s15+$0x3C00];
	v52 =	vadd.f32 v43, v52  }
0x3c3: {  	v54 =	vmul.f32 v39, v53;
	v10 =	vperm.xlane v7, v5;
	[tilespmem:$0x1F700] =	vst v60;
	v60 =	vld [tilespmem:s15+$0x3860]  }
0x3c4: {  	v13 =	vmul.f32 v13, v56;
	v56 =	vadd.f32 v63, v37;
	v63 =	vld [tilespmem:$0x1F490];
	v59 =	vperm.xlane v52, v42  }
0x3c5: {  	[tilespmem:$0x1F6D0] =	vst v58;
	v58 =	vadd.f32 v55, v38;
	v54 =	vsub.f32 $1.500000000e+00, v54;
	v42 =	vld [tilespmem:$0x1F480]  }
0x3c6: {  	[tilespmem:$0x1F7A0] =	vst v41;
	v7 =	vadd.f32 v7, v10;
	v10 =	vld [tilespmem:s15+$0x3C50];
	v38 =	vmul.f32 v13, v8;
	v52 =	vadd.f32 v52, v59  }
0x3c7: {  	v41 =	vld [tilespmem:$0x1F4C0];
	v53 =	vmul.f32 v54, v53;
	[tilespmem:$0x1F770] =	vst v11  }
0x3c8: {  	v55 =	vld [tilespmem:$0x1F4E0];
	[tilespmem:$0x1F740] =	vst v60;
	v60 =	vmul.f32 v38, v13;
	v11 =	vperm.xlane v52, v4  }
0x3c9: {  	v39 =	vld [tilespmem:s15+$0x3C20];
	v7 =	vmul.f32 v53, v7  }
0x3ca: {  	v3 =	vld [tilespmem:s15+$0x3430];
	[tilespmem:$0x1F760] =	vst v9;
	v60 =	vsub.f32 $1.500000000e+00, v60;
	v43 =	vmul.f32 v49, v42;
	v52 =	vadd.f32 v52, v11  }
0x3cb: {  	v9 =	vmul.f32 v49, v63;
	v7 =	vmul.f32 v7, v1;
	[tilespmem:$0x1F800] =	vst v10;
	v10 =	vld [tilespmem:$0x1F500]  }
0x3cc: {  	v15 =	vmovc v45;
	v13 =	vmul.f32 v60, v13;
	v59 =	vadd.f32 v43, v35;
	v43 =	vperm.xlane v52, v45;
	v45 =	vld [tilespmem:$0x1F4D0]  }
0x3cd: {  	v62 =	vld [tilespmem:s15+$0x3830]  }
0x3ce: {  	v53 =	vadd.f32 v9, v34;
	v7 =	vmul.f32 $1.442695020e+00, v7;
	v9 =	vld [tilespmem:$0x1F4F0];
	v8 =	vmul.f32 v13, v8  }
0x3cf: {  	[tilespmem:$0x1F790] =	vst v39;
	v39 =	vld [tilespmem:$0x1F4B0]  }
0x3d0: {  	[tilespmem:$0x1F690] =	vst v3;
	v3 =	vld [tilespmem:s15+$0x3440];
	(erf) = vpow2.f32 v7;
	v8 =	vmul.f32 v8, v13  }
0x3d1: {  	v0 =	vmul.f32 v10, v49;
	v10 =	vld [tilespmem:$0x1F550];
	v52 =	vadd.f32 v52, v43;
	v7 =	vmul.f32 v49, v45  }
0x3d2: {  	v57 =	vmul.f32 v49, v55;
	v40 =	vmul.f32 v49, v2;
	v8 =	vsub.f32 $1.500000000e+00, v8;
	v45 =	vld [tilespmem:$0x1F510]  }
0x3d3: {  	v11 =	vperm.xlane v52, v5;
	v30 =	vadd.f32 v7, v30;
	v7 =	vmul.f32 v49, v9;
	v9 =	vld [tilespmem:$0x1F540]  }
0x3d4: {  	v54 =	vadd.f32 v40, v36;
	v40 =	vmul.f32 v49, v39;
	v42 =	vmul.f32 v49, v41;
	v41 =	vld [tilespmem:$0x1F570]  }
0x3d5: {  	v29 =	vadd.f32 v57, v29;
	v57 =	vld [tilespmem:$0x1F530];
	v52 =	vadd.f32 v52, v11;
	v8 =	vmul.f32 v8, v13  }
0x3d6: {  	v32 =	vadd.f32 v40, v32;
	v40 =	vld [tilespmem:$0x1F560]  }
0x3d7: {  	[tilespmem:$0x1F6A0] =	vst v3;
	v3 =	vld [tilespmem:s15+$0x3450];
	v43 =	vadd.f32 v0, v27;
	v11 =	vmul.f32 v10, v49;
	v8 =	vmul.f32 v8, v52  }
0x3d8: {  	[tilespmem:$0x1F710] =	vst v62;
	v62 =	vld [tilespmem:s15+$0x3870];
	v28 =	vadd.f32 v7, v28;
	v7 =	vmul.f32 v45, v49;
	v0 =	vmul.f32 v9, v49  }
0x3d9: {  	v10 =	vld [tilespmem:$0x1F5A0];
	v8 =	vmul.f32 v8, v1;
	v1 =	vmul.f32 v41, v49  }
0x3da: {  	v26 =	vadd.f32 v7, v26;
	v7 =	vmul.f32 v57, v49;
	v57 =	vadd.f32 v0, v23;
	v23 =	vld [tilespmem:$0x1F5B0]  }
0x3db: {  	v55 =	vld [tilespmem:$0x1F520]  }
0x3dc: {  	[tilespmem:$0x1F6B0] =	vst v3;
	v3 =	vld [tilespmem:s15+$0x3460];
	v1 =	vadd.f32 v1, v21;
	v0 =	vmul.f32 v40, v49  }
0x3dd: {  	v9 =	vld [tilespmem:$0x1F590]  }
0x3de: {  	[tilespmem:$0x1F7C0] =	vst v1;
	v1 =	vmul.f32 v10, v49;
	v10 =	vld [tilespmem:$0x1F5C0];
	v0 =	vadd.f32 v0, v20;
	v20 =	vpop (erf)  }
0x3df: {  	v45 =	vadd.f32 v7, v24;
	v24 =	vmul.f32 v20, v23;
	v23 =	vld [tilespmem:$0x1F5D0]  }
0x3e0: {  	[tilespmem:$0x1F750] =	vst v62;
	v31 =	vadd.f32 v42, v31;
	v42 =	vld [tilespmem:$0x1F580];
	v2 =	vadd.f32 v11, v22  }
0x3e1: {  	[tilespmem:$0x1F6C0] =	vst v3;
	v3 =	vld [tilespmem:$0x1F610];
	v11 =	vmul.f32 $1.442695020e+00, v8  }
0x3e2: {  	v62 =	vld [tilespmem:s15+$0x3C40];
	[tilespmem:$0x1F780] =	vst v2;
	v2 =	vmul.f32 v9, v49;
	v9 =	vadd.f32 v1, v17  }
0x3e3: {  	v36 =	vld [tilespmem:$0x1F4A0];
	(erf) = vpow2.f32 v11;
	v11 =	vmul.f32 v20, v10  }
0x3e4: {  	v22 =	vadd.f32 v2, v18;
	[tilespmem:$0x1F830] =	vst v9;
	v9 =	vld [tilespmem:$0x1F5E0];
	v18 =	vadd.f32 v24, v48;
	v24 =	vmul.f32 v20, v23  }
0x3e5: {  	[tilespmem:$0x1F7B0] =	vst v0;
	v0 =	vmul.f32 v42, v49;
	v50 =	vadd.f32 v11, v50;
	v11 =	vld [tilespmem:$0x1F600]  }
0x3e6: {  	v48 =	vadd.f32 v24, v3;
	v3 =	vld [tilespmem:$0x1F620]  }
0x3e7: {  	s25 =	sand.u32 $0x7000, s3;
	s0 =	sand.u32 $0x380, s0;
	v10 =	vld [tilespmem:$0x1F5F0];
	v0 =	vadd.f32 v0, v19  }
0x3e8: {  	s0 =	sor.u32 s0, s25;
	[tilespmem:$0x1F7D0] =	vst v62;
	v19 =	vld [tilespmem:$0x1F650]  }
0x3e9: {  	v62 =	vld [tilespmem:s0+$0x3000];
	[tilespmem:$0x1F7E0] =	vst v0;
	v0 =	vmul.f32 v20, v9  }
0x3ea: {  	v39 =	vld [tilespmem:s0+$0x3060]  }
0x3eb: {  	v2 =	vmul.f32 v20, v11;
	v9 =	vadd.f32 v0, v3;
	v3 =	vld [tilespmem:$0x1F640]  }
0x3ec: {  	v14 =	vld [tilespmem:s0+$0x3C10]  }
0x3ed: {  	v37 =	vmul.f32 v49, v36;
	v1 =	vmul.f32 v20, v10;
	v10 =	vadd.f32 v2, v19;
	v19 =	vld [tilespmem:$0x1F680]  }
0x3ee: {  	v36 =	vld [tilespmem:s0+$0x3410]  }
0x3ef: {  	v33 =	vadd.f32 v37, v33;
	v37 =	vld [tilespmem:s0+$0x3040]  }
0x3f0: {  	v38 =	vld [tilespmem:s0+$0x3C70];
	v8 =	vadd.f32 v1, v3;
	v1 =	vmul.f32 v20, v16  }
0x3f1: {  	v63 =	vld [tilespmem:s0+$0x3030]  }
0x3f2: {  	v44 =	vadd.f32 v1, v44;
	v1 =	vmul.f32 v20, v19;
	v19 =	vld [tilespmem:$0x1F690]  }
0x3f3: {  	v34 =	vld [tilespmem:s0+$0x3010]  }
0x3f4: {  	v60 =	vld [tilespmem:s0+$0x3400]  }
0x3f5: {  	v35 =	vld [tilespmem:s15+$0x3C60]  }
0x3f6: {  	v17 =	vld [tilespmem:$0x1F630]  }
0x3f7: {  	[tilespmem:$0x1F840] =	vst v38;
	v38 =	vld [tilespmem:s0+$0x3050];
	v13 =	vmul.f32 v55, v49;
	v2 =	vmul.f32 v20, v19  }
0x3f8: {  	v27 =	vld [tilespmem:s0+$0x3070]  }
0x3f9: {  	v55 =	vadd.f32 v13, v25;
	v13 =	vadd.f32 v2, v54;
	v54 =	vld [tilespmem:$0x1F6B0]  }
0x3fa: {  	[tilespmem:$0x1F810] =	vst v35;
	v35 =	vld [tilespmem:s0+$0x3020]  }
0x3fb: {  	v52 =	vld [tilespmem:s0+$0x3420];
	v0 =	vmul.f32 v20, v17  }
0x3fc: {  	v25 =	vld [tilespmem:s0+$0x3460]  }
0x3fd: {  	v11 =	vadd.f32 v0, v51;
	v51 =	vld [tilespmem:$0x1F660]  }
0x3fe: {  	v41 =	vld [tilespmem:s0+$0x3440];
	v56 =	vadd.f32 v1, v56;
	v1 =	vmul.f32 v20, v54  }
0x3ff: {  	v21 =	vld [tilespmem:s0+$0x3470]  }
0x400: {  	v53 =	vadd.f32 v1, v53;
	v1 =	vld [tilespmem:$0x1F6E0]  }
0x401: {  	v40 =	vld [tilespmem:s0+$0x3430]  }
0x402: {  	v42 =	vld [tilespmem:s0+$0x3450];
	v51 =	vmul.f32 v20, v51  }
0x403: {  	v17 =	vld [tilespmem:$0x1F670]  }
0x404: {  	v51 =	vadd.f32 v51, v61;
	v61 =	vld [tilespmem:$0x1F6A0]  }
0x405: {  	v2 =	vmul.f32 v20, v1;
	v1 =	vld [tilespmem:$0x1F6F0]  }
0x406: {  	v49 =	vld [tilespmem:s0+$0x3800]  }
0x407: {  	[tilespmem:$0x1F820] =	vst v22;
	v22 =	vld [tilespmem:s0+$0x3820]  }
0x408: {  	v23 =	vld [tilespmem:s0+$0x3810];
	v0 =	vmul.f32 v20, v17  }
0x409: {  	v24 =	vld [tilespmem:s0+$0x3830]  }
0x40a: {  	v16 =	vld [tilespmem:s0+$0x3840];
	v12 =	vadd.f32 v0, v58;
	v58 =	vmul.f32 v20, v61;
	v7 =	vmul.f32 v20, v1;
	v1 =	vpop (erf)  }
0x40b: {  	v0 =	vld [tilespmem:$0x1F6D0];
	v62 =	vmul.f32 v1, v62  }
0x40c: {  	v58 =	vadd.f32 v58, v59;
	v59 =	vld [tilespmem:$0x1F6C0]  }
0x40d: {  	v18 =	vadd.f32 v62, v18;
	v62 =	vld [tilespmem:$0x1F700]  }
0x40e: {  	v17 =	vld [tilespmem:s0+$0x3850]  }
0x40f: {  	v3 =	vld [tilespmem:s0+$0x3C20]  }
0x410: {  	v19 =	vld [tilespmem:s0+$0x3860];
	v0 =	vmul.f32 v20, v0  }
0x411: {  	v61 =	vld [tilespmem:s0+$0x3870]  }
0x412: {  	v0 =	vadd.f32 v0, v32;
	v59 =	vmul.f32 v20, v59;
	v32 =	vmul.f32 v20, v62;
	v62 =	vld [tilespmem:$0x1F710]  }
0x413: {  	v54 =	vld [tilespmem:s0+$0x3C00]  }
0x414: {  	v33 =	vadd.f32 v59, v33;
	v59 =	vld [tilespmem:s0+$0x3C30];
	v7 =	vadd.f32 v7, v30;
	v30 =	vmul.f32 v1, v34  }
0x415: {  	v2 =	vadd.f32 v2, v31;
	v31 =	vld [tilespmem:s0+$0x3C40];
	v37 =	vmul.f32 v1, v37;
	v34 =	vmul.f32 v1, v35  }
0x416: {  	v25 =	vmul.f32 v1, v25;
	v35 =	vld [tilespmem:s0+$0x3C50];
	v30 =	vadd.f32 v30, v50;
	v29 =	vadd.f32 v32, v29  }
0x417: {  	v32 =	vadd.f32 v34, v48;
	v50 =	vmul.f32 v20, v62;
	v62 =	vmul.f32 v1, v63;
	v63 =	vld [tilespmem:s0+$0x3C60];
	[tilespmem:$0xF080] =	vst v18  }
0x418: {  	v27 =	vmul.f32 v1, v27;
	v21 =	vmul.f32 v1, v21;
	v8 =	vadd.f32 v37, v8;
	[tilespmem:$0xF090] =	vst v30  }
0x419: {  	v25 =	vadd.f32 v25, v33;
	v48 =	vmul.f32 v1, v38;
	v38 =	vmul.f32 v1, v40;
	[tilespmem:$0xF0A0] =	vst v32  }
0x41a: {  	v37 =	vmul.f32 v1, v52;
	v0 =	vadd.f32 v21, v0;
	v34 =	vmul.f32 v1, v36;
	v36 =	vld [tilespmem:$0x1F740];
	[tilespmem:$0xF0C0] =	vst v8  }
0x41b: {  	v54 =	vmul.f32 v54, v1;
	v40 =	vld [tilespmem:$0x1F760];
	v10 =	vadd.f32 v48, v10;
	v13 =	vadd.f32 v38, v13;
	[tilespmem:$0xF160] =	vst v25  }
0x41c: {  	v30 =	vld [tilespmem:$0x1F730];
	v8 =	vmul.f32 v1, v60;
	v32 =	vadd.f32 v27, v44;
	v27 =	vadd.f32 v37, v56;
	[tilespmem:$0xF170] =	vst v0  }
0x41d: {  	v52 =	vmul.f32 v19, v1;
	v44 =	vld [tilespmem:$0x1F7A0];
	[tilespmem:$0xF0D0] =	vst v10;
	v10 =	vadd.f32 v34, v12;
	v9 =	vadd.f32 v62, v9  }
0x41e: {  	v12 =	vld [tilespmem:$0x1F750];
	[tilespmem:$0xF130] =	vst v13;
	v62 =	vmul.f32 v1, v39;
	v8 =	vadd.f32 v8, v51;
	v39 =	vmul.f32 v1, v42  }
0x41f: {  	v56 =	vmul.f32 v14, v1;
	v28 =	vadd.f32 v50, v28;
	v50 =	vld [tilespmem:$0x1F720];
	v42 =	vmul.f32 v1, v23;
	[tilespmem:$0xF110] =	vst v10  }
0x420: {  	v11 =	vadd.f32 v62, v11;
	[tilespmem:$0xF100] =	vst v8;
	v8 =	vmul.f32 v1, v41;
	v10 =	vadd.f32 v39, v53  }
0x421: {  	v48 =	vld [tilespmem:$0x1F7B0];
	[tilespmem:$0xF0B0] =	vst v9;
	v7 =	vadd.f32 v42, v7;
	v53 =	vmul.f32 v61, v1;
	v9 =	vmul.f32 v30, v20  }
0x422: {  	v13 =	vld [tilespmem:$0x1F770];
	v0 =	vmul.f32 v44, v20;
	[tilespmem:$0xF0E0] =	vst v11;
	v11 =	vmul.f32 v36, v20  }
0x423: {  	v51 =	vld [tilespmem:$0x1F7D0];
	v12 =	vmul.f32 v12, v20;
	v8 =	vadd.f32 v8, v58;
	[tilespmem:$0xF190] =	vst v7;
	v7 =	vmul.f32 v17, v1  }
0x424: {  	[tilespmem:$0xF0F0] =	vst v32;
	v41 =	vld [tilespmem:$0x1F780];
	v18 =	vmul.f32 v50, v20;
	v9 =	vadd.f32 v9, v26;
	v26 =	vmul.f32 v40, v20  }
0x425: {  	v50 =	vld [tilespmem:$0x1F7C0];
	v12 =	vadd.f32 v12, v45;
	[tilespmem:$0xF140] =	vst v8;
	v8 =	vmul.f32 v1, v49;
	v45 =	vmul.f32 v1, v24  }
0x426: {  	[tilespmem:$0xF120] =	vst v27;
	v26 =	vadd.f32 v26, v57;
	v7 =	vadd.f32 v7, v9;
	v57 =	vmul.f32 v3, v1;
	v3 =	vld [tilespmem:$0x1F800]  }
0x427: {  	v13 =	vmul.f32 v13, v20;
	[tilespmem:$0xF150] =	vst v10;
	v11 =	vadd.f32 v11, v55;
	v55 =	vld [tilespmem:$0x1F7E0];
	v2 =	vadd.f32 v8, v2  }
0x428: {  	v49 =	vmul.f32 v16, v1;
	v18 =	vadd.f32 v18, v43;
	v8 =	vld [tilespmem:$0x1F790];
	v10 =	vadd.f32 v45, v28;
	[tilespmem:$0xF1D0] =	vst v7  }
0x429: {  	v13 =	vadd.f32 v13, v41;
	v43 =	vmul.f32 v1, v22;
	v11 =	vadd.f32 v52, v11;
	v7 =	vld [tilespmem:$0x1F7F0];
	[tilespmem:$0xF180] =	vst v2  }
0x42a: {  	v62 =	vld [tilespmem:$0x1F840];
	v16 =	vmul.f32 v51, v20;
	v9 =	vadd.f32 v53, v12;
	v2 =	vadd.f32 v49, v18;
	[tilespmem:$0xF1B0] =	vst v10  }
0x42b: {  	v21 =	vadd.f32 v43, v29;
	v0 =	vadd.f32 v0, v50;
	[tilespmem:$0xF1E0] =	vst v11;
	v12 =	vmul.f32 v3, v20;
	v3 =	vld [tilespmem:$0x1F810]  }
0x42c: {  	v10 =	vadd.f32 v54, v26;
	[tilespmem:$0xF1C0] =	vst v2;
	v2 =	vadd.f32 v56, v13;
	v13 =	vmul.f32 v59, v1  }
0x42d: {  	[tilespmem:$0xF1F0] =	vst v9;
	v16 =	vadd.f32 v16, v55;
	v59 =	vmul.f32 v31, v1;
	v8 =	vmul.f32 v8, v20  }
0x42e: {  	[tilespmem:$0xF1A0] =	vst v21;
	v7 =	vmul.f32 v7, v20;
	v0 =	vadd.f32 v13, v0  }
0x42f: {  	[tilespmem:$0xF200] =	vst v10;
	v10 =	vadd.f32 v59, v16;
	v8 =	vadd.f32 v8, v48  }
0x430: {  	v7 =	vadd.f32 v7, v46;
	[tilespmem:$0xF230] =	vst v0;
	v0 =	vmul.f32 v62, v1;
	v14 =	vmul.f32 v3, v20;
	v3 =	vld [tilespmem:$0x1F820]  }
0x431: {  	[tilespmem:$0xF210] =	vst v2;
	v8 =	vadd.f32 v57, v8  }
0x432: {  	[tilespmem:$0xF240] =	vst v10;
	v0 =	vadd.f32 v0, v7  }
0x433: {  	[tilespmem:$0xF220] =	vst v8  }
0x434: {  	v8 =	vmul.f32 v63, v1;
	v63 =	vimm.f32 $0.0e+00;
	[tilespmem:$0xF270] =	vst v0  }
0x435: {  	[tilespmem:$0xF290] =	vst v63;
	v60 =	vadd.f32 v12, v3;
	v3 =	vld [tilespmem:$0x1F830]  }
0x436: {  	v58 =	vadd.f32 v20, v47;
	[tilespmem:$0xF2A0] =	vst v63  }
0x437: {  	[tilespmem:$0xF2B0] =	vst v63  }
0x438: {  	v61 =	vmul.f32 v35, v1;
	v1 =	vadd.f32 v1, v58;
	[tilespmem:$0xF2C0] =	vst v63  }
0x439: {  	[tilespmem:$0xF2D0] =	vst v63  }
0x43a: {  	[tilespmem:$0xF2E0] =	vst v63;
	v1 =	vmul.f32 $6.250000000e-02, v1;
	v12 =	vadd.f32 v14, v3  }
0x43b: {  	[tilespmem:$0xF2F0] =	vst v63;
	v2 =	vadd.f32 v61, v60  }
0x43c: {  	[tilespmem:$0xF280] =	vst v1;
	v8 =	vadd.f32 v8, v12  }
0x43d: {  	[tilespmem:$0xF250] =	vst v2  }
0x43e: {  	s26 =	simm.s32 $0x80;
	s30 =	simm.s32 $0x400;
	s31 =	simm.s32 $0xF080;
	[tilespmem:$0xF260] =	vst v8  }
0x43f: {  	[hbm4b:s12+s26] =	stream.strided.scatter [tilespmem:s31], [sflag:$0x5], $0x200, s30, s26, $0x38;
	[tilespmem:$0xF300] =	vst v63  }
0x440: {  	s29 =	sadd.s32 $0x1, s29;
	_ =	swait.ge [sflag:s16], $0x200  }
0x441: {  	p0 =	sne.s32 s29, s14;
	[sflag:s16] =	ssyncset.done $0x0  }
.Ltmp5:
0x442: {  	[sflag:s16] =	ssyncadd.s32 $0xFFFFFE00;
	(pc) =	sbr.rel @p0 .LBB2_1-.Ltmp5, $4  }
0x443: {  	[hbm4b:s13+s4] =	stream.linear.scatter [tilespmem:s28], [sflag:$0x5], $0x80, $0x38;
	[tilespmem:$0xF300] =	vst v63  }
0x444: {  	_ =	swait.ge [sflag:s16], $0x80  }
0x445: {  	v6 =	vmov v4;
	v4 =	vmov v5;
	[sflag:s16] =	ssyncset.done $0x0;
	v5 =	vld [tilespmem:$0x1FFC0]  }
0x446: {  	v14 =	vmov v15;
	[sflag:s16] =	ssyncadd.s32 $0xFFFFFF80  }
0x447: {  	_ =	sfence.sel $0x180000  }
0x448: {  	[bflag:$0x0] =	sbarrier.arrive $0xFFFF  }
0x449: {  	_ =	strace $0x90000047  }
0x44a: {  	s0 =	stileid.u32;
	[bflag:$0x2] =	sbarrier.arrive $0xFFFF  }
0x44b: {  	p0 =	sne.s32 s0, $0x0;
	s0 =	rddreg [dreg:$0x4]  }
0x44c: {  	s0 =	sadd.s32 @!p0 $0x100000, s0  }
0x44d: {  	[sflag:s0] =	ssyncadd.tile.s32 @!p0 $0x1;
	_ =	shalt  }
.Lfunc_end2:
_tile_overlayer_lowered:
.L_overlay_start_2:
0x44e: {  	(tag) =	ssettag $0x2  }
0x44f: {  	s0 =	rddreg [dreg:$0x0];
	s2 =	stileid.u32  }
0x450: {  	s1 =	rddreg [dreg:$0x1];
	p0 =	sne.s32 s2, $0x0  }
0x451: {  	s3 =	rddreg [dreg:$0x2];
	[bflag:$0x3] =	sbarrier.arrive $0xFFFF;
	s2 =	simm.s32 @!p0 $0x1C05  }
0x452: {  	[timem:s3], [sflag:s2] =	dma.local @!p0 [hbm:s0], s1  }
0x453: {  	s0 =	simm.s32 @!p0 $0x5  }
0x454: {  	_ =	swait.ge @!p0 [sflag:s0], s1  }
0x455: {  	s1 =	ssub.s32 @!p0 $0x0, s1;
	[sflag:s0] =	ssyncset.done @!p0 $0x0  }
0x456: {  	[sflag:s0] =	ssyncadd.s32 @!p0 s1  }
0x457: {  	[bflag:$0x3] =	sbarrier.arrive $0xFFFF  }
0x458: {  	_ =	shalt  }

</sc_bundles>
